<compile_context>
chip_gen: v7x
topology: tpu7x:2x2x1
jax: 0.10.2.dev20260603
libtpu: 0.0.44.dev20260713+nightly
codegen_flags: <defaults>
</compile_context>

<pallas_src>
import jax
import jax.numpy as jnp
from jax import lax
from jax.experimental import pallas as pl
from jax.experimental.pallas import tpu as pltpu
from jax.experimental.pallas import tpu_sc as plsc

_DIM = 32
_VOCAB = 1000000
_NPAD = 2048
_B = 16384
_L = 50
_NC = 2
_NS = 16
_NW = _NC * _NS
_BPW = _B // _NW
_NV = _BPW // 16
_WROWS = _VOCAB // _NW
_ZROWS = _NPAD // _NW

_mesh = plsc.VectorSubcoreMesh(
    core_axis_name="c", subcore_axis_name="s",
    num_cores=_NC, num_subcores=_NS,
)
_sc_params = pltpu.CompilerParams(
    use_tc_tiling_on_sc=False, needs_layout_passes=False)


def _wid():
    return lax.axis_index("s") * _NC + lax.axis_index("c")


_CROWS = 625
_NCHUNK = _WROWS // _CROWS


def _pad_body(w_hbm, wz_hbm, buf0, buf1, zv, sr0, sr1):
    wid = _wid()
    base = wid * _WROWS
    bufs = (buf0, buf1)
    sems = (sr0, sr1)

    pltpu.async_copy(w_hbm.at[pl.ds(base, _CROWS)], buf0, sr0)
    for g in range(_NCHUNK):
        pltpu.make_async_copy(
            w_hbm.at[pl.ds(base, _CROWS)], bufs[g % 2], sems[g % 2]).wait()
        if g + 1 < _NCHUNK:
            pltpu.async_copy(
                w_hbm.at[pl.ds(base + (g + 1) * _CROWS, _CROWS)],
                bufs[(g + 1) % 2], sems[(g + 1) % 2])
        pltpu.sync_copy(bufs[g % 2],
                        wz_hbm.at[pl.ds(base + g * _CROWS, _CROWS)])

    for r in range(_ZROWS):
        for h in range(_DIM // 16):
            zv[r, pl.ds(h * 16, 16)] = jnp.zeros((16,), jnp.float32)
    pltpu.sync_copy(zv, wz_hbm.at[pl.ds(_VOCAB + wid * _ZROWS, _ZROWS)])


def _body(x_hbm, m_hbm, wz_hbm, out_hbm, xb, mb, idx, acc, sem0, sem):
    wid = _wid()
    base = wid * _BPW

    pltpu.sync_copy(x_hbm.at[pl.ds(base, _BPW)], xb)
    pltpu.sync_copy(m_hbm.at[pl.ds(base, _BPW)], mb)

    lane = lax.iota(jnp.int32, 16)

    def build(l, carry):
        col = jnp.full((16,), 0, jnp.int32) + l
        for i in range(_NV):
            row = lane + (i * 16)
            xv = plsc.load_gather(xb, [row, col])
            mv = plsc.load_gather(mb, [row, col])
            idx[l, pl.ds(i * 16, 16)] = jnp.where(
                mv > 0, xv, _VOCAB + (xv & (_NPAD - 1)))
        return carry

    lax.fori_loop(0, _L, build, 0)

    pltpu.async_copy(wz_hbm.at[idx.at[0]], acc, sem0).wait()

    for l in range(1, _L):
        pltpu.async_copy(wz_hbm.at[idx.at[l]], acc, sem, add=True)
    for l in range(1, _L):
        pltpu.make_async_copy(wz_hbm.at[idx.at[0]], acc, sem).wait()

    pltpu.sync_copy(acc, out_hbm.at[pl.ds(base, _BPW)])


def kernel(x, mask, W):
    pad_k = pl.kernel(
        _pad_body,
        out_type=jax.ShapeDtypeStruct((_VOCAB + _NPAD, _DIM), jnp.float32),
        mesh=_mesh,
        compiler_params=_sc_params,
        scratch_types=[
            pltpu.VMEM((_CROWS, _DIM), jnp.float32),
            pltpu.VMEM((_CROWS, _DIM), jnp.float32),
            pltpu.VMEM((_ZROWS, _DIM), jnp.float32),
            pltpu.SemaphoreType.DMA,
            pltpu.SemaphoreType.DMA,
        ],
    )
    wz = pad_k(W)

    m32 = mask[:, :, 0].astype(jnp.int32)

    k = pl.kernel(
        _body,
        out_type=jax.ShapeDtypeStruct((_B, _DIM), jnp.float32),
        mesh=_mesh,
        compiler_params=_sc_params,
        scratch_types=[
            pltpu.VMEM((_BPW, _L), jnp.int32),
            pltpu.VMEM((_BPW, _L), jnp.int32),
            pltpu.VMEM((_L, _BPW), jnp.int32),
            pltpu.VMEM((_BPW, _DIM), jnp.float32),
            pltpu.SemaphoreType.DMA,
            pltpu.SemaphoreType.DMA,
        ],
    )
    return k(x, m32, wz)

# --- scband reference (transcript-rebuilt; emitter-appended) ---
"""Pipeline reference for scband-sum-22213570855358 (READ-ONLY COPY).

The authoritative reference and input builder live on the scoring server;
editing this copy changes nothing except your own understanding.
"""

import jax, jax.numpy as jnp
import numpy as np

VOCAB = 1000000
DIM = 32
B = 16384
L = 50


def setup_inputs(seed: int = 0) -> dict:
    key = jax.random.key(seed)
    k1, k2, k3 = jax.random.split(key, 3)
    x = jax.random.randint(k1, (B, L), 0, VOCAB, dtype=jnp.int32)
    mask = jax.random.randint(k2, (B, L, 1), 0, 2, dtype=jnp.int32) > 0
    W = jax.random.normal(k3, (VOCAB, DIM), dtype=jnp.float32)
    W = W.at[0].set(0.0)  # padding_idx=0
    return {"x": x, "mask": mask, "W": W}


def reference(x, mask, W):
    # nn.Embedding with padding_idx=0: row 0 is zero
    Wp = W.at[0].set(0.0)
    emb = jnp.take(Wp, x, axis=0)              # [B, L, DIM]
    emb = jnp.where(mask, emb, 0.0)            # masked_fill_(~mask, 0)
    return emb.sum(axis=1)                     # [B, DIM]

if __name__ == "__main__":
    import jax
    _d = setup_inputs()
    print(jax.jit(kernel)(*tuple(_d.values())))

</pallas_src>

<mosaic_0001>
#map = affine_map<(d0, d1) -> (0, 0)>
module attributes {stable_mosaic.version = 14 : i64} {
  func.func @_pad_body(%arg0: i32, %arg1: i32, %arg2: memref<1000000x32xf32, #tpu.memory_space<hbm>>, %arg3: memref<1002048x32xf32, #tpu.memory_space<hbm>>, %arg4: memref<625x32xf32, #tpu.memory_space<vmem>>, %arg5: memref<625x32xf32, #tpu.memory_space<vmem>>, %arg6: memref<64x32xf32, #tpu.memory_space<vmem>>, %arg7: memref<!tpu.dma_semaphore, #tpu.memory_space<semaphore_mem>>, %arg8: memref<!tpu.dma_semaphore, #tpu.memory_space<semaphore_mem>>) attributes {dimension_semantics = [#tpu.dimension_semantics<core_parallel>, #tpu.dimension_semantics<subcore_parallel>], iteration_bounds = array<i64: 2, 16>, scalar_prefetch = 0 : i64, scratch_operands = 5 : i64, tpu.core_type = #tpu.core_type<sc_vector_subcore>, window_params = [{transform_indices = #map}, {transform_indices = #map}]} {
    %mul3A = arith.constant 2 : i32
    %mul3A_0 = arith.muli %arg1, %mul3A : i32
    %add3A = arith.addi %mul3A_0, %arg0 : i32
    %mul3A_1 = arith.constant 31250 : i32
    %mul3A_2 = arith.muli %add3A, %mul3A_1 : i32
    %dma_start3A = arith.constant 0 : i32
    %dma_start3A_3 = tpu.memref_slice %arg2[%mul3A_2, %dma_start3A] : memref<1000000x32xf32, #tpu.memory_space<hbm>> -> memref<625x32xf32, #tpu.memory_space<hbm>>
    %dma_start3A_4 = arith.constant 0 : i32
    %dma_start3A_5 = tpu.memref_slice %arg2[%mul3A_2, %dma_start3A_4] : memref<1000000x32xf32, #tpu.memory_space<hbm>> -> memref<625x32xf32, #tpu.memory_space<hbm>>
    tpu.enqueue_dma source(%dma_start3A_5 : memref<625x32xf32, #tpu.memory_space<hbm>>) target(%arg4 : memref<625x32xf32, #tpu.memory_space<vmem>>) target_semaphore(%arg7 : memref<!tpu.dma_semaphore, #tpu.memory_space<semaphore_mem>>)
    %dma_wait3A = arith.constant 0 : i32
    %dma_wait3A_6 = tpu.memref_slice %arg2[%mul3A_2, %dma_wait3A] : memref<1000000x32xf32, #tpu.memory_space<hbm>> -> memref<625x32xf32, #tpu.memory_space<hbm>>
    %dma_wait3A_7 = arith.constant 0 : i32
    %dma_wait3A_8 = tpu.memref_slice %arg2[%mul3A_2, %dma_wait3A_7] : memref<1000000x32xf32, #tpu.memory_space<hbm>> -> memref<625x32xf32, #tpu.memory_space<hbm>>
    tpu.wait_dma2 semaphore(%arg7 : memref<!tpu.dma_semaphore, #tpu.memory_space<semaphore_mem>>) src(%dma_wait3A_8 : memref<625x32xf32, #tpu.memory_space<hbm>>) dst(%arg4 : memref<625x32xf32, #tpu.memory_space<vmem>>)
    %add3A_9 = arith.constant 625 : i32
    %add3A_10 = arith.addi %mul3A_2, %add3A_9 : i32
    %dma_start3A_11 = arith.constant 0 : i32
    %dma_start3A_12 = tpu.memref_slice %arg2[%add3A_10, %dma_start3A_11] : memref<1000000x32xf32, #tpu.memory_space<hbm>> -> memref<625x32xf32, #tpu.memory_space<hbm>>
    %dma_start3A_13 = arith.constant 0 : i32
    %dma_start3A_14 = tpu.memref_slice %arg2[%add3A_10, %dma_start3A_13] : memref<1000000x32xf32, #tpu.memory_space<hbm>> -> memref<625x32xf32, #tpu.memory_space<hbm>>
    tpu.enqueue_dma source(%dma_start3A_14 : memref<625x32xf32, #tpu.memory_space<hbm>>) target(%arg5 : memref<625x32xf32, #tpu.memory_space<vmem>>) target_semaphore(%arg8 : memref<!tpu.dma_semaphore, #tpu.memory_space<semaphore_mem>>)
    %add3A_15 = arith.constant 0 : i32
    %add3A_16 = arith.addi %mul3A_2, %add3A_15 : i32
    "tpu.region"() ({
      %run_scoped3A = tpu.sem_alloc : memref<!tpu.dma_semaphore, #tpu.memory_space<semaphore_mem>>
      %dma_start3A_1369 = arith.constant 0 : i32
      %dma_start3A_1370 = tpu.memref_slice %arg3[%add3A_16, %dma_start3A_1369] : memref<1002048x32xf32, #tpu.memory_space<hbm>> -> memref<625x32xf32, #tpu.memory_space<hbm>>
      %dma_start3A_1371 = arith.constant 0 : i32
      %dma_start3A_1372 = tpu.memref_slice %arg3[%add3A_16, %dma_start3A_1371] : memref<1002048x32xf32, #tpu.memory_space<hbm>> -> memref<625x32xf32, #tpu.memory_space<hbm>>
      tpu.enqueue_dma source(%arg4 : memref<625x32xf32, #tpu.memory_space<vmem>>) target(%dma_start3A_1372 : memref<625x32xf32, #tpu.memory_space<hbm>>) target_semaphore(%run_scoped3A : memref<!tpu.dma_semaphore, #tpu.memory_space<semaphore_mem>>)
      %dma_wait3A_1373 = arith.constant 0 : i32
      %dma_wait3A_1374 = tpu.memref_slice %arg3[%add3A_16, %dma_wait3A_1373] : memref<1002048x32xf32, #tpu.memory_space<hbm>> -> memref<625x32xf32, #tpu.memory_space<hbm>>
      %dma_wait3A_1375 = arith.constant 0 : i32
      %dma_wait3A_1376 = tpu.memref_slice %arg3[%add3A_16, %dma_wait3A_1375] : memref<1002048x32xf32, #tpu.memory_space<hbm>> -> memref<625x32xf32, #tpu.memory_space<hbm>>
      tpu.wait_dma2 semaphore(%run_scoped3A : memref<!tpu.dma_semaphore, #tpu.memory_space<semaphore_mem>>) src(%arg4 : memref<625x32xf32, #tpu.memory_space<vmem>>) dst(%dma_wait3A_1376 : memref<625x32xf32, #tpu.memory_space<hbm>>)
      tpu.yield
    }) : () -> ()
    %dma_wait3A_17 = arith.constant 0 : i32
    %dma_wait3A_18 = tpu.memref_slice %arg2[%mul3A_2, %dma_wait3A_17] : memref<1000000x32xf32, #tpu.memory_space<hbm>> -> memref<625x32xf32, #tpu.memory_space<hbm>>
    %dma_wait3A_19 = arith.constant 0 : i32
    %dma_wait3A_20 = tpu.memref_slice %arg2[%mul3A_2, %dma_wait3A_19] : memref<1000000x32xf32, #tpu.memory_space<hbm>> -> memref<625x32xf32, #tpu.memory_space<hbm>>
    tpu.wait_dma2 semaphore(%arg8 : memref<!tpu.dma_semaphore, #tpu.memory_space<semaphore_mem>>) src(%dma_wait3A_20 : memref<625x32xf32, #tpu.memory_space<hbm>>) dst(%arg5 : memref<625x32xf32, #tpu.memory_space<vmem>>)
    %add3A_21 = arith.constant 1250 : i32
    %add3A_22 = arith.addi %mul3A_2, %add3A_21 : i32
    %dma_start3A_23 = arith.constant 0 : i32
    %dma_start3A_24 = tpu.memref_slice %arg2[%add3A_22, %dma_start3A_23] : memref<1000000x32xf32, #tpu.memory_space<hbm>> -> memref<625x32xf32, #tpu.memory_space<hbm>>
    %dma_start3A_25 = arith.constant 0 : i32
    %dma_start3A_26 = tpu.memref_slice %arg2[%add3A_22, %dma_start3A_25] : memref<1000000x32xf32, #tpu.memory_space<hbm>> -> memref<625x32xf32, #tpu.memory_space<hbm>>
    tpu.enqueue_dma source(%dma_start3A_26 : memref<625x32xf32, #tpu.memory_space<hbm>>) target(%arg4 : memref<625x32xf32, #tpu.memory_space<vmem>>) target_semaphore(%arg7 : memref<!tpu.dma_semaphore, #tpu.memory_space<semaphore_mem>>)
    %add3A_27 = arith.constant 625 : i32
    %add3A_28 = arith.addi %mul3A_2, %add3A_27 : i32
    "tpu.region"() ({
      %run_scoped3A = tpu.sem_alloc : memref<!tpu.dma_semaphore, #tpu.memory_space<semaphore_mem>>
      %dma_start3A_1369 = arith.constant 0 : i32
      %dma_start3A_1370 = tpu.memref_slice %arg3[%add3A_28, %dma_start3A_1369] : memref<1002048x32xf32, #tpu.memory_space<hbm>> -> memref<625x32xf32, #tpu.memory_space<hbm>>
      %dma_start3A_1371 = arith.constant 0 : i32
      %dma_start3A_1372 = tpu.memref_slice %arg3[%add3A_28, %dma_start3A_1371] : memref<1002048x32xf32, #tpu.memory_space<hbm>> -> memref<625x32xf32, #tpu.memory_space<hbm>>
      tpu.enqueue_dma source(%arg5 : memref<625x32xf32, #tpu.memory_space<vmem>>) target(%dma_start3A_1372 : memref<625x32xf32, #tpu.memory_space<hbm>>) target_semaphore(%run_scoped3A : memref<!tpu.dma_semaphore, #tpu.memory_space<semaphore_mem>>)
      %dma_wait3A_1373 = arith.constant 0 : i32
      %dma_wait3A_1374 = tpu.memref_slice %arg3[%add3A_28, %dma_wait3A_1373] : memref<1002048x32xf32, #tpu.memory_space<hbm>> -> memref<625x32xf32, #tpu.memory_space<hbm>>
      %dma_wait3A_1375 = arith.constant 0 : i32
      %dma_wait3A_1376 = tpu.memref_slice %arg3[%add3A_28, %dma_wait3A_1375] : memref<1002048x32xf32, #tpu.memory_space<hbm>> -> memref<625x32xf32, #tpu.memory_space<hbm>>
      tpu.wait_dma2 semaphore(%run_scoped3A : memref<!tpu.dma_semaphore, #tpu.memory_space<semaphore_mem>>) src(%arg5 : memref<625x32xf32, #tpu.memory_space<vmem>>) dst(%dma_wait3A_1376 : memref<625x32xf32, #tpu.memory_space<hbm>>)
      tpu.yield
    }) : () -> ()
    %dma_wait3A_29 = arith.constant 0 : i32
    %dma_wait3A_30 = tpu.memref_slice %arg2[%mul3A_2, %dma_wait3A_29] : memref<1000000x32xf32, #tpu.memory_space<hbm>> -> memref<625x32xf32, #tpu.memory_space<hbm>>
    %dma_wait3A_31 = arith.constant 0 : i32
    %dma_wait3A_32 = tpu.memref_slice %arg2[%mul3A_2, %dma_wait3A_31] : memref<1000000x32xf32, #tpu.memory_space<hbm>> -> memref<625x32xf32, #tpu.memory_space<hbm>>
    tpu.wait_dma2 semaphore(%arg7 : memref<!tpu.dma_semaphore, #tpu.memory_space<semaphore_mem>>) src(%dma_wait3A_32 : memref<625x32xf32, #tpu.memory_space<hbm>>) dst(%arg4 : memref<625x32xf32, #tpu.memory_space<vmem>>)
    %add3A_33 = arith.constant 1875 : i32
    %add3A_34 = arith.addi %mul3A_2, %add3A_33 : i32
    %dma_start3A_35 = arith.constant 0 : i32
    %dma_start3A_36 = tpu.memref_slice %arg2[%add3A_34, %dma_start3A_35] : memref<1000000x32xf32, #tpu.memory_space<hbm>> -> memref<625x32xf32, #tpu.memory_space<hbm>>
    %dma_start3A_37 = arith.constant 0 : i32
    %dma_start3A_38 = tpu.memref_slice %arg2[%add3A_34, %dma_start3A_37] : memref<1000000x32xf32, #tpu.memory_space<hbm>> -> memref<625x32xf32, #tpu.memory_space<hbm>>
    tpu.enqueue_dma source(%dma_start3A_38 : memref<625x32xf32, #tpu.memory_space<hbm>>) target(%arg5 : memref<625x32xf32, #tpu.memory_space<vmem>>) target_semaphore(%arg8 : memref<!tpu.dma_semaphore, #tpu.memory_space<semaphore_mem>>)
    %add3A_39 = arith.constant 1250 : i32
    %add3A_40 = arith.addi %mul3A_2, %add3A_39 : i32
    "tpu.region"() ({
      %run_scoped3A = tpu.sem_alloc : memref<!tpu.dma_semaphore, #tpu.memory_space<semaphore_mem>>
      %dma_start3A_1369 = arith.constant 0 : i32
      %dma_start3A_1370 = tpu.memref_slice %arg3[%add3A_40, %dma_start3A_1369] : memref<1002048x32xf32, #tpu.memory_space<hbm>> -> memref<625x32xf32, #tpu.memory_space<hbm>>
      %dma_start3A_1371 = arith.constant 0 : i32
      %dma_start3A_1372 = tpu.memref_slice %arg3[%add3A_40, %dma_start3A_1371] : memref<1002048x32xf32, #tpu.memory_space<hbm>> -> memref<625x32xf32, #tpu.memory_space<hbm>>
      tpu.enqueue_dma source(%arg4 : memref<625x32xf32, #tpu.memory_space<vmem>>) target(%dma_start3A_1372 : memref<625x32xf32, #tpu.memory_space<hbm>>) target_semaphore(%run_scoped3A : memref<!tpu.dma_semaphore, #tpu.memory_space<semaphore_mem>>)
      %dma_wait3A_1373 = arith.constant 0 : i32
      %dma_wait3A_1374 = tpu.memref_slice %arg3[%add3A_40, %dma_wait3A_1373] : memref<1002048x32xf32, #tpu.memory_space<hbm>> -> memref<625x32xf32, #tpu.memory_space<hbm>>
      %dma_wait3A_1375 = arith.constant 0 : i32
      %dma_wait3A_1376 = tpu.memref_slice %arg3[%add3A_40, %dma_wait3A_1375] : memref<1002048x32xf32, #tpu.memory_space<hbm>> -> memref<625x32xf32, #tpu.memory_space<hbm>>
      tpu.wait_dma2 semaphore(%run_scoped3A : memref<!tpu.dma_semaphore, #tpu.memory_space<semaphore_mem>>) src(%arg4 : memref<625x32xf32, #tpu.memory_space<vmem>>) dst(%dma_wait3A_1376 : memref<625x32xf32, #tpu.memory_space<hbm>>)
      tpu.yield
    }) : () -> ()
    %dma_wait3A_41 = arith.constant 0 : i32
    %dma_wait3A_42 = tpu.memref_slice %arg2[%mul3A_2, %dma_wait3A_41] : memref<1000000x32xf32, #tpu.memory_space<hbm>> -> memref<625x32xf32, #tpu.memory_space<hbm>>
    %dma_wait3A_43 = arith.constant 0 : i32
    %dma_wait3A_44 = tpu.memref_slice %arg2[%mul3A_2, %dma_wait3A_43] : memref<1000000x32xf32, #tpu.memory_space<hbm>> -> memref<625x32xf32, #tpu.memory_space<hbm>>
    tpu.wait_dma2 semaphore(%arg8 : memref<!tpu.dma_semaphore, #tpu.memory_space<semaphore_mem>>) src(%dma_wait3A_44 : memref<625x32xf32, #tpu.memory_space<hbm>>) dst(%arg5 : memref<625x32xf32, #tpu.memory_space<vmem>>)
    %add3A_45 = arith.constant 2500 : i32
    %add3A_46 = arith.addi %mul3A_2, %add3A_45 : i32
    %dma_start3A_47 = arith.constant 0 : i32
    %dma_start3A_48 = tpu.memref_slice %arg2[%add3A_46, %dma_start3A_47] : memref<1000000x32xf32, #tpu.memory_space<hbm>> -> memref<625x32xf32, #tpu.memory_space<hbm>>
    %dma_start3A_49 = arith.constant 0 : i32
    %dma_start3A_50 = tpu.memref_slice %arg2[%add3A_46, %dma_start3A_49] : memref<1000000x32xf32, #tpu.memory_space<hbm>> -> memref<625x32xf32, #tpu.memory_space<hbm>>
    tpu.enqueue_dma source(%dma_start3A_50 : memref<625x32xf32, #tpu.memory_space<hbm>>) target(%arg4 : memref<625x32xf32, #tpu.memory_space<vmem>>) target_semaphore(%arg7 : memref<!tpu.dma_semaphore, #tpu.memory_space<semaphore_mem>>)
    %add3A_51 = arith.constant 1875 : i32
    %add3A_52 = arith.addi %mul3A_2, %add3A_51 : i32
    "tpu.region"() ({
      %run_scoped3A = tpu.sem_alloc : memref<!tpu.dma_semaphore, #tpu.memory_space<semaphore_mem>>
      %dma_start3A_1369 = arith.constant 0 : i32
      %dma_start3A_1370 = tpu.memref_slice %arg3[%add3A_52, %dma_start3A_1369] : memref<1002048x32xf32, #tpu.memory_space<hbm>> -> memref<625x32xf32, #tpu.memory_space<hbm>>
      %dma_start3A_1371 = arith.constant 0 : i32
      %dma_start3A_1372 = tpu.memref_slice %arg3[%add3A_52, %dma_start3A_1371] : memref<1002048x32xf32, #tpu.memory_space<hbm>> -> memref<625x32xf32, #tpu.memory_space<hbm>>
      tpu.enqueue_dma source(%arg5 : memref<625x32xf32, #tpu.memory_space<vmem>>) target(%dma_start3A_1372 : memref<625x32xf32, #tpu.memory_space<hbm>>) target_semaphore(%run_scoped3A : memref<!tpu.dma_semaphore, #tpu.memory_space<semaphore_mem>>)
      %dma_wait3A_1373 = arith.constant 0 : i32
      %dma_wait3A_1374 = tpu.memref_slice %arg3[%add3A_52, %dma_wait3A_1373] : memref<1002048x32xf32, #tpu.memory_space<hbm>> -> memref<625x32xf32, #tpu.memory_space<hbm>>
      %dma_wait3A_1375 = arith.constant 0 : i32
      %dma_wait3A_1376 = tpu.memref_slice %arg3[%add3A_52, %dma_wait3A_1375] : memref<1002048x32xf32, #tpu.memory_space<hbm>> -> memref<625x32xf32, #tpu.memory_space<hbm>>
      tpu.wait_dma2 semaphore(%run_scoped3A : memref<!tpu.dma_semaphore, #tpu.memory_space<semaphore_mem>>) src(%arg5 : memref<625x32xf32, #tpu.memory_space<vmem>>) dst(%dma_wait3A_1376 : memref<625x32xf32, #tpu.memory_space<hbm>>)
      tpu.yield
    }) : () -> ()
    %dma_wait3A_53 = arith.constant 0 : i32
    %dma_wait3A_54 = tpu.memref_slice %arg2[%mul3A_2, %dma_wait3A_53] : memref<1000000x32xf32, #tpu.memory_space<hbm>> -> memref<625x32xf32, #tpu.memory_space<hbm>>
    %dma_wait3A_55 = arith.constant 0 : i32
    %dma_wait3A_56 = tpu.memref_slice %arg2[%mul3A_2, %dma_wait3A_55] : memref<1000000x32xf32, #tpu.memory_space<hbm>> -> memref<625x32xf32, #tpu.memory_space<hbm>>
    tpu.wait_dma2 semaphore(%arg7 : memref<!tpu.dma_semaphore, #tpu.memory_space<semaphore_mem>>) src(%dma_wait3A_56 : memref<625x32xf32, #tpu.memory_space<hbm>>) dst(%arg4 : memref<625x32xf32, #tpu.memory_space<vmem>>)
    %add3A_57 = arith.constant 3125 : i32
    %add3A_58 = arith.addi %mul3A_2, %add3A_57 : i32
    %dma_start3A_59 = arith.constant 0 : i32
    %dma_start3A_60 = tpu.memref_slice %arg2[%add3A_58, %dma_start3A_59] : memref<1000000x32xf32, #tpu.memory_space<hbm>> -> memref<625x32xf32, #tpu.memory_space<hbm>>
    %dma_start3A_61 = arith.constant 0 : i32
    %dma_start3A_62 = tpu.memref_slice %arg2[%add3A_58, %dma_start3A_61] : memref<1000000x32xf32, #tpu.memory_space<hbm>> -> memref<625x32xf32, #tpu.memory_space<hbm>>
    tpu.enqueue_dma source(%dma_start3A_62 : memref<625x32xf32, #tpu.memory_space<hbm>>) target(%arg5 : memref<625x32xf32, #tpu.memory_space<vmem>>) target_semaphore(%arg8 : memref<!tpu.dma_semaphore, #tpu.memory_space<semaphore_mem>>)
    %add3A_63 = arith.constant 2500 : i32
    %add3A_64 = arith.addi %mul3A_2, %add3A_63 : i32
    "tpu.region"() ({
      %run_scoped3A = tpu.sem_alloc : memref<!tpu.dma_semaphore, #tpu.memory_space<semaphore_mem>>
      %dma_start3A_1369 = arith.constant 0 : i32
      %dma_start3A_1370 = tpu.memref_slice %arg3[%add3A_64, %dma_start3A_1369] : memref<1002048x32xf32, #tpu.memory_space<hbm>> -> memref<625x32xf32, #tpu.memory_space<hbm>>
      %dma_start3A_1371 = arith.constant 0 : i32
      %dma_start3A_1372 = tpu.memref_slice %arg3[%add3A_64, %dma_start3A_1371] : memref<1002048x32xf32, #tpu.memory_space<hbm>> -> memref<625x32xf32, #tpu.memory_space<hbm>>
      tpu.enqueue_dma source(%arg4 : memref<625x32xf32, #tpu.memory_space<vmem>>) target(%dma_start3A_1372 : memref<625x32xf32, #tpu.memory_space<hbm>>) target_semaphore(%run_scoped3A : memref<!tpu.dma_semaphore, #tpu.memory_space<semaphore_mem>>)
      %dma_wait3A_1373 = arith.constant 0 : i32
      %dma_wait3A_1374 = tpu.memref_slice %arg3[%add3A_64, %dma_wait3A_1373] : memref<1002048x32xf32, #tpu.memory_space<hbm>> -> memref<625x32xf32, #tpu.memory_space<hbm>>
      %dma_wait3A_1375 = arith.constant 0 : i32
      %dma_wait3A_1376 = tpu.memref_slice %arg3[%add3A_64, %dma_wait3A_1375] : memref<1002048x32xf32, #tpu.memory_space<hbm>> -> memref<625x32xf32, #tpu.memory_space<hbm>>
      tpu.wait_dma2 semaphore(%run_scoped3A : memref<!tpu.dma_semaphore, #tpu.memory_space<semaphore_mem>>) src(%arg4 : memref<625x32xf32, #tpu.memory_space<vmem>>) dst(%dma_wait3A_1376 : memref<625x32xf32, #tpu.memory_space<hbm>>)
      tpu.yield
    }) : () -> ()
    %dma_wait3A_65 = arith.constant 0 : i32
    %dma_wait3A_66 = tpu.memref_slice %arg2[%mul3A_2, %dma_wait3A_65] : memref<1000000x32xf32, #tpu.memory_space<hbm>> -> memref<625x32xf32, #tpu.memory_space<hbm>>
    %dma_wait3A_67 = arith.constant 0 : i32
    %dma_wait3A_68 = tpu.memref_slice %arg2[%mul3A_2, %dma_wait3A_67] : memref<1000000x32xf32, #tpu.memory_space<hbm>> -> memref<625x32xf32, #tpu.memory_space<hbm>>
    tpu.wait_dma2 semaphore(%arg8 : memref<!tpu.dma_semaphore, #tpu.memory_space<semaphore_mem>>) src(%dma_wait3A_68 : memref<625x32xf32, #tpu.memory_space<hbm>>) dst(%arg5 : memref<625x32xf32, #tpu.memory_space<vmem>>)
    %add3A_69 = arith.constant 3750 : i32
    %add3A_70 = arith.addi %mul3A_2, %add3A_69 : i32
    %dma_start3A_71 = arith.constant 0 : i32
    %dma_start3A_72 = tpu.memref_slice %arg2[%add3A_70, %dma_start3A_71] : memref<1000000x32xf32, #tpu.memory_space<hbm>> -> memref<625x32xf32, #tpu.memory_space<hbm>>
    %dma_start3A_73 = arith.constant 0 : i32
    %dma_start3A_74 = tpu.memref_slice %arg2[%add3A_70, %dma_start3A_73] : memref<1000000x32xf32, #tpu.memory_space<hbm>> -> memref<625x32xf32, #tpu.memory_space<hbm>>
    tpu.enqueue_dma source(%dma_start3A_74 : memref<625x32xf32, #tpu.memory_space<hbm>>) target(%arg4 : memref<625x32xf32, #tpu.memory_space<vmem>>) target_semaphore(%arg7 : memref<!tpu.dma_semaphore, #tpu.memory_space<semaphore_mem>>)
    %add3A_75 = arith.constant 3125 : i32
    %add3A_76 = arith.addi %mul3A_2, %add3A_75 : i32
    "tpu.region"() ({
      %run_scoped3A = tpu.sem_alloc : memref<!tpu.dma_semaphore, #tpu.memory_space<semaphore_mem>>
      %dma_start3A_1369 = arith.constant 0 : i32
      %dma_start3A_1370 = tpu.memref_slice %arg3[%add3A_76, %dma_start3A_1369] : memref<1002048x32xf32, #tpu.memory_space<hbm>> -> memref<625x32xf32, #tpu.memory_space<hbm>>
      %dma_start3A_1371 = arith.constant 0 : i32
      %dma_start3A_1372 = tpu.memref_slice %arg3[%add3A_76, %dma_start3A_1371] : memref<1002048x32xf32, #tpu.memory_space<hbm>> -> memref<625x32xf32, #tpu.memory_space<hbm>>
      tpu.enqueue_dma source(%arg5 : memref<625x32xf32, #tpu.memory_space<vmem>>) target(%dma_start3A_1372 : memref<625x32xf32, #tpu.memory_space<hbm>>) target_semaphore(%run_scoped3A : memref<!tpu.dma_semaphore, #tpu.memory_space<semaphore_mem>>)
      %dma_wait3A_1373 = arith.constant 0 : i32
      %dma_wait3A_1374 = tpu.memref_slice %arg3[%add3A_76, %dma_wait3A_1373] : memref<1002048x32xf32, #tpu.memory_space<hbm>> -> memref<625x32xf32, #tpu.memory_space<hbm>>
      %dma_wait3A_1375 = arith.constant 0 : i32
      %dma_wait3A_1376 = tpu.memref_slice %arg3[%add3A_76, %dma_wait3A_1375] : memref<1002048x32xf32, #tpu.memory_space<hbm>> -> memref<625x32xf32, #tpu.memory_space<hbm>>
      tpu.wait_dma2 semaphore(%run_scoped3A : memref<!tpu.dma_semaphore, #tpu.memory_space<semaphore_mem>>) src(%arg5 : memref<625x32xf32, #tpu.memory_space<vmem>>) dst(%dma_wait3A_1376 : memref<625x32xf32, #tpu.memory_space<hbm>>)
      tpu.yield
    }) : () -> ()
    %dma_wait3A_77 = arith.constant 0 : i32
    %dma_wait3A_78 = tpu.memref_slice %arg2[%mul3A_2, %dma_wait3A_77] : memref<1000000x32xf32, #tpu.memory_space<hbm>> -> memref<625x32xf32, #tpu.memory_space<hbm>>
    %dma_wait3A_79 = arith.constant 0 : i32
    %dma_wait3A_80 = tpu.memref_slice %arg2[%mul3A_2, %dma_wait3A_79] : memref<1000000x32xf32, #tpu.memory_space<hbm>> -> memref<625x32xf32, #tpu.memory_space<hbm>>
    tpu.wait_dma2 semaphore(%arg7 : memref<!tpu.dma_semaphore, #tpu.memory_space<semaphore_mem>>) src(%dma_wait3A_80 : memref<625x32xf32, #tpu.memory_space<hbm>>) dst(%arg4 : memref<625x32xf32, #tpu.memory_space<vmem>>)
    %add3A_81 = arith.constant 4375 : i32
    %add3A_82 = arith.addi %mul3A_2, %add3A_81 : i32
    %dma_start3A_83 = arith.constant 0 : i32
    %dma_start3A_84 = tpu.memref_slice %arg2[%add3A_82, %dma_start3A_83] : memref<1000000x32xf32, #tpu.memory_space<hbm>> -> memref<625x32xf32, #tpu.memory_space<hbm>>
    %dma_start3A_85 = arith.constant 0 : i32
    %dma_start3A_86 = tpu.memref_slice %arg2[%add3A_82, %dma_start3A_85] : memref<1000000x32xf32, #tpu.memory_space<hbm>> -> memref<625x32xf32, #tpu.memory_space<hbm>>
    tpu.enqueue_dma source(%dma_start3A_86 : memref<625x32xf32, #tpu.memory_space<hbm>>) target(%arg5 : memref<625x32xf32, #tpu.memory_space<vmem>>) target_semaphore(%arg8 : memref<!tpu.dma_semaphore, #tpu.memory_space<semaphore_mem>>)
    %add3A_87 = arith.constant 3750 : i32
    %add3A_88 = arith.addi %mul3A_2, %add3A_87 : i32
    "tpu.region"() ({
      %run_scoped3A = tpu.sem_alloc : memref<!tpu.dma_semaphore, #tpu.memory_space<semaphore_mem>>
      %dma_start3A_1369 = arith.constant 0 : i32
      %dma_start3A_1370 = tpu.memref_slice %arg3[%add3A_88, %dma_start3A_1369] : memref<1002048x32xf32, #tpu.memory_space<hbm>> -> memref<625x32xf32, #tpu.memory_space<hbm>>
      %dma_start3A_1371 = arith.constant 0 : i32
      %dma_start3A_1372 = tpu.memref_slice %arg3[%add3A_88, %dma_start3A_1371] : memref<1002048x32xf32, #tpu.memory_space<hbm>> -> memref<625x32xf32, #tpu.memory_space<hbm>>
      tpu.enqueue_dma source(%arg4 : memref<625x32xf32, #tpu.memory_space<vmem>>) target(%dma_start3A_1372 : memref<625x32xf32, #tpu.memory_space<hbm>>) target_semaphore(%run_scoped3A : memref<!tpu.dma_semaphore, #tpu.memory_space<semaphore_mem>>)
      %dma_wait3A_1373 = arith.constant 0 : i32
      %dma_wait3A_1374 = tpu.memref_slice %arg3[%add3A_88, %dma_wait3A_1373] : memref<1002048x32xf32, #tpu.memory_space<hbm>> -> memref<625x32xf32, #tpu.memory_space<hbm>>
      %dma_wait3A_1375 = arith.constant 0 : i32
      %dma_wait3A_1376 = tpu.memref_slice %arg3[%add3A_88, %dma_wait3A_1375] : memref<1002048x32xf32, #tpu.memory_space<hbm>> -> memref<625x32xf32, #tpu.memory_space<hbm>>
      tpu.wait_dma2 semaphore(%run_scoped3A : memref<!tpu.dma_semaphore, #tpu.memory_space<semaphore_mem>>) src(%arg4 : memref<625x32xf32, #tpu.memory_space<vmem>>) dst(%dma_wait3A_1376 : memref<625x32xf32, #tpu.memory_space<hbm>>)
      tpu.yield
    }) : () -> ()
    %dma_wait3A_89 = arith.constant 0 : i32
    %dma_wait3A_90 = tpu.memref_slice %arg2[%mul3A_2, %dma_wait3A_89] : memref<1000000x32xf32, #tpu.memory_space<hbm>> -> memref<625x32xf32, #tpu.memory_space<hbm>>
    %dma_wait3A_91 = arith.constant 0 : i32
    %dma_wait3A_92 = tpu.memref_slice %arg2[%mul3A_2, %dma_wait3A_91] : memref<1000000x32xf32, #tpu.memory_space<hbm>> -> memref<625x32xf32, #tpu.memory_space<hbm>>
    tpu.wait_dma2 semaphore(%arg8 : memref<!tpu.dma_semaphore, #tpu.memory_space<semaphore_mem>>) src(%dma_wait3A_92 : memref<625x32xf32, #tpu.memory_space<hbm>>) dst(%arg5 : memref<625x32xf32, #tpu.memory_space<vmem>>)
    %add3A_93 = arith.constant 5000 : i32
    %add3A_94 = arith.addi %mul3A_2, %add3A_93 : i32
    %dma_start3A_95 = arith.constant 0 : i32
    %dma_start3A_96 = tpu.memref_slice %arg2[%add3A_94, %dma_start3A_95] : memref<1000000x32xf32, #tpu.memory_space<hbm>> -> memref<625x32xf32, #tpu.memory_space<hbm>>
    %dma_start3A_97 = arith.constant 0 : i32
    %dma_start3A_98 = tpu.memref_slice %arg2[%add3A_94, %dma_start3A_97] : memref<1000000x32xf32, #tpu.memory_space<hbm>> -> memref<625x32xf32, #tpu.memory_space<hbm>>
    tpu.enqueue_dma source(%dma_start3A_98 : memref<625x32xf32, #tpu.memory_space<hbm>>) target(%arg4 : memref<625x32xf32, #tpu.memory_space<vmem>>) target_semaphore(%arg7 : memref<!tpu.dma_semaphore, #tpu.memory_space<semaphore_mem>>)
    %add3A_99 = arith.constant 4375 : i32
    %add3A_100 = arith.addi %mul3A_2, %add3A_99 : i32
    "tpu.region"() ({
      %run_scoped3A = tpu.sem_alloc : memref<!tpu.dma_semaphore, #tpu.memory_space<semaphore_mem>>
      %dma_start3A_1369 = arith.constant 0 : i32
      %dma_start3A_1370 = tpu.memref_slice %arg3[%add3A_100, %dma_start3A_1369] : memref<1002048x32xf32, #tpu.memory_space<hbm>> -> memref<625x32xf32, #tpu.memory_space<hbm>>
      %dma_start3A_1371 = arith.constant 0 : i32
      %dma_start3A_1372 = tpu.memref_slice %arg3[%add3A_100, %dma_start3A_1371] : memref<1002048x32xf32, #tpu.memory_space<hbm>> -> memref<625x32xf32, #tpu.memory_space<hbm>>
      tpu.enqueue_dma source(%arg5 : memref<625x32xf32, #tpu.memory_space<vmem>>) target(%dma_start3A_1372 : memref<625x32xf32, #tpu.memory_space<hbm>>) target_semaphore(%run_scoped3A : memref<!tpu.dma_semaphore, #tpu.memory_space<semaphore_mem>>)
      %dma_wait3A_1373 = arith.constant 0 : i32
      %dma_wait3A_1374 = tpu.memref_slice %arg3[%add3A_100, %dma_wait3A_1373] : memref<1002048x32xf32, #tpu.memory_space<hbm>> -> memref<625x32xf32, #tpu.memory_space<hbm>>
      %dma_wait3A_1375 = arith.constant 0 : i32
      %dma_wait3A_1376 = tpu.memref_slice %arg3[%add3A_100, %dma_wait3A_1375] : memref<1002048x32xf32, #tpu.memory_space<hbm>> -> memref<625x32xf32, #tpu.memory_space<hbm>>
      tpu.wait_dma2 semaphore(%run_scoped3A : memref<!tpu.dma_semaphore, #tpu.memory_space<semaphore_mem>>) src(%arg5 : memref<625x32xf32, #tpu.memory_space<vmem>>) dst(%dma_wait3A_1376 : memref<625x32xf32, #tpu.memory_space<hbm>>)
      tpu.yield
    }) : () -> ()
    %dma_wait3A_101 = arith.constant 0 : i32
    %dma_wait3A_102 = tpu.memref_slice %arg2[%mul3A_2, %dma_wait3A_101] : memref<1000000x32xf32, #tpu.memory_space<hbm>> -> memref<625x32xf32, #tpu.memory_space<hbm>>
    %dma_wait3A_103 = arith.constant 0 : i32
    %dma_wait3A_104 = tpu.memref_slice %arg2[%mul3A_2, %dma_wait3A_103] : memref<1000000x32xf32, #tpu.memory_space<hbm>> -> memref<625x32xf32, #tpu.memory_space<hbm>>
    tpu.wait_dma2 semaphore(%arg7 : memref<!tpu.dma_semaphore, #tpu.memory_space<semaphore_mem>>) src(%dma_wait3A_104 : memref<625x32xf32, #tpu.memory_space<hbm>>) dst(%arg4 : memref<625x32xf32, #tpu.memory_space<vmem>>)
    %add3A_105 = arith.constant 5625 : i32
    %add3A_106 = arith.addi %mul3A_2, %add3A_105 : i32
    %dma_start3A_107 = arith.constant 0 : i32
    %dma_start3A_108 = tpu.memref_slice %arg2[%add3A_106, %dma_start3A_107] : memref<1000000x32xf32, #tpu.memory_space<hbm>> -> memref<625x32xf32, #tpu.memory_space<hbm>>
    %dma_start3A_109 = arith.constant 0 : i32
    %dma_start3A_110 = tpu.memref_slice %arg2[%add3A_106, %dma_start3A_109] : memref<1000000x32xf32, #tpu.memory_space<hbm>> -> memref<625x32xf32, #tpu.memory_space<hbm>>
    tpu.enqueue_dma source(%dma_start3A_110 : memref<625x32xf32, #tpu.memory_space<hbm>>) target(%arg5 : memref<625x32xf32, #tpu.memory_space<vmem>>) target_semaphore(%arg8 : memref<!tpu.dma_semaphore, #tpu.memory_space<semaphore_mem>>)
    %add3A_111 = arith.constant 5000 : i32
    %add3A_112 = arith.addi %mul3A_2, %add3A_111 : i32
    "tpu.region"() ({
      %run_scoped3A = tpu.sem_alloc : memref<!tpu.dma_semaphore, #tpu.memory_space<semaphore_mem>>
      %dma_start3A_1369 = arith.constant 0 : i32
      %dma_start3A_1370 = tpu.memref_slice %arg3[%add3A_112, %dma_start3A_1369] : memref<1002048x32xf32, #tpu.memory_space<hbm>> -> memref<625x32xf32, #tpu.memory_space<hbm>>
      %dma_start3A_1371 = arith.constant 0 : i32
      %dma_start3A_1372 = tpu.memref_slice %arg3[%add3A_112, %dma_start3A_1371] : memref<1002048x32xf32, #tpu.memory_space<hbm>> -> memref<625x32xf32, #tpu.memory_space<hbm>>
      tpu.enqueue_dma source(%arg4 : memref<625x32xf32, #tpu.memory_space<vmem>>) target(%dma_start3A_1372 : memref<625x32xf32, #tpu.memory_space<hbm>>) target_semaphore(%run_scoped3A : memref<!tpu.dma_semaphore, #tpu.memory_space<semaphore_mem>>)
      %dma_wait3A_1373 = arith.constant 0 : i32
      %dma_wait3A_1374 = tpu.memref_slice %arg3[%add3A_112, %dma_wait3A_1373] : memref<1002048x32xf32, #tpu.memory_space<hbm>> -> memref<625x32xf32, #tpu.memory_space<hbm>>
      %dma_wait3A_1375 = arith.constant 0 : i32
      %dma_wait3A_1376 = tpu.memref_slice %arg3[%add3A_112, %dma_wait3A_1375] : memref<1002048x32xf32, #tpu.memory_space<hbm>> -> memref<625x32xf32, #tpu.memory_space<hbm>>
      tpu.wait_dma2 semaphore(%run_scoped3A : memref<!tpu.dma_semaphore, #tpu.memory_space<semaphore_mem>>) src(%arg4 : memref<625x32xf32, #tpu.memory_space<vmem>>) dst(%dma_wait3A_1376 : memref<625x32xf32, #tpu.memory_space<hbm>>)
      tpu.yield
    }) : () -> ()
    %dma_wait3A_113 = arith.constant 0 : i32
    %dma_wait3A_114 = tpu.memref_slice %arg2[%mul3A_2, %dma_wait3A_113] : memref<1000000x32xf32, #tpu.memory_space<hbm>> -> memref<625x32xf32, #tpu.memory_space<hbm>>
    %dma_wait3A_115 = arith.constant 0 : i32
    %dma_wait3A_116 = tpu.memref_slice %arg2[%mul3A_2, %dma_wait3A_115] : memref<1000000x32xf32, #tpu.memory_space<hbm>> -> memref<625x32xf32, #tpu.memory_space<hbm>>
    tpu.wait_dma2 semaphore(%arg8 : memref<!tpu.dma_semaphore, #tpu.memory_space<semaphore_mem>>) src(%dma_wait3A_116 : memref<625x32xf32, #tpu.memory_space<hbm>>) dst(%arg5 : memref<625x32xf32, #tpu.memory_space<vmem>>)
    %add3A_117 = arith.constant 6250 : i32
    %add3A_118 = arith.addi %mul3A_2, %add3A_117 : i32
    %dma_start3A_119 = arith.constant 0 : i32
    %dma_start3A_120 = tpu.memref_slice %arg2[%add3A_118, %dma_start3A_119] : memref<1000000x32xf32, #tpu.memory_space<hbm>> -> memref<625x32xf32, #tpu.memory_space<hbm>>
    %dma_start3A_121 = arith.constant 0 : i32
    %dma_start3A_122 = tpu.memref_slice %arg2[%add3A_118, %dma_start3A_121] : memref<1000000x32xf32, #tpu.memory_space<hbm>> -> memref<625x32xf32, #tpu.memory_space<hbm>>
    tpu.enqueue_dma source(%dma_start3A_122 : memref<625x32xf32, #tpu.memory_space<hbm>>) target(%arg4 : memref<625x32xf32, #tpu.memory_space<vmem>>) target_semaphore(%arg7 : memref<!tpu.dma_semaphore, #tpu.memory_space<semaphore_mem>>)
    %add3A_123 = arith.constant 5625 : i32
    %add3A_124 = arith.addi %mul3A_2, %add3A_123 : i32
    "tpu.region"() ({
      %run_scoped3A = tpu.sem_alloc : memref<!tpu.dma_semaphore, #tpu.memory_space<semaphore_mem>>
      %dma_start3A_1369 = arith.constant 0 : i32
      %dma_start3A_1370 = tpu.memref_slice %arg3[%add3A_124, %dma_start3A_1369] : memref<1002048x32xf32, #tpu.memory_space<hbm>> -> memref<625x32xf32, #tpu.memory_space<hbm>>
      %dma_start3A_1371 = arith.constant 0 : i32
      %dma_start3A_1372 = tpu.memref_slice %arg3[%add3A_124, %dma_start3A_1371] : memref<1002048x32xf32, #tpu.memory_space<hbm>> -> memref<625x32xf32, #tpu.memory_space<hbm>>
      tpu.enqueue_dma source(%arg5 : memref<625x32xf32, #tpu.memory_space<vmem>>) target(%dma_start3A_1372 : memref<625x32xf32, #tpu.memory_space<hbm>>) target_semaphore(%run_scoped3A : memref<!tpu.dma_semaphore, #tpu.memory_space<semaphore_mem>>)
      %dma_wait3A_1373 = arith.constant 0 : i32
      %dma_wait3A_1374 = tpu.memref_slice %arg3[%add3A_124, %dma_wait3A_1373] : memref<1002048x32xf32, #tpu.memory_space<hbm>> -> memref<625x32xf32, #tpu.memory_space<hbm>>
      %dma_wait3A_1375 = arith.constant 0 : i32
      %dma_wait3A_1376 = tpu.memref_slice %arg3[%add3A_124, %dma_wait3A_1375] : memref<1002048x32xf32, #tpu.memory_space<hbm>> -> memref<625x32xf32, #tpu.memory_space<hbm>>
      tpu.wait_dma2 semaphore(%run_scoped3A : memref<!tpu.dma_semaphore, #tpu.memory_space<semaphore_mem>>) src(%arg5 : memref<625x32xf32, #tpu.memory_space<vmem>>) dst(%dma_wait3A_1376 : memref<625x32xf32, #tpu.memory_space<hbm>>)
      tpu.yield
    }) : () -> ()
    %dma_wait3A_125 = arith.constant 0 : i32
    %dma_wait3A_126 = tpu.memref_slice %arg2[%mul3A_2, %dma_wait3A_125] : memref<1000000x32xf32, #tpu.memory_space<hbm>> -> memref<625x32xf32, #tpu.memory_space<hbm>>
    %dma_wait3A_127 = arith.constant 0 : i32
    %dma_wait3A_128 = tpu.memref_slice %arg2[%mul3A_2, %dma_wait3A_127] : memref<1000000x32xf32, #tpu.memory_space<hbm>> -> memref<625x32xf32, #tpu.memory_space<hbm>>
    tpu.wait_dma2 semaphore(%arg7 : memref<!tpu.dma_semaphore, #tpu.memory_space<semaphore_mem>>) src(%dma_wait3A_128 : memref<625x32xf32, #tpu.memory_space<hbm>>) dst(%arg4 : memref<625x32xf32, #tpu.memory_space<vmem>>)
    %add3A_129 = arith.constant 6875 : i32
    %add3A_130 = arith.addi %mul3A_2, %add3A_129 : i32
    %dma_start3A_131 = arith.constant 0 : i32
    %dma_start3A_132 = tpu.memref_slice %arg2[%add3A_130, %dma_start3A_131] : memref<1000000x32xf32, #tpu.memory_space<hbm>> -> memref<625x32xf32, #tpu.memory_space<hbm>>
    %dma_start3A_133 = arith.constant 0 : i32
    %dma_start3A_134 = tpu.memref_slice %arg2[%add3A_130, %dma_start3A_133] : memref<1000000x32xf32, #tpu.memory_space<hbm>> -> memref<625x32xf32, #tpu.memory_space<hbm>>
    tpu.enqueue_dma source(%dma_start3A_134 : memref<625x32xf32, #tpu.memory_space<hbm>>) target(%arg5 : memref<625x32xf32, #tpu.memory_space<vmem>>) target_semaphore(%arg8 : memref<!tpu.dma_semaphore, #tpu.memory_space<semaphore_mem>>)
    %add3A_135 = arith.constant 6250 : i32
    %add3A_136 = arith.addi %mul3A_2, %add3A_135 : i32
    "tpu.region"() ({
      %run_scoped3A = tpu.sem_alloc : memref<!tpu.dma_semaphore, #tpu.memory_space<semaphore_mem>>
      %dma_start3A_1369 = arith.constant 0 : i32
      %dma_start3A_1370 = tpu.memref_slice %arg3[%add3A_136, %dma_start3A_1369] : memref<1002048x32xf32, #tpu.memory_space<hbm>> -> memref<625x32xf32, #tpu.memory_space<hbm>>
      %dma_start3A_1371 = arith.constant 0 : i32
      %dma_start3A_1372 = tpu.memref_slice %arg3[%add3A_136, %dma_start3A_1371] : memref<1002048x32xf32, #tpu.memory_space<hbm>> -> memref<625x32xf32, #tpu.memory_space<hbm>>
      tpu.enqueue_dma source(%arg4 : memref<625x32xf32, #tpu.memory_space<vmem>>) target(%dma_start3A_1372 : memref<625x32xf32, #tpu.memory_space<hbm>>) target_semaphore(%run_scoped3A : memref<!tpu.dma_semaphore, #tpu.memory_space<semaphore_mem>>)
      %dma_wait3A_1373 = arith.constant 0 : i32
      %dma_wait3A_1374 = tpu.memref_slice %arg3[%add3A_136, %dma_wait3A_1373] : memref<1002048x32xf32, #tpu.memory_space<hbm>> -> memref<625x32xf32, #tpu.memory_space<hbm>>
      %dma_wait3A_1375 = arith.constant 0 : i32
      %dma_wait3A_1376 = tpu.memref_slice %arg3[%add3A_136, %dma_wait3A_1375] : memref<1002048x32xf32, #tpu.memory_space<hbm>> -> memref<625x32xf32, #tpu.memory_space<hbm>>
      tpu.wait_dma2 semaphore(%run_scoped3A : memref<!tpu.dma_semaphore, #tpu.memory_space<semaphore_mem>>) src(%arg4 : memref<625x32xf32, #tpu.memory_space<vmem>>) dst(%dma_wait3A_1376 : memref<625x32xf32, #tpu.memory_space<hbm>>)
      tpu.yield
    }) : () -> ()
    %dma_wait3A_137 = arith.constant 0 : i32
    %dma_wait3A_138 = tpu.memref_slice %arg2[%mul3A_2, %dma_wait3A_137] : memref<1000000x32xf32, #tpu.memory_space<hbm>> -> memref<625x32xf32, #tpu.memory_space<hbm>>
    %dma_wait3A_139 = arith.constant 0 : i32
    %dma_wait3A_140 = tpu.memref_slice %arg2[%mul3A_2, %dma_wait3A_139] : memref<1000000x32xf32, #tpu.memory_space<hbm>> -> memref<625x32xf32, #tpu.memory_space<hbm>>
    tpu.wait_dma2 semaphore(%arg8 : memref<!tpu.dma_semaphore, #tpu.memory_space<semaphore_mem>>) src(%dma_wait3A_140 : memref<625x32xf32, #tpu.memory_space<hbm>>) dst(%arg5 : memref<625x32xf32, #tpu.memory_space<vmem>>)
    %add3A_141 = arith.constant 7500 : i32
    %add3A_142 = arith.addi %mul3A_2, %add3A_141 : i32
    %dma_start3A_143 = arith.constant 0 : i32
    %dma_start3A_144 = tpu.memref_slice %arg2[%add3A_142, %dma_start3A_143] : memref<1000000x32xf32, #tpu.memory_space<hbm>> -> memref<625x32xf32, #tpu.memory_space<hbm>>
    %dma_start3A_145 = arith.constant 0 : i32
    %dma_start3A_146 = tpu.memref_slice %arg2[%add3A_142, %dma_start3A_145] : memref<1000000x32xf32, #tpu.memory_space<hbm>> -> memref<625x32xf32, #tpu.memory_space<hbm>>
    tpu.enqueue_dma source(%dma_start3A_146 : memref<625x32xf32, #tpu.memory_space<hbm>>) target(%arg4 : memref<625x32xf32, #tpu.memory_space<vmem>>) target_semaphore(%arg7 : memref<!tpu.dma_semaphore, #tpu.memory_space<semaphore_mem>>)
    %add3A_147 = arith.constant 6875 : i32
    %add3A_148 = arith.addi %mul3A_2, %add3A_147 : i32
    "tpu.region"() ({
      %run_scoped3A = tpu.sem_alloc : memref<!tpu.dma_semaphore, #tpu.memory_space<semaphore_mem>>
      %dma_start3A_1369 = arith.constant 0 : i32
      %dma_start3A_1370 = tpu.memref_slice %arg3[%add3A_148, %dma_start3A_1369] : memref<1002048x32xf32, #tpu.memory_space<hbm>> -> memref<625x32xf32, #tpu.memory_space<hbm>>
      %dma_start3A_1371 = arith.constant 0 : i32
      %dma_start3A_1372 = tpu.memref_slice %arg3[%add3A_148, %dma_start3A_1371] : memref<1002048x32xf32, #tpu.memory_space<hbm>> -> memref<625x32xf32, #tpu.memory_space<hbm>>
      tpu.enqueue_dma source(%arg5 : memref<625x32xf32, #tpu.memory_space<vmem>>) target(%dma_start3A_1372 : memref<625x32xf32, #tpu.memory_space<hbm>>) target_semaphore(%run_scoped3A : memref<!tpu.dma_semaphore, #tpu.memory_space<semaphore_mem>>)
      %dma_wait3A_1373 = arith.constant 0 : i32
      %dma_wait3A_1374 = tpu.memref_slice %arg3[%add3A_148, %dma_wait3A_1373] : memref<1002048x32xf32, #tpu.memory_space<hbm>> -> memref<625x32xf32, #tpu.memory_space<hbm>>
      %dma_wait3A_1375 = arith.constant 0 : i32
      %dma_wait3A_1376 = tpu.memref_slice %arg3[%add3A_148, %dma_wait3A_1375] : memref<1002048x32xf32, #tpu.memory_space<hbm>> -> memref<625x32xf32, #tpu.memory_space<hbm>>
      tpu.wait_dma2 semaphore(%run_scoped3A : memref<!tpu.dma_semaphore, #tpu.memory_space<semaphore_mem>>) src(%arg5 : memref<625x32xf32, #tpu.memory_space<vmem>>) dst(%dma_wait3A_1376 : memref<625x32xf32, #tpu.memory_space<hbm>>)
      tpu.yield
    }) : () -> ()
    %dma_wait3A_149 = arith.constant 0 : i32
    %dma_wait3A_150 = tpu.memref_slice %arg2[%mul3A_2, %dma_wait3A_149] : memref<1000000x32xf32, #tpu.memory_space<hbm>> -> memref<625x32xf32, #tpu.memory_space<hbm>>
    %dma_wait3A_151 = arith.constant 0 : i32
    %dma_wait3A_152 = tpu.memref_slice %arg2[%mul3A_2, %dma_wait3A_151] : memref<1000000x32xf32, #tpu.memory_space<hbm>> -> memref<625x32xf32, #tpu.memory_space<hbm>>
    tpu.wait_dma2 semaphore(%arg7 : memref<!tpu.dma_semaphore, #tpu.memory_space<semaphore_mem>>) src(%dma_wait3A_152 : memref<625x32xf32, #tpu.memory_space<hbm>>) dst(%arg4 : memref<625x32xf32, #tpu.memory_space<vmem>>)
    %add3A_153 = arith.constant 8125 : i32
    %add3A_154 = arith.addi %mul3A_2, %add3A_153 : i32
    %dma_start3A_155 = arith.constant 0 : i32
    %dma_start3A_156 = tpu.memref_slice %arg2[%add3A_154, %dma_start3A_155] : memref<1000000x32xf32, #tpu.memory_space<hbm>> -> memref<625x32xf32, #tpu.memory_space<hbm>>
    %dma_start3A_157 = arith.constant 0 : i32
    %dma_start3A_158 = tpu.memref_slice %arg2[%add3A_154, %dma_start3A_157] : memref<1000000x32xf32, #tpu.memory_space<hbm>> -> memref<625x32xf32, #tpu.memory_space<hbm>>
    tpu.enqueue_dma source(%dma_start3A_158 : memref<625x32xf32, #tpu.memory_space<hbm>>) target(%arg5 : memref<625x32xf32, #tpu.memory_space<vmem>>) target_semaphore(%arg8 : memref<!tpu.dma_semaphore, #tpu.memory_space<semaphore_mem>>)
    %add3A_159 = arith.constant 7500 : i32
    %add3A_160 = arith.addi %mul3A_2, %add3A_159 : i32
    "tpu.region"() ({
      %run_scoped3A = tpu.sem_alloc : memref<!tpu.dma_semaphore, #tpu.memory_space<semaphore_mem>>
      %dma_start3A_1369 = arith.constant 0 : i32
      %dma_start3A_1370 = tpu.memref_slice %arg3[%add3A_160, %dma_start3A_1369] : memref<1002048x32xf32, #tpu.memory_space<hbm>> -> memref<625x32xf32, #tpu.memory_space<hbm>>
      %dma_start3A_1371 = arith.constant 0 : i32
      %dma_start3A_1372 = tpu.memref_slice %arg3[%add3A_160, %dma_start3A_1371] : memref<1002048x32xf32, #tpu.memory_space<hbm>> -> memref<625x32xf32, #tpu.memory_space<hbm>>
      tpu.enqueue_dma source(%arg4 : memref<625x32xf32, #tpu.memory_space<vmem>>) target(%dma_start3A_1372 : memref<625x32xf32, #tpu.memory_space<hbm>>) target_semaphore(%run_scoped3A : memref<!tpu.dma_semaphore, #tpu.memory_space<semaphore_mem>>)
      %dma_wait3A_1373 = arith.constant 0 : i32
      %dma_wait3A_1374 = tpu.memref_slice %arg3[%add3A_160, %dma_wait3A_1373] : memref<1002048x32xf32, #tpu.memory_space<hbm>> -> memref<625x32xf32, #tpu.memory_space<hbm>>
      %dma_wait3A_1375 = arith.constant 0 : i32
      %dma_wait3A_1376 = tpu.memref_slice %arg3[%add3A_160, %dma_wait3A_1375] : memref<1002048x32xf32, #tpu.memory_space<hbm>> -> memref<625x32xf32, #tpu.memory_space<hbm>>
      tpu.wait_dma2 semaphore(%run_scoped3A : memref<!tpu.dma_semaphore, #tpu.memory_space<semaphore_mem>>) src(%arg4 : memref<625x32xf32, #tpu.memory_space<vmem>>) dst(%dma_wait3A_1376 : memref<625x32xf32, #tpu.memory_space<hbm>>)
      tpu.yield
    }) : () -> ()
    %dma_wait3A_161 = arith.constant 0 : i32
    %dma_wait3A_162 = tpu.memref_slice %arg2[%mul3A_2, %dma_wait3A_161] : memref<1000000x32xf32, #tpu.memory_space<hbm>> -> memref<625x32xf32, #tpu.memory_space<hbm>>
    %dma_wait3A_163 = arith.constant 0 : i32
    %dma_wait3A_164 = tpu.memref_slice %arg2[%mul3A_2, %dma_wait3A_163] : memref<1000000x32xf32, #tpu.memory_space<hbm>> -> memref<625x32xf32, #tpu.memory_space<hbm>>
    tpu.wait_dma2 semaphore(%arg8 : memref<!tpu.dma_semaphore, #tpu.memory_space<semaphore_mem>>) src(%dma_wait3A_164 : memref<625x32xf32, #tpu.memory_space<hbm>>) dst(%arg5 : memref<625x32xf32, #tpu.memory_space<vmem>>)
    %add3A_165 = arith.constant 8750 : i32
    %add3A_166 = arith.addi %mul3A_2, %add3A_165 : i32
    %dma_start3A_167 = arith.constant 0 : i32
    %dma_start3A_168 = tpu.memref_slice %arg2[%add3A_166, %dma_start3A_167] : memref<1000000x32xf32, #tpu.memory_space<hbm>> -> memref<625x32xf32, #tpu.memory_space<hbm>>
    %dma_start3A_169 = arith.constant 0 : i32
    %dma_start3A_170 = tpu.memref_slice %arg2[%add3A_166, %dma_start3A_169] : memref<1000000x32xf32, #tpu.memory_space<hbm>> -> memref<625x32xf32, #tpu.memory_space<hbm>>
    tpu.enqueue_dma source(%dma_start3A_170 : memref<625x32xf32, #tpu.memory_space<hbm>>) target(%arg4 : memref<625x32xf32, #tpu.memory_space<vmem>>) target_semaphore(%arg7 : memref<!tpu.dma_semaphore, #tpu.memory_space<semaphore_mem>>)
    %add3A_171 = arith.constant 8125 : i32
    %add3A_172 = arith.addi %mul3A_2, %add3A_171 : i32
    "tpu.region"() ({
      %run_scoped3A = tpu.sem_alloc : memref<!tpu.dma_semaphore, #tpu.memory_space<semaphore_mem>>
      %dma_start3A_1369 = arith.constant 0 : i32
      %dma_start3A_1370 = tpu.memref_slice %arg3[%add3A_172, %dma_start3A_1369] : memref<1002048x32xf32, #tpu.memory_space<hbm>> -> memref<625x32xf32, #tpu.memory_space<hbm>>
      %dma_start3A_1371 = arith.constant 0 : i32
      %dma_start3A_1372 = tpu.memref_slice %arg3[%add3A_172, %dma_start3A_1371] : memref<1002048x32xf32, #tpu.memory_space<hbm>> -> memref<625x32xf32, #tpu.memory_space<hbm>>
      tpu.enqueue_dma source(%arg5 : memref<625x32xf32, #tpu.memory_space<vmem>>) target(%dma_start3A_1372 : memref<625x32xf32, #tpu.memory_space<hbm>>) target_semaphore(%run_scoped3A : memref<!tpu.dma_semaphore, #tpu.memory_space<semaphore_mem>>)
      %dma_wait3A_1373 = arith.constant 0 : i32
      %dma_wait3A_1374 = tpu.memref_slice %arg3[%add3A_172, %dma_wait3A_1373] : memref<1002048x32xf32, #tpu.memory_space<hbm>> -> memref<625x32xf32, #tpu.memory_space<hbm>>
      %dma_wait3A_1375 = arith.constant 0 : i32
      %dma_wait3A_1376 = tpu.memref_slice %arg3[%add3A_172, %dma_wait3A_1375] : memref<1002048x32xf32, #tpu.memory_space<hbm>> -> memref<625x32xf32, #tpu.memory_space<hbm>>
      tpu.wait_dma2 semaphore(%run_scoped3A : memref<!tpu.dma_semaphore, #tpu.memory_space<semaphore_mem>>) src(%arg5 : memref<625x32xf32, #tpu.memory_space<vmem>>) dst(%dma_wait3A_1376 : memref<625x32xf32, #tpu.memory_space<hbm>>)
      tpu.yield
    }) : () -> ()
    %dma_wait3A_173 = arith.constant 0 : i32
    %dma_wait3A_174 = tpu.memref_slice %arg2[%mul3A_2, %dma_wait3A_173] : memref<1000000x32xf32, #tpu.memory_space<hbm>> -> memref<625x32xf32, #tpu.memory_space<hbm>>
    %dma_wait3A_175 = arith.constant 0 : i32
    %dma_wait3A_176 = tpu.memref_slice %arg2[%mul3A_2, %dma_wait3A_175] : memref<1000000x32xf32, #tpu.memory_space<hbm>> -> memref<625x32xf32, #tpu.memory_space<hbm>>
    tpu.wait_dma2 semaphore(%arg7 : memref<!tpu.dma_semaphore, #tpu.memory_space<semaphore_mem>>) src(%dma_wait3A_176 : memref<625x32xf32, #tpu.memory_space<hbm>>) dst(%arg4 : memref<625x32xf32, #tpu.memory_space<vmem>>)
    %add3A_177 = arith.constant 9375 : i32
    %add3A_178 = arith.addi %mul3A_2, %add3A_177 : i32
    %dma_start3A_179 = arith.constant 0 : i32
    %dma_start3A_180 = tpu.memref_slice %arg2[%add3A_178, %dma_start3A_179] : memref<1000000x32xf32, #tpu.memory_space<hbm>> -> memref<625x32xf32, #tpu.memory_space<hbm>>
    %dma_start3A_181 = arith.constant 0 : i32
    %dma_start3A_182 = tpu.memref_slice %arg2[%add3A_178, %dma_start3A_181] : memref<1000000x32xf32, #tpu.memory_space<hbm>> -> memref<625x32xf32, #tpu.memory_space<hbm>>
    tpu.enqueue_dma source(%dma_start3A_182 : memref<625x32xf32, #tpu.memory_space<hbm>>) target(%arg5 : memref<625x32xf32, #tpu.memory_space<vmem>>) target_semaphore(%arg8 : memref<!tpu.dma_semaphore, #tpu.memory_space<semaphore_mem>>)
    %add3A_183 = arith.constant 8750 : i32
    %add3A_184 = arith.addi %mul3A_2, %add3A_183 : i32
    "tpu.region"() ({
      %run_scoped3A = tpu.sem_alloc : memref<!tpu.dma_semaphore, #tpu.memory_space<semaphore_mem>>
      %dma_start3A_1369 = arith.constant 0 : i32
      %dma_start3A_1370 = tpu.memref_slice %arg3[%add3A_184, %dma_start3A_1369] : memref<1002048x32xf32, #tpu.memory_space<hbm>> -> memref<625x32xf32, #tpu.memory_space<hbm>>
      %dma_start3A_1371 = arith.constant 0 : i32
      %dma_start3A_1372 = tpu.memref_slice %arg3[%add3A_184, %dma_start3A_1371] : memref<1002048x32xf32, #tpu.memory_space<hbm>> -> memref<625x32xf32, #tpu.memory_space<hbm>>
      tpu.enqueue_dma source(%arg4 : memref<625x32xf32, #tpu.memory_space<vmem>>) target(%dma_start3A_1372 : memref<625x32xf32, #tpu.memory_space<hbm>>) target_semaphore(%run_scoped3A : memref<!tpu.dma_semaphore, #tpu.memory_space<semaphore_mem>>)
      %dma_wait3A_1373 = arith.constant 0 : i32
      %dma_wait3A_1374 = tpu.memref_slice %arg3[%add3A_184, %dma_wait3A_1373] : memref<1002048x32xf32, #tpu.memory_space<hbm>> -> memref<625x32xf32, #tpu.memory_space<hbm>>
      %dma_wait3A_1375 = arith.constant 0 : i32
      %dma_wait3A_1376 = tpu.memref_slice %arg3[%add3A_184, %dma_wait3A_1375] : memref<1002048x32xf32, #tpu.memory_space<hbm>> -> memref<625x32xf32, #tpu.memory_space<hbm>>
      tpu.wait_dma2 semaphore(%run_scoped3A : memref<!tpu.dma_semaphore, #tpu.memory_space<semaphore_mem>>) src(%arg4 : memref<625x32xf32, #tpu.memory_space<vmem>>) dst(%dma_wait3A_1376 : memref<625x32xf32, #tpu.memory_space<hbm>>)
      tpu.yield
    }) : () -> ()
    %dma_wait3A_185 = arith.constant 0 : i32
    %dma_wait3A_186 = tpu.memref_slice %arg2[%mul3A_2, %dma_wait3A_185] : memref<1000000x32xf32, #tpu.memory_space<hbm>> -> memref<625x32xf32, #tpu.memory_space<hbm>>
    %dma_wait3A_187 = arith.constant 0 : i32
    %dma_wait3A_188 = tpu.memref_slice %arg2[%mul3A_2, %dma_wait3A_187] : memref<1000000x32xf32, #tpu.memory_space<hbm>> -> memref<625x32xf32, #tpu.memory_space<hbm>>
    tpu.wait_dma2 semaphore(%arg8 : memref<!tpu.dma_semaphore, #tpu.memory_space<semaphore_mem>>) src(%dma_wait3A_188 : memref<625x32xf32, #tpu.memory_space<hbm>>) dst(%arg5 : memref<625x32xf32, #tpu.memory_space<vmem>>)
    %add3A_189 = arith.constant 10000 : i32
    %add3A_190 = arith.addi %mul3A_2, %add3A_189 : i32
    %dma_start3A_191 = arith.constant 0 : i32
    %dma_start3A_192 = tpu.memref_slice %arg2[%add3A_190, %dma_start3A_191] : memref<1000000x32xf32, #tpu.memory_space<hbm>> -> memref<625x32xf32, #tpu.memory_space<hbm>>
    %dma_start3A_193 = arith.constant 0 : i32
    %dma_start3A_194 = tpu.memref_slice %arg2[%add3A_190, %dma_start3A_193] : memref<1000000x32xf32, #tpu.memory_space<hbm>> -> memref<625x32xf32, #tpu.memory_space<hbm>>
    tpu.enqueue_dma source(%dma_start3A_194 : memref<625x32xf32, #tpu.memory_space<hbm>>) target(%arg4 : memref<625x32xf32, #tpu.memory_space<vmem>>) target_semaphore(%arg7 : memref<!tpu.dma_semaphore, #tpu.memory_space<semaphore_mem>>)
    %add3A_195 = arith.constant 9375 : i32
    %add3A_196 = arith.addi %mul3A_2, %add3A_195 : i32
    "tpu.region"() ({
      %run_scoped3A = tpu.sem_alloc : memref<!tpu.dma_semaphore, #tpu.memory_space<semaphore_mem>>
      %dma_start3A_1369 = arith.constant 0 : i32
      %dma_start3A_1370 = tpu.memref_slice %arg3[%add3A_196, %dma_start3A_1369] : memref<1002048x32xf32, #tpu.memory_space<hbm>> -> memref<625x32xf32, #tpu.memory_space<hbm>>
      %dma_start3A_1371 = arith.constant 0 : i32
      %dma_start3A_1372 = tpu.memref_slice %arg3[%add3A_196, %dma_start3A_1371] : memref<1002048x32xf32, #tpu.memory_space<hbm>> -> memref<625x32xf32, #tpu.memory_space<hbm>>
      tpu.enqueue_dma source(%arg5 : memref<625x32xf32, #tpu.memory_space<vmem>>) target(%dma_start3A_1372 : memref<625x32xf32, #tpu.memory_space<hbm>>) target_semaphore(%run_scoped3A : memref<!tpu.dma_semaphore, #tpu.memory_space<semaphore_mem>>)
      %dma_wait3A_1373 = arith.constant 0 : i32
      %dma_wait3A_1374 = tpu.memref_slice %arg3[%add3A_196, %dma_wait3A_1373] : memref<1002048x32xf32, #tpu.memory_space<hbm>> -> memref<625x32xf32, #tpu.memory_space<hbm>>
      %dma_wait3A_1375 = arith.constant 0 : i32
      %dma_wait3A_1376 = tpu.memref_slice %arg3[%add3A_196, %dma_wait3A_1375] : memref<1002048x32xf32, #tpu.memory_space<hbm>> -> memref<625x32xf32, #tpu.memory_space<hbm>>
      tpu.wait_dma2 semaphore(%run_scoped3A : memref<!tpu.dma_semaphore, #tpu.memory_space<semaphore_mem>>) src(%arg5 : memref<625x32xf32, #tpu.memory_space<vmem>>) dst(%dma_wait3A_1376 : memref<625x32xf32, #tpu.memory_space<hbm>>)
      tpu.yield
    }) : () -> ()
    %dma_wait3A_197 = arith.constant 0 : i32
    %dma_wait3A_198 = tpu.memref_slice %arg2[%mul3A_2, %dma_wait3A_197] : memref<1000000x32xf32, #tpu.memory_space<hbm>> -> memref<625x32xf32, #tpu.memory_space<hbm>>
    %dma_wait3A_199 = arith.constant 0 : i32
    %dma_wait3A_200 = tpu.memref_slice %arg2[%mul3A_2, %dma_wait3A_199] : memref<1000000x32xf32, #tpu.memory_space<hbm>> -> memref<625x32xf32, #tpu.memory_space<hbm>>
    tpu.wait_dma2 semaphore(%arg7 : memref<!tpu.dma_semaphore, #tpu.memory_space<semaphore_mem>>) src(%dma_wait3A_200 : memref<625x32xf32, #tpu.memory_space<hbm>>) dst(%arg4 : memref<625x32xf32, #tpu.memory_space<vmem>>)
    %add3A_201 = arith.constant 10625 : i32
    %add3A_202 = arith.addi %mul3A_2, %add3A_201 : i32
    %dma_start3A_203 = arith.constant 0 : i32
    %dma_start3A_204 = tpu.memref_slice %arg2[%add3A_202, %dma_start3A_203] : memref<1000000x32xf32, #tpu.memory_space<hbm>> -> memref<625x32xf32, #tpu.memory_space<hbm>>
    %dma_start3A_205 = arith.constant 0 : i32
    %dma_start3A_206 = tpu.memref_slice %arg2[%add3A_202, %dma_start3A_205] : memref<1000000x32xf32, #tpu.memory_space<hbm>> -> memref<625x32xf32, #tpu.memory_space<hbm>>
    tpu.enqueue_dma source(%dma_start3A_206 : memref<625x32xf32, #tpu.memory_space<hbm>>) target(%arg5 : memref<625x32xf32, #tpu.memory_space<vmem>>) target_semaphore(%arg8 : memref<!tpu.dma_semaphore, #tpu.memory_space<semaphore_mem>>)
    %add3A_207 = arith.constant 10000 : i32
    %add3A_208 = arith.addi %mul3A_2, %add3A_207 : i32
    "tpu.region"() ({
      %run_scoped3A = tpu.sem_alloc : memref<!tpu.dma_semaphore, #tpu.memory_space<semaphore_mem>>
      %dma_start3A_1369 = arith.constant 0 : i32
      %dma_start3A_1370 = tpu.memref_slice %arg3[%add3A_208, %dma_start3A_1369] : memref<1002048x32xf32, #tpu.memory_space<hbm>> -> memref<625x32xf32, #tpu.memory_space<hbm>>
      %dma_start3A_1371 = arith.constant 0 : i32
      %dma_start3A_1372 = tpu.memref_slice %arg3[%add3A_208, %dma_start3A_1371] : memref<1002048x32xf32, #tpu.memory_space<hbm>> -> memref<625x32xf32, #tpu.memory_space<hbm>>
      tpu.enqueue_dma source(%arg4 : memref<625x32xf32, #tpu.memory_space<vmem>>) target(%dma_start3A_1372 : memref<625x32xf32, #tpu.memory_space<hbm>>) target_semaphore(%run_scoped3A : memref<!tpu.dma_semaphore, #tpu.memory_space<semaphore_mem>>)
      %dma_wait3A_1373 = arith.constant 0 : i32
      %dma_wait3A_1374 = tpu.memref_slice %arg3[%add3A_208, %dma_wait3A_1373] : memref<1002048x32xf32, #tpu.memory_space<hbm>> -> memref<625x32xf32, #tpu.memory_space<hbm>>
      %dma_wait3A_1375 = arith.constant 0 : i32
      %dma_wait3A_1376 = tpu.memref_slice %arg3[%add3A_208, %dma_wait3A_1375] : memref<1002048x32xf32, #tpu.memory_space<hbm>> -> memref<625x32xf32, #tpu.memory_space<hbm>>
      tpu.wait_dma2 semaphore(%run_scoped3A : memref<!tpu.dma_semaphore, #tpu.memory_space<semaphore_mem>>) src(%arg4 : memref<625x32xf32, #tpu.memory_space<vmem>>) dst(%dma_wait3A_1376 : memref<625x32xf32, #tpu.memory_space<hbm>>)
      tpu.yield
    }) : () -> ()
    %dma_wait3A_209 = arith.constant 0 : i32
    %dma_wait3A_210 = tpu.memref_slice %arg2[%mul3A_2, %dma_wait3A_209] : memref<1000000x32xf32, #tpu.memory_space<hbm>> -> memref<625x32xf32, #tpu.memory_space<hbm>>
    %dma_wait3A_211 = arith.constant 0 : i32
    %dma_wait3A_212 = tpu.memref_slice %arg2[%mul3A_2, %dma_wait3A_211] : memref<1000000x32xf32, #tpu.memory_space<hbm>> -> memref<625x32xf32, #tpu.memory_space<hbm>>
    tpu.wait_dma2 semaphore(%arg8 : memref<!tpu.dma_semaphore, #tpu.memory_space<semaphore_mem>>) src(%dma_wait3A_212 : memref<625x32xf32, #tpu.memory_space<hbm>>) dst(%arg5 : memref<625x32xf32, #tpu.memory_space<vmem>>)
    %add3A_213 = arith.constant 11250 : i32
    %add3A_214 = arith.addi %mul3A_2, %add3A_213 : i32
    %dma_start3A_215 = arith.constant 0 : i32
    %dma_start3A_216 = tpu.memref_slice %arg2[%add3A_214, %dma_start3A_215] : memref<1000000x32xf32, #tpu.memory_space<hbm>> -> memref<625x32xf32, #tpu.memory_space<hbm>>
    %dma_start3A_217 = arith.constant 0 : i32
    %dma_start3A_218 = tpu.memref_slice %arg2[%add3A_214, %dma_start3A_217] : memref<1000000x32xf32, #tpu.memory_space<hbm>> -> memref<625x32xf32, #tpu.memory_space<hbm>>
    tpu.enqueue_dma source(%dma_start3A_218 : memref<625x32xf32, #tpu.memory_space<hbm>>) target(%arg4 : memref<625x32xf32, #tpu.memory_space<vmem>>) target_semaphore(%arg7 : memref<!tpu.dma_semaphore, #tpu.memory_space<semaphore_mem>>)
    %add3A_219 = arith.constant 10625 : i32
    %add3A_220 = arith.addi %mul3A_2, %add3A_219 : i32
    "tpu.region"() ({
      %run_scoped3A = tpu.sem_alloc : memref<!tpu.dma_semaphore, #tpu.memory_space<semaphore_mem>>
      %dma_start3A_1369 = arith.constant 0 : i32
      %dma_start3A_1370 = tpu.memref_slice %arg3[%add3A_220, %dma_start3A_1369] : memref<1002048x32xf32, #tpu.memory_space<hbm>> -> memref<625x32xf32, #tpu.memory_space<hbm>>
      %dma_start3A_1371 = arith.constant 0 : i32
      %dma_start3A_1372 = tpu.memref_slice %arg3[%add3A_220, %dma_start3A_1371] : memref<1002048x32xf32, #tpu.memory_space<hbm>> -> memref<625x32xf32, #tpu.memory_space<hbm>>
      tpu.enqueue_dma source(%arg5 : memref<625x32xf32, #tpu.memory_space<vmem>>) target(%dma_start3A_1372 : memref<625x32xf32, #tpu.memory_space<hbm>>) target_semaphore(%run_scoped3A : memref<!tpu.dma_semaphore, #tpu.memory_space<semaphore_mem>>)
      %dma_wait3A_1373 = arith.constant 0 : i32
      %dma_wait3A_1374 = tpu.memref_slice %arg3[%add3A_220, %dma_wait3A_1373] : memref<1002048x32xf32, #tpu.memory_space<hbm>> -> memref<625x32xf32, #tpu.memory_space<hbm>>
      %dma_wait3A_1375 = arith.constant 0 : i32
      %dma_wait3A_1376 = tpu.memref_slice %arg3[%add3A_220, %dma_wait3A_1375] : memref<1002048x32xf32, #tpu.memory_space<hbm>> -> memref<625x32xf32, #tpu.memory_space<hbm>>
      tpu.wait_dma2 semaphore(%run_scoped3A : memref<!tpu.dma_semaphore, #tpu.memory_space<semaphore_mem>>) src(%arg5 : memref<625x32xf32, #tpu.memory_space<vmem>>) dst(%dma_wait3A_1376 : memref<625x32xf32, #tpu.memory_space<hbm>>)
      tpu.yield
    }) : () -> ()
    %dma_wait3A_221 = arith.constant 0 : i32
    %dma_wait3A_222 = tpu.memref_slice %arg2[%mul3A_2, %dma_wait3A_221] : memref<1000000x32xf32, #tpu.memory_space<hbm>> -> memref<625x32xf32, #tpu.memory_space<hbm>>
    %dma_wait3A_223 = arith.constant 0 : i32
    %dma_wait3A_224 = tpu.memref_slice %arg2[%mul3A_2, %dma_wait3A_223] : memref<1000000x32xf32, #tpu.memory_space<hbm>> -> memref<625x32xf32, #tpu.memory_space<hbm>>
    tpu.wait_dma2 semaphore(%arg7 : memref<!tpu.dma_semaphore, #tpu.memory_space<semaphore_mem>>) src(%dma_wait3A_224 : memref<625x32xf32, #tpu.memory_space<hbm>>) dst(%arg4 : memref<625x32xf32, #tpu.memory_space<vmem>>)
    %add3A_225 = arith.constant 11875 : i32
    %add3A_226 = arith.addi %mul3A_2, %add3A_225 : i32
    %dma_start3A_227 = arith.constant 0 : i32
    %dma_start3A_228 = tpu.memref_slice %arg2[%add3A_226, %dma_start3A_227] : memref<1000000x32xf32, #tpu.memory_space<hbm>> -> memref<625x32xf32, #tpu.memory_space<hbm>>
    %dma_start3A_229 = arith.constant 0 : i32
    %dma_start3A_230 = tpu.memref_slice %arg2[%add3A_226, %dma_start3A_229] : memref<1000000x32xf32, #tpu.memory_space<hbm>> -> memref<625x32xf32, #tpu.memory_space<hbm>>
    tpu.enqueue_dma source(%dma_start3A_230 : memref<625x32xf32, #tpu.memory_space<hbm>>) target(%arg5 : memref<625x32xf32, #tpu.memory_space<vmem>>) target_semaphore(%arg8 : memref<!tpu.dma_semaphore, #tpu.memory_space<semaphore_mem>>)
    %add3A_231 = arith.constant 11250 : i32
    %add3A_232 = arith.addi %mul3A_2, %add3A_231 : i32
    "tpu.region"() ({
      %run_scoped3A = tpu.sem_alloc : memref<!tpu.dma_semaphore, #tpu.memory_space<semaphore_mem>>
      %dma_start3A_1369 = arith.constant 0 : i32
      %dma_start3A_1370 = tpu.memref_slice %arg3[%add3A_232, %dma_start3A_1369] : memref<1002048x32xf32, #tpu.memory_space<hbm>> -> memref<625x32xf32, #tpu.memory_space<hbm>>
      %dma_start3A_1371 = arith.constant 0 : i32
      %dma_start3A_1372 = tpu.memref_slice %arg3[%add3A_232, %dma_start3A_1371] : memref<1002048x32xf32, #tpu.memory_space<hbm>> -> memref<625x32xf32, #tpu.memory_space<hbm>>
      tpu.enqueue_dma source(%arg4 : memref<625x32xf32, #tpu.memory_space<vmem>>) target(%dma_start3A_1372 : memref<625x32xf32, #tpu.memory_space<hbm>>) target_semaphore(%run_scoped3A : memref<!tpu.dma_semaphore, #tpu.memory_space<semaphore_mem>>)
      %dma_wait3A_1373 = arith.constant 0 : i32
      %dma_wait3A_1374 = tpu.memref_slice %arg3[%add3A_232, %dma_wait3A_1373] : memref<1002048x32xf32, #tpu.memory_space<hbm>> -> memref<625x32xf32, #tpu.memory_space<hbm>>
      %dma_wait3A_1375 = arith.constant 0 : i32
      %dma_wait3A_1376 = tpu.memref_slice %arg3[%add3A_232, %dma_wait3A_1375] : memref<1002048x32xf32, #tpu.memory_space<hbm>> -> memref<625x32xf32, #tpu.memory_space<hbm>>
      tpu.wait_dma2 semaphore(%run_scoped3A : memref<!tpu.dma_semaphore, #tpu.memory_space<semaphore_mem>>) src(%arg4 : memref<625x32xf32, #tpu.memory_space<vmem>>) dst(%dma_wait3A_1376 : memref<625x32xf32, #tpu.memory_space<hbm>>)
      tpu.yield
    }) : () -> ()
    %dma_wait3A_233 = arith.constant 0 : i32
    %dma_wait3A_234 = tpu.memref_slice %arg2[%mul3A_2, %dma_wait3A_233] : memref<1000000x32xf32, #tpu.memory_space<hbm>> -> memref<625x32xf32, #tpu.memory_space<hbm>>
    %dma_wait3A_235 = arith.constant 0 : i32
    %dma_wait3A_236 = tpu.memref_slice %arg2[%mul3A_2, %dma_wait3A_235] : memref<1000000x32xf32, #tpu.memory_space<hbm>> -> memref<625x32xf32, #tpu.memory_space<hbm>>
    tpu.wait_dma2 semaphore(%arg8 : memref<!tpu.dma_semaphore, #tpu.memory_space<semaphore_mem>>) src(%dma_wait3A_236 : memref<625x32xf32, #tpu.memory_space<hbm>>) dst(%arg5 : memref<625x32xf32, #tpu.memory_space<vmem>>)
    %add3A_237 = arith.constant 12500 : i32
    %add3A_238 = arith.addi %mul3A_2, %add3A_237 : i32
    %dma_start3A_239 = arith.constant 0 : i32
    %dma_start3A_240 = tpu.memref_slice %arg2[%add3A_238, %dma_start3A_239] : memref<1000000x32xf32, #tpu.memory_space<hbm>> -> memref<625x32xf32, #tpu.memory_space<hbm>>
    %dma_start3A_241 = arith.constant 0 : i32
    %dma_start3A_242 = tpu.memref_slice %arg2[%add3A_238, %dma_start3A_241] : memref<1000000x32xf32, #tpu.memory_space<hbm>> -> memref<625x32xf32, #tpu.memory_space<hbm>>
    tpu.enqueue_dma source(%dma_start3A_242 : memref<625x32xf32, #tpu.memory_space<hbm>>) target(%arg4 : memref<625x32xf32, #tpu.memory_space<vmem>>) target_semaphore(%arg7 : memref<!tpu.dma_semaphore, #tpu.memory_space<semaphore_mem>>)
    %add3A_243 = arith.constant 11875 : i32
    %add3A_244 = arith.addi %mul3A_2, %add3A_243 : i32
    "tpu.region"() ({
      %run_scoped3A = tpu.sem_alloc : memref<!tpu.dma_semaphore, #tpu.memory_space<semaphore_mem>>
      %dma_start3A_1369 = arith.constant 0 : i32
      %dma_start3A_1370 = tpu.memref_slice %arg3[%add3A_244, %dma_start3A_1369] : memref<1002048x32xf32, #tpu.memory_space<hbm>> -> memref<625x32xf32, #tpu.memory_space<hbm>>
      %dma_start3A_1371 = arith.constant 0 : i32
      %dma_start3A_1372 = tpu.memref_slice %arg3[%add3A_244, %dma_start3A_1371] : memref<1002048x32xf32, #tpu.memory_space<hbm>> -> memref<625x32xf32, #tpu.memory_space<hbm>>
      tpu.enqueue_dma source(%arg5 : memref<625x32xf32, #tpu.memory_space<vmem>>) target(%dma_start3A_1372 : memref<625x32xf32, #tpu.memory_space<hbm>>) target_semaphore(%run_scoped3A : memref<!tpu.dma_semaphore, #tpu.memory_space<semaphore_mem>>)
      %dma_wait3A_1373 = arith.constant 0 : i32
      %dma_wait3A_1374 = tpu.memref_slice %arg3[%add3A_244, %dma_wait3A_1373] : memref<1002048x32xf32, #tpu.memory_space<hbm>> -> memref<625x32xf32, #tpu.memory_space<hbm>>
      %dma_wait3A_1375 = arith.constant 0 : i32
      %dma_wait3A_1376 = tpu.memref_slice %arg3[%add3A_244, %dma_wait3A_1375] : memref<1002048x32xf32, #tpu.memory_space<hbm>> -> memref<625x32xf32, #tpu.memory_space<hbm>>
      tpu.wait_dma2 semaphore(%run_scoped3A : memref<!tpu.dma_semaphore, #tpu.memory_space<semaphore_mem>>) src(%arg5 : memref<625x32xf32, #tpu.memory_space<vmem>>) dst(%dma_wait3A_1376 : memref<625x32xf32, #tpu.memory_space<hbm>>)
      tpu.yield
    }) : () -> ()
    %dma_wait3A_245 = arith.constant 0 : i32
    %dma_wait3A_246 = tpu.memref_slice %arg2[%mul3A_2, %dma_wait3A_245] : memref<1000000x32xf32, #tpu.memory_space<hbm>> -> memref<625x32xf32, #tpu.memory_space<hbm>>
    %dma_wait3A_247 = arith.constant 0 : i32
    %dma_wait3A_248 = tpu.memref_slice %arg2[%mul3A_2, %dma_wait3A_247] : memref<1000000x32xf32, #tpu.memory_space<hbm>> -> memref<625x32xf32, #tpu.memory_space<hbm>>
    tpu.wait_dma2 semaphore(%arg7 : memref<!tpu.dma_semaphore, #tpu.memory_space<semaphore_mem>>) src(%dma_wait3A_248 : memref<625x32xf32, #tpu.memory_space<hbm>>) dst(%arg4 : memref<625x32xf32, #tpu.memory_space<vmem>>)
    %add3A_249 = arith.constant 13125 : i32
    %add3A_250 = arith.addi %mul3A_2, %add3A_249 : i32
    %dma_start3A_251 = arith.constant 0 : i32
    %dma_start3A_252 = tpu.memref_slice %arg2[%add3A_250, %dma_start3A_251] : memref<1000000x32xf32, #tpu.memory_space<hbm>> -> memref<625x32xf32, #tpu.memory_space<hbm>>
    %dma_start3A_253 = arith.constant 0 : i32
    %dma_start3A_254 = tpu.memref_slice %arg2[%add3A_250, %dma_start3A_253] : memref<1000000x32xf32, #tpu.memory_space<hbm>> -> memref<625x32xf32, #tpu.memory_space<hbm>>
    tpu.enqueue_dma source(%dma_start3A_254 : memref<625x32xf32, #tpu.memory_space<hbm>>) target(%arg5 : memref<625x32xf32, #tpu.memory_space<vmem>>) target_semaphore(%arg8 : memref<!tpu.dma_semaphore, #tpu.memory_space<semaphore_mem>>)
    %add3A_255 = arith.constant 12500 : i32
    %add3A_256 = arith.addi %mul3A_2, %add3A_255 : i32
    "tpu.region"() ({
      %run_scoped3A = tpu.sem_alloc : memref<!tpu.dma_semaphore, #tpu.memory_space<semaphore_mem>>
      %dma_start3A_1369 = arith.constant 0 : i32
      %dma_start3A_1370 = tpu.memref_slice %arg3[%add3A_256, %dma_start3A_1369] : memref<1002048x32xf32, #tpu.memory_space<hbm>> -> memref<625x32xf32, #tpu.memory_space<hbm>>
      %dma_start3A_1371 = arith.constant 0 : i32
      %dma_start3A_1372 = tpu.memref_slice %arg3[%add3A_256, %dma_start3A_1371] : memref<1002048x32xf32, #tpu.memory_space<hbm>> -> memref<625x32xf32, #tpu.memory_space<hbm>>
      tpu.enqueue_dma source(%arg4 : memref<625x32xf32, #tpu.memory_space<vmem>>) target(%dma_start3A_1372 : memref<625x32xf32, #tpu.memory_space<hbm>>) target_semaphore(%run_scoped3A : memref<!tpu.dma_semaphore, #tpu.memory_space<semaphore_mem>>)
      %dma_wait3A_1373 = arith.constant 0 : i32
      %dma_wait3A_1374 = tpu.memref_slice %arg3[%add3A_256, %dma_wait3A_1373] : memref<1002048x32xf32, #tpu.memory_space<hbm>> -> memref<625x32xf32, #tpu.memory_space<hbm>>
      %dma_wait3A_1375 = arith.constant 0 : i32
      %dma_wait3A_1376 = tpu.memref_slice %arg3[%add3A_256, %dma_wait3A_1375] : memref<1002048x32xf32, #tpu.memory_space<hbm>> -> memref<625x32xf32, #tpu.memory_space<hbm>>
      tpu.wait_dma2 semaphore(%run_scoped3A : memref<!tpu.dma_semaphore, #tpu.memory_space<semaphore_mem>>) src(%arg4 : memref<625x32xf32, #tpu.memory_space<vmem>>) dst(%dma_wait3A_1376 : memref<625x32xf32, #tpu.memory_space<hbm>>)
      tpu.yield
    }) : () -> ()
    %dma_wait3A_257 = arith.constant 0 : i32
    %dma_wait3A_258 = tpu.memref_slice %arg2[%mul3A_2, %dma_wait3A_257] : memref<1000000x32xf32, #tpu.memory_space<hbm>> -> memref<625x32xf32, #tpu.memory_space<hbm>>
    %dma_wait3A_259 = arith.constant 0 : i32
    %dma_wait3A_260 = tpu.memref_slice %arg2[%mul3A_2, %dma_wait3A_259] : memref<1000000x32xf32, #tpu.memory_space<hbm>> -> memref<625x32xf32, #tpu.memory_space<hbm>>
    tpu.wait_dma2 semaphore(%arg8 : memref<!tpu.dma_semaphore, #tpu.memory_space<semaphore_mem>>) src(%dma_wait3A_260 : memref<625x32xf32, #tpu.memory_space<hbm>>) dst(%arg5 : memref<625x32xf32, #tpu.memory_space<vmem>>)
    %add3A_261 = arith.constant 13750 : i32
    %add3A_262 = arith.addi %mul3A_2, %add3A_261 : i32
    %dma_start3A_263 = arith.constant 0 : i32
    %dma_start3A_264 = tpu.memref_slice %arg2[%add3A_262, %dma_start3A_263] : memref<1000000x32xf32, #tpu.memory_space<hbm>> -> memref<625x32xf32, #tpu.memory_space<hbm>>
    %dma_start3A_265 = arith.constant 0 : i32
    %dma_start3A_266 = tpu.memref_slice %arg2[%add3A_262, %dma_start3A_265] : memref<1000000x32xf32, #tpu.memory_space<hbm>> -> memref<625x32xf32, #tpu.memory_space<hbm>>
    tpu.enqueue_dma source(%dma_start3A_266 : memref<625x32xf32, #tpu.memory_space<hbm>>) target(%arg4 : memref<625x32xf32, #tpu.memory_space<vmem>>) target_semaphore(%arg7 : memref<!tpu.dma_semaphore, #tpu.memory_space<semaphore_mem>>)
    %add3A_267 = arith.constant 13125 : i32
    %add3A_268 = arith.addi %mul3A_2, %add3A_267 : i32
    "tpu.region"() ({
      %run_scoped3A = tpu.sem_alloc : memref<!tpu.dma_semaphore, #tpu.memory_space<semaphore_mem>>
      %dma_start3A_1369 = arith.constant 0 : i32
      %dma_start3A_1370 = tpu.memref_slice %arg3[%add3A_268, %dma_start3A_1369] : memref<1002048x32xf32, #tpu.memory_space<hbm>> -> memref<625x32xf32, #tpu.memory_space<hbm>>
      %dma_start3A_1371 = arith.constant 0 : i32
      %dma_start3A_1372 = tpu.memref_slice %arg3[%add3A_268, %dma_start3A_1371] : memref<1002048x32xf32, #tpu.memory_space<hbm>> -> memref<625x32xf32, #tpu.memory_space<hbm>>
      tpu.enqueue_dma source(%arg5 : memref<625x32xf32, #tpu.memory_space<vmem>>) target(%dma_start3A_1372 : memref<625x32xf32, #tpu.memory_space<hbm>>) target_semaphore(%run_scoped3A : memref<!tpu.dma_semaphore, #tpu.memory_space<semaphore_mem>>)
      %dma_wait3A_1373 = arith.constant 0 : i32
      %dma_wait3A_1374 = tpu.memref_slice %arg3[%add3A_268, %dma_wait3A_1373] : memref<1002048x32xf32, #tpu.memory_space<hbm>> -> memref<625x32xf32, #tpu.memory_space<hbm>>
      %dma_wait3A_1375 = arith.constant 0 : i32
      %dma_wait3A_1376 = tpu.memref_slice %arg3[%add3A_268, %dma_wait3A_1375] : memref<1002048x32xf32, #tpu.memory_space<hbm>> -> memref<625x32xf32, #tpu.memory_space<hbm>>
      tpu.wait_dma2 semaphore(%run_scoped3A : memref<!tpu.dma_semaphore, #tpu.memory_space<semaphore_mem>>) src(%arg5 : memref<625x32xf32, #tpu.memory_space<vmem>>) dst(%dma_wait3A_1376 : memref<625x32xf32, #tpu.memory_space<hbm>>)
      tpu.yield
    }) : () -> ()
    %dma_wait3A_269 = arith.constant 0 : i32
    %dma_wait3A_270 = tpu.memref_slice %arg2[%mul3A_2, %dma_wait3A_269] : memref<1000000x32xf32, #tpu.memory_space<hbm>> -> memref<625x32xf32, #tpu.memory_space<hbm>>
    %dma_wait3A_271 = arith.constant 0 : i32
    %dma_wait3A_272 = tpu.memref_slice %arg2[%mul3A_2, %dma_wait3A_271] : memref<1000000x32xf32, #tpu.memory_space<hbm>> -> memref<625x32xf32, #tpu.memory_space<hbm>>
    tpu.wait_dma2 semaphore(%arg7 : memref<!tpu.dma_semaphore, #tpu.memory_space<semaphore_mem>>) src(%dma_wait3A_272 : memref<625x32xf32, #tpu.memory_space<hbm>>) dst(%arg4 : memref<625x32xf32, #tpu.memory_space<vmem>>)
    %add3A_273 = arith.constant 14375 : i32
    %add3A_274 = arith.addi %mul3A_2, %add3A_273 : i32
    %dma_start3A_275 = arith.constant 0 : i32
    %dma_start3A_276 = tpu.memref_slice %arg2[%add3A_274, %dma_start3A_275] : memref<1000000x32xf32, #tpu.memory_space<hbm>> -> memref<625x32xf32, #tpu.memory_space<hbm>>
    %dma_start3A_277 = arith.constant 0 : i32
    %dma_start3A_278 = tpu.memref_slice %arg2[%add3A_274, %dma_start3A_277] : memref<1000000x32xf32, #tpu.memory_space<hbm>> -> memref<625x32xf32, #tpu.memory_space<hbm>>
    tpu.enqueue_dma source(%dma_start3A_278 : memref<625x32xf32, #tpu.memory_space<hbm>>) target(%arg5 : memref<625x32xf32, #tpu.memory_space<vmem>>) target_semaphore(%arg8 : memref<!tpu.dma_semaphore, #tpu.memory_space<semaphore_mem>>)
    %add3A_279 = arith.constant 13750 : i32
    %add3A_280 = arith.addi %mul3A_2, %add3A_279 : i32
    "tpu.region"() ({
      %run_scoped3A = tpu.sem_alloc : memref<!tpu.dma_semaphore, #tpu.memory_space<semaphore_mem>>
      %dma_start3A_1369 = arith.constant 0 : i32
      %dma_start3A_1370 = tpu.memref_slice %arg3[%add3A_280, %dma_start3A_1369] : memref<1002048x32xf32, #tpu.memory_space<hbm>> -> memref<625x32xf32, #tpu.memory_space<hbm>>
      %dma_start3A_1371 = arith.constant 0 : i32
      %dma_start3A_1372 = tpu.memref_slice %arg3[%add3A_280, %dma_start3A_1371] : memref<1002048x32xf32, #tpu.memory_space<hbm>> -> memref<625x32xf32, #tpu.memory_space<hbm>>
      tpu.enqueue_dma source(%arg4 : memref<625x32xf32, #tpu.memory_space<vmem>>) target(%dma_start3A_1372 : memref<625x32xf32, #tpu.memory_space<hbm>>) target_semaphore(%run_scoped3A : memref<!tpu.dma_semaphore, #tpu.memory_space<semaphore_mem>>)
      %dma_wait3A_1373 = arith.constant 0 : i32
      %dma_wait3A_1374 = tpu.memref_slice %arg3[%add3A_280, %dma_wait3A_1373] : memref<1002048x32xf32, #tpu.memory_space<hbm>> -> memref<625x32xf32, #tpu.memory_space<hbm>>
      %dma_wait3A_1375 = arith.constant 0 : i32
      %dma_wait3A_1376 = tpu.memref_slice %arg3[%add3A_280, %dma_wait3A_1375] : memref<1002048x32xf32, #tpu.memory_space<hbm>> -> memref<625x32xf32, #tpu.memory_space<hbm>>
      tpu.wait_dma2 semaphore(%run_scoped3A : memref<!tpu.dma_semaphore, #tpu.memory_space<semaphore_mem>>) src(%arg4 : memref<625x32xf32, #tpu.memory_space<vmem>>) dst(%dma_wait3A_1376 : memref<625x32xf32, #tpu.memory_space<hbm>>)
      tpu.yield
    }) : () -> ()
    %dma_wait3A_281 = arith.constant 0 : i32
    %dma_wait3A_282 = tpu.memref_slice %arg2[%mul3A_2, %dma_wait3A_281] : memref<1000000x32xf32, #tpu.memory_space<hbm>> -> memref<625x32xf32, #tpu.memory_space<hbm>>
    %dma_wait3A_283 = arith.constant 0 : i32
    %dma_wait3A_284 = tpu.memref_slice %arg2[%mul3A_2, %dma_wait3A_283] : memref<1000000x32xf32, #tpu.memory_space<hbm>> -> memref<625x32xf32, #tpu.memory_space<hbm>>
    tpu.wait_dma2 semaphore(%arg8 : memref<!tpu.dma_semaphore, #tpu.memory_space<semaphore_mem>>) src(%dma_wait3A_284 : memref<625x32xf32, #tpu.memory_space<hbm>>) dst(%arg5 : memref<625x32xf32, #tpu.memory_space<vmem>>)
    %add3A_285 = arith.constant 15000 : i32
    %add3A_286 = arith.addi %mul3A_2, %add3A_285 : i32
    %dma_start3A_287 = arith.constant 0 : i32
    %dma_start3A_288 = tpu.memref_slice %arg2[%add3A_286, %dma_start3A_287] : memref<1000000x32xf32, #tpu.memory_space<hbm>> -> memref<625x32xf32, #tpu.memory_space<hbm>>
    %dma_start3A_289 = arith.constant 0 : i32
    %dma_start3A_290 = tpu.memref_slice %arg2[%add3A_286, %dma_start3A_289] : memref<1000000x32xf32, #tpu.memory_space<hbm>> -> memref<625x32xf32, #tpu.memory_space<hbm>>
    tpu.enqueue_dma source(%dma_start3A_290 : memref<625x32xf32, #tpu.memory_space<hbm>>) target(%arg4 : memref<625x32xf32, #tpu.memory_space<vmem>>) target_semaphore(%arg7 : memref<!tpu.dma_semaphore, #tpu.memory_space<semaphore_mem>>)
    %add3A_291 = arith.constant 14375 : i32
    %add3A_292 = arith.addi %mul3A_2, %add3A_291 : i32
    "tpu.region"() ({
      %run_scoped3A = tpu.sem_alloc : memref<!tpu.dma_semaphore, #tpu.memory_space<semaphore_mem>>
      %dma_start3A_1369 = arith.constant 0 : i32
      %dma_start3A_1370 = tpu.memref_slice %arg3[%add3A_292, %dma_start3A_1369] : memref<1002048x32xf32, #tpu.memory_space<hbm>> -> memref<625x32xf32, #tpu.memory_space<hbm>>
      %dma_start3A_1371 = arith.constant 0 : i32
      %dma_start3A_1372 = tpu.memref_slice %arg3[%add3A_292, %dma_start3A_1371] : memref<1002048x32xf32, #tpu.memory_space<hbm>> -> memref<625x32xf32, #tpu.memory_space<hbm>>
      tpu.enqueue_dma source(%arg5 : memref<625x32xf32, #tpu.memory_space<vmem>>) target(%dma_start3A_1372 : memref<625x32xf32, #tpu.memory_space<hbm>>) target_semaphore(%run_scoped3A : memref<!tpu.dma_semaphore, #tpu.memory_space<semaphore_mem>>)
      %dma_wait3A_1373 = arith.constant 0 : i32
      %dma_wait3A_1374 = tpu.memref_slice %arg3[%add3A_292, %dma_wait3A_1373] : memref<1002048x32xf32, #tpu.memory_space<hbm>> -> memref<625x32xf32, #tpu.memory_space<hbm>>
      %dma_wait3A_1375 = arith.constant 0 : i32
      %dma_wait3A_1376 = tpu.memref_slice %arg3[%add3A_292, %dma_wait3A_1375] : memref<1002048x32xf32, #tpu.memory_space<hbm>> -> memref<625x32xf32, #tpu.memory_space<hbm>>
      tpu.wait_dma2 semaphore(%run_scoped3A : memref<!tpu.dma_semaphore, #tpu.memory_space<semaphore_mem>>) src(%arg5 : memref<625x32xf32, #tpu.memory_space<vmem>>) dst(%dma_wait3A_1376 : memref<625x32xf32, #tpu.memory_space<hbm>>)
      tpu.yield
    }) : () -> ()
    %dma_wait3A_293 = arith.constant 0 : i32
    %dma_wait3A_294 = tpu.memref_slice %arg2[%mul3A_2, %dma_wait3A_293] : memref<1000000x32xf32, #tpu.memory_space<hbm>> -> memref<625x32xf32, #tpu.memory_space<hbm>>
    %dma_wait3A_295 = arith.constant 0 : i32
    %dma_wait3A_296 = tpu.memref_slice %arg2[%mul3A_2, %dma_wait3A_295] : memref<1000000x32xf32, #tpu.memory_space<hbm>> -> memref<625x32xf32, #tpu.memory_space<hbm>>
    tpu.wait_dma2 semaphore(%arg7 : memref<!tpu.dma_semaphore, #tpu.memory_space<semaphore_mem>>) src(%dma_wait3A_296 : memref<625x32xf32, #tpu.memory_space<hbm>>) dst(%arg4 : memref<625x32xf32, #tpu.memory_space<vmem>>)
    %add3A_297 = arith.constant 15625 : i32
    %add3A_298 = arith.addi %mul3A_2, %add3A_297 : i32
    %dma_start3A_299 = arith.constant 0 : i32
    %dma_start3A_300 = tpu.memref_slice %arg2[%add3A_298, %dma_start3A_299] : memref<1000000x32xf32, #tpu.memory_space<hbm>> -> memref<625x32xf32, #tpu.memory_space<hbm>>
    %dma_start3A_301 = arith.constant 0 : i32
    %dma_start3A_302 = tpu.memref_slice %arg2[%add3A_298, %dma_start3A_301] : memref<1000000x32xf32, #tpu.memory_space<hbm>> -> memref<625x32xf32, #tpu.memory_space<hbm>>
    tpu.enqueue_dma source(%dma_start3A_302 : memref<625x32xf32, #tpu.memory_space<hbm>>) target(%arg5 : memref<625x32xf32, #tpu.memory_space<vmem>>) target_semaphore(%arg8 : memref<!tpu.dma_semaphore, #tpu.memory_space<semaphore_mem>>)
    %add3A_303 = arith.constant 15000 : i32
    %add3A_304 = arith.addi %mul3A_2, %add3A_303 : i32
    "tpu.region"() ({
      %run_scoped3A = tpu.sem_alloc : memref<!tpu.dma_semaphore, #tpu.memory_space<semaphore_mem>>
      %dma_start3A_1369 = arith.constant 0 : i32
      %dma_start3A_1370 = tpu.memref_slice %arg3[%add3A_304, %dma_start3A_1369] : memref<1002048x32xf32, #tpu.memory_space<hbm>> -> memref<625x32xf32, #tpu.memory_space<hbm>>
      %dma_start3A_1371 = arith.constant 0 : i32
      %dma_start3A_1372 = tpu.memref_slice %arg3[%add3A_304, %dma_start3A_1371] : memref<1002048x32xf32, #tpu.memory_space<hbm>> -> memref<625x32xf32, #tpu.memory_space<hbm>>
      tpu.enqueue_dma source(%arg4 : memref<625x32xf32, #tpu.memory_space<vmem>>) target(%dma_start3A_1372 : memref<625x32xf32, #tpu.memory_space<hbm>>) target_semaphore(%run_scoped3A : memref<!tpu.dma_semaphore, #tpu.memory_space<semaphore_mem>>)
      %dma_wait3A_1373 = arith.constant 0 : i32
      %dma_wait3A_1374 = tpu.memref_slice %arg3[%add3A_304, %dma_wait3A_1373] : memref<1002048x32xf32, #tpu.memory_space<hbm>> -> memref<625x32xf32, #tpu.memory_space<hbm>>
      %dma_wait3A_1375 = arith.constant 0 : i32
      %dma_wait3A_1376 = tpu.memref_slice %arg3[%add3A_304, %dma_wait3A_1375] : memref<1002048x32xf32, #tpu.memory_space<hbm>> -> memref<625x32xf32, #tpu.memory_space<hbm>>
      tpu.wait_dma2 semaphore(%run_scoped3A : memref<!tpu.dma_semaphore, #tpu.memory_space<semaphore_mem>>) src(%arg4 : memref<625x32xf32, #tpu.memory_space<vmem>>) dst(%dma_wait3A_1376 : memref<625x32xf32, #tpu.memory_space<hbm>>)
      tpu.yield
    }) : () -> ()
    %dma_wait3A_305 = arith.constant 0 : i32
    %dma_wait3A_306 = tpu.memref_slice %arg2[%mul3A_2, %dma_wait3A_305] : memref<1000000x32xf32, #tpu.memory_space<hbm>> -> memref<625x32xf32, #tpu.memory_space<hbm>>
    %dma_wait3A_307 = arith.constant 0 : i32
    %dma_wait3A_308 = tpu.memref_slice %arg2[%mul3A_2, %dma_wait3A_307] : memref<1000000x32xf32, #tpu.memory_space<hbm>> -> memref<625x32xf32, #tpu.memory_space<hbm>>
    tpu.wait_dma2 semaphore(%arg8 : memref<!tpu.dma_semaphore, #tpu.memory_space<semaphore_mem>>) src(%dma_wait3A_308 : memref<625x32xf32, #tpu.memory_space<hbm>>) dst(%arg5 : memref<625x32xf32, #tpu.memory_space<vmem>>)
    %add3A_309 = arith.constant 16250 : i32
    %add3A_310 = arith.addi %mul3A_2, %add3A_309 : i32
    %dma_start3A_311 = arith.constant 0 : i32
    %dma_start3A_312 = tpu.memref_slice %arg2[%add3A_310, %dma_start3A_311] : memref<1000000x32xf32, #tpu.memory_space<hbm>> -> memref<625x32xf32, #tpu.memory_space<hbm>>
    %dma_start3A_313 = arith.constant 0 : i32
    %dma_start3A_314 = tpu.memref_slice %arg2[%add3A_310, %dma_start3A_313] : memref<1000000x32xf32, #tpu.memory_space<hbm>> -> memref<625x32xf32, #tpu.memory_space<hbm>>
    tpu.enqueue_dma source(%dma_start3A_314 : memref<625x32xf32, #tpu.memory_space<hbm>>) target(%arg4 : memref<625x32xf32, #tpu.memory_space<vmem>>) target_semaphore(%arg7 : memref<!tpu.dma_semaphore, #tpu.memory_space<semaphore_mem>>)
    %add3A_315 = arith.constant 15625 : i32
    %add3A_316 = arith.addi %mul3A_2, %add3A_315 : i32
    "tpu.region"() ({
      %run_scoped3A = tpu.sem_alloc : memref<!tpu.dma_semaphore, #tpu.memory_space<semaphore_mem>>
      %dma_start3A_1369 = arith.constant 0 : i32
      %dma_start3A_1370 = tpu.memref_slice %arg3[%add3A_316, %dma_start3A_1369] : memref<1002048x32xf32, #tpu.memory_space<hbm>> -> memref<625x32xf32, #tpu.memory_space<hbm>>
      %dma_start3A_1371 = arith.constant 0 : i32
      %dma_start3A_1372 = tpu.memref_slice %arg3[%add3A_316, %dma_start3A_1371] : memref<1002048x32xf32, #tpu.memory_space<hbm>> -> memref<625x32xf32, #tpu.memory_space<hbm>>
      tpu.enqueue_dma source(%arg5 : memref<625x32xf32, #tpu.memory_space<vmem>>) target(%dma_start3A_1372 : memref<625x32xf32, #tpu.memory_space<hbm>>) target_semaphore(%run_scoped3A : memref<!tpu.dma_semaphore, #tpu.memory_space<semaphore_mem>>)
      %dma_wait3A_1373 = arith.constant 0 : i32
      %dma_wait3A_1374 = tpu.memref_slice %arg3[%add3A_316, %dma_wait3A_1373] : memref<1002048x32xf32, #tpu.memory_space<hbm>> -> memref<625x32xf32, #tpu.memory_space<hbm>>
      %dma_wait3A_1375 = arith.constant 0 : i32
      %dma_wait3A_1376 = tpu.memref_slice %arg3[%add3A_316, %dma_wait3A_1375] : memref<1002048x32xf32, #tpu.memory_space<hbm>> -> memref<625x32xf32, #tpu.memory_space<hbm>>
      tpu.wait_dma2 semaphore(%run_scoped3A : memref<!tpu.dma_semaphore, #tpu.memory_space<semaphore_mem>>) src(%arg5 : memref<625x32xf32, #tpu.memory_space<vmem>>) dst(%dma_wait3A_1376 : memref<625x32xf32, #tpu.memory_space<hbm>>)
      tpu.yield
    }) : () -> ()
    %dma_wait3A_317 = arith.constant 0 : i32
    %dma_wait3A_318 = tpu.memref_slice %arg2[%mul3A_2, %dma_wait3A_317] : memref<1000000x32xf32, #tpu.memory_space<hbm>> -> memref<625x32xf32, #tpu.memory_space<hbm>>
    %dma_wait3A_319 = arith.constant 0 : i32
    %dma_wait3A_320 = tpu.memref_slice %arg2[%mul3A_2, %dma_wait3A_319] : memref<1000000x32xf32, #tpu.memory_space<hbm>> -> memref<625x32xf32, #tpu.memory_space<hbm>>
    tpu.wait_dma2 semaphore(%arg7 : memref<!tpu.dma_semaphore, #tpu.memory_space<semaphore_mem>>) src(%dma_wait3A_320 : memref<625x32xf32, #tpu.memory_space<hbm>>) dst(%arg4 : memref<625x32xf32, #tpu.memory_space<vmem>>)
    %add3A_321 = arith.constant 16875 : i32
    %add3A_322 = arith.addi %mul3A_2, %add3A_321 : i32
    %dma_start3A_323 = arith.constant 0 : i32
    %dma_start3A_324 = tpu.memref_slice %arg2[%add3A_322, %dma_start3A_323] : memref<1000000x32xf32, #tpu.memory_space<hbm>> -> memref<625x32xf32, #tpu.memory_space<hbm>>
    %dma_start3A_325 = arith.constant 0 : i32
    %dma_start3A_326 = tpu.memref_slice %arg2[%add3A_322, %dma_start3A_325] : memref<1000000x32xf32, #tpu.memory_space<hbm>> -> memref<625x32xf32, #tpu.memory_space<hbm>>
    tpu.enqueue_dma source(%dma_start3A_326 : memref<625x32xf32, #tpu.memory_space<hbm>>) target(%arg5 : memref<625x32xf32, #tpu.memory_space<vmem>>) target_semaphore(%arg8 : memref<!tpu.dma_semaphore, #tpu.memory_space<semaphore_mem>>)
    %add3A_327 = arith.constant 16250 : i32
    %add3A_328 = arith.addi %mul3A_2, %add3A_327 : i32
    "tpu.region"() ({
      %run_scoped3A = tpu.sem_alloc : memref<!tpu.dma_semaphore, #tpu.memory_space<semaphore_mem>>
      %dma_start3A_1369 = arith.constant 0 : i32
      %dma_start3A_1370 = tpu.memref_slice %arg3[%add3A_328, %dma_start3A_1369] : memref<1002048x32xf32, #tpu.memory_space<hbm>> -> memref<625x32xf32, #tpu.memory_space<hbm>>
      %dma_start3A_1371 = arith.constant 0 : i32
      %dma_start3A_1372 = tpu.memref_slice %arg3[%add3A_328, %dma_start3A_1371] : memref<1002048x32xf32, #tpu.memory_space<hbm>> -> memref<625x32xf32, #tpu.memory_space<hbm>>
      tpu.enqueue_dma source(%arg4 : memref<625x32xf32, #tpu.memory_space<vmem>>) target(%dma_start3A_1372 : memref<625x32xf32, #tpu.memory_space<hbm>>) target_semaphore(%run_scoped3A : memref<!tpu.dma_semaphore, #tpu.memory_space<semaphore_mem>>)
      %dma_wait3A_1373 = arith.constant 0 : i32
      %dma_wait3A_1374 = tpu.memref_slice %arg3[%add3A_328, %dma_wait3A_1373] : memref<1002048x32xf32, #tpu.memory_space<hbm>> -> memref<625x32xf32, #tpu.memory_space<hbm>>
      %dma_wait3A_1375 = arith.constant 0 : i32
      %dma_wait3A_1376 = tpu.memref_slice %arg3[%add3A_328, %dma_wait3A_1375] : memref<1002048x32xf32, #tpu.memory_space<hbm>> -> memref<625x32xf32, #tpu.memory_space<hbm>>
      tpu.wait_dma2 semaphore(%run_scoped3A : memref<!tpu.dma_semaphore, #tpu.memory_space<semaphore_mem>>) src(%arg4 : memref<625x32xf32, #tpu.memory_space<vmem>>) dst(%dma_wait3A_1376 : memref<625x32xf32, #tpu.memory_space<hbm>>)
      tpu.yield
    }) : () -> ()
    %dma_wait3A_329 = arith.constant 0 : i32
    %dma_wait3A_330 = tpu.memref_slice %arg2[%mul3A_2, %dma_wait3A_329] : memref<1000000x32xf32, #tpu.memory_space<hbm>> -> memref<625x32xf32, #tpu.memory_space<hbm>>
    %dma_wait3A_331 = arith.constant 0 : i32
    %dma_wait3A_332 = tpu.memref_slice %arg2[%mul3A_2, %dma_wait3A_331] : memref<1000000x32xf32, #tpu.memory_space<hbm>> -> memref<625x32xf32, #tpu.memory_space<hbm>>
    tpu.wait_dma2 semaphore(%arg8 : memref<!tpu.dma_semaphore, #tpu.memory_space<semaphore_mem>>) src(%dma_wait3A_332 : memref<625x32xf32, #tpu.memory_space<hbm>>) dst(%arg5 : memref<625x32xf32, #tpu.memory_space<vmem>>)
    %add3A_333 = arith.constant 17500 : i32
    %add3A_334 = arith.addi %mul3A_2, %add3A_333 : i32
    %dma_start3A_335 = arith.constant 0 : i32
    %dma_start3A_336 = tpu.memref_slice %arg2[%add3A_334, %dma_start3A_335] : memref<1000000x32xf32, #tpu.memory_space<hbm>> -> memref<625x32xf32, #tpu.memory_space<hbm>>
    %dma_start3A_337 = arith.constant 0 : i32
    %dma_start3A_338 = tpu.memref_slice %arg2[%add3A_334, %dma_start3A_337] : memref<1000000x32xf32, #tpu.memory_space<hbm>> -> memref<625x32xf32, #tpu.memory_space<hbm>>
    tpu.enqueue_dma source(%dma_start3A_338 : memref<625x32xf32, #tpu.memory_space<hbm>>) target(%arg4 : memref<625x32xf32, #tpu.memory_space<vmem>>) target_semaphore(%arg7 : memref<!tpu.dma_semaphore, #tpu.memory_space<semaphore_mem>>)
    %add3A_339 = arith.constant 16875 : i32
    %add3A_340 = arith.addi %mul3A_2, %add3A_339 : i32
    "tpu.region"() ({
      %run_scoped3A = tpu.sem_alloc : memref<!tpu.dma_semaphore, #tpu.memory_space<semaphore_mem>>
      %dma_start3A_1369 = arith.constant 0 : i32
      %dma_start3A_1370 = tpu.memref_slice %arg3[%add3A_340, %dma_start3A_1369] : memref<1002048x32xf32, #tpu.memory_space<hbm>> -> memref<625x32xf32, #tpu.memory_space<hbm>>
      %dma_start3A_1371 = arith.constant 0 : i32
      %dma_start3A_1372 = tpu.memref_slice %arg3[%add3A_340, %dma_start3A_1371] : memref<1002048x32xf32, #tpu.memory_space<hbm>> -> memref<625x32xf32, #tpu.memory_space<hbm>>
      tpu.enqueue_dma source(%arg5 : memref<625x32xf32, #tpu.memory_space<vmem>>) target(%dma_start3A_1372 : memref<625x32xf32, #tpu.memory_space<hbm>>) target_semaphore(%run_scoped3A : memref<!tpu.dma_semaphore, #tpu.memory_space<semaphore_mem>>)
      %dma_wait3A_1373 = arith.constant 0 : i32
      %dma_wait3A_1374 = tpu.memref_slice %arg3[%add3A_340, %dma_wait3A_1373] : memref<1002048x32xf32, #tpu.memory_space<hbm>> -> memref<625x32xf32, #tpu.memory_space<hbm>>
      %dma_wait3A_1375 = arith.constant 0 : i32
      %dma_wait3A_1376 = tpu.memref_slice %arg3[%add3A_340, %dma_wait3A_1375] : memref<1002048x32xf32, #tpu.memory_space<hbm>> -> memref<625x32xf32, #tpu.memory_space<hbm>>
      tpu.wait_dma2 semaphore(%run_scoped3A : memref<!tpu.dma_semaphore, #tpu.memory_space<semaphore_mem>>) src(%arg5 : memref<625x32xf32, #tpu.memory_space<vmem>>) dst(%dma_wait3A_1376 : memref<625x32xf32, #tpu.memory_space<hbm>>)
      tpu.yield
    }) : () -> ()
    %dma_wait3A_341 = arith.constant 0 : i32
    %dma_wait3A_342 = tpu.memref_slice %arg2[%mul3A_2, %dma_wait3A_341] : memref<1000000x32xf32, #tpu.memory_space<hbm>> -> memref<625x32xf32, #tpu.memory_space<hbm>>
    %dma_wait3A_343 = arith.constant 0 : i32
    %dma_wait3A_344 = tpu.memref_slice %arg2[%mul3A_2, %dma_wait3A_343] : memref<1000000x32xf32, #tpu.memory_space<hbm>> -> memref<625x32xf32, #tpu.memory_space<hbm>>
    tpu.wait_dma2 semaphore(%arg7 : memref<!tpu.dma_semaphore, #tpu.memory_space<semaphore_mem>>) src(%dma_wait3A_344 : memref<625x32xf32, #tpu.memory_space<hbm>>) dst(%arg4 : memref<625x32xf32, #tpu.memory_space<vmem>>)
    %add3A_345 = arith.constant 18125 : i32
    %add3A_346 = arith.addi %mul3A_2, %add3A_345 : i32
    %dma_start3A_347 = arith.constant 0 : i32
    %dma_start3A_348 = tpu.memref_slice %arg2[%add3A_346, %dma_start3A_347] : memref<1000000x32xf32, #tpu.memory_space<hbm>> -> memref<625x32xf32, #tpu.memory_space<hbm>>
    %dma_start3A_349 = arith.constant 0 : i32
    %dma_start3A_350 = tpu.memref_slice %arg2[%add3A_346, %dma_start3A_349] : memref<1000000x32xf32, #tpu.memory_space<hbm>> -> memref<625x32xf32, #tpu.memory_space<hbm>>
    tpu.enqueue_dma source(%dma_start3A_350 : memref<625x32xf32, #tpu.memory_space<hbm>>) target(%arg5 : memref<625x32xf32, #tpu.memory_space<vmem>>) target_semaphore(%arg8 : memref<!tpu.dma_semaphore, #tpu.memory_space<semaphore_mem>>)
    %add3A_351 = arith.constant 17500 : i32
    %add3A_352 = arith.addi %mul3A_2, %add3A_351 : i32
    "tpu.region"() ({
      %run_scoped3A = tpu.sem_alloc : memref<!tpu.dma_semaphore, #tpu.memory_space<semaphore_mem>>
      %dma_start3A_1369 = arith.constant 0 : i32
      %dma_start3A_1370 = tpu.memref_slice %arg3[%add3A_352, %dma_start3A_1369] : memref<1002048x32xf32, #tpu.memory_space<hbm>> -> memref<625x32xf32, #tpu.memory_space<hbm>>
      %dma_start3A_1371 = arith.constant 0 : i32
      %dma_start3A_1372 = tpu.memref_slice %arg3[%add3A_352, %dma_start3A_1371] : memref<1002048x32xf32, #tpu.memory_space<hbm>> -> memref<625x32xf32, #tpu.memory_space<hbm>>
      tpu.enqueue_dma source(%arg4 : memref<625x32xf32, #tpu.memory_space<vmem>>) target(%dma_start3A_1372 : memref<625x32xf32, #tpu.memory_space<hbm>>) target_semaphore(%run_scoped3A : memref<!tpu.dma_semaphore, #tpu.memory_space<semaphore_mem>>)
      %dma_wait3A_1373 = arith.constant 0 : i32
      %dma_wait3A_1374 = tpu.memref_slice %arg3[%add3A_352, %dma_wait3A_1373] : memref<1002048x32xf32, #tpu.memory_space<hbm>> -> memref<625x32xf32, #tpu.memory_space<hbm>>
      %dma_wait3A_1375 = arith.constant 0 : i32
      %dma_wait3A_1376 = tpu.memref_slice %arg3[%add3A_352, %dma_wait3A_1375] : memref<1002048x32xf32, #tpu.memory_space<hbm>> -> memref<625x32xf32, #tpu.memory_space<hbm>>
      tpu.wait_dma2 semaphore(%run_scoped3A : memref<!tpu.dma_semaphore, #tpu.memory_space<semaphore_mem>>) src(%arg4 : memref<625x32xf32, #tpu.memory_space<vmem>>) dst(%dma_wait3A_1376 : memref<625x32xf32, #tpu.memory_space<hbm>>)
      tpu.yield
    }) : () -> ()
    %dma_wait3A_353 = arith.constant 0 : i32
    %dma_wait3A_354 = tpu.memref_slice %arg2[%mul3A_2, %dma_wait3A_353] : memref<1000000x32xf32, #tpu.memory_space<hbm>> -> memref<625x32xf32, #tpu.memory_space<hbm>>
    %dma_wait3A_355 = arith.constant 0 : i32
    %dma_wait3A_356 = tpu.memref_slice %arg2[%mul3A_2, %dma_wait3A_355] : memref<1000000x32xf32, #tpu.memory_space<hbm>> -> memref<625x32xf32, #tpu.memory_space<hbm>>
    tpu.wait_dma2 semaphore(%arg8 : memref<!tpu.dma_semaphore, #tpu.memory_space<semaphore_mem>>) src(%dma_wait3A_356 : memref<625x32xf32, #tpu.memory_space<hbm>>) dst(%arg5 : memref<625x32xf32, #tpu.memory_space<vmem>>)
    %add3A_357 = arith.constant 18750 : i32
    %add3A_358 = arith.addi %mul3A_2, %add3A_357 : i32
    %dma_start3A_359 = arith.constant 0 : i32
    %dma_start3A_360 = tpu.memref_slice %arg2[%add3A_358, %dma_start3A_359] : memref<1000000x32xf32, #tpu.memory_space<hbm>> -> memref<625x32xf32, #tpu.memory_space<hbm>>
    %dma_start3A_361 = arith.constant 0 : i32
    %dma_start3A_362 = tpu.memref_slice %arg2[%add3A_358, %dma_start3A_361] : memref<1000000x32xf32, #tpu.memory_space<hbm>> -> memref<625x32xf32, #tpu.memory_space<hbm>>
    tpu.enqueue_dma source(%dma_start3A_362 : memref<625x32xf32, #tpu.memory_space<hbm>>) target(%arg4 : memref<625x32xf32, #tpu.memory_space<vmem>>) target_semaphore(%arg7 : memref<!tpu.dma_semaphore, #tpu.memory_space<semaphore_mem>>)
    %add3A_363 = arith.constant 18125 : i32
    %add3A_364 = arith.addi %mul3A_2, %add3A_363 : i32
    "tpu.region"() ({
      %run_scoped3A = tpu.sem_alloc : memref<!tpu.dma_semaphore, #tpu.memory_space<semaphore_mem>>
      %dma_start3A_1369 = arith.constant 0 : i32
      %dma_start3A_1370 = tpu.memref_slice %arg3[%add3A_364, %dma_start3A_1369] : memref<1002048x32xf32, #tpu.memory_space<hbm>> -> memref<625x32xf32, #tpu.memory_space<hbm>>
      %dma_start3A_1371 = arith.constant 0 : i32
      %dma_start3A_1372 = tpu.memref_slice %arg3[%add3A_364, %dma_start3A_1371] : memref<1002048x32xf32, #tpu.memory_space<hbm>> -> memref<625x32xf32, #tpu.memory_space<hbm>>
      tpu.enqueue_dma source(%arg5 : memref<625x32xf32, #tpu.memory_space<vmem>>) target(%dma_start3A_1372 : memref<625x32xf32, #tpu.memory_space<hbm>>) target_semaphore(%run_scoped3A : memref<!tpu.dma_semaphore, #tpu.memory_space<semaphore_mem>>)
      %dma_wait3A_1373 = arith.constant 0 : i32
      %dma_wait3A_1374 = tpu.memref_slice %arg3[%add3A_364, %dma_wait3A_1373] : memref<1002048x32xf32, #tpu.memory_space<hbm>> -> memref<625x32xf32, #tpu.memory_space<hbm>>
      %dma_wait3A_1375 = arith.constant 0 : i32
      %dma_wait3A_1376 = tpu.memref_slice %arg3[%add3A_364, %dma_wait3A_1375] : memref<1002048x32xf32, #tpu.memory_space<hbm>> -> memref<625x32xf32, #tpu.memory_space<hbm>>
      tpu.wait_dma2 semaphore(%run_scoped3A : memref<!tpu.dma_semaphore, #tpu.memory_space<semaphore_mem>>) src(%arg5 : memref<625x32xf32, #tpu.memory_space<vmem>>) dst(%dma_wait3A_1376 : memref<625x32xf32, #tpu.memory_space<hbm>>)
      tpu.yield
    }) : () -> ()
    %dma_wait3A_365 = arith.constant 0 : i32
    %dma_wait3A_366 = tpu.memref_slice %arg2[%mul3A_2, %dma_wait3A_365] : memref<1000000x32xf32, #tpu.memory_space<hbm>> -> memref<625x32xf32, #tpu.memory_space<hbm>>
    %dma_wait3A_367 = arith.constant 0 : i32
    %dma_wait3A_368 = tpu.memref_slice %arg2[%mul3A_2, %dma_wait3A_367] : memref<1000000x32xf32, #tpu.memory_space<hbm>> -> memref<625x32xf32, #tpu.memory_space<hbm>>
    tpu.wait_dma2 semaphore(%arg7 : memref<!tpu.dma_semaphore, #tpu.memory_space<semaphore_mem>>) src(%dma_wait3A_368 : memref<625x32xf32, #tpu.memory_space<hbm>>) dst(%arg4 : memref<625x32xf32, #tpu.memory_space<vmem>>)
    %add3A_369 = arith.constant 19375 : i32
    %add3A_370 = arith.addi %mul3A_2, %add3A_369 : i32
    %dma_start3A_371 = arith.constant 0 : i32
    %dma_start3A_372 = tpu.memref_slice %arg2[%add3A_370, %dma_start3A_371] : memref<1000000x32xf32, #tpu.memory_space<hbm>> -> memref<625x32xf32, #tpu.memory_space<hbm>>
    %dma_start3A_373 = arith.constant 0 : i32
    %dma_start3A_374 = tpu.memref_slice %arg2[%add3A_370, %dma_start3A_373] : memref<1000000x32xf32, #tpu.memory_space<hbm>> -> memref<625x32xf32, #tpu.memory_space<hbm>>
    tpu.enqueue_dma source(%dma_start3A_374 : memref<625x32xf32, #tpu.memory_space<hbm>>) target(%arg5 : memref<625x32xf32, #tpu.memory_space<vmem>>) target_semaphore(%arg8 : memref<!tpu.dma_semaphore, #tpu.memory_space<semaphore_mem>>)
    %add3A_375 = arith.constant 18750 : i32
    %add3A_376 = arith.addi %mul3A_2, %add3A_375 : i32
    "tpu.region"() ({
      %run_scoped3A = tpu.sem_alloc : memref<!tpu.dma_semaphore, #tpu.memory_space<semaphore_mem>>
      %dma_start3A_1369 = arith.constant 0 : i32
      %dma_start3A_1370 = tpu.memref_slice %arg3[%add3A_376, %dma_start3A_1369] : memref<1002048x32xf32, #tpu.memory_space<hbm>> -> memref<625x32xf32, #tpu.memory_space<hbm>>
      %dma_start3A_1371 = arith.constant 0 : i32
      %dma_start3A_1372 = tpu.memref_slice %arg3[%add3A_376, %dma_start3A_1371] : memref<1002048x32xf32, #tpu.memory_space<hbm>> -> memref<625x32xf32, #tpu.memory_space<hbm>>
      tpu.enqueue_dma source(%arg4 : memref<625x32xf32, #tpu.memory_space<vmem>>) target(%dma_start3A_1372 : memref<625x32xf32, #tpu.memory_space<hbm>>) target_semaphore(%run_scoped3A : memref<!tpu.dma_semaphore, #tpu.memory_space<semaphore_mem>>)
      %dma_wait3A_1373 = arith.constant 0 : i32
      %dma_wait3A_1374 = tpu.memref_slice %arg3[%add3A_376, %dma_wait3A_1373] : memref<1002048x32xf32, #tpu.memory_space<hbm>> -> memref<625x32xf32, #tpu.memory_space<hbm>>
      %dma_wait3A_1375 = arith.constant 0 : i32
      %dma_wait3A_1376 = tpu.memref_slice %arg3[%add3A_376, %dma_wait3A_1375] : memref<1002048x32xf32, #tpu.memory_space<hbm>> -> memref<625x32xf32, #tpu.memory_space<hbm>>
      tpu.wait_dma2 semaphore(%run_scoped3A : memref<!tpu.dma_semaphore, #tpu.memory_space<semaphore_mem>>) src(%arg4 : memref<625x32xf32, #tpu.memory_space<vmem>>) dst(%dma_wait3A_1376 : memref<625x32xf32, #tpu.memory_space<hbm>>)
      tpu.yield
    }) : () -> ()
    %dma_wait3A_377 = arith.constant 0 : i32
    %dma_wait3A_378 = tpu.memref_slice %arg2[%mul3A_2, %dma_wait3A_377] : memref<1000000x32xf32, #tpu.memory_space<hbm>> -> memref<625x32xf32, #tpu.memory_space<hbm>>
    %dma_wait3A_379 = arith.constant 0 : i32
    %dma_wait3A_380 = tpu.memref_slice %arg2[%mul3A_2, %dma_wait3A_379] : memref<1000000x32xf32, #tpu.memory_space<hbm>> -> memref<625x32xf32, #tpu.memory_space<hbm>>
    tpu.wait_dma2 semaphore(%arg8 : memref<!tpu.dma_semaphore, #tpu.memory_space<semaphore_mem>>) src(%dma_wait3A_380 : memref<625x32xf32, #tpu.memory_space<hbm>>) dst(%arg5 : memref<625x32xf32, #tpu.memory_space<vmem>>)
    %add3A_381 = arith.constant 20000 : i32
    %add3A_382 = arith.addi %mul3A_2, %add3A_381 : i32
    %dma_start3A_383 = arith.constant 0 : i32
    %dma_start3A_384 = tpu.memref_slice %arg2[%add3A_382, %dma_start3A_383] : memref<1000000x32xf32, #tpu.memory_space<hbm>> -> memref<625x32xf32, #tpu.memory_space<hbm>>
    %dma_start3A_385 = arith.constant 0 : i32
    %dma_start3A_386 = tpu.memref_slice %arg2[%add3A_382, %dma_start3A_385] : memref<1000000x32xf32, #tpu.memory_space<hbm>> -> memref<625x32xf32, #tpu.memory_space<hbm>>
    tpu.enqueue_dma source(%dma_start3A_386 : memref<625x32xf32, #tpu.memory_space<hbm>>) target(%arg4 : memref<625x32xf32, #tpu.memory_space<vmem>>) target_semaphore(%arg7 : memref<!tpu.dma_semaphore, #tpu.memory_space<semaphore_mem>>)
    %add3A_387 = arith.constant 19375 : i32
    %add3A_388 = arith.addi %mul3A_2, %add3A_387 : i32
    "tpu.region"() ({
      %run_scoped3A = tpu.sem_alloc : memref<!tpu.dma_semaphore, #tpu.memory_space<semaphore_mem>>
      %dma_start3A_1369 = arith.constant 0 : i32
      %dma_start3A_1370 = tpu.memref_slice %arg3[%add3A_388, %dma_start3A_1369] : memref<1002048x32xf32, #tpu.memory_space<hbm>> -> memref<625x32xf32, #tpu.memory_space<hbm>>
      %dma_start3A_1371 = arith.constant 0 : i32
      %dma_start3A_1372 = tpu.memref_slice %arg3[%add3A_388, %dma_start3A_1371] : memref<1002048x32xf32, #tpu.memory_space<hbm>> -> memref<625x32xf32, #tpu.memory_space<hbm>>
      tpu.enqueue_dma source(%arg5 : memref<625x32xf32, #tpu.memory_space<vmem>>) target(%dma_start3A_1372 : memref<625x32xf32, #tpu.memory_space<hbm>>) target_semaphore(%run_scoped3A : memref<!tpu.dma_semaphore, #tpu.memory_space<semaphore_mem>>)
      %dma_wait3A_1373 = arith.constant 0 : i32
      %dma_wait3A_1374 = tpu.memref_slice %arg3[%add3A_388, %dma_wait3A_1373] : memref<1002048x32xf32, #tpu.memory_space<hbm>> -> memref<625x32xf32, #tpu.memory_space<hbm>>
      %dma_wait3A_1375 = arith.constant 0 : i32
      %dma_wait3A_1376 = tpu.memref_slice %arg3[%add3A_388, %dma_wait3A_1375] : memref<1002048x32xf32, #tpu.memory_space<hbm>> -> memref<625x32xf32, #tpu.memory_space<hbm>>
      tpu.wait_dma2 semaphore(%run_scoped3A : memref<!tpu.dma_semaphore, #tpu.memory_space<semaphore_mem>>) src(%arg5 : memref<625x32xf32, #tpu.memory_space<vmem>>) dst(%dma_wait3A_1376 : memref<625x32xf32, #tpu.memory_space<hbm>>)
      tpu.yield
    }) : () -> ()
    %dma_wait3A_389 = arith.constant 0 : i32
    %dma_wait3A_390 = tpu.memref_slice %arg2[%mul3A_2, %dma_wait3A_389] : memref<1000000x32xf32, #tpu.memory_space<hbm>> -> memref<625x32xf32, #tpu.memory_space<hbm>>
    %dma_wait3A_391 = arith.constant 0 : i32
    %dma_wait3A_392 = tpu.memref_slice %arg2[%mul3A_2, %dma_wait3A_391] : memref<1000000x32xf32, #tpu.memory_space<hbm>> -> memref<625x32xf32, #tpu.memory_space<hbm>>
    tpu.wait_dma2 semaphore(%arg7 : memref<!tpu.dma_semaphore, #tpu.memory_space<semaphore_mem>>) src(%dma_wait3A_392 : memref<625x32xf32, #tpu.memory_space<hbm>>) dst(%arg4 : memref<625x32xf32, #tpu.memory_space<vmem>>)
    %add3A_393 = arith.constant 20625 : i32
    %add3A_394 = arith.addi %mul3A_2, %add3A_393 : i32
    %dma_start3A_395 = arith.constant 0 : i32
    %dma_start3A_396 = tpu.memref_slice %arg2[%add3A_394, %dma_start3A_395] : memref<1000000x32xf32, #tpu.memory_space<hbm>> -> memref<625x32xf32, #tpu.memory_space<hbm>>
    %dma_start3A_397 = arith.constant 0 : i32
    %dma_start3A_398 = tpu.memref_slice %arg2[%add3A_394, %dma_start3A_397] : memref<1000000x32xf32, #tpu.memory_space<hbm>> -> memref<625x32xf32, #tpu.memory_space<hbm>>
    tpu.enqueue_dma source(%dma_start3A_398 : memref<625x32xf32, #tpu.memory_space<hbm>>) target(%arg5 : memref<625x32xf32, #tpu.memory_space<vmem>>) target_semaphore(%arg8 : memref<!tpu.dma_semaphore, #tpu.memory_space<semaphore_mem>>)
    %add3A_399 = arith.constant 20000 : i32
    %add3A_400 = arith.addi %mul3A_2, %add3A_399 : i32
    "tpu.region"() ({
      %run_scoped3A = tpu.sem_alloc : memref<!tpu.dma_semaphore, #tpu.memory_space<semaphore_mem>>
      %dma_start3A_1369 = arith.constant 0 : i32
      %dma_start3A_1370 = tpu.memref_slice %arg3[%add3A_400, %dma_start3A_1369] : memref<1002048x32xf32, #tpu.memory_space<hbm>> -> memref<625x32xf32, #tpu.memory_space<hbm>>
      %dma_start3A_1371 = arith.constant 0 : i32
      %dma_start3A_1372 = tpu.memref_slice %arg3[%add3A_400, %dma_start3A_1371] : memref<1002048x32xf32, #tpu.memory_space<hbm>> -> memref<625x32xf32, #tpu.memory_space<hbm>>
      tpu.enqueue_dma source(%arg4 : memref<625x32xf32, #tpu.memory_space<vmem>>) target(%dma_start3A_1372 : memref<625x32xf32, #tpu.memory_space<hbm>>) target_semaphore(%run_scoped3A : memref<!tpu.dma_semaphore, #tpu.memory_space<semaphore_mem>>)
      %dma_wait3A_1373 = arith.constant 0 : i32
      %dma_wait3A_1374 = tpu.memref_slice %arg3[%add3A_400, %dma_wait3A_1373] : memref<1002048x32xf32, #tpu.memory_space<hbm>> -> memref<625x32xf32, #tpu.memory_space<hbm>>
      %dma_wait3A_1375 = arith.constant 0 : i32
      %dma_wait3A_1376 = tpu.memref_slice %arg3[%add3A_400, %dma_wait3A_1375] : memref<1002048x32xf32, #tpu.memory_space<hbm>> -> memref<625x32xf32, #tpu.memory_space<hbm>>
      tpu.wait_dma2 semaphore(%run_scoped3A : memref<!tpu.dma_semaphore, #tpu.memory_space<semaphore_mem>>) src(%arg4 : memref<625x32xf32, #tpu.memory_space<vmem>>) dst(%dma_wait3A_1376 : memref<625x32xf32, #tpu.memory_space<hbm>>)
      tpu.yield
    }) : () -> ()
    %dma_wait3A_401 = arith.constant 0 : i32
    %dma_wait3A_402 = tpu.memref_slice %arg2[%mul3A_2, %dma_wait3A_401] : memref<1000000x32xf32, #tpu.memory_space<hbm>> -> memref<625x32xf32, #tpu.memory_space<hbm>>
    %dma_wait3A_403 = arith.constant 0 : i32
    %dma_wait3A_404 = tpu.memref_slice %arg2[%mul3A_2, %dma_wait3A_403] : memref<1000000x32xf32, #tpu.memory_space<hbm>> -> memref<625x32xf32, #tpu.memory_space<hbm>>
    tpu.wait_dma2 semaphore(%arg8 : memref<!tpu.dma_semaphore, #tpu.memory_space<semaphore_mem>>) src(%dma_wait3A_404 : memref<625x32xf32, #tpu.memory_space<hbm>>) dst(%arg5 : memref<625x32xf32, #tpu.memory_space<vmem>>)
    %add3A_405 = arith.constant 21250 : i32
    %add3A_406 = arith.addi %mul3A_2, %add3A_405 : i32
    %dma_start3A_407 = arith.constant 0 : i32
    %dma_start3A_408 = tpu.memref_slice %arg2[%add3A_406, %dma_start3A_407] : memref<1000000x32xf32, #tpu.memory_space<hbm>> -> memref<625x32xf32, #tpu.memory_space<hbm>>
    %dma_start3A_409 = arith.constant 0 : i32
    %dma_start3A_410 = tpu.memref_slice %arg2[%add3A_406, %dma_start3A_409] : memref<1000000x32xf32, #tpu.memory_space<hbm>> -> memref<625x32xf32, #tpu.memory_space<hbm>>
    tpu.enqueue_dma source(%dma_start3A_410 : memref<625x32xf32, #tpu.memory_space<hbm>>) target(%arg4 : memref<625x32xf32, #tpu.memory_space<vmem>>) target_semaphore(%arg7 : memref<!tpu.dma_semaphore, #tpu.memory_space<semaphore_mem>>)
    %add3A_411 = arith.constant 20625 : i32
    %add3A_412 = arith.addi %mul3A_2, %add3A_411 : i32
    "tpu.region"() ({
      %run_scoped3A = tpu.sem_alloc : memref<!tpu.dma_semaphore, #tpu.memory_space<semaphore_mem>>
      %dma_start3A_1369 = arith.constant 0 : i32
      %dma_start3A_1370 = tpu.memref_slice %arg3[%add3A_412, %dma_start3A_1369] : memref<1002048x32xf32, #tpu.memory_space<hbm>> -> memref<625x32xf32, #tpu.memory_space<hbm>>
      %dma_start3A_1371 = arith.constant 0 : i32
      %dma_start3A_1372 = tpu.memref_slice %arg3[%add3A_412, %dma_start3A_1371] : memref<1002048x32xf32, #tpu.memory_space<hbm>> -> memref<625x32xf32, #tpu.memory_space<hbm>>
      tpu.enqueue_dma source(%arg5 : memref<625x32xf32, #tpu.memory_space<vmem>>) target(%dma_start3A_1372 : memref<625x32xf32, #tpu.memory_space<hbm>>) target_semaphore(%run_scoped3A : memref<!tpu.dma_semaphore, #tpu.memory_space<semaphore_mem>>)
      %dma_wait3A_1373 = arith.constant 0 : i32
      %dma_wait3A_1374 = tpu.memref_slice %arg3[%add3A_412, %dma_wait3A_1373] : memref<1002048x32xf32, #tpu.memory_space<hbm>> -> memref<625x32xf32, #tpu.memory_space<hbm>>
      %dma_wait3A_1375 = arith.constant 0 : i32
      %dma_wait3A_1376 = tpu.memref_slice %arg3[%add3A_412, %dma_wait3A_1375] : memref<1002048x32xf32, #tpu.memory_space<hbm>> -> memref<625x32xf32, #tpu.memory_space<hbm>>
      tpu.wait_dma2 semaphore(%run_scoped3A : memref<!tpu.dma_semaphore, #tpu.memory_space<semaphore_mem>>) src(%arg5 : memref<625x32xf32, #tpu.memory_space<vmem>>) dst(%dma_wait3A_1376 : memref<625x32xf32, #tpu.memory_space<hbm>>)
      tpu.yield
    }) : () -> ()
    %dma_wait3A_413 = arith.constant 0 : i32
    %dma_wait3A_414 = tpu.memref_slice %arg2[%mul3A_2, %dma_wait3A_413] : memref<1000000x32xf32, #tpu.memory_space<hbm>> -> memref<625x32xf32, #tpu.memory_space<hbm>>
    %dma_wait3A_415 = arith.constant 0 : i32
    %dma_wait3A_416 = tpu.memref_slice %arg2[%mul3A_2, %dma_wait3A_415] : memref<1000000x32xf32, #tpu.memory_space<hbm>> -> memref<625x32xf32, #tpu.memory_space<hbm>>
    tpu.wait_dma2 semaphore(%arg7 : memref<!tpu.dma_semaphore, #tpu.memory_space<semaphore_mem>>) src(%dma_wait3A_416 : memref<625x32xf32, #tpu.memory_space<hbm>>) dst(%arg4 : memref<625x32xf32, #tpu.memory_space<vmem>>)
    %add3A_417 = arith.constant 21875 : i32
    %add3A_418 = arith.addi %mul3A_2, %add3A_417 : i32
    %dma_start3A_419 = arith.constant 0 : i32
    %dma_start3A_420 = tpu.memref_slice %arg2[%add3A_418, %dma_start3A_419] : memref<1000000x32xf32, #tpu.memory_space<hbm>> -> memref<625x32xf32, #tpu.memory_space<hbm>>
    %dma_start3A_421 = arith.constant 0 : i32
    %dma_start3A_422 = tpu.memref_slice %arg2[%add3A_418, %dma_start3A_421] : memref<1000000x32xf32, #tpu.memory_space<hbm>> -> memref<625x32xf32, #tpu.memory_space<hbm>>
    tpu.enqueue_dma source(%dma_start3A_422 : memref<625x32xf32, #tpu.memory_space<hbm>>) target(%arg5 : memref<625x32xf32, #tpu.memory_space<vmem>>) target_semaphore(%arg8 : memref<!tpu.dma_semaphore, #tpu.memory_space<semaphore_mem>>)
    %add3A_423 = arith.constant 21250 : i32
    %add3A_424 = arith.addi %mul3A_2, %add3A_423 : i32
    "tpu.region"() ({
      %run_scoped3A = tpu.sem_alloc : memref<!tpu.dma_semaphore, #tpu.memory_space<semaphore_mem>>
      %dma_start3A_1369 = arith.constant 0 : i32
      %dma_start3A_1370 = tpu.memref_slice %arg3[%add3A_424, %dma_start3A_1369] : memref<1002048x32xf32, #tpu.memory_space<hbm>> -> memref<625x32xf32, #tpu.memory_space<hbm>>
      %dma_start3A_1371 = arith.constant 0 : i32
      %dma_start3A_1372 = tpu.memref_slice %arg3[%add3A_424, %dma_start3A_1371] : memref<1002048x32xf32, #tpu.memory_space<hbm>> -> memref<625x32xf32, #tpu.memory_space<hbm>>
      tpu.enqueue_dma source(%arg4 : memref<625x32xf32, #tpu.memory_space<vmem>>) target(%dma_start3A_1372 : memref<625x32xf32, #tpu.memory_space<hbm>>) target_semaphore(%run_scoped3A : memref<!tpu.dma_semaphore, #tpu.memory_space<semaphore_mem>>)
      %dma_wait3A_1373 = arith.constant 0 : i32
      %dma_wait3A_1374 = tpu.memref_slice %arg3[%add3A_424, %dma_wait3A_1373] : memref<1002048x32xf32, #tpu.memory_space<hbm>> -> memref<625x32xf32, #tpu.memory_space<hbm>>
      %dma_wait3A_1375 = arith.constant 0 : i32
      %dma_wait3A_1376 = tpu.memref_slice %arg3[%add3A_424, %dma_wait3A_1375] : memref<1002048x32xf32, #tpu.memory_space<hbm>> -> memref<625x32xf32, #tpu.memory_space<hbm>>
      tpu.wait_dma2 semaphore(%run_scoped3A : memref<!tpu.dma_semaphore, #tpu.memory_space<semaphore_mem>>) src(%arg4 : memref<625x32xf32, #tpu.memory_space<vmem>>) dst(%dma_wait3A_1376 : memref<625x32xf32, #tpu.memory_space<hbm>>)
      tpu.yield
    }) : () -> ()
    %dma_wait3A_425 = arith.constant 0 : i32
    %dma_wait3A_426 = tpu.memref_slice %arg2[%mul3A_2, %dma_wait3A_425] : memref<1000000x32xf32, #tpu.memory_space<hbm>> -> memref<625x32xf32, #tpu.memory_space<hbm>>
    %dma_wait3A_427 = arith.constant 0 : i32
    %dma_wait3A_428 = tpu.memref_slice %arg2[%mul3A_2, %dma_wait3A_427] : memref<1000000x32xf32, #tpu.memory_space<hbm>> -> memref<625x32xf32, #tpu.memory_space<hbm>>
    tpu.wait_dma2 semaphore(%arg8 : memref<!tpu.dma_semaphore, #tpu.memory_space<semaphore_mem>>) src(%dma_wait3A_428 : memref<625x32xf32, #tpu.memory_space<hbm>>) dst(%arg5 : memref<625x32xf32, #tpu.memory_space<vmem>>)
    %add3A_429 = arith.constant 22500 : i32
    %add3A_430 = arith.addi %mul3A_2, %add3A_429 : i32
    %dma_start3A_431 = arith.constant 0 : i32
    %dma_start3A_432 = tpu.memref_slice %arg2[%add3A_430, %dma_start3A_431] : memref<1000000x32xf32, #tpu.memory_space<hbm>> -> memref<625x32xf32, #tpu.memory_space<hbm>>
    %dma_start3A_433 = arith.constant 0 : i32
    %dma_start3A_434 = tpu.memref_slice %arg2[%add3A_430, %dma_start3A_433] : memref<1000000x32xf32, #tpu.memory_space<hbm>> -> memref<625x32xf32, #tpu.memory_space<hbm>>
    tpu.enqueue_dma source(%dma_start3A_434 : memref<625x32xf32, #tpu.memory_space<hbm>>) target(%arg4 : memref<625x32xf32, #tpu.memory_space<vmem>>) target_semaphore(%arg7 : memref<!tpu.dma_semaphore, #tpu.memory_space<semaphore_mem>>)
    %add3A_435 = arith.constant 21875 : i32
    %add3A_436 = arith.addi %mul3A_2, %add3A_435 : i32
    "tpu.region"() ({
      %run_scoped3A = tpu.sem_alloc : memref<!tpu.dma_semaphore, #tpu.memory_space<semaphore_mem>>
      %dma_start3A_1369 = arith.constant 0 : i32
      %dma_start3A_1370 = tpu.memref_slice %arg3[%add3A_436, %dma_start3A_1369] : memref<1002048x32xf32, #tpu.memory_space<hbm>> -> memref<625x32xf32, #tpu.memory_space<hbm>>
      %dma_start3A_1371 = arith.constant 0 : i32
      %dma_start3A_1372 = tpu.memref_slice %arg3[%add3A_436, %dma_start3A_1371] : memref<1002048x32xf32, #tpu.memory_space<hbm>> -> memref<625x32xf32, #tpu.memory_space<hbm>>
      tpu.enqueue_dma source(%arg5 : memref<625x32xf32, #tpu.memory_space<vmem>>) target(%dma_start3A_1372 : memref<625x32xf32, #tpu.memory_space<hbm>>) target_semaphore(%run_scoped3A : memref<!tpu.dma_semaphore, #tpu.memory_space<semaphore_mem>>)
      %dma_wait3A_1373 = arith.constant 0 : i32
      %dma_wait3A_1374 = tpu.memref_slice %arg3[%add3A_436, %dma_wait3A_1373] : memref<1002048x32xf32, #tpu.memory_space<hbm>> -> memref<625x32xf32, #tpu.memory_space<hbm>>
      %dma_wait3A_1375 = arith.constant 0 : i32
      %dma_wait3A_1376 = tpu.memref_slice %arg3[%add3A_436, %dma_wait3A_1375] : memref<1002048x32xf32, #tpu.memory_space<hbm>> -> memref<625x32xf32, #tpu.memory_space<hbm>>
      tpu.wait_dma2 semaphore(%run_scoped3A : memref<!tpu.dma_semaphore, #tpu.memory_space<semaphore_mem>>) src(%arg5 : memref<625x32xf32, #tpu.memory_space<vmem>>) dst(%dma_wait3A_1376 : memref<625x32xf32, #tpu.memory_space<hbm>>)
      tpu.yield
    }) : () -> ()
    %dma_wait3A_437 = arith.constant 0 : i32
    %dma_wait3A_438 = tpu.memref_slice %arg2[%mul3A_2, %dma_wait3A_437] : memref<1000000x32xf32, #tpu.memory_space<hbm>> -> memref<625x32xf32, #tpu.memory_space<hbm>>
    %dma_wait3A_439 = arith.constant 0 : i32
    %dma_wait3A_440 = tpu.memref_slice %arg2[%mul3A_2, %dma_wait3A_439] : memref<1000000x32xf32, #tpu.memory_space<hbm>> -> memref<625x32xf32, #tpu.memory_space<hbm>>
    tpu.wait_dma2 semaphore(%arg7 : memref<!tpu.dma_semaphore, #tpu.memory_space<semaphore_mem>>) src(%dma_wait3A_440 : memref<625x32xf32, #tpu.memory_space<hbm>>) dst(%arg4 : memref<625x32xf32, #tpu.memory_space<vmem>>)
    %add3A_441 = arith.constant 23125 : i32
    %add3A_442 = arith.addi %mul3A_2, %add3A_441 : i32
    %dma_start3A_443 = arith.constant 0 : i32
    %dma_start3A_444 = tpu.memref_slice %arg2[%add3A_442, %dma_start3A_443] : memref<1000000x32xf32, #tpu.memory_space<hbm>> -> memref<625x32xf32, #tpu.memory_space<hbm>>
    %dma_start3A_445 = arith.constant 0 : i32
    %dma_start3A_446 = tpu.memref_slice %arg2[%add3A_442, %dma_start3A_445] : memref<1000000x32xf32, #tpu.memory_space<hbm>> -> memref<625x32xf32, #tpu.memory_space<hbm>>
    tpu.enqueue_dma source(%dma_start3A_446 : memref<625x32xf32, #tpu.memory_space<hbm>>) target(%arg5 : memref<625x32xf32, #tpu.memory_space<vmem>>) target_semaphore(%arg8 : memref<!tpu.dma_semaphore, #tpu.memory_space<semaphore_mem>>)
    %add3A_447 = arith.constant 22500 : i32
    %add3A_448 = arith.addi %mul3A_2, %add3A_447 : i32
    "tpu.region"() ({
      %run_scoped3A = tpu.sem_alloc : memref<!tpu.dma_semaphore, #tpu.memory_space<semaphore_mem>>
      %dma_start3A_1369 = arith.constant 0 : i32
      %dma_start3A_1370 = tpu.memref_slice %arg3[%add3A_448, %dma_start3A_1369] : memref<1002048x32xf32, #tpu.memory_space<hbm>> -> memref<625x32xf32, #tpu.memory_space<hbm>>
      %dma_start3A_1371 = arith.constant 0 : i32
      %dma_start3A_1372 = tpu.memref_slice %arg3[%add3A_448, %dma_start3A_1371] : memref<1002048x32xf32, #tpu.memory_space<hbm>> -> memref<625x32xf32, #tpu.memory_space<hbm>>
      tpu.enqueue_dma source(%arg4 : memref<625x32xf32, #tpu.memory_space<vmem>>) target(%dma_start3A_1372 : memref<625x32xf32, #tpu.memory_space<hbm>>) target_semaphore(%run_scoped3A : memref<!tpu.dma_semaphore, #tpu.memory_space<semaphore_mem>>)
      %dma_wait3A_1373 = arith.constant 0 : i32
      %dma_wait3A_1374 = tpu.memref_slice %arg3[%add3A_448, %dma_wait3A_1373] : memref<1002048x32xf32, #tpu.memory_space<hbm>> -> memref<625x32xf32, #tpu.memory_space<hbm>>
      %dma_wait3A_1375 = arith.constant 0 : i32
      %dma_wait3A_1376 = tpu.memref_slice %arg3[%add3A_448, %dma_wait3A_1375] : memref<1002048x32xf32, #tpu.memory_space<hbm>> -> memref<625x32xf32, #tpu.memory_space<hbm>>
      tpu.wait_dma2 semaphore(%run_scoped3A : memref<!tpu.dma_semaphore, #tpu.memory_space<semaphore_mem>>) src(%arg4 : memref<625x32xf32, #tpu.memory_space<vmem>>) dst(%dma_wait3A_1376 : memref<625x32xf32, #tpu.memory_space<hbm>>)
      tpu.yield
    }) : () -> ()
    %dma_wait3A_449 = arith.constant 0 : i32
    %dma_wait3A_450 = tpu.memref_slice %arg2[%mul3A_2, %dma_wait3A_449] : memref<1000000x32xf32, #tpu.memory_space<hbm>> -> memref<625x32xf32, #tpu.memory_space<hbm>>
    %dma_wait3A_451 = arith.constant 0 : i32
    %dma_wait3A_452 = tpu.memref_slice %arg2[%mul3A_2, %dma_wait3A_451] : memref<1000000x32xf32, #tpu.memory_space<hbm>> -> memref<625x32xf32, #tpu.memory_space<hbm>>
    tpu.wait_dma2 semaphore(%arg8 : memref<!tpu.dma_semaphore, #tpu.memory_space<semaphore_mem>>) src(%dma_wait3A_452 : memref<625x32xf32, #tpu.memory_space<hbm>>) dst(%arg5 : memref<625x32xf32, #tpu.memory_space<vmem>>)
    %add3A_453 = arith.constant 23750 : i32
    %add3A_454 = arith.addi %mul3A_2, %add3A_453 : i32
    %dma_start3A_455 = arith.constant 0 : i32
    %dma_start3A_456 = tpu.memref_slice %arg2[%add3A_454, %dma_start3A_455] : memref<1000000x32xf32, #tpu.memory_space<hbm>> -> memref<625x32xf32, #tpu.memory_space<hbm>>
    %dma_start3A_457 = arith.constant 0 : i32
    %dma_start3A_458 = tpu.memref_slice %arg2[%add3A_454, %dma_start3A_457] : memref<1000000x32xf32, #tpu.memory_space<hbm>> -> memref<625x32xf32, #tpu.memory_space<hbm>>
    tpu.enqueue_dma source(%dma_start3A_458 : memref<625x32xf32, #tpu.memory_space<hbm>>) target(%arg4 : memref<625x32xf32, #tpu.memory_space<vmem>>) target_semaphore(%arg7 : memref<!tpu.dma_semaphore, #tpu.memory_space<semaphore_mem>>)
    %add3A_459 = arith.constant 23125 : i32
    %add3A_460 = arith.addi %mul3A_2, %add3A_459 : i32
    "tpu.region"() ({
      %run_scoped3A = tpu.sem_alloc : memref<!tpu.dma_semaphore, #tpu.memory_space<semaphore_mem>>
      %dma_start3A_1369 = arith.constant 0 : i32
      %dma_start3A_1370 = tpu.memref_slice %arg3[%add3A_460, %dma_start3A_1369] : memref<1002048x32xf32, #tpu.memory_space<hbm>> -> memref<625x32xf32, #tpu.memory_space<hbm>>
      %dma_start3A_1371 = arith.constant 0 : i32
      %dma_start3A_1372 = tpu.memref_slice %arg3[%add3A_460, %dma_start3A_1371] : memref<1002048x32xf32, #tpu.memory_space<hbm>> -> memref<625x32xf32, #tpu.memory_space<hbm>>
      tpu.enqueue_dma source(%arg5 : memref<625x32xf32, #tpu.memory_space<vmem>>) target(%dma_start3A_1372 : memref<625x32xf32, #tpu.memory_space<hbm>>) target_semaphore(%run_scoped3A : memref<!tpu.dma_semaphore, #tpu.memory_space<semaphore_mem>>)
      %dma_wait3A_1373 = arith.constant 0 : i32
      %dma_wait3A_1374 = tpu.memref_slice %arg3[%add3A_460, %dma_wait3A_1373] : memref<1002048x32xf32, #tpu.memory_space<hbm>> -> memref<625x32xf32, #tpu.memory_space<hbm>>
      %dma_wait3A_1375 = arith.constant 0 : i32
      %dma_wait3A_1376 = tpu.memref_slice %arg3[%add3A_460, %dma_wait3A_1375] : memref<1002048x32xf32, #tpu.memory_space<hbm>> -> memref<625x32xf32, #tpu.memory_space<hbm>>
      tpu.wait_dma2 semaphore(%run_scoped3A : memref<!tpu.dma_semaphore, #tpu.memory_space<semaphore_mem>>) src(%arg5 : memref<625x32xf32, #tpu.memory_space<vmem>>) dst(%dma_wait3A_1376 : memref<625x32xf32, #tpu.memory_space<hbm>>)
      tpu.yield
    }) : () -> ()
    %dma_wait3A_461 = arith.constant 0 : i32
    %dma_wait3A_462 = tpu.memref_slice %arg2[%mul3A_2, %dma_wait3A_461] : memref<1000000x32xf32, #tpu.memory_space<hbm>> -> memref<625x32xf32, #tpu.memory_space<hbm>>
    %dma_wait3A_463 = arith.constant 0 : i32
    %dma_wait3A_464 = tpu.memref_slice %arg2[%mul3A_2, %dma_wait3A_463] : memref<1000000x32xf32, #tpu.memory_space<hbm>> -> memref<625x32xf32, #tpu.memory_space<hbm>>
    tpu.wait_dma2 semaphore(%arg7 : memref<!tpu.dma_semaphore, #tpu.memory_space<semaphore_mem>>) src(%dma_wait3A_464 : memref<625x32xf32, #tpu.memory_space<hbm>>) dst(%arg4 : memref<625x32xf32, #tpu.memory_space<vmem>>)
    %add3A_465 = arith.constant 24375 : i32
    %add3A_466 = arith.addi %mul3A_2, %add3A_465 : i32
    %dma_start3A_467 = arith.constant 0 : i32
    %dma_start3A_468 = tpu.memref_slice %arg2[%add3A_466, %dma_start3A_467] : memref<1000000x32xf32, #tpu.memory_space<hbm>> -> memref<625x32xf32, #tpu.memory_space<hbm>>
    %dma_start3A_469 = arith.constant 0 : i32
    %dma_start3A_470 = tpu.memref_slice %arg2[%add3A_466, %dma_start3A_469] : memref<1000000x32xf32, #tpu.memory_space<hbm>> -> memref<625x32xf32, #tpu.memory_space<hbm>>
    tpu.enqueue_dma source(%dma_start3A_470 : memref<625x32xf32, #tpu.memory_space<hbm>>) target(%arg5 : memref<625x32xf32, #tpu.memory_space<vmem>>) target_semaphore(%arg8 : memref<!tpu.dma_semaphore, #tpu.memory_space<semaphore_mem>>)
    %add3A_471 = arith.constant 23750 : i32
    %add3A_472 = arith.addi %mul3A_2, %add3A_471 : i32
    "tpu.region"() ({
      %run_scoped3A = tpu.sem_alloc : memref<!tpu.dma_semaphore, #tpu.memory_space<semaphore_mem>>
      %dma_start3A_1369 = arith.constant 0 : i32
      %dma_start3A_1370 = tpu.memref_slice %arg3[%add3A_472, %dma_start3A_1369] : memref<1002048x32xf32, #tpu.memory_space<hbm>> -> memref<625x32xf32, #tpu.memory_space<hbm>>
      %dma_start3A_1371 = arith.constant 0 : i32
      %dma_start3A_1372 = tpu.memref_slice %arg3[%add3A_472, %dma_start3A_1371] : memref<1002048x32xf32, #tpu.memory_space<hbm>> -> memref<625x32xf32, #tpu.memory_space<hbm>>
      tpu.enqueue_dma source(%arg4 : memref<625x32xf32, #tpu.memory_space<vmem>>) target(%dma_start3A_1372 : memref<625x32xf32, #tpu.memory_space<hbm>>) target_semaphore(%run_scoped3A : memref<!tpu.dma_semaphore, #tpu.memory_space<semaphore_mem>>)
      %dma_wait3A_1373 = arith.constant 0 : i32
      %dma_wait3A_1374 = tpu.memref_slice %arg3[%add3A_472, %dma_wait3A_1373] : memref<1002048x32xf32, #tpu.memory_space<hbm>> -> memref<625x32xf32, #tpu.memory_space<hbm>>
      %dma_wait3A_1375 = arith.constant 0 : i32
      %dma_wait3A_1376 = tpu.memref_slice %arg3[%add3A_472, %dma_wait3A_1375] : memref<1002048x32xf32, #tpu.memory_space<hbm>> -> memref<625x32xf32, #tpu.memory_space<hbm>>
      tpu.wait_dma2 semaphore(%run_scoped3A : memref<!tpu.dma_semaphore, #tpu.memory_space<semaphore_mem>>) src(%arg4 : memref<625x32xf32, #tpu.memory_space<vmem>>) dst(%dma_wait3A_1376 : memref<625x32xf32, #tpu.memory_space<hbm>>)
      tpu.yield
    }) : () -> ()
    %dma_wait3A_473 = arith.constant 0 : i32
    %dma_wait3A_474 = tpu.memref_slice %arg2[%mul3A_2, %dma_wait3A_473] : memref<1000000x32xf32, #tpu.memory_space<hbm>> -> memref<625x32xf32, #tpu.memory_space<hbm>>
    %dma_wait3A_475 = arith.constant 0 : i32
    %dma_wait3A_476 = tpu.memref_slice %arg2[%mul3A_2, %dma_wait3A_475] : memref<1000000x32xf32, #tpu.memory_space<hbm>> -> memref<625x32xf32, #tpu.memory_space<hbm>>
    tpu.wait_dma2 semaphore(%arg8 : memref<!tpu.dma_semaphore, #tpu.memory_space<semaphore_mem>>) src(%dma_wait3A_476 : memref<625x32xf32, #tpu.memory_space<hbm>>) dst(%arg5 : memref<625x32xf32, #tpu.memory_space<vmem>>)
    %add3A_477 = arith.constant 25000 : i32
    %add3A_478 = arith.addi %mul3A_2, %add3A_477 : i32
    %dma_start3A_479 = arith.constant 0 : i32
    %dma_start3A_480 = tpu.memref_slice %arg2[%add3A_478, %dma_start3A_479] : memref<1000000x32xf32, #tpu.memory_space<hbm>> -> memref<625x32xf32, #tpu.memory_space<hbm>>
    %dma_start3A_481 = arith.constant 0 : i32
    %dma_start3A_482 = tpu.memref_slice %arg2[%add3A_478, %dma_start3A_481] : memref<1000000x32xf32, #tpu.memory_space<hbm>> -> memref<625x32xf32, #tpu.memory_space<hbm>>
    tpu.enqueue_dma source(%dma_start3A_482 : memref<625x32xf32, #tpu.memory_space<hbm>>) target(%arg4 : memref<625x32xf32, #tpu.memory_space<vmem>>) target_semaphore(%arg7 : memref<!tpu.dma_semaphore, #tpu.memory_space<semaphore_mem>>)
    %add3A_483 = arith.constant 24375 : i32
    %add3A_484 = arith.addi %mul3A_2, %add3A_483 : i32
    "tpu.region"() ({
      %run_scoped3A = tpu.sem_alloc : memref<!tpu.dma_semaphore, #tpu.memory_space<semaphore_mem>>
      %dma_start3A_1369 = arith.constant 0 : i32
      %dma_start3A_1370 = tpu.memref_slice %arg3[%add3A_484, %dma_start3A_1369] : memref<1002048x32xf32, #tpu.memory_space<hbm>> -> memref<625x32xf32, #tpu.memory_space<hbm>>
      %dma_start3A_1371 = arith.constant 0 : i32
      %dma_start3A_1372 = tpu.memref_slice %arg3[%add3A_484, %dma_start3A_1371] : memref<1002048x32xf32, #tpu.memory_space<hbm>> -> memref<625x32xf32, #tpu.memory_space<hbm>>
      tpu.enqueue_dma source(%arg5 : memref<625x32xf32, #tpu.memory_space<vmem>>) target(%dma_start3A_1372 : memref<625x32xf32, #tpu.memory_space<hbm>>) target_semaphore(%run_scoped3A : memref<!tpu.dma_semaphore, #tpu.memory_space<semaphore_mem>>)
      %dma_wait3A_1373 = arith.constant 0 : i32
      %dma_wait3A_1374 = tpu.memref_slice %arg3[%add3A_484, %dma_wait3A_1373] : memref<1002048x32xf32, #tpu.memory_space<hbm>> -> memref<625x32xf32, #tpu.memory_space<hbm>>
      %dma_wait3A_1375 = arith.constant 0 : i32
      %dma_wait3A_1376 = tpu.memref_slice %arg3[%add3A_484, %dma_wait3A_1375] : memref<1002048x32xf32, #tpu.memory_space<hbm>> -> memref<625x32xf32, #tpu.memory_space<hbm>>
      tpu.wait_dma2 semaphore(%run_scoped3A : memref<!tpu.dma_semaphore, #tpu.memory_space<semaphore_mem>>) src(%arg5 : memref<625x32xf32, #tpu.memory_space<vmem>>) dst(%dma_wait3A_1376 : memref<625x32xf32, #tpu.memory_space<hbm>>)
      tpu.yield
    }) : () -> ()
    %dma_wait3A_485 = arith.constant 0 : i32
    %dma_wait3A_486 = tpu.memref_slice %arg2[%mul3A_2, %dma_wait3A_485] : memref<1000000x32xf32, #tpu.memory_space<hbm>> -> memref<625x32xf32, #tpu.memory_space<hbm>>
    %dma_wait3A_487 = arith.constant 0 : i32
    %dma_wait3A_488 = tpu.memref_slice %arg2[%mul3A_2, %dma_wait3A_487] : memref<1000000x32xf32, #tpu.memory_space<hbm>> -> memref<625x32xf32, #tpu.memory_space<hbm>>
    tpu.wait_dma2 semaphore(%arg7 : memref<!tpu.dma_semaphore, #tpu.memory_space<semaphore_mem>>) src(%dma_wait3A_488 : memref<625x32xf32, #tpu.memory_space<hbm>>) dst(%arg4 : memref<625x32xf32, #tpu.memory_space<vmem>>)
    %add3A_489 = arith.constant 25625 : i32
    %add3A_490 = arith.addi %mul3A_2, %add3A_489 : i32
    %dma_start3A_491 = arith.constant 0 : i32
    %dma_start3A_492 = tpu.memref_slice %arg2[%add3A_490, %dma_start3A_491] : memref<1000000x32xf32, #tpu.memory_space<hbm>> -> memref<625x32xf32, #tpu.memory_space<hbm>>
    %dma_start3A_493 = arith.constant 0 : i32
    %dma_start3A_494 = tpu.memref_slice %arg2[%add3A_490, %dma_start3A_493] : memref<1000000x32xf32, #tpu.memory_space<hbm>> -> memref<625x32xf32, #tpu.memory_space<hbm>>
    tpu.enqueue_dma source(%dma_start3A_494 : memref<625x32xf32, #tpu.memory_space<hbm>>) target(%arg5 : memref<625x32xf32, #tpu.memory_space<vmem>>) target_semaphore(%arg8 : memref<!tpu.dma_semaphore, #tpu.memory_space<semaphore_mem>>)
    %add3A_495 = arith.constant 25000 : i32
    %add3A_496 = arith.addi %mul3A_2, %add3A_495 : i32
    "tpu.region"() ({
      %run_scoped3A = tpu.sem_alloc : memref<!tpu.dma_semaphore, #tpu.memory_space<semaphore_mem>>
      %dma_start3A_1369 = arith.constant 0 : i32
      %dma_start3A_1370 = tpu.memref_slice %arg3[%add3A_496, %dma_start3A_1369] : memref<1002048x32xf32, #tpu.memory_space<hbm>> -> memref<625x32xf32, #tpu.memory_space<hbm>>
      %dma_start3A_1371 = arith.constant 0 : i32
      %dma_start3A_1372 = tpu.memref_slice %arg3[%add3A_496, %dma_start3A_1371] : memref<1002048x32xf32, #tpu.memory_space<hbm>> -> memref<625x32xf32, #tpu.memory_space<hbm>>
      tpu.enqueue_dma source(%arg4 : memref<625x32xf32, #tpu.memory_space<vmem>>) target(%dma_start3A_1372 : memref<625x32xf32, #tpu.memory_space<hbm>>) target_semaphore(%run_scoped3A : memref<!tpu.dma_semaphore, #tpu.memory_space<semaphore_mem>>)
      %dma_wait3A_1373 = arith.constant 0 : i32
      %dma_wait3A_1374 = tpu.memref_slice %arg3[%add3A_496, %dma_wait3A_1373] : memref<1002048x32xf32, #tpu.memory_space<hbm>> -> memref<625x32xf32, #tpu.memory_space<hbm>>
      %dma_wait3A_1375 = arith.constant 0 : i32
      %dma_wait3A_1376 = tpu.memref_slice %arg3[%add3A_496, %dma_wait3A_1375] : memref<1002048x32xf32, #tpu.memory_space<hbm>> -> memref<625x32xf32, #tpu.memory_space<hbm>>
      tpu.wait_dma2 semaphore(%run_scoped3A : memref<!tpu.dma_semaphore, #tpu.memory_space<semaphore_mem>>) src(%arg4 : memref<625x32xf32, #tpu.memory_space<vmem>>) dst(%dma_wait3A_1376 : memref<625x32xf32, #tpu.memory_space<hbm>>)
      tpu.yield
    }) : () -> ()
    %dma_wait3A_497 = arith.constant 0 : i32
    %dma_wait3A_498 = tpu.memref_slice %arg2[%mul3A_2, %dma_wait3A_497] : memref<1000000x32xf32, #tpu.memory_space<hbm>> -> memref<625x32xf32, #tpu.memory_space<hbm>>
    %dma_wait3A_499 = arith.constant 0 : i32
    %dma_wait3A_500 = tpu.memref_slice %arg2[%mul3A_2, %dma_wait3A_499] : memref<1000000x32xf32, #tpu.memory_space<hbm>> -> memref<625x32xf32, #tpu.memory_space<hbm>>
    tpu.wait_dma2 semaphore(%arg8 : memref<!tpu.dma_semaphore, #tpu.memory_space<semaphore_mem>>) src(%dma_wait3A_500 : memref<625x32xf32, #tpu.memory_space<hbm>>) dst(%arg5 : memref<625x32xf32, #tpu.memory_space<vmem>>)
    %add3A_501 = arith.constant 26250 : i32
    %add3A_502 = arith.addi %mul3A_2, %add3A_501 : i32
    %dma_start3A_503 = arith.constant 0 : i32
    %dma_start3A_504 = tpu.memref_slice %arg2[%add3A_502, %dma_start3A_503] : memref<1000000x32xf32, #tpu.memory_space<hbm>> -> memref<625x32xf32, #tpu.memory_space<hbm>>
    %dma_start3A_505 = arith.constant 0 : i32
    %dma_start3A_506 = tpu.memref_slice %arg2[%add3A_502, %dma_start3A_505] : memref<1000000x32xf32, #tpu.memory_space<hbm>> -> memref<625x32xf32, #tpu.memory_space<hbm>>
    tpu.enqueue_dma source(%dma_start3A_506 : memref<625x32xf32, #tpu.memory_space<hbm>>) target(%arg4 : memref<625x32xf32, #tpu.memory_space<vmem>>) target_semaphore(%arg7 : memref<!tpu.dma_semaphore, #tpu.memory_space<semaphore_mem>>)
    %add3A_507 = arith.constant 25625 : i32
    %add3A_508 = arith.addi %mul3A_2, %add3A_507 : i32
    "tpu.region"() ({
      %run_scoped3A = tpu.sem_alloc : memref<!tpu.dma_semaphore, #tpu.memory_space<semaphore_mem>>
      %dma_start3A_1369 = arith.constant 0 : i32
      %dma_start3A_1370 = tpu.memref_slice %arg3[%add3A_508, %dma_start3A_1369] : memref<1002048x32xf32, #tpu.memory_space<hbm>> -> memref<625x32xf32, #tpu.memory_space<hbm>>
      %dma_start3A_1371 = arith.constant 0 : i32
      %dma_start3A_1372 = tpu.memref_slice %arg3[%add3A_508, %dma_start3A_1371] : memref<1002048x32xf32, #tpu.memory_space<hbm>> -> memref<625x32xf32, #tpu.memory_space<hbm>>
      tpu.enqueue_dma source(%arg5 : memref<625x32xf32, #tpu.memory_space<vmem>>) target(%dma_start3A_1372 : memref<625x32xf32, #tpu.memory_space<hbm>>) target_semaphore(%run_scoped3A : memref<!tpu.dma_semaphore, #tpu.memory_space<semaphore_mem>>)
      %dma_wait3A_1373 = arith.constant 0 : i32
      %dma_wait3A_1374 = tpu.memref_slice %arg3[%add3A_508, %dma_wait3A_1373] : memref<1002048x32xf32, #tpu.memory_space<hbm>> -> memref<625x32xf32, #tpu.memory_space<hbm>>
      %dma_wait3A_1375 = arith.constant 0 : i32
      %dma_wait3A_1376 = tpu.memref_slice %arg3[%add3A_508, %dma_wait3A_1375] : memref<1002048x32xf32, #tpu.memory_space<hbm>> -> memref<625x32xf32, #tpu.memory_space<hbm>>
      tpu.wait_dma2 semaphore(%run_scoped3A : memref<!tpu.dma_semaphore, #tpu.memory_space<semaphore_mem>>) src(%arg5 : memref<625x32xf32, #tpu.memory_space<vmem>>) dst(%dma_wait3A_1376 : memref<625x32xf32, #tpu.memory_space<hbm>>)
      tpu.yield
    }) : () -> ()
    %dma_wait3A_509 = arith.constant 0 : i32
    %dma_wait3A_510 = tpu.memref_slice %arg2[%mul3A_2, %dma_wait3A_509] : memref<1000000x32xf32, #tpu.memory_space<hbm>> -> memref<625x32xf32, #tpu.memory_space<hbm>>
    %dma_wait3A_511 = arith.constant 0 : i32
    %dma_wait3A_512 = tpu.memref_slice %arg2[%mul3A_2, %dma_wait3A_511] : memref<1000000x32xf32, #tpu.memory_space<hbm>> -> memref<625x32xf32, #tpu.memory_space<hbm>>
    tpu.wait_dma2 semaphore(%arg7 : memref<!tpu.dma_semaphore, #tpu.memory_space<semaphore_mem>>) src(%dma_wait3A_512 : memref<625x32xf32, #tpu.memory_space<hbm>>) dst(%arg4 : memref<625x32xf32, #tpu.memory_space<vmem>>)
    %add3A_513 = arith.constant 26875 : i32
    %add3A_514 = arith.addi %mul3A_2, %add3A_513 : i32
    %dma_start3A_515 = arith.constant 0 : i32
    %dma_start3A_516 = tpu.memref_slice %arg2[%add3A_514, %dma_start3A_515] : memref<1000000x32xf32, #tpu.memory_space<hbm>> -> memref<625x32xf32, #tpu.memory_space<hbm>>
    %dma_start3A_517 = arith.constant 0 : i32
    %dma_start3A_518 = tpu.memref_slice %arg2[%add3A_514, %dma_start3A_517] : memref<1000000x32xf32, #tpu.memory_space<hbm>> -> memref<625x32xf32, #tpu.memory_space<hbm>>
    tpu.enqueue_dma source(%dma_start3A_518 : memref<625x32xf32, #tpu.memory_space<hbm>>) target(%arg5 : memref<625x32xf32, #tpu.memory_space<vmem>>) target_semaphore(%arg8 : memref<!tpu.dma_semaphore, #tpu.memory_space<semaphore_mem>>)
    %add3A_519 = arith.constant 26250 : i32
    %add3A_520 = arith.addi %mul3A_2, %add3A_519 : i32
    "tpu.region"() ({
      %run_scoped3A = tpu.sem_alloc : memref<!tpu.dma_semaphore, #tpu.memory_space<semaphore_mem>>
      %dma_start3A_1369 = arith.constant 0 : i32
      %dma_start3A_1370 = tpu.memref_slice %arg3[%add3A_520, %dma_start3A_1369] : memref<1002048x32xf32, #tpu.memory_space<hbm>> -> memref<625x32xf32, #tpu.memory_space<hbm>>
      %dma_start3A_1371 = arith.constant 0 : i32
      %dma_start3A_1372 = tpu.memref_slice %arg3[%add3A_520, %dma_start3A_1371] : memref<1002048x32xf32, #tpu.memory_space<hbm>> -> memref<625x32xf32, #tpu.memory_space<hbm>>
      tpu.enqueue_dma source(%arg4 : memref<625x32xf32, #tpu.memory_space<vmem>>) target(%dma_start3A_1372 : memref<625x32xf32, #tpu.memory_space<hbm>>) target_semaphore(%run_scoped3A : memref<!tpu.dma_semaphore, #tpu.memory_space<semaphore_mem>>)
      %dma_wait3A_1373 = arith.constant 0 : i32
      %dma_wait3A_1374 = tpu.memref_slice %arg3[%add3A_520, %dma_wait3A_1373] : memref<1002048x32xf32, #tpu.memory_space<hbm>> -> memref<625x32xf32, #tpu.memory_space<hbm>>
      %dma_wait3A_1375 = arith.constant 0 : i32
      %dma_wait3A_1376 = tpu.memref_slice %arg3[%add3A_520, %dma_wait3A_1375] : memref<1002048x32xf32, #tpu.memory_space<hbm>> -> memref<625x32xf32, #tpu.memory_space<hbm>>
      tpu.wait_dma2 semaphore(%run_scoped3A : memref<!tpu.dma_semaphore, #tpu.memory_space<semaphore_mem>>) src(%arg4 : memref<625x32xf32, #tpu.memory_space<vmem>>) dst(%dma_wait3A_1376 : memref<625x32xf32, #tpu.memory_space<hbm>>)
      tpu.yield
    }) : () -> ()
    %dma_wait3A_521 = arith.constant 0 : i32
    %dma_wait3A_522 = tpu.memref_slice %arg2[%mul3A_2, %dma_wait3A_521] : memref<1000000x32xf32, #tpu.memory_space<hbm>> -> memref<625x32xf32, #tpu.memory_space<hbm>>
    %dma_wait3A_523 = arith.constant 0 : i32
    %dma_wait3A_524 = tpu.memref_slice %arg2[%mul3A_2, %dma_wait3A_523] : memref<1000000x32xf32, #tpu.memory_space<hbm>> -> memref<625x32xf32, #tpu.memory_space<hbm>>
    tpu.wait_dma2 semaphore(%arg8 : memref<!tpu.dma_semaphore, #tpu.memory_space<semaphore_mem>>) src(%dma_wait3A_524 : memref<625x32xf32, #tpu.memory_space<hbm>>) dst(%arg5 : memref<625x32xf32, #tpu.memory_space<vmem>>)
    %add3A_525 = arith.constant 27500 : i32
    %add3A_526 = arith.addi %mul3A_2, %add3A_525 : i32
    %dma_start3A_527 = arith.constant 0 : i32
    %dma_start3A_528 = tpu.memref_slice %arg2[%add3A_526, %dma_start3A_527] : memref<1000000x32xf32, #tpu.memory_space<hbm>> -> memref<625x32xf32, #tpu.memory_space<hbm>>
    %dma_start3A_529 = arith.constant 0 : i32
    %dma_start3A_530 = tpu.memref_slice %arg2[%add3A_526, %dma_start3A_529] : memref<1000000x32xf32, #tpu.memory_space<hbm>> -> memref<625x32xf32, #tpu.memory_space<hbm>>
    tpu.enqueue_dma source(%dma_start3A_530 : memref<625x32xf32, #tpu.memory_space<hbm>>) target(%arg4 : memref<625x32xf32, #tpu.memory_space<vmem>>) target_semaphore(%arg7 : memref<!tpu.dma_semaphore, #tpu.memory_space<semaphore_mem>>)
    %add3A_531 = arith.constant 26875 : i32
    %add3A_532 = arith.addi %mul3A_2, %add3A_531 : i32
    "tpu.region"() ({
      %run_scoped3A = tpu.sem_alloc : memref<!tpu.dma_semaphore, #tpu.memory_space<semaphore_mem>>
      %dma_start3A_1369 = arith.constant 0 : i32
      %dma_start3A_1370 = tpu.memref_slice %arg3[%add3A_532, %dma_start3A_1369] : memref<1002048x32xf32, #tpu.memory_space<hbm>> -> memref<625x32xf32, #tpu.memory_space<hbm>>
      %dma_start3A_1371 = arith.constant 0 : i32
      %dma_start3A_1372 = tpu.memref_slice %arg3[%add3A_532, %dma_start3A_1371] : memref<1002048x32xf32, #tpu.memory_space<hbm>> -> memref<625x32xf32, #tpu.memory_space<hbm>>
      tpu.enqueue_dma source(%arg5 : memref<625x32xf32, #tpu.memory_space<vmem>>) target(%dma_start3A_1372 : memref<625x32xf32, #tpu.memory_space<hbm>>) target_semaphore(%run_scoped3A : memref<!tpu.dma_semaphore, #tpu.memory_space<semaphore_mem>>)
      %dma_wait3A_1373 = arith.constant 0 : i32
      %dma_wait3A_1374 = tpu.memref_slice %arg3[%add3A_532, %dma_wait3A_1373] : memref<1002048x32xf32, #tpu.memory_space<hbm>> -> memref<625x32xf32, #tpu.memory_space<hbm>>
      %dma_wait3A_1375 = arith.constant 0 : i32
      %dma_wait3A_1376 = tpu.memref_slice %arg3[%add3A_532, %dma_wait3A_1375] : memref<1002048x32xf32, #tpu.memory_space<hbm>> -> memref<625x32xf32, #tpu.memory_space<hbm>>
      tpu.wait_dma2 semaphore(%run_scoped3A : memref<!tpu.dma_semaphore, #tpu.memory_space<semaphore_mem>>) src(%arg5 : memref<625x32xf32, #tpu.memory_space<vmem>>) dst(%dma_wait3A_1376 : memref<625x32xf32, #tpu.memory_space<hbm>>)
      tpu.yield
    }) : () -> ()
    %dma_wait3A_533 = arith.constant 0 : i32
    %dma_wait3A_534 = tpu.memref_slice %arg2[%mul3A_2, %dma_wait3A_533] : memref<1000000x32xf32, #tpu.memory_space<hbm>> -> memref<625x32xf32, #tpu.memory_space<hbm>>
    %dma_wait3A_535 = arith.constant 0 : i32
    %dma_wait3A_536 = tpu.memref_slice %arg2[%mul3A_2, %dma_wait3A_535] : memref<1000000x32xf32, #tpu.memory_space<hbm>> -> memref<625x32xf32, #tpu.memory_space<hbm>>
    tpu.wait_dma2 semaphore(%arg7 : memref<!tpu.dma_semaphore, #tpu.memory_space<semaphore_mem>>) src(%dma_wait3A_536 : memref<625x32xf32, #tpu.memory_space<hbm>>) dst(%arg4 : memref<625x32xf32, #tpu.memory_space<vmem>>)
    %add3A_537 = arith.constant 28125 : i32
    %add3A_538 = arith.addi %mul3A_2, %add3A_537 : i32
    %dma_start3A_539 = arith.constant 0 : i32
    %dma_start3A_540 = tpu.memref_slice %arg2[%add3A_538, %dma_start3A_539] : memref<1000000x32xf32, #tpu.memory_space<hbm>> -> memref<625x32xf32, #tpu.memory_space<hbm>>
    %dma_start3A_541 = arith.constant 0 : i32
    %dma_start3A_542 = tpu.memref_slice %arg2[%add3A_538, %dma_start3A_541] : memref<1000000x32xf32, #tpu.memory_space<hbm>> -> memref<625x32xf32, #tpu.memory_space<hbm>>
    tpu.enqueue_dma source(%dma_start3A_542 : memref<625x32xf32, #tpu.memory_space<hbm>>) target(%arg5 : memref<625x32xf32, #tpu.memory_space<vmem>>) target_semaphore(%arg8 : memref<!tpu.dma_semaphore, #tpu.memory_space<semaphore_mem>>)
    %add3A_543 = arith.constant 27500 : i32
    %add3A_544 = arith.addi %mul3A_2, %add3A_543 : i32
    "tpu.region"() ({
      %run_scoped3A = tpu.sem_alloc : memref<!tpu.dma_semaphore, #tpu.memory_space<semaphore_mem>>
      %dma_start3A_1369 = arith.constant 0 : i32
      %dma_start3A_1370 = tpu.memref_slice %arg3[%add3A_544, %dma_start3A_1369] : memref<1002048x32xf32, #tpu.memory_space<hbm>> -> memref<625x32xf32, #tpu.memory_space<hbm>>
      %dma_start3A_1371 = arith.constant 0 : i32
      %dma_start3A_1372 = tpu.memref_slice %arg3[%add3A_544, %dma_start3A_1371] : memref<1002048x32xf32, #tpu.memory_space<hbm>> -> memref<625x32xf32, #tpu.memory_space<hbm>>
      tpu.enqueue_dma source(%arg4 : memref<625x32xf32, #tpu.memory_space<vmem>>) target(%dma_start3A_1372 : memref<625x32xf32, #tpu.memory_space<hbm>>) target_semaphore(%run_scoped3A : memref<!tpu.dma_semaphore, #tpu.memory_space<semaphore_mem>>)
      %dma_wait3A_1373 = arith.constant 0 : i32
      %dma_wait3A_1374 = tpu.memref_slice %arg3[%add3A_544, %dma_wait3A_1373] : memref<1002048x32xf32, #tpu.memory_space<hbm>> -> memref<625x32xf32, #tpu.memory_space<hbm>>
      %dma_wait3A_1375 = arith.constant 0 : i32
      %dma_wait3A_1376 = tpu.memref_slice %arg3[%add3A_544, %dma_wait3A_1375] : memref<1002048x32xf32, #tpu.memory_space<hbm>> -> memref<625x32xf32, #tpu.memory_space<hbm>>
      tpu.wait_dma2 semaphore(%run_scoped3A : memref<!tpu.dma_semaphore, #tpu.memory_space<semaphore_mem>>) src(%arg4 : memref<625x32xf32, #tpu.memory_space<vmem>>) dst(%dma_wait3A_1376 : memref<625x32xf32, #tpu.memory_space<hbm>>)
      tpu.yield
    }) : () -> ()
    %dma_wait3A_545 = arith.constant 0 : i32
    %dma_wait3A_546 = tpu.memref_slice %arg2[%mul3A_2, %dma_wait3A_545] : memref<1000000x32xf32, #tpu.memory_space<hbm>> -> memref<625x32xf32, #tpu.memory_space<hbm>>
    %dma_wait3A_547 = arith.constant 0 : i32
    %dma_wait3A_548 = tpu.memref_slice %arg2[%mul3A_2, %dma_wait3A_547] : memref<1000000x32xf32, #tpu.memory_space<hbm>> -> memref<625x32xf32, #tpu.memory_space<hbm>>
    tpu.wait_dma2 semaphore(%arg8 : memref<!tpu.dma_semaphore, #tpu.memory_space<semaphore_mem>>) src(%dma_wait3A_548 : memref<625x32xf32, #tpu.memory_space<hbm>>) dst(%arg5 : memref<625x32xf32, #tpu.memory_space<vmem>>)
    %add3A_549 = arith.constant 28750 : i32
    %add3A_550 = arith.addi %mul3A_2, %add3A_549 : i32
    %dma_start3A_551 = arith.constant 0 : i32
    %dma_start3A_552 = tpu.memref_slice %arg2[%add3A_550, %dma_start3A_551] : memref<1000000x32xf32, #tpu.memory_space<hbm>> -> memref<625x32xf32, #tpu.memory_space<hbm>>
    %dma_start3A_553 = arith.constant 0 : i32
    %dma_start3A_554 = tpu.memref_slice %arg2[%add3A_550, %dma_start3A_553] : memref<1000000x32xf32, #tpu.memory_space<hbm>> -> memref<625x32xf32, #tpu.memory_space<hbm>>
    tpu.enqueue_dma source(%dma_start3A_554 : memref<625x32xf32, #tpu.memory_space<hbm>>) target(%arg4 : memref<625x32xf32, #tpu.memory_space<vmem>>) target_semaphore(%arg7 : memref<!tpu.dma_semaphore, #tpu.memory_space<semaphore_mem>>)
    %add3A_555 = arith.constant 28125 : i32
    %add3A_556 = arith.addi %mul3A_2, %add3A_555 : i32
    "tpu.region"() ({
      %run_scoped3A = tpu.sem_alloc : memref<!tpu.dma_semaphore, #tpu.memory_space<semaphore_mem>>
      %dma_start3A_1369 = arith.constant 0 : i32
      %dma_start3A_1370 = tpu.memref_slice %arg3[%add3A_556, %dma_start3A_1369] : memref<1002048x32xf32, #tpu.memory_space<hbm>> -> memref<625x32xf32, #tpu.memory_space<hbm>>
      %dma_start3A_1371 = arith.constant 0 : i32
      %dma_start3A_1372 = tpu.memref_slice %arg3[%add3A_556, %dma_start3A_1371] : memref<1002048x32xf32, #tpu.memory_space<hbm>> -> memref<625x32xf32, #tpu.memory_space<hbm>>
      tpu.enqueue_dma source(%arg5 : memref<625x32xf32, #tpu.memory_space<vmem>>) target(%dma_start3A_1372 : memref<625x32xf32, #tpu.memory_space<hbm>>) target_semaphore(%run_scoped3A : memref<!tpu.dma_semaphore, #tpu.memory_space<semaphore_mem>>)
      %dma_wait3A_1373 = arith.constant 0 : i32
      %dma_wait3A_1374 = tpu.memref_slice %arg3[%add3A_556, %dma_wait3A_1373] : memref<1002048x32xf32, #tpu.memory_space<hbm>> -> memref<625x32xf32, #tpu.memory_space<hbm>>
      %dma_wait3A_1375 = arith.constant 0 : i32
      %dma_wait3A_1376 = tpu.memref_slice %arg3[%add3A_556, %dma_wait3A_1375] : memref<1002048x32xf32, #tpu.memory_space<hbm>> -> memref<625x32xf32, #tpu.memory_space<hbm>>
      tpu.wait_dma2 semaphore(%run_scoped3A : memref<!tpu.dma_semaphore, #tpu.memory_space<semaphore_mem>>) src(%arg5 : memref<625x32xf32, #tpu.memory_space<vmem>>) dst(%dma_wait3A_1376 : memref<625x32xf32, #tpu.memory_space<hbm>>)
      tpu.yield
    }) : () -> ()
    %dma_wait3A_557 = arith.constant 0 : i32
    %dma_wait3A_558 = tpu.memref_slice %arg2[%mul3A_2, %dma_wait3A_557] : memref<1000000x32xf32, #tpu.memory_space<hbm>> -> memref<625x32xf32, #tpu.memory_space<hbm>>
    %dma_wait3A_559 = arith.constant 0 : i32
    %dma_wait3A_560 = tpu.memref_slice %arg2[%mul3A_2, %dma_wait3A_559] : memref<1000000x32xf32, #tpu.memory_space<hbm>> -> memref<625x32xf32, #tpu.memory_space<hbm>>
    tpu.wait_dma2 semaphore(%arg7 : memref<!tpu.dma_semaphore, #tpu.memory_space<semaphore_mem>>) src(%dma_wait3A_560 : memref<625x32xf32, #tpu.memory_space<hbm>>) dst(%arg4 : memref<625x32xf32, #tpu.memory_space<vmem>>)
    %add3A_561 = arith.constant 29375 : i32
    %add3A_562 = arith.addi %mul3A_2, %add3A_561 : i32
    %dma_start3A_563 = arith.constant 0 : i32
    %dma_start3A_564 = tpu.memref_slice %arg2[%add3A_562, %dma_start3A_563] : memref<1000000x32xf32, #tpu.memory_space<hbm>> -> memref<625x32xf32, #tpu.memory_space<hbm>>
    %dma_start3A_565 = arith.constant 0 : i32
    %dma_start3A_566 = tpu.memref_slice %arg2[%add3A_562, %dma_start3A_565] : memref<1000000x32xf32, #tpu.memory_space<hbm>> -> memref<625x32xf32, #tpu.memory_space<hbm>>
    tpu.enqueue_dma source(%dma_start3A_566 : memref<625x32xf32, #tpu.memory_space<hbm>>) target(%arg5 : memref<625x32xf32, #tpu.memory_space<vmem>>) target_semaphore(%arg8 : memref<!tpu.dma_semaphore, #tpu.memory_space<semaphore_mem>>)
    %add3A_567 = arith.constant 28750 : i32
    %add3A_568 = arith.addi %mul3A_2, %add3A_567 : i32
    "tpu.region"() ({
      %run_scoped3A = tpu.sem_alloc : memref<!tpu.dma_semaphore, #tpu.memory_space<semaphore_mem>>
      %dma_start3A_1369 = arith.constant 0 : i32
      %dma_start3A_1370 = tpu.memref_slice %arg3[%add3A_568, %dma_start3A_1369] : memref<1002048x32xf32, #tpu.memory_space<hbm>> -> memref<625x32xf32, #tpu.memory_space<hbm>>
      %dma_start3A_1371 = arith.constant 0 : i32
      %dma_start3A_1372 = tpu.memref_slice %arg3[%add3A_568, %dma_start3A_1371] : memref<1002048x32xf32, #tpu.memory_space<hbm>> -> memref<625x32xf32, #tpu.memory_space<hbm>>
      tpu.enqueue_dma source(%arg4 : memref<625x32xf32, #tpu.memory_space<vmem>>) target(%dma_start3A_1372 : memref<625x32xf32, #tpu.memory_space<hbm>>) target_semaphore(%run_scoped3A : memref<!tpu.dma_semaphore, #tpu.memory_space<semaphore_mem>>)
      %dma_wait3A_1373 = arith.constant 0 : i32
      %dma_wait3A_1374 = tpu.memref_slice %arg3[%add3A_568, %dma_wait3A_1373] : memref<1002048x32xf32, #tpu.memory_space<hbm>> -> memref<625x32xf32, #tpu.memory_space<hbm>>
      %dma_wait3A_1375 = arith.constant 0 : i32
      %dma_wait3A_1376 = tpu.memref_slice %arg3[%add3A_568, %dma_wait3A_1375] : memref<1002048x32xf32, #tpu.memory_space<hbm>> -> memref<625x32xf32, #tpu.memory_space<hbm>>
      tpu.wait_dma2 semaphore(%run_scoped3A : memref<!tpu.dma_semaphore, #tpu.memory_space<semaphore_mem>>) src(%arg4 : memref<625x32xf32, #tpu.memory_space<vmem>>) dst(%dma_wait3A_1376 : memref<625x32xf32, #tpu.memory_space<hbm>>)
      tpu.yield
    }) : () -> ()
    %dma_wait3A_569 = arith.constant 0 : i32
    %dma_wait3A_570 = tpu.memref_slice %arg2[%mul3A_2, %dma_wait3A_569] : memref<1000000x32xf32, #tpu.memory_space<hbm>> -> memref<625x32xf32, #tpu.memory_space<hbm>>
    %dma_wait3A_571 = arith.constant 0 : i32
    %dma_wait3A_572 = tpu.memref_slice %arg2[%mul3A_2, %dma_wait3A_571] : memref<1000000x32xf32, #tpu.memory_space<hbm>> -> memref<625x32xf32, #tpu.memory_space<hbm>>
    tpu.wait_dma2 semaphore(%arg8 : memref<!tpu.dma_semaphore, #tpu.memory_space<semaphore_mem>>) src(%dma_wait3A_572 : memref<625x32xf32, #tpu.memory_space<hbm>>) dst(%arg5 : memref<625x32xf32, #tpu.memory_space<vmem>>)
    %add3A_573 = arith.constant 30000 : i32
    %add3A_574 = arith.addi %mul3A_2, %add3A_573 : i32
    %dma_start3A_575 = arith.constant 0 : i32
    %dma_start3A_576 = tpu.memref_slice %arg2[%add3A_574, %dma_start3A_575] : memref<1000000x32xf32, #tpu.memory_space<hbm>> -> memref<625x32xf32, #tpu.memory_space<hbm>>
    %dma_start3A_577 = arith.constant 0 : i32
    %dma_start3A_578 = tpu.memref_slice %arg2[%add3A_574, %dma_start3A_577] : memref<1000000x32xf32, #tpu.memory_space<hbm>> -> memref<625x32xf32, #tpu.memory_space<hbm>>
    tpu.enqueue_dma source(%dma_start3A_578 : memref<625x32xf32, #tpu.memory_space<hbm>>) target(%arg4 : memref<625x32xf32, #tpu.memory_space<vmem>>) target_semaphore(%arg7 : memref<!tpu.dma_semaphore, #tpu.memory_space<semaphore_mem>>)
    %add3A_579 = arith.constant 29375 : i32
    %add3A_580 = arith.addi %mul3A_2, %add3A_579 : i32
    "tpu.region"() ({
      %run_scoped3A = tpu.sem_alloc : memref<!tpu.dma_semaphore, #tpu.memory_space<semaphore_mem>>
      %dma_start3A_1369 = arith.constant 0 : i32
      %dma_start3A_1370 = tpu.memref_slice %arg3[%add3A_580, %dma_start3A_1369] : memref<1002048x32xf32, #tpu.memory_space<hbm>> -> memref<625x32xf32, #tpu.memory_space<hbm>>
      %dma_start3A_1371 = arith.constant 0 : i32
      %dma_start3A_1372 = tpu.memref_slice %arg3[%add3A_580, %dma_start3A_1371] : memref<1002048x32xf32, #tpu.memory_space<hbm>> -> memref<625x32xf32, #tpu.memory_space<hbm>>
      tpu.enqueue_dma source(%arg5 : memref<625x32xf32, #tpu.memory_space<vmem>>) target(%dma_start3A_1372 : memref<625x32xf32, #tpu.memory_space<hbm>>) target_semaphore(%run_scoped3A : memref<!tpu.dma_semaphore, #tpu.memory_space<semaphore_mem>>)
      %dma_wait3A_1373 = arith.constant 0 : i32
      %dma_wait3A_1374 = tpu.memref_slice %arg3[%add3A_580, %dma_wait3A_1373] : memref<1002048x32xf32, #tpu.memory_space<hbm>> -> memref<625x32xf32, #tpu.memory_space<hbm>>
      %dma_wait3A_1375 = arith.constant 0 : i32
      %dma_wait3A_1376 = tpu.memref_slice %arg3[%add3A_580, %dma_wait3A_1375] : memref<1002048x32xf32, #tpu.memory_space<hbm>> -> memref<625x32xf32, #tpu.memory_space<hbm>>
      tpu.wait_dma2 semaphore(%run_scoped3A : memref<!tpu.dma_semaphore, #tpu.memory_space<semaphore_mem>>) src(%arg5 : memref<625x32xf32, #tpu.memory_space<vmem>>) dst(%dma_wait3A_1376 : memref<625x32xf32, #tpu.memory_space<hbm>>)
      tpu.yield
    }) : () -> ()
    %dma_wait3A_581 = arith.constant 0 : i32
    %dma_wait3A_582 = tpu.memref_slice %arg2[%mul3A_2, %dma_wait3A_581] : memref<1000000x32xf32, #tpu.memory_space<hbm>> -> memref<625x32xf32, #tpu.memory_space<hbm>>
    %dma_wait3A_583 = arith.constant 0 : i32
    %dma_wait3A_584 = tpu.memref_slice %arg2[%mul3A_2, %dma_wait3A_583] : memref<1000000x32xf32, #tpu.memory_space<hbm>> -> memref<625x32xf32, #tpu.memory_space<hbm>>
    tpu.wait_dma2 semaphore(%arg7 : memref<!tpu.dma_semaphore, #tpu.memory_space<semaphore_mem>>) src(%dma_wait3A_584 : memref<625x32xf32, #tpu.memory_space<hbm>>) dst(%arg4 : memref<625x32xf32, #tpu.memory_space<vmem>>)
    %add3A_585 = arith.constant 30625 : i32
    %add3A_586 = arith.addi %mul3A_2, %add3A_585 : i32
    %dma_start3A_587 = arith.constant 0 : i32
    %dma_start3A_588 = tpu.memref_slice %arg2[%add3A_586, %dma_start3A_587] : memref<1000000x32xf32, #tpu.memory_space<hbm>> -> memref<625x32xf32, #tpu.memory_space<hbm>>
    %dma_start3A_589 = arith.constant 0 : i32
    %dma_start3A_590 = tpu.memref_slice %arg2[%add3A_586, %dma_start3A_589] : memref<1000000x32xf32, #tpu.memory_space<hbm>> -> memref<625x32xf32, #tpu.memory_space<hbm>>
    tpu.enqueue_dma source(%dma_start3A_590 : memref<625x32xf32, #tpu.memory_space<hbm>>) target(%arg5 : memref<625x32xf32, #tpu.memory_space<vmem>>) target_semaphore(%arg8 : memref<!tpu.dma_semaphore, #tpu.memory_space<semaphore_mem>>)
    %add3A_591 = arith.constant 30000 : i32
    %add3A_592 = arith.addi %mul3A_2, %add3A_591 : i32
    "tpu.region"() ({
      %run_scoped3A = tpu.sem_alloc : memref<!tpu.dma_semaphore, #tpu.memory_space<semaphore_mem>>
      %dma_start3A_1369 = arith.constant 0 : i32
      %dma_start3A_1370 = tpu.memref_slice %arg3[%add3A_592, %dma_start3A_1369] : memref<1002048x32xf32, #tpu.memory_space<hbm>> -> memref<625x32xf32, #tpu.memory_space<hbm>>
      %dma_start3A_1371 = arith.constant 0 : i32
      %dma_start3A_1372 = tpu.memref_slice %arg3[%add3A_592, %dma_start3A_1371] : memref<1002048x32xf32, #tpu.memory_space<hbm>> -> memref<625x32xf32, #tpu.memory_space<hbm>>
      tpu.enqueue_dma source(%arg4 : memref<625x32xf32, #tpu.memory_space<vmem>>) target(%dma_start3A_1372 : memref<625x32xf32, #tpu.memory_space<hbm>>) target_semaphore(%run_scoped3A : memref<!tpu.dma_semaphore, #tpu.memory_space<semaphore_mem>>)
      %dma_wait3A_1373 = arith.constant 0 : i32
      %dma_wait3A_1374 = tpu.memref_slice %arg3[%add3A_592, %dma_wait3A_1373] : memref<1002048x32xf32, #tpu.memory_space<hbm>> -> memref<625x32xf32, #tpu.memory_space<hbm>>
      %dma_wait3A_1375 = arith.constant 0 : i32
      %dma_wait3A_1376 = tpu.memref_slice %arg3[%add3A_592, %dma_wait3A_1375] : memref<1002048x32xf32, #tpu.memory_space<hbm>> -> memref<625x32xf32, #tpu.memory_space<hbm>>
      tpu.wait_dma2 semaphore(%run_scoped3A : memref<!tpu.dma_semaphore, #tpu.memory_space<semaphore_mem>>) src(%arg4 : memref<625x32xf32, #tpu.memory_space<vmem>>) dst(%dma_wait3A_1376 : memref<625x32xf32, #tpu.memory_space<hbm>>)
      tpu.yield
    }) : () -> ()
    %dma_wait3A_593 = arith.constant 0 : i32
    %dma_wait3A_594 = tpu.memref_slice %arg2[%mul3A_2, %dma_wait3A_593] : memref<1000000x32xf32, #tpu.memory_space<hbm>> -> memref<625x32xf32, #tpu.memory_space<hbm>>
    %dma_wait3A_595 = arith.constant 0 : i32
    %dma_wait3A_596 = tpu.memref_slice %arg2[%mul3A_2, %dma_wait3A_595] : memref<1000000x32xf32, #tpu.memory_space<hbm>> -> memref<625x32xf32, #tpu.memory_space<hbm>>
    tpu.wait_dma2 semaphore(%arg8 : memref<!tpu.dma_semaphore, #tpu.memory_space<semaphore_mem>>) src(%dma_wait3A_596 : memref<625x32xf32, #tpu.memory_space<hbm>>) dst(%arg5 : memref<625x32xf32, #tpu.memory_space<vmem>>)
    %add3A_597 = arith.constant 30625 : i32
    %add3A_598 = arith.addi %mul3A_2, %add3A_597 : i32
    "tpu.region"() ({
      %run_scoped3A = tpu.sem_alloc : memref<!tpu.dma_semaphore, #tpu.memory_space<semaphore_mem>>
      %dma_start3A_1369 = arith.constant 0 : i32
      %dma_start3A_1370 = tpu.memref_slice %arg3[%add3A_598, %dma_start3A_1369] : memref<1002048x32xf32, #tpu.memory_space<hbm>> -> memref<625x32xf32, #tpu.memory_space<hbm>>
      %dma_start3A_1371 = arith.constant 0 : i32
      %dma_start3A_1372 = tpu.memref_slice %arg3[%add3A_598, %dma_start3A_1371] : memref<1002048x32xf32, #tpu.memory_space<hbm>> -> memref<625x32xf32, #tpu.memory_space<hbm>>
      tpu.enqueue_dma source(%arg5 : memref<625x32xf32, #tpu.memory_space<vmem>>) target(%dma_start3A_1372 : memref<625x32xf32, #tpu.memory_space<hbm>>) target_semaphore(%run_scoped3A : memref<!tpu.dma_semaphore, #tpu.memory_space<semaphore_mem>>)
      %dma_wait3A_1373 = arith.constant 0 : i32
      %dma_wait3A_1374 = tpu.memref_slice %arg3[%add3A_598, %dma_wait3A_1373] : memref<1002048x32xf32, #tpu.memory_space<hbm>> -> memref<625x32xf32, #tpu.memory_space<hbm>>
      %dma_wait3A_1375 = arith.constant 0 : i32
      %dma_wait3A_1376 = tpu.memref_slice %arg3[%add3A_598, %dma_wait3A_1375] : memref<1002048x32xf32, #tpu.memory_space<hbm>> -> memref<625x32xf32, #tpu.memory_space<hbm>>
      tpu.wait_dma2 semaphore(%run_scoped3A : memref<!tpu.dma_semaphore, #tpu.memory_space<semaphore_mem>>) src(%arg5 : memref<625x32xf32, #tpu.memory_space<vmem>>) dst(%dma_wait3A_1376 : memref<625x32xf32, #tpu.memory_space<hbm>>)
      tpu.yield
    }) : () -> ()
    %broadcast_in_dim3A = arith.constant 0.000000e+00 : f32
    %broadcast_in_dim3A_599 = vector.broadcast %broadcast_in_dim3A : f32 to vector<16xf32>
    %swap3A = arith.constant 0 : i32
    %swap3A_600 = arith.index_cast %swap3A : i32 to index
    %swap3A_601 = arith.constant 0 : index
    %swap3A_602 = tpu.vector_load %arg6[%swap3A_600, %swap3A_601] {strides = array<i32>} : memref<64x32xf32, #tpu.memory_space<vmem>>, vector<16xf32>,
    tpu.vector_store %arg6[%swap3A_600, %swap3A_601], %broadcast_in_dim3A_599 {strides = array<i32>} : memref<64x32xf32, #tpu.memory_space<vmem>>, vector<16xf32>,
    %broadcast_in_dim3A_603 = arith.constant 0.000000e+00 : f32
    %broadcast_in_dim3A_604 = vector.broadcast %broadcast_in_dim3A_603 : f32 to vector<16xf32>
    %swap3A_605 = arith.constant 0 : i32
    %swap3A_606 = arith.index_cast %swap3A_605 : i32 to index
    %swap3A_607 = arith.constant 16 : index
    %swap3A_608 = tpu.vector_load %arg6[%swap3A_606, %swap3A_607] {strides = array<i32>} : memref<64x32xf32, #tpu.memory_space<vmem>>, vector<16xf32>,
    tpu.vector_store %arg6[%swap3A_606, %swap3A_607], %broadcast_in_dim3A_604 {strides = array<i32>} : memref<64x32xf32, #tpu.memory_space<vmem>>, vector<16xf32>,
    %broadcast_in_dim3A_609 = arith.constant 0.000000e+00 : f32
    %broadcast_in_dim3A_610 = vector.broadcast %broadcast_in_dim3A_609 : f32 to vector<16xf32>
    %swap3A_611 = arith.constant 1 : i32
    %swap3A_612 = arith.index_cast %swap3A_611 : i32 to index
    %swap3A_613 = arith.constant 0 : index
    %swap3A_614 = tpu.vector_load %arg6[%swap3A_612, %swap3A_613] {strides = array<i32>} : memref<64x32xf32, #tpu.memory_space<vmem>>, vector<16xf32>,
    tpu.vector_store %arg6[%swap3A_612, %swap3A_613], %broadcast_in_dim3A_610 {strides = array<i32>} : memref<64x32xf32, #tpu.memory_space<vmem>>, vector<16xf32>,
    %broadcast_in_dim3A_615 = arith.constant 0.000000e+00 : f32
    %broadcast_in_dim3A_616 = vector.broadcast %broadcast_in_dim3A_615 : f32 to vector<16xf32>
    %swap3A_617 = arith.constant 1 : i32
    %swap3A_618 = arith.index_cast %swap3A_617 : i32 to index
    %swap3A_619 = arith.constant 16 : index
    %swap3A_620 = tpu.vector_load %arg6[%swap3A_618, %swap3A_619] {strides = array<i32>} : memref<64x32xf32, #tpu.memory_space<vmem>>, vector<16xf32>,
    tpu.vector_store %arg6[%swap3A_618, %swap3A_619], %broadcast_in_dim3A_616 {strides = array<i32>} : memref<64x32xf32, #tpu.memory_space<vmem>>, vector<16xf32>,
    %broadcast_in_dim3A_621 = arith.constant 0.000000e+00 : f32
    %broadcast_in_dim3A_622 = vector.broadcast %broadcast_in_dim3A_621 : f32 to vector<16xf32>
    %swap3A_623 = arith.constant 2 : i32
    %swap3A_624 = arith.index_cast %swap3A_623 : i32 to index
    %swap3A_625 = arith.constant 0 : index
    %swap3A_626 = tpu.vector_load %arg6[%swap3A_624, %swap3A_625] {strides = array<i32>} : memref<64x32xf32, #tpu.memory_space<vmem>>, vector<16xf32>,
    tpu.vector_store %arg6[%swap3A_624, %swap3A_625], %broadcast_in_dim3A_622 {strides = array<i32>} : memref<64x32xf32, #tpu.memory_space<vmem>>, vector<16xf32>,
    %broadcast_in_dim3A_627 = arith.constant 0.000000e+00 : f32
    %broadcast_in_dim3A_628 = vector.broadcast %broadcast_in_dim3A_627 : f32 to vector<16xf32>
    %swap3A_629 = arith.constant 2 : i32
    %swap3A_630 = arith.index_cast %swap3A_629 : i32 to index
    %swap3A_631 = arith.constant 16 : index
    %swap3A_632 = tpu.vector_load %arg6[%swap3A_630, %swap3A_631] {strides = array<i32>} : memref<64x32xf32, #tpu.memory_space<vmem>>, vector<16xf32>,
    tpu.vector_store %arg6[%swap3A_630, %swap3A_631], %broadcast_in_dim3A_628 {strides = array<i32>} : memref<64x32xf32, #tpu.memory_space<vmem>>, vector<16xf32>,
    %broadcast_in_dim3A_633 = arith.constant 0.000000e+00 : f32
    %broadcast_in_dim3A_634 = vector.broadcast %broadcast_in_dim3A_633 : f32 to vector<16xf32>
    %swap3A_635 = arith.constant 3 : i32
    %swap3A_636 = arith.index_cast %swap3A_635 : i32 to index
    %swap3A_637 = arith.constant 0 : index
    %swap3A_638 = tpu.vector_load %arg6[%swap3A_636, %swap3A_637] {strides = array<i32>} : memref<64x32xf32, #tpu.memory_space<vmem>>, vector<16xf32>,
    tpu.vector_store %arg6[%swap3A_636, %swap3A_637], %broadcast_in_dim3A_634 {strides = array<i32>} : memref<64x32xf32, #tpu.memory_space<vmem>>, vector<16xf32>,
    %broadcast_in_dim3A_639 = arith.constant 0.000000e+00 : f32
    %broadcast_in_dim3A_640 = vector.broadcast %broadcast_in_dim3A_639 : f32 to vector<16xf32>
    %swap3A_641 = arith.constant 3 : i32
    %swap3A_642 = arith.index_cast %swap3A_641 : i32 to index
    %swap3A_643 = arith.constant 16 : index
    %swap3A_644 = tpu.vector_load %arg6[%swap3A_642, %swap3A_643] {strides = array<i32>} : memref<64x32xf32, #tpu.memory_space<vmem>>, vector<16xf32>,
    tpu.vector_store %arg6[%swap3A_642, %swap3A_643], %broadcast_in_dim3A_640 {strides = array<i32>} : memref<64x32xf32, #tpu.memory_space<vmem>>, vector<16xf32>,
    %broadcast_in_dim3A_645 = arith.constant 0.000000e+00 : f32
    %broadcast_in_dim3A_646 = vector.broadcast %broadcast_in_dim3A_645 : f32 to vector<16xf32>
    %swap3A_647 = arith.constant 4 : i32
    %swap3A_648 = arith.index_cast %swap3A_647 : i32 to index
    %swap3A_649 = arith.constant 0 : index
    %swap3A_650 = tpu.vector_load %arg6[%swap3A_648, %swap3A_649] {strides = array<i32>} : memref<64x32xf32, #tpu.memory_space<vmem>>, vector<16xf32>,
    tpu.vector_store %arg6[%swap3A_648, %swap3A_649], %broadcast_in_dim3A_646 {strides = array<i32>} : memref<64x32xf32, #tpu.memory_space<vmem>>, vector<16xf32>,
    %broadcast_in_dim3A_651 = arith.constant 0.000000e+00 : f32
    %broadcast_in_dim3A_652 = vector.broadcast %broadcast_in_dim3A_651 : f32 to vector<16xf32>
    %swap3A_653 = arith.constant 4 : i32
    %swap3A_654 = arith.index_cast %swap3A_653 : i32 to index
    %swap3A_655 = arith.constant 16 : index
    %swap3A_656 = tpu.vector_load %arg6[%swap3A_654, %swap3A_655] {strides = array<i32>} : memref<64x32xf32, #tpu.memory_space<vmem>>, vector<16xf32>,
    tpu.vector_store %arg6[%swap3A_654, %swap3A_655], %broadcast_in_dim3A_652 {strides = array<i32>} : memref<64x32xf32, #tpu.memory_space<vmem>>, vector<16xf32>,
    %broadcast_in_dim3A_657 = arith.constant 0.000000e+00 : f32
    %broadcast_in_dim3A_658 = vector.broadcast %broadcast_in_dim3A_657 : f32 to vector<16xf32>
    %swap3A_659 = arith.constant 5 : i32
    %swap3A_660 = arith.index_cast %swap3A_659 : i32 to index
    %swap3A_661 = arith.constant 0 : index
    %swap3A_662 = tpu.vector_load %arg6[%swap3A_660, %swap3A_661] {strides = array<i32>} : memref<64x32xf32, #tpu.memory_space<vmem>>, vector<16xf32>,
    tpu.vector_store %arg6[%swap3A_660, %swap3A_661], %broadcast_in_dim3A_658 {strides = array<i32>} : memref<64x32xf32, #tpu.memory_space<vmem>>, vector<16xf32>,
    %broadcast_in_dim3A_663 = arith.constant 0.000000e+00 : f32
    %broadcast_in_dim3A_664 = vector.broadcast %broadcast_in_dim3A_663 : f32 to vector<16xf32>
    %swap3A_665 = arith.constant 5 : i32
    %swap3A_666 = arith.index_cast %swap3A_665 : i32 to index
    %swap3A_667 = arith.constant 16 : index
    %swap3A_668 = tpu.vector_load %arg6[%swap3A_666, %swap3A_667] {strides = array<i32>} : memref<64x32xf32, #tpu.memory_space<vmem>>, vector<16xf32>,
    tpu.vector_store %arg6[%swap3A_666, %swap3A_667], %broadcast_in_dim3A_664 {strides = array<i32>} : memref<64x32xf32, #tpu.memory_space<vmem>>, vector<16xf32>,
    %broadcast_in_dim3A_669 = arith.constant 0.000000e+00 : f32
    %broadcast_in_dim3A_670 = vector.broadcast %broadcast_in_dim3A_669 : f32 to vector<16xf32>
    %swap3A_671 = arith.constant 6 : i32
    %swap3A_672 = arith.index_cast %swap3A_671 : i32 to index
    %swap3A_673 = arith.constant 0 : index
    %swap3A_674 = tpu.vector_load %arg6[%swap3A_672, %swap3A_673] {strides = array<i32>} : memref<64x32xf32, #tpu.memory_space<vmem>>, vector<16xf32>,
    tpu.vector_store %arg6[%swap3A_672, %swap3A_673], %broadcast_in_dim3A_670 {strides = array<i32>} : memref<64x32xf32, #tpu.memory_space<vmem>>, vector<16xf32>,
    %broadcast_in_dim3A_675 = arith.constant 0.000000e+00 : f32
    %broadcast_in_dim3A_676 = vector.broadcast %broadcast_in_dim3A_675 : f32 to vector<16xf32>
    %swap3A_677 = arith.constant 6 : i32
    %swap3A_678 = arith.index_cast %swap3A_677 : i32 to index
    %swap3A_679 = arith.constant 16 : index
    %swap3A_680 = tpu.vector_load %arg6[%swap3A_678, %swap3A_679] {strides = array<i32>} : memref<64x32xf32, #tpu.memory_space<vmem>>, vector<16xf32>,
    tpu.vector_store %arg6[%swap3A_678, %swap3A_679], %broadcast_in_dim3A_676 {strides = array<i32>} : memref<64x32xf32, #tpu.memory_space<vmem>>, vector<16xf32>,
    %broadcast_in_dim3A_681 = arith.constant 0.000000e+00 : f32
    %broadcast_in_dim3A_682 = vector.broadcast %broadcast_in_dim3A_681 : f32 to vector<16xf32>
    %swap3A_683 = arith.constant 7 : i32
    %swap3A_684 = arith.index_cast %swap3A_683 : i32 to index
    %swap3A_685 = arith.constant 0 : index
    %swap3A_686 = tpu.vector_load %arg6[%swap3A_684, %swap3A_685] {strides = array<i32>} : memref<64x32xf32, #tpu.memory_space<vmem>>, vector<16xf32>,
    tpu.vector_store %arg6[%swap3A_684, %swap3A_685], %broadcast_in_dim3A_682 {strides = array<i32>} : memref<64x32xf32, #tpu.memory_space<vmem>>, vector<16xf32>,
    %broadcast_in_dim3A_687 = arith.constant 0.000000e+00 : f32
    %broadcast_in_dim3A_688 = vector.broadcast %broadcast_in_dim3A_687 : f32 to vector<16xf32>
    %swap3A_689 = arith.constant 7 : i32
    %swap3A_690 = arith.index_cast %swap3A_689 : i32 to index
    %swap3A_691 = arith.constant 16 : index
    %swap3A_692 = tpu.vector_load %arg6[%swap3A_690, %swap3A_691] {strides = array<i32>} : memref<64x32xf32, #tpu.memory_space<vmem>>, vector<16xf32>,
    tpu.vector_store %arg6[%swap3A_690, %swap3A_691], %broadcast_in_dim3A_688 {strides = array<i32>} : memref<64x32xf32, #tpu.memory_space<vmem>>, vector<16xf32>,
    %broadcast_in_dim3A_693 = arith.constant 0.000000e+00 : f32
    %broadcast_in_dim3A_694 = vector.broadcast %broadcast_in_dim3A_693 : f32 to vector<16xf32>
    %swap3A_695 = arith.constant 8 : i32
    %swap3A_696 = arith.index_cast %swap3A_695 : i32 to index
    %swap3A_697 = arith.constant 0 : index
    %swap3A_698 = tpu.vector_load %arg6[%swap3A_696, %swap3A_697] {strides = array<i32>} : memref<64x32xf32, #tpu.memory_space<vmem>>, vector<16xf32>,
    tpu.vector_store %arg6[%swap3A_696, %swap3A_697], %broadcast_in_dim3A_694 {strides = array<i32>} : memref<64x32xf32, #tpu.memory_space<vmem>>, vector<16xf32>,
    %broadcast_in_dim3A_699 = arith.constant 0.000000e+00 : f32
    %broadcast_in_dim3A_700 = vector.broadcast %broadcast_in_dim3A_699 : f32 to vector<16xf32>
    %swap3A_701 = arith.constant 8 : i32
    %swap3A_702 = arith.index_cast %swap3A_701 : i32 to index
    %swap3A_703 = arith.constant 16 : index
    %swap3A_704 = tpu.vector_load %arg6[%swap3A_702, %swap3A_703] {strides = array<i32>} : memref<64x32xf32, #tpu.memory_space<vmem>>, vector<16xf32>,
    tpu.vector_store %arg6[%swap3A_702, %swap3A_703], %broadcast_in_dim3A_700 {strides = array<i32>} : memref<64x32xf32, #tpu.memory_space<vmem>>, vector<16xf32>,
    %broadcast_in_dim3A_705 = arith.constant 0.000000e+00 : f32
    %broadcast_in_dim3A_706 = vector.broadcast %broadcast_in_dim3A_705 : f32 to vector<16xf32>
    %swap3A_707 = arith.constant 9 : i32
    %swap3A_708 = arith.index_cast %swap3A_707 : i32 to index
    %swap3A_709 = arith.constant 0 : index
    %swap3A_710 = tpu.vector_load %arg6[%swap3A_708, %swap3A_709] {strides = array<i32>} : memref<64x32xf32, #tpu.memory_space<vmem>>, vector<16xf32>,
    tpu.vector_store %arg6[%swap3A_708, %swap3A_709], %broadcast_in_dim3A_706 {strides = array<i32>} : memref<64x32xf32, #tpu.memory_space<vmem>>, vector<16xf32>,
    %broadcast_in_dim3A_711 = arith.constant 0.000000e+00 : f32
    %broadcast_in_dim3A_712 = vector.broadcast %broadcast_in_dim3A_711 : f32 to vector<16xf32>
    %swap3A_713 = arith.constant 9 : i32
    %swap3A_714 = arith.index_cast %swap3A_713 : i32 to index
    %swap3A_715 = arith.constant 16 : index
    %swap3A_716 = tpu.vector_load %arg6[%swap3A_714, %swap3A_715] {strides = array<i32>} : memref<64x32xf32, #tpu.memory_space<vmem>>, vector<16xf32>,
    tpu.vector_store %arg6[%swap3A_714, %swap3A_715], %broadcast_in_dim3A_712 {strides = array<i32>} : memref<64x32xf32, #tpu.memory_space<vmem>>, vector<16xf32>,
    %broadcast_in_dim3A_717 = arith.constant 0.000000e+00 : f32
    %broadcast_in_dim3A_718 = vector.broadcast %broadcast_in_dim3A_717 : f32 to vector<16xf32>
    %swap3A_719 = arith.constant 10 : i32
    %swap3A_720 = arith.index_cast %swap3A_719 : i32 to index
    %swap3A_721 = arith.constant 0 : index
    %swap3A_722 = tpu.vector_load %arg6[%swap3A_720, %swap3A_721] {strides = array<i32>} : memref<64x32xf32, #tpu.memory_space<vmem>>, vector<16xf32>,
    tpu.vector_store %arg6[%swap3A_720, %swap3A_721], %broadcast_in_dim3A_718 {strides = array<i32>} : memref<64x32xf32, #tpu.memory_space<vmem>>, vector<16xf32>,
    %broadcast_in_dim3A_723 = arith.constant 0.000000e+00 : f32
    %broadcast_in_dim3A_724 = vector.broadcast %broadcast_in_dim3A_723 : f32 to vector<16xf32>
    %swap3A_725 = arith.constant 10 : i32
    %swap3A_726 = arith.index_cast %swap3A_725 : i32 to index
    %swap3A_727 = arith.constant 16 : index
    %swap3A_728 = tpu.vector_load %arg6[%swap3A_726, %swap3A_727] {strides = array<i32>} : memref<64x32xf32, #tpu.memory_space<vmem>>, vector<16xf32>,
    tpu.vector_store %arg6[%swap3A_726, %swap3A_727], %broadcast_in_dim3A_724 {strides = array<i32>} : memref<64x32xf32, #tpu.memory_space<vmem>>, vector<16xf32>,
    %broadcast_in_dim3A_729 = arith.constant 0.000000e+00 : f32
    %broadcast_in_dim3A_730 = vector.broadcast %broadcast_in_dim3A_729 : f32 to vector<16xf32>
    %swap3A_731 = arith.constant 11 : i32
    %swap3A_732 = arith.index_cast %swap3A_731 : i32 to index
    %swap3A_733 = arith.constant 0 : index
    %swap3A_734 = tpu.vector_load %arg6[%swap3A_732, %swap3A_733] {strides = array<i32>} : memref<64x32xf32, #tpu.memory_space<vmem>>, vector<16xf32>,
    tpu.vector_store %arg6[%swap3A_732, %swap3A_733], %broadcast_in_dim3A_730 {strides = array<i32>} : memref<64x32xf32, #tpu.memory_space<vmem>>, vector<16xf32>,
    %broadcast_in_dim3A_735 = arith.constant 0.000000e+00 : f32
    %broadcast_in_dim3A_736 = vector.broadcast %broadcast_in_dim3A_735 : f32 to vector<16xf32>
    %swap3A_737 = arith.constant 11 : i32
    %swap3A_738 = arith.index_cast %swap3A_737 : i32 to index
    %swap3A_739 = arith.constant 16 : index
    %swap3A_740 = tpu.vector_load %arg6[%swap3A_738, %swap3A_739] {strides = array<i32>} : memref<64x32xf32, #tpu.memory_space<vmem>>, vector<16xf32>,
    tpu.vector_store %arg6[%swap3A_738, %swap3A_739], %broadcast_in_dim3A_736 {strides = array<i32>} : memref<64x32xf32, #tpu.memory_space<vmem>>, vector<16xf32>,
    %broadcast_in_dim3A_741 = arith.constant 0.000000e+00 : f32
    %broadcast_in_dim3A_742 = vector.broadcast %broadcast_in_dim3A_741 : f32 to vector<16xf32>
    %swap3A_743 = arith.constant 12 : i32
    %swap3A_744 = arith.index_cast %swap3A_743 : i32 to index
    %swap3A_745 = arith.constant 0 : index
    %swap3A_746 = tpu.vector_load %arg6[%swap3A_744, %swap3A_745] {strides = array<i32>} : memref<64x32xf32, #tpu.memory_space<vmem>>, vector<16xf32>,
    tpu.vector_store %arg6[%swap3A_744, %swap3A_745], %broadcast_in_dim3A_742 {strides = array<i32>} : memref<64x32xf32, #tpu.memory_space<vmem>>, vector<16xf32>,
    %broadcast_in_dim3A_747 = arith.constant 0.000000e+00 : f32
    %broadcast_in_dim3A_748 = vector.broadcast %broadcast_in_dim3A_747 : f32 to vector<16xf32>
    %swap3A_749 = arith.constant 12 : i32
    %swap3A_750 = arith.index_cast %swap3A_749 : i32 to index
    %swap3A_751 = arith.constant 16 : index
    %swap3A_752 = tpu.vector_load %arg6[%swap3A_750, %swap3A_751] {strides = array<i32>} : memref<64x32xf32, #tpu.memory_space<vmem>>, vector<16xf32>,
    tpu.vector_store %arg6[%swap3A_750, %swap3A_751], %broadcast_in_dim3A_748 {strides = array<i32>} : memref<64x32xf32, #tpu.memory_space<vmem>>, vector<16xf32>,
    %broadcast_in_dim3A_753 = arith.constant 0.000000e+00 : f32
    %broadcast_in_dim3A_754 = vector.broadcast %broadcast_in_dim3A_753 : f32 to vector<16xf32>
    %swap3A_755 = arith.constant 13 : i32
    %swap3A_756 = arith.index_cast %swap3A_755 : i32 to index
    %swap3A_757 = arith.constant 0 : index
    %swap3A_758 = tpu.vector_load %arg6[%swap3A_756, %swap3A_757] {strides = array<i32>} : memref<64x32xf32, #tpu.memory_space<vmem>>, vector<16xf32>,
    tpu.vector_store %arg6[%swap3A_756, %swap3A_757], %broadcast_in_dim3A_754 {strides = array<i32>} : memref<64x32xf32, #tpu.memory_space<vmem>>, vector<16xf32>,
    %broadcast_in_dim3A_759 = arith.constant 0.000000e+00 : f32
    %broadcast_in_dim3A_760 = vector.broadcast %broadcast_in_dim3A_759 : f32 to vector<16xf32>
    %swap3A_761 = arith.constant 13 : i32
    %swap3A_762 = arith.index_cast %swap3A_761 : i32 to index
    %swap3A_763 = arith.constant 16 : index
    %swap3A_764 = tpu.vector_load %arg6[%swap3A_762, %swap3A_763] {strides = array<i32>} : memref<64x32xf32, #tpu.memory_space<vmem>>, vector<16xf32>,
    tpu.vector_store %arg6[%swap3A_762, %swap3A_763], %broadcast_in_dim3A_760 {strides = array<i32>} : memref<64x32xf32, #tpu.memory_space<vmem>>, vector<16xf32>,
    %broadcast_in_dim3A_765 = arith.constant 0.000000e+00 : f32
    %broadcast_in_dim3A_766 = vector.broadcast %broadcast_in_dim3A_765 : f32 to vector<16xf32>
    %swap3A_767 = arith.constant 14 : i32
    %swap3A_768 = arith.index_cast %swap3A_767 : i32 to index
    %swap3A_769 = arith.constant 0 : index
    %swap3A_770 = tpu.vector_load %arg6[%swap3A_768, %swap3A_769] {strides = array<i32>} : memref<64x32xf32, #tpu.memory_space<vmem>>, vector<16xf32>,
    tpu.vector_store %arg6[%swap3A_768, %swap3A_769], %broadcast_in_dim3A_766 {strides = array<i32>} : memref<64x32xf32, #tpu.memory_space<vmem>>, vector<16xf32>,
    %broadcast_in_dim3A_771 = arith.constant 0.000000e+00 : f32
    %broadcast_in_dim3A_772 = vector.broadcast %broadcast_in_dim3A_771 : f32 to vector<16xf32>
    %swap3A_773 = arith.constant 14 : i32
    %swap3A_774 = arith.index_cast %swap3A_773 : i32 to index
    %swap3A_775 = arith.constant 16 : index
    %swap3A_776 = tpu.vector_load %arg6[%swap3A_774, %swap3A_775] {strides = array<i32>} : memref<64x32xf32, #tpu.memory_space<vmem>>, vector<16xf32>,
    tpu.vector_store %arg6[%swap3A_774, %swap3A_775], %broadcast_in_dim3A_772 {strides = array<i32>} : memref<64x32xf32, #tpu.memory_space<vmem>>, vector<16xf32>,
    %broadcast_in_dim3A_777 = arith.constant 0.000000e+00 : f32
    %broadcast_in_dim3A_778 = vector.broadcast %broadcast_in_dim3A_777 : f32 to vector<16xf32>
    %swap3A_779 = arith.constant 15 : i32
    %swap3A_780 = arith.index_cast %swap3A_779 : i32 to index
    %swap3A_781 = arith.constant 0 : index
    %swap3A_782 = tpu.vector_load %arg6[%swap3A_780, %swap3A_781] {strides = array<i32>} : memref<64x32xf32, #tpu.memory_space<vmem>>, vector<16xf32>,
    tpu.vector_store %arg6[%swap3A_780, %swap3A_781], %broadcast_in_dim3A_778 {strides = array<i32>} : memref<64x32xf32, #tpu.memory_space<vmem>>, vector<16xf32>,
    %broadcast_in_dim3A_783 = arith.constant 0.000000e+00 : f32
    %broadcast_in_dim3A_784 = vector.broadcast %broadcast_in_dim3A_783 : f32 to vector<16xf32>
    %swap3A_785 = arith.constant 15 : i32
    %swap3A_786 = arith.index_cast %swap3A_785 : i32 to index
    %swap3A_787 = arith.constant 16 : index
    %swap3A_788 = tpu.vector_load %arg6[%swap3A_786, %swap3A_787] {strides = array<i32>} : memref<64x32xf32, #tpu.memory_space<vmem>>, vector<16xf32>,
    tpu.vector_store %arg6[%swap3A_786, %swap3A_787], %broadcast_in_dim3A_784 {strides = array<i32>} : memref<64x32xf32, #tpu.memory_space<vmem>>, vector<16xf32>,
    %broadcast_in_dim3A_789 = arith.constant 0.000000e+00 : f32
    %broadcast_in_dim3A_790 = vector.broadcast %broadcast_in_dim3A_789 : f32 to vector<16xf32>
    %swap3A_791 = arith.constant 16 : i32
    %swap3A_792 = arith.index_cast %swap3A_791 : i32 to index
    %swap3A_793 = arith.constant 0 : index
    %swap3A_794 = tpu.vector_load %arg6[%swap3A_792, %swap3A_793] {strides = array<i32>} : memref<64x32xf32, #tpu.memory_space<vmem>>, vector<16xf32>,
    tpu.vector_store %arg6[%swap3A_792, %swap3A_793], %broadcast_in_dim3A_790 {strides = array<i32>} : memref<64x32xf32, #tpu.memory_space<vmem>>, vector<16xf32>,
    %broadcast_in_dim3A_795 = arith.constant 0.000000e+00 : f32
    %broadcast_in_dim3A_796 = vector.broadcast %broadcast_in_dim3A_795 : f32 to vector<16xf32>
    %swap3A_797 = arith.constant 16 : i32
    %swap3A_798 = arith.index_cast %swap3A_797 : i32 to index
    %swap3A_799 = arith.constant 16 : index
    %swap3A_800 = tpu.vector_load %arg6[%swap3A_798, %swap3A_799] {strides = array<i32>} : memref<64x32xf32, #tpu.memory_space<vmem>>, vector<16xf32>,
    tpu.vector_store %arg6[%swap3A_798, %swap3A_799], %broadcast_in_dim3A_796 {strides = array<i32>} : memref<64x32xf32, #tpu.memory_space<vmem>>, vector<16xf32>,
    %broadcast_in_dim3A_801 = arith.constant 0.000000e+00 : f32
    %broadcast_in_dim3A_802 = vector.broadcast %broadcast_in_dim3A_801 : f32 to vector<16xf32>
    %swap3A_803 = arith.constant 17 : i32
    %swap3A_804 = arith.index_cast %swap3A_803 : i32 to index
    %swap3A_805 = arith.constant 0 : index
    %swap3A_806 = tpu.vector_load %arg6[%swap3A_804, %swap3A_805] {strides = array<i32>} : memref<64x32xf32, #tpu.memory_space<vmem>>, vector<16xf32>,
    tpu.vector_store %arg6[%swap3A_804, %swap3A_805], %broadcast_in_dim3A_802 {strides = array<i32>} : memref<64x32xf32, #tpu.memory_space<vmem>>, vector<16xf32>,
    %broadcast_in_dim3A_807 = arith.constant 0.000000e+00 : f32
    %broadcast_in_dim3A_808 = vector.broadcast %broadcast_in_dim3A_807 : f32 to vector<16xf32>
    %swap3A_809 = arith.constant 17 : i32
    %swap3A_810 = arith.index_cast %swap3A_809 : i32 to index
    %swap3A_811 = arith.constant 16 : index
    %swap3A_812 = tpu.vector_load %arg6[%swap3A_810, %swap3A_811] {strides = array<i32>} : memref<64x32xf32, #tpu.memory_space<vmem>>, vector<16xf32>,
    tpu.vector_store %arg6[%swap3A_810, %swap3A_811], %broadcast_in_dim3A_808 {strides = array<i32>} : memref<64x32xf32, #tpu.memory_space<vmem>>, vector<16xf32>,
    %broadcast_in_dim3A_813 = arith.constant 0.000000e+00 : f32
    %broadcast_in_dim3A_814 = vector.broadcast %broadcast_in_dim3A_813 : f32 to vector<16xf32>
    %swap3A_815 = arith.constant 18 : i32
    %swap3A_816 = arith.index_cast %swap3A_815 : i32 to index
    %swap3A_817 = arith.constant 0 : index
    %swap3A_818 = tpu.vector_load %arg6[%swap3A_816, %swap3A_817] {strides = array<i32>} : memref<64x32xf32, #tpu.memory_space<vmem>>, vector<16xf32>,
    tpu.vector_store %arg6[%swap3A_816, %swap3A_817], %broadcast_in_dim3A_814 {strides = array<i32>} : memref<64x32xf32, #tpu.memory_space<vmem>>, vector<16xf32>,
    %broadcast_in_dim3A_819 = arith.constant 0.000000e+00 : f32
    %broadcast_in_dim3A_820 = vector.broadcast %broadcast_in_dim3A_819 : f32 to vector<16xf32>
    %swap3A_821 = arith.constant 18 : i32
    %swap3A_822 = arith.index_cast %swap3A_821 : i32 to index
    %swap3A_823 = arith.constant 16 : index
    %swap3A_824 = tpu.vector_load %arg6[%swap3A_822, %swap3A_823] {strides = array<i32>} : memref<64x32xf32, #tpu.memory_space<vmem>>, vector<16xf32>,
    tpu.vector_store %arg6[%swap3A_822, %swap3A_823], %broadcast_in_dim3A_820 {strides = array<i32>} : memref<64x32xf32, #tpu.memory_space<vmem>>, vector<16xf32>,
    %broadcast_in_dim3A_825 = arith.constant 0.000000e+00 : f32
    %broadcast_in_dim3A_826 = vector.broadcast %broadcast_in_dim3A_825 : f32 to vector<16xf32>
    %swap3A_827 = arith.constant 19 : i32
    %swap3A_828 = arith.index_cast %swap3A_827 : i32 to index
    %swap3A_829 = arith.constant 0 : index
    %swap3A_830 = tpu.vector_load %arg6[%swap3A_828, %swap3A_829] {strides = array<i32>} : memref<64x32xf32, #tpu.memory_space<vmem>>, vector<16xf32>,
    tpu.vector_store %arg6[%swap3A_828, %swap3A_829], %broadcast_in_dim3A_826 {strides = array<i32>} : memref<64x32xf32, #tpu.memory_space<vmem>>, vector<16xf32>,
    %broadcast_in_dim3A_831 = arith.constant 0.000000e+00 : f32
    %broadcast_in_dim3A_832 = vector.broadcast %broadcast_in_dim3A_831 : f32 to vector<16xf32>
    %swap3A_833 = arith.constant 19 : i32
    %swap3A_834 = arith.index_cast %swap3A_833 : i32 to index
    %swap3A_835 = arith.constant 16 : index
    %swap3A_836 = tpu.vector_load %arg6[%swap3A_834, %swap3A_835] {strides = array<i32>} : memref<64x32xf32, #tpu.memory_space<vmem>>, vector<16xf32>,
    tpu.vector_store %arg6[%swap3A_834, %swap3A_835], %broadcast_in_dim3A_832 {strides = array<i32>} : memref<64x32xf32, #tpu.memory_space<vmem>>, vector<16xf32>,
    %broadcast_in_dim3A_837 = arith.constant 0.000000e+00 : f32
    %broadcast_in_dim3A_838 = vector.broadcast %broadcast_in_dim3A_837 : f32 to vector<16xf32>
    %swap3A_839 = arith.constant 20 : i32
    %swap3A_840 = arith.index_cast %swap3A_839 : i32 to index
    %swap3A_841 = arith.constant 0 : index
    %swap3A_842 = tpu.vector_load %arg6[%swap3A_840, %swap3A_841] {strides = array<i32>} : memref<64x32xf32, #tpu.memory_space<vmem>>, vector<16xf32>,
    tpu.vector_store %arg6[%swap3A_840, %swap3A_841], %broadcast_in_dim3A_838 {strides = array<i32>} : memref<64x32xf32, #tpu.memory_space<vmem>>, vector<16xf32>,
    %broadcast_in_dim3A_843 = arith.constant 0.000000e+00 : f32
    %broadcast_in_dim3A_844 = vector.broadcast %broadcast_in_dim3A_843 : f32 to vector<16xf32>
    %swap3A_845 = arith.constant 20 : i32
    %swap3A_846 = arith.index_cast %swap3A_845 : i32 to index
    %swap3A_847 = arith.constant 16 : index
    %swap3A_848 = tpu.vector_load %arg6[%swap3A_846, %swap3A_847] {strides = array<i32>} : memref<64x32xf32, #tpu.memory_space<vmem>>, vector<16xf32>,
    tpu.vector_store %arg6[%swap3A_846, %swap3A_847], %broadcast_in_dim3A_844 {strides = array<i32>} : memref<64x32xf32, #tpu.memory_space<vmem>>, vector<16xf32>,
    %broadcast_in_dim3A_849 = arith.constant 0.000000e+00 : f32
    %broadcast_in_dim3A_850 = vector.broadcast %broadcast_in_dim3A_849 : f32 to vector<16xf32>
    %swap3A_851 = arith.constant 21 : i32
    %swap3A_852 = arith.index_cast %swap3A_851 : i32 to index
    %swap3A_853 = arith.constant 0 : index
    %swap3A_854 = tpu.vector_load %arg6[%swap3A_852, %swap3A_853] {strides = array<i32>} : memref<64x32xf32, #tpu.memory_space<vmem>>, vector<16xf32>,
    tpu.vector_store %arg6[%swap3A_852, %swap3A_853], %broadcast_in_dim3A_850 {strides = array<i32>} : memref<64x32xf32, #tpu.memory_space<vmem>>, vector<16xf32>,
    %broadcast_in_dim3A_855 = arith.constant 0.000000e+00 : f32
    %broadcast_in_dim3A_856 = vector.broadcast %broadcast_in_dim3A_855 : f32 to vector<16xf32>
    %swap3A_857 = arith.constant 21 : i32
    %swap3A_858 = arith.index_cast %swap3A_857 : i32 to index
    %swap3A_859 = arith.constant 16 : index
    %swap3A_860 = tpu.vector_load %arg6[%swap3A_858, %swap3A_859] {strides = array<i32>} : memref<64x32xf32, #tpu.memory_space<vmem>>, vector<16xf32>,
    tpu.vector_store %arg6[%swap3A_858, %swap3A_859], %broadcast_in_dim3A_856 {strides = array<i32>} : memref<64x32xf32, #tpu.memory_space<vmem>>, vector<16xf32>,
    %broadcast_in_dim3A_861 = arith.constant 0.000000e+00 : f32
    %broadcast_in_dim3A_862 = vector.broadcast %broadcast_in_dim3A_861 : f32 to vector<16xf32>
    %swap3A_863 = arith.constant 22 : i32
    %swap3A_864 = arith.index_cast %swap3A_863 : i32 to index
    %swap3A_865 = arith.constant 0 : index
    %swap3A_866 = tpu.vector_load %arg6[%swap3A_864, %swap3A_865] {strides = array<i32>} : memref<64x32xf32, #tpu.memory_space<vmem>>, vector<16xf32>,
    tpu.vector_store %arg6[%swap3A_864, %swap3A_865], %broadcast_in_dim3A_862 {strides = array<i32>} : memref<64x32xf32, #tpu.memory_space<vmem>>, vector<16xf32>,
    %broadcast_in_dim3A_867 = arith.constant 0.000000e+00 : f32
    %broadcast_in_dim3A_868 = vector.broadcast %broadcast_in_dim3A_867 : f32 to vector<16xf32>
    %swap3A_869 = arith.constant 22 : i32
    %swap3A_870 = arith.index_cast %swap3A_869 : i32 to index
    %swap3A_871 = arith.constant 16 : index
    %swap3A_872 = tpu.vector_load %arg6[%swap3A_870, %swap3A_871] {strides = array<i32>} : memref<64x32xf32, #tpu.memory_space<vmem>>, vector<16xf32>,
    tpu.vector_store %arg6[%swap3A_870, %swap3A_871], %broadcast_in_dim3A_868 {strides = array<i32>} : memref<64x32xf32, #tpu.memory_space<vmem>>, vector<16xf32>,
    %broadcast_in_dim3A_873 = arith.constant 0.000000e+00 : f32
    %broadcast_in_dim3A_874 = vector.broadcast %broadcast_in_dim3A_873 : f32 to vector<16xf32>
    %swap3A_875 = arith.constant 23 : i32
    %swap3A_876 = arith.index_cast %swap3A_875 : i32 to index
    %swap3A_877 = arith.constant 0 : index
    %swap3A_878 = tpu.vector_load %arg6[%swap3A_876, %swap3A_877] {strides = array<i32>} : memref<64x32xf32, #tpu.memory_space<vmem>>, vector<16xf32>,
    tpu.vector_store %arg6[%swap3A_876, %swap3A_877], %broadcast_in_dim3A_874 {strides = array<i32>} : memref<64x32xf32, #tpu.memory_space<vmem>>, vector<16xf32>,
    %broadcast_in_dim3A_879 = arith.constant 0.000000e+00 : f32
    %broadcast_in_dim3A_880 = vector.broadcast %broadcast_in_dim3A_879 : f32 to vector<16xf32>
    %swap3A_881 = arith.constant 23 : i32
    %swap3A_882 = arith.index_cast %swap3A_881 : i32 to index
    %swap3A_883 = arith.constant 16 : index
    %swap3A_884 = tpu.vector_load %arg6[%swap3A_882, %swap3A_883] {strides = array<i32>} : memref<64x32xf32, #tpu.memory_space<vmem>>, vector<16xf32>,
    tpu.vector_store %arg6[%swap3A_882, %swap3A_883], %broadcast_in_dim3A_880 {strides = array<i32>} : memref<64x32xf32, #tpu.memory_space<vmem>>, vector<16xf32>,
    %broadcast_in_dim3A_885 = arith.constant 0.000000e+00 : f32
    %broadcast_in_dim3A_886 = vector.broadcast %broadcast_in_dim3A_885 : f32 to vector<16xf32>
    %swap3A_887 = arith.constant 24 : i32
    %swap3A_888 = arith.index_cast %swap3A_887 : i32 to index
    %swap3A_889 = arith.constant 0 : index
    %swap3A_890 = tpu.vector_load %arg6[%swap3A_888, %swap3A_889] {strides = array<i32>} : memref<64x32xf32, #tpu.memory_space<vmem>>, vector<16xf32>,
    tpu.vector_store %arg6[%swap3A_888, %swap3A_889], %broadcast_in_dim3A_886 {strides = array<i32>} : memref<64x32xf32, #tpu.memory_space<vmem>>, vector<16xf32>,
    %broadcast_in_dim3A_891 = arith.constant 0.000000e+00 : f32
    %broadcast_in_dim3A_892 = vector.broadcast %broadcast_in_dim3A_891 : f32 to vector<16xf32>
    %swap3A_893 = arith.constant 24 : i32
    %swap3A_894 = arith.index_cast %swap3A_893 : i32 to index
    %swap3A_895 = arith.constant 16 : index
    %swap3A_896 = tpu.vector_load %arg6[%swap3A_894, %swap3A_895] {strides = array<i32>} : memref<64x32xf32, #tpu.memory_space<vmem>>, vector<16xf32>,
    tpu.vector_store %arg6[%swap3A_894, %swap3A_895], %broadcast_in_dim3A_892 {strides = array<i32>} : memref<64x32xf32, #tpu.memory_space<vmem>>, vector<16xf32>,
    %broadcast_in_dim3A_897 = arith.constant 0.000000e+00 : f32
    %broadcast_in_dim3A_898 = vector.broadcast %broadcast_in_dim3A_897 : f32 to vector<16xf32>
    %swap3A_899 = arith.constant 25 : i32
    %swap3A_900 = arith.index_cast %swap3A_899 : i32 to index
    %swap3A_901 = arith.constant 0 : index
    %swap3A_902 = tpu.vector_load %arg6[%swap3A_900, %swap3A_901] {strides = array<i32>} : memref<64x32xf32, #tpu.memory_space<vmem>>, vector<16xf32>,
    tpu.vector_store %arg6[%swap3A_900, %swap3A_901], %broadcast_in_dim3A_898 {strides = array<i32>} : memref<64x32xf32, #tpu.memory_space<vmem>>, vector<16xf32>,
    %broadcast_in_dim3A_903 = arith.constant 0.000000e+00 : f32
    %broadcast_in_dim3A_904 = vector.broadcast %broadcast_in_dim3A_903 : f32 to vector<16xf32>
    %swap3A_905 = arith.constant 25 : i32
    %swap3A_906 = arith.index_cast %swap3A_905 : i32 to index
    %swap3A_907 = arith.constant 16 : index
    %swap3A_908 = tpu.vector_load %arg6[%swap3A_906, %swap3A_907] {strides = array<i32>} : memref<64x32xf32, #tpu.memory_space<vmem>>, vector<16xf32>,
    tpu.vector_store %arg6[%swap3A_906, %swap3A_907], %broadcast_in_dim3A_904 {strides = array<i32>} : memref<64x32xf32, #tpu.memory_space<vmem>>, vector<16xf32>,
    %broadcast_in_dim3A_909 = arith.constant 0.000000e+00 : f32
    %broadcast_in_dim3A_910 = vector.broadcast %broadcast_in_dim3A_909 : f32 to vector<16xf32>
    %swap3A_911 = arith.constant 26 : i32
    %swap3A_912 = arith.index_cast %swap3A_911 : i32 to index
    %swap3A_913 = arith.constant 0 : index
    %swap3A_914 = tpu.vector_load %arg6[%swap3A_912, %swap3A_913] {strides = array<i32>} : memref<64x32xf32, #tpu.memory_space<vmem>>, vector<16xf32>,
    tpu.vector_store %arg6[%swap3A_912, %swap3A_913], %broadcast_in_dim3A_910 {strides = array<i32>} : memref<64x32xf32, #tpu.memory_space<vmem>>, vector<16xf32>,
    %broadcast_in_dim3A_915 = arith.constant 0.000000e+00 : f32
    %broadcast_in_dim3A_916 = vector.broadcast %broadcast_in_dim3A_915 : f32 to vector<16xf32>
    %swap3A_917 = arith.constant 26 : i32
    %swap3A_918 = arith.index_cast %swap3A_917 : i32 to index
    %swap3A_919 = arith.constant 16 : index
    %swap3A_920 = tpu.vector_load %arg6[%swap3A_918, %swap3A_919] {strides = array<i32>} : memref<64x32xf32, #tpu.memory_space<vmem>>, vector<16xf32>,
    tpu.vector_store %arg6[%swap3A_918, %swap3A_919], %broadcast_in_dim3A_916 {strides = array<i32>} : memref<64x32xf32, #tpu.memory_space<vmem>>, vector<16xf32>,
    %broadcast_in_dim3A_921 = arith.constant 0.000000e+00 : f32
    %broadcast_in_dim3A_922 = vector.broadcast %broadcast_in_dim3A_921 : f32 to vector<16xf32>
    %swap3A_923 = arith.constant 27 : i32
    %swap3A_924 = arith.index_cast %swap3A_923 : i32 to index
    %swap3A_925 = arith.constant 0 : index
    %swap3A_926 = tpu.vector_load %arg6[%swap3A_924, %swap3A_925] {strides = array<i32>} : memref<64x32xf32, #tpu.memory_space<vmem>>, vector<16xf32>,
    tpu.vector_store %arg6[%swap3A_924, %swap3A_925], %broadcast_in_dim3A_922 {strides = array<i32>} : memref<64x32xf32, #tpu.memory_space<vmem>>, vector<16xf32>,
    %broadcast_in_dim3A_927 = arith.constant 0.000000e+00 : f32
    %broadcast_in_dim3A_928 = vector.broadcast %broadcast_in_dim3A_927 : f32 to vector<16xf32>
    %swap3A_929 = arith.constant 27 : i32
    %swap3A_930 = arith.index_cast %swap3A_929 : i32 to index
    %swap3A_931 = arith.constant 16 : index
    %swap3A_932 = tpu.vector_load %arg6[%swap3A_930, %swap3A_931] {strides = array<i32>} : memref<64x32xf32, #tpu.memory_space<vmem>>, vector<16xf32>,
    tpu.vector_store %arg6[%swap3A_930, %swap3A_931], %broadcast_in_dim3A_928 {strides = array<i32>} : memref<64x32xf32, #tpu.memory_space<vmem>>, vector<16xf32>,
    %broadcast_in_dim3A_933 = arith.constant 0.000000e+00 : f32
    %broadcast_in_dim3A_934 = vector.broadcast %broadcast_in_dim3A_933 : f32 to vector<16xf32>
    %swap3A_935 = arith.constant 28 : i32
    %swap3A_936 = arith.index_cast %swap3A_935 : i32 to index
    %swap3A_937 = arith.constant 0 : index
    %swap3A_938 = tpu.vector_load %arg6[%swap3A_936, %swap3A_937] {strides = array<i32>} : memref<64x32xf32, #tpu.memory_space<vmem>>, vector<16xf32>,
    tpu.vector_store %arg6[%swap3A_936, %swap3A_937], %broadcast_in_dim3A_934 {strides = array<i32>} : memref<64x32xf32, #tpu.memory_space<vmem>>, vector<16xf32>,
    %broadcast_in_dim3A_939 = arith.constant 0.000000e+00 : f32
    %broadcast_in_dim3A_940 = vector.broadcast %broadcast_in_dim3A_939 : f32 to vector<16xf32>
    %swap3A_941 = arith.constant 28 : i32
    %swap3A_942 = arith.index_cast %swap3A_941 : i32 to index
    %swap3A_943 = arith.constant 16 : index
    %swap3A_944 = tpu.vector_load %arg6[%swap3A_942, %swap3A_943] {strides = array<i32>} : memref<64x32xf32, #tpu.memory_space<vmem>>, vector<16xf32>,
    tpu.vector_store %arg6[%swap3A_942, %swap3A_943], %broadcast_in_dim3A_940 {strides = array<i32>} : memref<64x32xf32, #tpu.memory_space<vmem>>, vector<16xf32>,
    %broadcast_in_dim3A_945 = arith.constant 0.000000e+00 : f32
    %broadcast_in_dim3A_946 = vector.broadcast %broadcast_in_dim3A_945 : f32 to vector<16xf32>
    %swap3A_947 = arith.constant 29 : i32
    %swap3A_948 = arith.index_cast %swap3A_947 : i32 to index
    %swap3A_949 = arith.constant 0 : index
    %swap3A_950 = tpu.vector_load %arg6[%swap3A_948, %swap3A_949] {strides = array<i32>} : memref<64x32xf32, #tpu.memory_space<vmem>>, vector<16xf32>,
    tpu.vector_store %arg6[%swap3A_948, %swap3A_949], %broadcast_in_dim3A_946 {strides = array<i32>} : memref<64x32xf32, #tpu.memory_space<vmem>>, vector<16xf32>,
    %broadcast_in_dim3A_951 = arith.constant 0.000000e+00 : f32
    %broadcast_in_dim3A_952 = vector.broadcast %broadcast_in_dim3A_951 : f32 to vector<16xf32>
    %swap3A_953 = arith.constant 29 : i32
    %swap3A_954 = arith.index_cast %swap3A_953 : i32 to index
    %swap3A_955 = arith.constant 16 : index
    %swap3A_956 = tpu.vector_load %arg6[%swap3A_954, %swap3A_955] {strides = array<i32>} : memref<64x32xf32, #tpu.memory_space<vmem>>, vector<16xf32>,
    tpu.vector_store %arg6[%swap3A_954, %swap3A_955], %broadcast_in_dim3A_952 {strides = array<i32>} : memref<64x32xf32, #tpu.memory_space<vmem>>, vector<16xf32>,
    %broadcast_in_dim3A_957 = arith.constant 0.000000e+00 : f32
    %broadcast_in_dim3A_958 = vector.broadcast %broadcast_in_dim3A_957 : f32 to vector<16xf32>
    %swap3A_959 = arith.constant 30 : i32
    %swap3A_960 = arith.index_cast %swap3A_959 : i32 to index
    %swap3A_961 = arith.constant 0 : index
    %swap3A_962 = tpu.vector_load %arg6[%swap3A_960, %swap3A_961] {strides = array<i32>} : memref<64x32xf32, #tpu.memory_space<vmem>>, vector<16xf32>,
    tpu.vector_store %arg6[%swap3A_960, %swap3A_961], %broadcast_in_dim3A_958 {strides = array<i32>} : memref<64x32xf32, #tpu.memory_space<vmem>>, vector<16xf32>,
    %broadcast_in_dim3A_963 = arith.constant 0.000000e+00 : f32
    %broadcast_in_dim3A_964 = vector.broadcast %broadcast_in_dim3A_963 : f32 to vector<16xf32>
    %swap3A_965 = arith.constant 30 : i32
    %swap3A_966 = arith.index_cast %swap3A_965 : i32 to index
    %swap3A_967 = arith.constant 16 : index
    %swap3A_968 = tpu.vector_load %arg6[%swap3A_966, %swap3A_967] {strides = array<i32>} : memref<64x32xf32, #tpu.memory_space<vmem>>, vector<16xf32>,
    tpu.vector_store %arg6[%swap3A_966, %swap3A_967], %broadcast_in_dim3A_964 {strides = array<i32>} : memref<64x32xf32, #tpu.memory_space<vmem>>, vector<16xf32>,
    %broadcast_in_dim3A_969 = arith.constant 0.000000e+00 : f32
    %broadcast_in_dim3A_970 = vector.broadcast %broadcast_in_dim3A_969 : f32 to vector<16xf32>
    %swap3A_971 = arith.constant 31 : i32
    %swap3A_972 = arith.index_cast %swap3A_971 : i32 to index
    %swap3A_973 = arith.constant 0 : index
    %swap3A_974 = tpu.vector_load %arg6[%swap3A_972, %swap3A_973] {strides = array<i32>} : memref<64x32xf32, #tpu.memory_space<vmem>>, vector<16xf32>,
    tpu.vector_store %arg6[%swap3A_972, %swap3A_973], %broadcast_in_dim3A_970 {strides = array<i32>} : memref<64x32xf32, #tpu.memory_space<vmem>>, vector<16xf32>,
    %broadcast_in_dim3A_975 = arith.constant 0.000000e+00 : f32
    %broadcast_in_dim3A_976 = vector.broadcast %broadcast_in_dim3A_975 : f32 to vector<16xf32>
    %swap3A_977 = arith.constant 31 : i32
    %swap3A_978 = arith.index_cast %swap3A_977 : i32 to index
    %swap3A_979 = arith.constant 16 : index
    %swap3A_980 = tpu.vector_load %arg6[%swap3A_978, %swap3A_979] {strides = array<i32>} : memref<64x32xf32, #tpu.memory_space<vmem>>, vector<16xf32>,
    tpu.vector_store %arg6[%swap3A_978, %swap3A_979], %broadcast_in_dim3A_976 {strides = array<i32>} : memref<64x32xf32, #tpu.memory_space<vmem>>, vector<16xf32>,
    %broadcast_in_dim3A_981 = arith.constant 0.000000e+00 : f32
    %broadcast_in_dim3A_982 = vector.broadcast %broadcast_in_dim3A_981 : f32 to vector<16xf32>
    %swap3A_983 = arith.constant 32 : i32
    %swap3A_984 = arith.index_cast %swap3A_983 : i32 to index
    %swap3A_985 = arith.constant 0 : index
    %swap3A_986 = tpu.vector_load %arg6[%swap3A_984, %swap3A_985] {strides = array<i32>} : memref<64x32xf32, #tpu.memory_space<vmem>>, vector<16xf32>,
    tpu.vector_store %arg6[%swap3A_984, %swap3A_985], %broadcast_in_dim3A_982 {strides = array<i32>} : memref<64x32xf32, #tpu.memory_space<vmem>>, vector<16xf32>,
    %broadcast_in_dim3A_987 = arith.constant 0.000000e+00 : f32
    %broadcast_in_dim3A_988 = vector.broadcast %broadcast_in_dim3A_987 : f32 to vector<16xf32>
    %swap3A_989 = arith.constant 32 : i32
    %swap3A_990 = arith.index_cast %swap3A_989 : i32 to index
    %swap3A_991 = arith.constant 16 : index
    %swap3A_992 = tpu.vector_load %arg6[%swap3A_990, %swap3A_991] {strides = array<i32>} : memref<64x32xf32, #tpu.memory_space<vmem>>, vector<16xf32>,
    tpu.vector_store %arg6[%swap3A_990, %swap3A_991], %broadcast_in_dim3A_988 {strides = array<i32>} : memref<64x32xf32, #tpu.memory_space<vmem>>, vector<16xf32>,
    %broadcast_in_dim3A_993 = arith.constant 0.000000e+00 : f32
    %broadcast_in_dim3A_994 = vector.broadcast %broadcast_in_dim3A_993 : f32 to vector<16xf32>
    %swap3A_995 = arith.constant 33 : i32
    %swap3A_996 = arith.index_cast %swap3A_995 : i32 to index
    %swap3A_997 = arith.constant 0 : index
    %swap3A_998 = tpu.vector_load %arg6[%swap3A_996, %swap3A_997] {strides = array<i32>} : memref<64x32xf32, #tpu.memory_space<vmem>>, vector<16xf32>,
    tpu.vector_store %arg6[%swap3A_996, %swap3A_997], %broadcast_in_dim3A_994 {strides = array<i32>} : memref<64x32xf32, #tpu.memory_space<vmem>>, vector<16xf32>,
    %broadcast_in_dim3A_999 = arith.constant 0.000000e+00 : f32
    %broadcast_in_dim3A_1000 = vector.broadcast %broadcast_in_dim3A_999 : f32 to vector<16xf32>
    %swap3A_1001 = arith.constant 33 : i32
    %swap3A_1002 = arith.index_cast %swap3A_1001 : i32 to index
    %swap3A_1003 = arith.constant 16 : index
    %swap3A_1004 = tpu.vector_load %arg6[%swap3A_1002, %swap3A_1003] {strides = array<i32>} : memref<64x32xf32, #tpu.memory_space<vmem>>, vector<16xf32>,
    tpu.vector_store %arg6[%swap3A_1002, %swap3A_1003], %broadcast_in_dim3A_1000 {strides = array<i32>} : memref<64x32xf32, #tpu.memory_space<vmem>>, vector<16xf32>,
    %broadcast_in_dim3A_1005 = arith.constant 0.000000e+00 : f32
    %broadcast_in_dim3A_1006 = vector.broadcast %broadcast_in_dim3A_1005 : f32 to vector<16xf32>
    %swap3A_1007 = arith.constant 34 : i32
    %swap3A_1008 = arith.index_cast %swap3A_1007 : i32 to index
    %swap3A_1009 = arith.constant 0 : index
    %swap3A_1010 = tpu.vector_load %arg6[%swap3A_1008, %swap3A_1009] {strides = array<i32>} : memref<64x32xf32, #tpu.memory_space<vmem>>, vector<16xf32>,
    tpu.vector_store %arg6[%swap3A_1008, %swap3A_1009], %broadcast_in_dim3A_1006 {strides = array<i32>} : memref<64x32xf32, #tpu.memory_space<vmem>>, vector<16xf32>,
    %broadcast_in_dim3A_1011 = arith.constant 0.000000e+00 : f32
    %broadcast_in_dim3A_1012 = vector.broadcast %broadcast_in_dim3A_1011 : f32 to vector<16xf32>
    %swap3A_1013 = arith.constant 34 : i32
    %swap3A_1014 = arith.index_cast %swap3A_1013 : i32 to index
    %swap3A_1015 = arith.constant 16 : index
    %swap3A_1016 = tpu.vector_load %arg6[%swap3A_1014, %swap3A_1015] {strides = array<i32>} : memref<64x32xf32, #tpu.memory_space<vmem>>, vector<16xf32>,
    tpu.vector_store %arg6[%swap3A_1014, %swap3A_1015], %broadcast_in_dim3A_1012 {strides = array<i32>} : memref<64x32xf32, #tpu.memory_space<vmem>>, vector<16xf32>,
    %broadcast_in_dim3A_1017 = arith.constant 0.000000e+00 : f32
    %broadcast_in_dim3A_1018 = vector.broadcast %broadcast_in_dim3A_1017 : f32 to vector<16xf32>
    %swap3A_1019 = arith.constant 35 : i32
    %swap3A_1020 = arith.index_cast %swap3A_1019 : i32 to index
    %swap3A_1021 = arith.constant 0 : index
    %swap3A_1022 = tpu.vector_load %arg6[%swap3A_1020, %swap3A_1021] {strides = array<i32>} : memref<64x32xf32, #tpu.memory_space<vmem>>, vector<16xf32>,
    tpu.vector_store %arg6[%swap3A_1020, %swap3A_1021], %broadcast_in_dim3A_1018 {strides = array<i32>} : memref<64x32xf32, #tpu.memory_space<vmem>>, vector<16xf32>,
    %broadcast_in_dim3A_1023 = arith.constant 0.000000e+00 : f32
    %broadcast_in_dim3A_1024 = vector.broadcast %broadcast_in_dim3A_1023 : f32 to vector<16xf32>
    %swap3A_1025 = arith.constant 35 : i32
    %swap3A_1026 = arith.index_cast %swap3A_1025 : i32 to index
    %swap3A_1027 = arith.constant 16 : index
    %swap3A_1028 = tpu.vector_load %arg6[%swap3A_1026, %swap3A_1027] {strides = array<i32>} : memref<64x32xf32, #tpu.memory_space<vmem>>, vector<16xf32>,
    tpu.vector_store %arg6[%swap3A_1026, %swap3A_1027], %broadcast_in_dim3A_1024 {strides = array<i32>} : memref<64x32xf32, #tpu.memory_space<vmem>>, vector<16xf32>,
    %broadcast_in_dim3A_1029 = arith.constant 0.000000e+00 : f32
    %broadcast_in_dim3A_1030 = vector.broadcast %broadcast_in_dim3A_1029 : f32 to vector<16xf32>
    %swap3A_1031 = arith.constant 36 : i32
    %swap3A_1032 = arith.index_cast %swap3A_1031 : i32 to index
    %swap3A_1033 = arith.constant 0 : index
    %swap3A_1034 = tpu.vector_load %arg6[%swap3A_1032, %swap3A_1033] {strides = array<i32>} : memref<64x32xf32, #tpu.memory_space<vmem>>, vector<16xf32>,
    tpu.vector_store %arg6[%swap3A_1032, %swap3A_1033], %broadcast_in_dim3A_1030 {strides = array<i32>} : memref<64x32xf32, #tpu.memory_space<vmem>>, vector<16xf32>,
    %broadcast_in_dim3A_1035 = arith.constant 0.000000e+00 : f32
    %broadcast_in_dim3A_1036 = vector.broadcast %broadcast_in_dim3A_1035 : f32 to vector<16xf32>
    %swap3A_1037 = arith.constant 36 : i32
    %swap3A_1038 = arith.index_cast %swap3A_1037 : i32 to index
    %swap3A_1039 = arith.constant 16 : index
    %swap3A_1040 = tpu.vector_load %arg6[%swap3A_1038, %swap3A_1039] {strides = array<i32>} : memref<64x32xf32, #tpu.memory_space<vmem>>, vector<16xf32>,
    tpu.vector_store %arg6[%swap3A_1038, %swap3A_1039], %broadcast_in_dim3A_1036 {strides = array<i32>} : memref<64x32xf32, #tpu.memory_space<vmem>>, vector<16xf32>,
    %broadcast_in_dim3A_1041 = arith.constant 0.000000e+00 : f32
    %broadcast_in_dim3A_1042 = vector.broadcast %broadcast_in_dim3A_1041 : f32 to vector<16xf32>
    %swap3A_1043 = arith.constant 37 : i32
    %swap3A_1044 = arith.index_cast %swap3A_1043 : i32 to index
    %swap3A_1045 = arith.constant 0 : index
    %swap3A_1046 = tpu.vector_load %arg6[%swap3A_1044, %swap3A_1045] {strides = array<i32>} : memref<64x32xf32, #tpu.memory_space<vmem>>, vector<16xf32>,
    tpu.vector_store %arg6[%swap3A_1044, %swap3A_1045], %broadcast_in_dim3A_1042 {strides = array<i32>} : memref<64x32xf32, #tpu.memory_space<vmem>>, vector<16xf32>,
    %broadcast_in_dim3A_1047 = arith.constant 0.000000e+00 : f32
    %broadcast_in_dim3A_1048 = vector.broadcast %broadcast_in_dim3A_1047 : f32 to vector<16xf32>
    %swap3A_1049 = arith.constant 37 : i32
    %swap3A_1050 = arith.index_cast %swap3A_1049 : i32 to index
    %swap3A_1051 = arith.constant 16 : index
    %swap3A_1052 = tpu.vector_load %arg6[%swap3A_1050, %swap3A_1051] {strides = array<i32>} : memref<64x32xf32, #tpu.memory_space<vmem>>, vector<16xf32>,
    tpu.vector_store %arg6[%swap3A_1050, %swap3A_1051], %broadcast_in_dim3A_1048 {strides = array<i32>} : memref<64x32xf32, #tpu.memory_space<vmem>>, vector<16xf32>,
    %broadcast_in_dim3A_1053 = arith.constant 0.000000e+00 : f32
    %broadcast_in_dim3A_1054 = vector.broadcast %broadcast_in_dim3A_1053 : f32 to vector<16xf32>
    %swap3A_1055 = arith.constant 38 : i32
    %swap3A_1056 = arith.index_cast %swap3A_1055 : i32 to index
    %swap3A_1057 = arith.constant 0 : index
    %swap3A_1058 = tpu.vector_load %arg6[%swap3A_1056, %swap3A_1057] {strides = array<i32>} : memref<64x32xf32, #tpu.memory_space<vmem>>, vector<16xf32>,
    tpu.vector_store %arg6[%swap3A_1056, %swap3A_1057], %broadcast_in_dim3A_1054 {strides = array<i32>} : memref<64x32xf32, #tpu.memory_space<vmem>>, vector<16xf32>,
    %broadcast_in_dim3A_1059 = arith.constant 0.000000e+00 : f32
    %broadcast_in_dim3A_1060 = vector.broadcast %broadcast_in_dim3A_1059 : f32 to vector<16xf32>
    %swap3A_1061 = arith.constant 38 : i32
    %swap3A_1062 = arith.index_cast %swap3A_1061 : i32 to index
    %swap3A_1063 = arith.constant 16 : index
    %swap3A_1064 = tpu.vector_load %arg6[%swap3A_1062, %swap3A_1063] {strides = array<i32>} : memref<64x32xf32, #tpu.memory_space<vmem>>, vector<16xf32>,
    tpu.vector_store %arg6[%swap3A_1062, %swap3A_1063], %broadcast_in_dim3A_1060 {strides = array<i32>} : memref<64x32xf32, #tpu.memory_space<vmem>>, vector<16xf32>,
    %broadcast_in_dim3A_1065 = arith.constant 0.000000e+00 : f32
    %broadcast_in_dim3A_1066 = vector.broadcast %broadcast_in_dim3A_1065 : f32 to vector<16xf32>
    %swap3A_1067 = arith.constant 39 : i32
    %swap3A_1068 = arith.index_cast %swap3A_1067 : i32 to index
    %swap3A_1069 = arith.constant 0 : index
    %swap3A_1070 = tpu.vector_load %arg6[%swap3A_1068, %swap3A_1069] {strides = array<i32>} : memref<64x32xf32, #tpu.memory_space<vmem>>, vector<16xf32>,
    tpu.vector_store %arg6[%swap3A_1068, %swap3A_1069], %broadcast_in_dim3A_1066 {strides = array<i32>} : memref<64x32xf32, #tpu.memory_space<vmem>>, vector<16xf32>,
    %broadcast_in_dim3A_1071 = arith.constant 0.000000e+00 : f32
    %broadcast_in_dim3A_1072 = vector.broadcast %broadcast_in_dim3A_1071 : f32 to vector<16xf32>
    %swap3A_1073 = arith.constant 39 : i32
    %swap3A_1074 = arith.index_cast %swap3A_1073 : i32 to index
    %swap3A_1075 = arith.constant 16 : index
    %swap3A_1076 = tpu.vector_load %arg6[%swap3A_1074, %swap3A_1075] {strides = array<i32>} : memref<64x32xf32, #tpu.memory_space<vmem>>, vector<16xf32>,
    tpu.vector_store %arg6[%swap3A_1074, %swap3A_1075], %broadcast_in_dim3A_1072 {strides = array<i32>} : memref<64x32xf32, #tpu.memory_space<vmem>>, vector<16xf32>,
    %broadcast_in_dim3A_1077 = arith.constant 0.000000e+00 : f32
    %broadcast_in_dim3A_1078 = vector.broadcast %broadcast_in_dim3A_1077 : f32 to vector<16xf32>
    %swap3A_1079 = arith.constant 40 : i32
    %swap3A_1080 = arith.index_cast %swap3A_1079 : i32 to index
    %swap3A_1081 = arith.constant 0 : index
    %swap3A_1082 = tpu.vector_load %arg6[%swap3A_1080, %swap3A_1081] {strides = array<i32>} : memref<64x32xf32, #tpu.memory_space<vmem>>, vector<16xf32>,
    tpu.vector_store %arg6[%swap3A_1080, %swap3A_1081], %broadcast_in_dim3A_1078 {strides = array<i32>} : memref<64x32xf32, #tpu.memory_space<vmem>>, vector<16xf32>,
    %broadcast_in_dim3A_1083 = arith.constant 0.000000e+00 : f32
    %broadcast_in_dim3A_1084 = vector.broadcast %broadcast_in_dim3A_1083 : f32 to vector<16xf32>
    %swap3A_1085 = arith.constant 40 : i32
    %swap3A_1086 = arith.index_cast %swap3A_1085 : i32 to index
    %swap3A_1087 = arith.constant 16 : index
    %swap3A_1088 = tpu.vector_load %arg6[%swap3A_1086, %swap3A_1087] {strides = array<i32>} : memref<64x32xf32, #tpu.memory_space<vmem>>, vector<16xf32>,
    tpu.vector_store %arg6[%swap3A_1086, %swap3A_1087], %broadcast_in_dim3A_1084 {strides = array<i32>} : memref<64x32xf32, #tpu.memory_space<vmem>>, vector<16xf32>,
    %broadcast_in_dim3A_1089 = arith.constant 0.000000e+00 : f32
    %broadcast_in_dim3A_1090 = vector.broadcast %broadcast_in_dim3A_1089 : f32 to vector<16xf32>
    %swap3A_1091 = arith.constant 41 : i32
    %swap3A_1092 = arith.index_cast %swap3A_1091 : i32 to index
    %swap3A_1093 = arith.constant 0 : index
    %swap3A_1094 = tpu.vector_load %arg6[%swap3A_1092, %swap3A_1093] {strides = array<i32>} : memref<64x32xf32, #tpu.memory_space<vmem>>, vector<16xf32>,
    tpu.vector_store %arg6[%swap3A_1092, %swap3A_1093], %broadcast_in_dim3A_1090 {strides = array<i32>} : memref<64x32xf32, #tpu.memory_space<vmem>>, vector<16xf32>,
    %broadcast_in_dim3A_1095 = arith.constant 0.000000e+00 : f32
    %broadcast_in_dim3A_1096 = vector.broadcast %broadcast_in_dim3A_1095 : f32 to vector<16xf32>
    %swap3A_1097 = arith.constant 41 : i32
    %swap3A_1098 = arith.index_cast %swap3A_1097 : i32 to index
    %swap3A_1099 = arith.constant 16 : index
    %swap3A_1100 = tpu.vector_load %arg6[%swap3A_1098, %swap3A_1099] {strides = array<i32>} : memref<64x32xf32, #tpu.memory_space<vmem>>, vector<16xf32>,
    tpu.vector_store %arg6[%swap3A_1098, %swap3A_1099], %broadcast_in_dim3A_1096 {strides = array<i32>} : memref<64x32xf32, #tpu.memory_space<vmem>>, vector<16xf32>,
    %broadcast_in_dim3A_1101 = arith.constant 0.000000e+00 : f32
    %broadcast_in_dim3A_1102 = vector.broadcast %broadcast_in_dim3A_1101 : f32 to vector<16xf32>
    %swap3A_1103 = arith.constant 42 : i32
    %swap3A_1104 = arith.index_cast %swap3A_1103 : i32 to index
    %swap3A_1105 = arith.constant 0 : index
    %swap3A_1106 = tpu.vector_load %arg6[%swap3A_1104, %swap3A_1105] {strides = array<i32>} : memref<64x32xf32, #tpu.memory_space<vmem>>, vector<16xf32>,
    tpu.vector_store %arg6[%swap3A_1104, %swap3A_1105], %broadcast_in_dim3A_1102 {strides = array<i32>} : memref<64x32xf32, #tpu.memory_space<vmem>>, vector<16xf32>,
    %broadcast_in_dim3A_1107 = arith.constant 0.000000e+00 : f32
    %broadcast_in_dim3A_1108 = vector.broadcast %broadcast_in_dim3A_1107 : f32 to vector<16xf32>
    %swap3A_1109 = arith.constant 42 : i32
    %swap3A_1110 = arith.index_cast %swap3A_1109 : i32 to index
    %swap3A_1111 = arith.constant 16 : index
    %swap3A_1112 = tpu.vector_load %arg6[%swap3A_1110, %swap3A_1111] {strides = array<i32>} : memref<64x32xf32, #tpu.memory_space<vmem>>, vector<16xf32>,
    tpu.vector_store %arg6[%swap3A_1110, %swap3A_1111], %broadcast_in_dim3A_1108 {strides = array<i32>} : memref<64x32xf32, #tpu.memory_space<vmem>>, vector<16xf32>,
    %broadcast_in_dim3A_1113 = arith.constant 0.000000e+00 : f32
    %broadcast_in_dim3A_1114 = vector.broadcast %broadcast_in_dim3A_1113 : f32 to vector<16xf32>
    %swap3A_1115 = arith.constant 43 : i32
    %swap3A_1116 = arith.index_cast %swap3A_1115 : i32 to index
    %swap3A_1117 = arith.constant 0 : index
    %swap3A_1118 = tpu.vector_load %arg6[%swap3A_1116, %swap3A_1117] {strides = array<i32>} : memref<64x32xf32, #tpu.memory_space<vmem>>, vector<16xf32>,
    tpu.vector_store %arg6[%swap3A_1116, %swap3A_1117], %broadcast_in_dim3A_1114 {strides = array<i32>} : memref<64x32xf32, #tpu.memory_space<vmem>>, vector<16xf32>,
    %broadcast_in_dim3A_1119 = arith.constant 0.000000e+00 : f32
    %broadcast_in_dim3A_1120 = vector.broadcast %broadcast_in_dim3A_1119 : f32 to vector<16xf32>
    %swap3A_1121 = arith.constant 43 : i32
    %swap3A_1122 = arith.index_cast %swap3A_1121 : i32 to index
    %swap3A_1123 = arith.constant 16 : index
    %swap3A_1124 = tpu.vector_load %arg6[%swap3A_1122, %swap3A_1123] {strides = array<i32>} : memref<64x32xf32, #tpu.memory_space<vmem>>, vector<16xf32>,
    tpu.vector_store %arg6[%swap3A_1122, %swap3A_1123], %broadcast_in_dim3A_1120 {strides = array<i32>} : memref<64x32xf32, #tpu.memory_space<vmem>>, vector<16xf32>,
    %broadcast_in_dim3A_1125 = arith.constant 0.000000e+00 : f32
    %broadcast_in_dim3A_1126 = vector.broadcast %broadcast_in_dim3A_1125 : f32 to vector<16xf32>
    %swap3A_1127 = arith.constant 44 : i32
    %swap3A_1128 = arith.index_cast %swap3A_1127 : i32 to index
    %swap3A_1129 = arith.constant 0 : index
    %swap3A_1130 = tpu.vector_load %arg6[%swap3A_1128, %swap3A_1129] {strides = array<i32>} : memref<64x32xf32, #tpu.memory_space<vmem>>, vector<16xf32>,
    tpu.vector_store %arg6[%swap3A_1128, %swap3A_1129], %broadcast_in_dim3A_1126 {strides = array<i32>} : memref<64x32xf32, #tpu.memory_space<vmem>>, vector<16xf32>,
    %broadcast_in_dim3A_1131 = arith.constant 0.000000e+00 : f32
    %broadcast_in_dim3A_1132 = vector.broadcast %broadcast_in_dim3A_1131 : f32 to vector<16xf32>
    %swap3A_1133 = arith.constant 44 : i32
    %swap3A_1134 = arith.index_cast %swap3A_1133 : i32 to index
    %swap3A_1135 = arith.constant 16 : index
    %swap3A_1136 = tpu.vector_load %arg6[%swap3A_1134, %swap3A_1135] {strides = array<i32>} : memref<64x32xf32, #tpu.memory_space<vmem>>, vector<16xf32>,
    tpu.vector_store %arg6[%swap3A_1134, %swap3A_1135], %broadcast_in_dim3A_1132 {strides = array<i32>} : memref<64x32xf32, #tpu.memory_space<vmem>>, vector<16xf32>,
    %broadcast_in_dim3A_1137 = arith.constant 0.000000e+00 : f32
    %broadcast_in_dim3A_1138 = vector.broadcast %broadcast_in_dim3A_1137 : f32 to vector<16xf32>
    %swap3A_1139 = arith.constant 45 : i32
    %swap3A_1140 = arith.index_cast %swap3A_1139 : i32 to index
    %swap3A_1141 = arith.constant 0 : index
    %swap3A_1142 = tpu.vector_load %arg6[%swap3A_1140, %swap3A_1141] {strides = array<i32>} : memref<64x32xf32, #tpu.memory_space<vmem>>, vector<16xf32>,
    tpu.vector_store %arg6[%swap3A_1140, %swap3A_1141], %broadcast_in_dim3A_1138 {strides = array<i32>} : memref<64x32xf32, #tpu.memory_space<vmem>>, vector<16xf32>,
    %broadcast_in_dim3A_1143 = arith.constant 0.000000e+00 : f32
    %broadcast_in_dim3A_1144 = vector.broadcast %broadcast_in_dim3A_1143 : f32 to vector<16xf32>
    %swap3A_1145 = arith.constant 45 : i32
    %swap3A_1146 = arith.index_cast %swap3A_1145 : i32 to index
    %swap3A_1147 = arith.constant 16 : index
    %swap3A_1148 = tpu.vector_load %arg6[%swap3A_1146, %swap3A_1147] {strides = array<i32>} : memref<64x32xf32, #tpu.memory_space<vmem>>, vector<16xf32>,
    tpu.vector_store %arg6[%swap3A_1146, %swap3A_1147], %broadcast_in_dim3A_1144 {strides = array<i32>} : memref<64x32xf32, #tpu.memory_space<vmem>>, vector<16xf32>,
    %broadcast_in_dim3A_1149 = arith.constant 0.000000e+00 : f32
    %broadcast_in_dim3A_1150 = vector.broadcast %broadcast_in_dim3A_1149 : f32 to vector<16xf32>
    %swap3A_1151 = arith.constant 46 : i32
    %swap3A_1152 = arith.index_cast %swap3A_1151 : i32 to index
    %swap3A_1153 = arith.constant 0 : index
    %swap3A_1154 = tpu.vector_load %arg6[%swap3A_1152, %swap3A_1153] {strides = array<i32>} : memref<64x32xf32, #tpu.memory_space<vmem>>, vector<16xf32>,
    tpu.vector_store %arg6[%swap3A_1152, %swap3A_1153], %broadcast_in_dim3A_1150 {strides = array<i32>} : memref<64x32xf32, #tpu.memory_space<vmem>>, vector<16xf32>,
    %broadcast_in_dim3A_1155 = arith.constant 0.000000e+00 : f32
    %broadcast_in_dim3A_1156 = vector.broadcast %broadcast_in_dim3A_1155 : f32 to vector<16xf32>
    %swap3A_1157 = arith.constant 46 : i32
    %swap3A_1158 = arith.index_cast %swap3A_1157 : i32 to index
    %swap3A_1159 = arith.constant 16 : index
    %swap3A_1160 = tpu.vector_load %arg6[%swap3A_1158, %swap3A_1159] {strides = array<i32>} : memref<64x32xf32, #tpu.memory_space<vmem>>, vector<16xf32>,
    tpu.vector_store %arg6[%swap3A_1158, %swap3A_1159], %broadcast_in_dim3A_1156 {strides = array<i32>} : memref<64x32xf32, #tpu.memory_space<vmem>>, vector<16xf32>,
    %broadcast_in_dim3A_1161 = arith.constant 0.000000e+00 : f32
    %broadcast_in_dim3A_1162 = vector.broadcast %broadcast_in_dim3A_1161 : f32 to vector<16xf32>
    %swap3A_1163 = arith.constant 47 : i32
    %swap3A_1164 = arith.index_cast %swap3A_1163 : i32 to index
    %swap3A_1165 = arith.constant 0 : index
    %swap3A_1166 = tpu.vector_load %arg6[%swap3A_1164, %swap3A_1165] {strides = array<i32>} : memref<64x32xf32, #tpu.memory_space<vmem>>, vector<16xf32>,
    tpu.vector_store %arg6[%swap3A_1164, %swap3A_1165], %broadcast_in_dim3A_1162 {strides = array<i32>} : memref<64x32xf32, #tpu.memory_space<vmem>>, vector<16xf32>,
    %broadcast_in_dim3A_1167 = arith.constant 0.000000e+00 : f32
    %broadcast_in_dim3A_1168 = vector.broadcast %broadcast_in_dim3A_1167 : f32 to vector<16xf32>
    %swap3A_1169 = arith.constant 47 : i32
    %swap3A_1170 = arith.index_cast %swap3A_1169 : i32 to index
    %swap3A_1171 = arith.constant 16 : index
    %swap3A_1172 = tpu.vector_load %arg6[%swap3A_1170, %swap3A_1171] {strides = array<i32>} : memref<64x32xf32, #tpu.memory_space<vmem>>, vector<16xf32>,
    tpu.vector_store %arg6[%swap3A_1170, %swap3A_1171], %broadcast_in_dim3A_1168 {strides = array<i32>} : memref<64x32xf32, #tpu.memory_space<vmem>>, vector<16xf32>,
    %broadcast_in_dim3A_1173 = arith.constant 0.000000e+00 : f32
    %broadcast_in_dim3A_1174 = vector.broadcast %broadcast_in_dim3A_1173 : f32 to vector<16xf32>
    %swap3A_1175 = arith.constant 48 : i32
    %swap3A_1176 = arith.index_cast %swap3A_1175 : i32 to index
    %swap3A_1177 = arith.constant 0 : index
    %swap3A_1178 = tpu.vector_load %arg6[%swap3A_1176, %swap3A_1177] {strides = array<i32>} : memref<64x32xf32, #tpu.memory_space<vmem>>, vector<16xf32>,
    tpu.vector_store %arg6[%swap3A_1176, %swap3A_1177], %broadcast_in_dim3A_1174 {strides = array<i32>} : memref<64x32xf32, #tpu.memory_space<vmem>>, vector<16xf32>,
    %broadcast_in_dim3A_1179 = arith.constant 0.000000e+00 : f32
    %broadcast_in_dim3A_1180 = vector.broadcast %broadcast_in_dim3A_1179 : f32 to vector<16xf32>
    %swap3A_1181 = arith.constant 48 : i32
    %swap3A_1182 = arith.index_cast %swap3A_1181 : i32 to index
    %swap3A_1183 = arith.constant 16 : index
    %swap3A_1184 = tpu.vector_load %arg6[%swap3A_1182, %swap3A_1183] {strides = array<i32>} : memref<64x32xf32, #tpu.memory_space<vmem>>, vector<16xf32>,
    tpu.vector_store %arg6[%swap3A_1182, %swap3A_1183], %broadcast_in_dim3A_1180 {strides = array<i32>} : memref<64x32xf32, #tpu.memory_space<vmem>>, vector<16xf32>,
    %broadcast_in_dim3A_1185 = arith.constant 0.000000e+00 : f32
    %broadcast_in_dim3A_1186 = vector.broadcast %broadcast_in_dim3A_1185 : f32 to vector<16xf32>
    %swap3A_1187 = arith.constant 49 : i32
    %swap3A_1188 = arith.index_cast %swap3A_1187 : i32 to index
    %swap3A_1189 = arith.constant 0 : index
    %swap3A_1190 = tpu.vector_load %arg6[%swap3A_1188, %swap3A_1189] {strides = array<i32>} : memref<64x32xf32, #tpu.memory_space<vmem>>, vector<16xf32>,
    tpu.vector_store %arg6[%swap3A_1188, %swap3A_1189], %broadcast_in_dim3A_1186 {strides = array<i32>} : memref<64x32xf32, #tpu.memory_space<vmem>>, vector<16xf32>,
    %broadcast_in_dim3A_1191 = arith.constant 0.000000e+00 : f32
    %broadcast_in_dim3A_1192 = vector.broadcast %broadcast_in_dim3A_1191 : f32 to vector<16xf32>
    %swap3A_1193 = arith.constant 49 : i32
    %swap3A_1194 = arith.index_cast %swap3A_1193 : i32 to index
    %swap3A_1195 = arith.constant 16 : index
    %swap3A_1196 = tpu.vector_load %arg6[%swap3A_1194, %swap3A_1195] {strides = array<i32>} : memref<64x32xf32, #tpu.memory_space<vmem>>, vector<16xf32>,
    tpu.vector_store %arg6[%swap3A_1194, %swap3A_1195], %broadcast_in_dim3A_1192 {strides = array<i32>} : memref<64x32xf32, #tpu.memory_space<vmem>>, vector<16xf32>,
    %broadcast_in_dim3A_1197 = arith.constant 0.000000e+00 : f32
    %broadcast_in_dim3A_1198 = vector.broadcast %broadcast_in_dim3A_1197 : f32 to vector<16xf32>
    %swap3A_1199 = arith.constant 50 : i32
    %swap3A_1200 = arith.index_cast %swap3A_1199 : i32 to index
    %swap3A_1201 = arith.constant 0 : index
    %swap3A_1202 = tpu.vector_load %arg6[%swap3A_1200, %swap3A_1201] {strides = array<i32>} : memref<64x32xf32, #tpu.memory_space<vmem>>, vector<16xf32>,
    tpu.vector_store %arg6[%swap3A_1200, %swap3A_1201], %broadcast_in_dim3A_1198 {strides = array<i32>} : memref<64x32xf32, #tpu.memory_space<vmem>>, vector<16xf32>,
    %broadcast_in_dim3A_1203 = arith.constant 0.000000e+00 : f32
    %broadcast_in_dim3A_1204 = vector.broadcast %broadcast_in_dim3A_1203 : f32 to vector<16xf32>
    %swap3A_1205 = arith.constant 50 : i32
    %swap3A_1206 = arith.index_cast %swap3A_1205 : i32 to index
    %swap3A_1207 = arith.constant 16 : index
    %swap3A_1208 = tpu.vector_load %arg6[%swap3A_1206, %swap3A_1207] {strides = array<i32>} : memref<64x32xf32, #tpu.memory_space<vmem>>, vector<16xf32>,
    tpu.vector_store %arg6[%swap3A_1206, %swap3A_1207], %broadcast_in_dim3A_1204 {strides = array<i32>} : memref<64x32xf32, #tpu.memory_space<vmem>>, vector<16xf32>,
    %broadcast_in_dim3A_1209 = arith.constant 0.000000e+00 : f32
    %broadcast_in_dim3A_1210 = vector.broadcast %broadcast_in_dim3A_1209 : f32 to vector<16xf32>
    %swap3A_1211 = arith.constant 51 : i32
    %swap3A_1212 = arith.index_cast %swap3A_1211 : i32 to index
    %swap3A_1213 = arith.constant 0 : index
    %swap3A_1214 = tpu.vector_load %arg6[%swap3A_1212, %swap3A_1213] {strides = array<i32>} : memref<64x32xf32, #tpu.memory_space<vmem>>, vector<16xf32>,
    tpu.vector_store %arg6[%swap3A_1212, %swap3A_1213], %broadcast_in_dim3A_1210 {strides = array<i32>} : memref<64x32xf32, #tpu.memory_space<vmem>>, vector<16xf32>,
    %broadcast_in_dim3A_1215 = arith.constant 0.000000e+00 : f32
    %broadcast_in_dim3A_1216 = vector.broadcast %broadcast_in_dim3A_1215 : f32 to vector<16xf32>
    %swap3A_1217 = arith.constant 51 : i32
    %swap3A_1218 = arith.index_cast %swap3A_1217 : i32 to index
    %swap3A_1219 = arith.constant 16 : index
    %swap3A_1220 = tpu.vector_load %arg6[%swap3A_1218, %swap3A_1219] {strides = array<i32>} : memref<64x32xf32, #tpu.memory_space<vmem>>, vector<16xf32>,
    tpu.vector_store %arg6[%swap3A_1218, %swap3A_1219], %broadcast_in_dim3A_1216 {strides = array<i32>} : memref<64x32xf32, #tpu.memory_space<vmem>>, vector<16xf32>,
    %broadcast_in_dim3A_1221 = arith.constant 0.000000e+00 : f32
    %broadcast_in_dim3A_1222 = vector.broadcast %broadcast_in_dim3A_1221 : f32 to vector<16xf32>
    %swap3A_1223 = arith.constant 52 : i32
    %swap3A_1224 = arith.index_cast %swap3A_1223 : i32 to index
    %swap3A_1225 = arith.constant 0 : index
    %swap3A_1226 = tpu.vector_load %arg6[%swap3A_1224, %swap3A_1225] {strides = array<i32>} : memref<64x32xf32, #tpu.memory_space<vmem>>, vector<16xf32>,
    tpu.vector_store %arg6[%swap3A_1224, %swap3A_1225], %broadcast_in_dim3A_1222 {strides = array<i32>} : memref<64x32xf32, #tpu.memory_space<vmem>>, vector<16xf32>,
    %broadcast_in_dim3A_1227 = arith.constant 0.000000e+00 : f32
    %broadcast_in_dim3A_1228 = vector.broadcast %broadcast_in_dim3A_1227 : f32 to vector<16xf32>
    %swap3A_1229 = arith.constant 52 : i32
    %swap3A_1230 = arith.index_cast %swap3A_1229 : i32 to index
    %swap3A_1231 = arith.constant 16 : index
    %swap3A_1232 = tpu.vector_load %arg6[%swap3A_1230, %swap3A_1231] {strides = array<i32>} : memref<64x32xf32, #tpu.memory_space<vmem>>, vector<16xf32>,
    tpu.vector_store %arg6[%swap3A_1230, %swap3A_1231], %broadcast_in_dim3A_1228 {strides = array<i32>} : memref<64x32xf32, #tpu.memory_space<vmem>>, vector<16xf32>,
    %broadcast_in_dim3A_1233 = arith.constant 0.000000e+00 : f32
    %broadcast_in_dim3A_1234 = vector.broadcast %broadcast_in_dim3A_1233 : f32 to vector<16xf32>
    %swap3A_1235 = arith.constant 53 : i32
    %swap3A_1236 = arith.index_cast %swap3A_1235 : i32 to index
    %swap3A_1237 = arith.constant 0 : index
    %swap3A_1238 = tpu.vector_load %arg6[%swap3A_1236, %swap3A_1237] {strides = array<i32>} : memref<64x32xf32, #tpu.memory_space<vmem>>, vector<16xf32>,
    tpu.vector_store %arg6[%swap3A_1236, %swap3A_1237], %broadcast_in_dim3A_1234 {strides = array<i32>} : memref<64x32xf32, #tpu.memory_space<vmem>>, vector<16xf32>,
    %broadcast_in_dim3A_1239 = arith.constant 0.000000e+00 : f32
    %broadcast_in_dim3A_1240 = vector.broadcast %broadcast_in_dim3A_1239 : f32 to vector<16xf32>
    %swap3A_1241 = arith.constant 53 : i32
    %swap3A_1242 = arith.index_cast %swap3A_1241 : i32 to index
    %swap3A_1243 = arith.constant 16 : index
    %swap3A_1244 = tpu.vector_load %arg6[%swap3A_1242, %swap3A_1243] {strides = array<i32>} : memref<64x32xf32, #tpu.memory_space<vmem>>, vector<16xf32>,
    tpu.vector_store %arg6[%swap3A_1242, %swap3A_1243], %broadcast_in_dim3A_1240 {strides = array<i32>} : memref<64x32xf32, #tpu.memory_space<vmem>>, vector<16xf32>,
    %broadcast_in_dim3A_1245 = arith.constant 0.000000e+00 : f32
    %broadcast_in_dim3A_1246 = vector.broadcast %broadcast_in_dim3A_1245 : f32 to vector<16xf32>
    %swap3A_1247 = arith.constant 54 : i32
    %swap3A_1248 = arith.index_cast %swap3A_1247 : i32 to index
    %swap3A_1249 = arith.constant 0 : index
    %swap3A_1250 = tpu.vector_load %arg6[%swap3A_1248, %swap3A_1249] {strides = array<i32>} : memref<64x32xf32, #tpu.memory_space<vmem>>, vector<16xf32>,
    tpu.vector_store %arg6[%swap3A_1248, %swap3A_1249], %broadcast_in_dim3A_1246 {strides = array<i32>} : memref<64x32xf32, #tpu.memory_space<vmem>>, vector<16xf32>,
    %broadcast_in_dim3A_1251 = arith.constant 0.000000e+00 : f32
    %broadcast_in_dim3A_1252 = vector.broadcast %broadcast_in_dim3A_1251 : f32 to vector<16xf32>
    %swap3A_1253 = arith.constant 54 : i32
    %swap3A_1254 = arith.index_cast %swap3A_1253 : i32 to index
    %swap3A_1255 = arith.constant 16 : index
    %swap3A_1256 = tpu.vector_load %arg6[%swap3A_1254, %swap3A_1255] {strides = array<i32>} : memref<64x32xf32, #tpu.memory_space<vmem>>, vector<16xf32>,
    tpu.vector_store %arg6[%swap3A_1254, %swap3A_1255], %broadcast_in_dim3A_1252 {strides = array<i32>} : memref<64x32xf32, #tpu.memory_space<vmem>>, vector<16xf32>,
    %broadcast_in_dim3A_1257 = arith.constant 0.000000e+00 : f32
    %broadcast_in_dim3A_1258 = vector.broadcast %broadcast_in_dim3A_1257 : f32 to vector<16xf32>
    %swap3A_1259 = arith.constant 55 : i32
    %swap3A_1260 = arith.index_cast %swap3A_1259 : i32 to index
    %swap3A_1261 = arith.constant 0 : index
    %swap3A_1262 = tpu.vector_load %arg6[%swap3A_1260, %swap3A_1261] {strides = array<i32>} : memref<64x32xf32, #tpu.memory_space<vmem>>, vector<16xf32>,
    tpu.vector_store %arg6[%swap3A_1260, %swap3A_1261], %broadcast_in_dim3A_1258 {strides = array<i32>} : memref<64x32xf32, #tpu.memory_space<vmem>>, vector<16xf32>,
    %broadcast_in_dim3A_1263 = arith.constant 0.000000e+00 : f32
    %broadcast_in_dim3A_1264 = vector.broadcast %broadcast_in_dim3A_1263 : f32 to vector<16xf32>
    %swap3A_1265 = arith.constant 55 : i32
    %swap3A_1266 = arith.index_cast %swap3A_1265 : i32 to index
    %swap3A_1267 = arith.constant 16 : index
    %swap3A_1268 = tpu.vector_load %arg6[%swap3A_1266, %swap3A_1267] {strides = array<i32>} : memref<64x32xf32, #tpu.memory_space<vmem>>, vector<16xf32>,
    tpu.vector_store %arg6[%swap3A_1266, %swap3A_1267], %broadcast_in_dim3A_1264 {strides = array<i32>} : memref<64x32xf32, #tpu.memory_space<vmem>>, vector<16xf32>,
    %broadcast_in_dim3A_1269 = arith.constant 0.000000e+00 : f32
    %broadcast_in_dim3A_1270 = vector.broadcast %broadcast_in_dim3A_1269 : f32 to vector<16xf32>
    %swap3A_1271 = arith.constant 56 : i32
    %swap3A_1272 = arith.index_cast %swap3A_1271 : i32 to index
    %swap3A_1273 = arith.constant 0 : index
    %swap3A_1274 = tpu.vector_load %arg6[%swap3A_1272, %swap3A_1273] {strides = array<i32>} : memref<64x32xf32, #tpu.memory_space<vmem>>, vector<16xf32>,
    tpu.vector_store %arg6[%swap3A_1272, %swap3A_1273], %broadcast_in_dim3A_1270 {strides = array<i32>} : memref<64x32xf32, #tpu.memory_space<vmem>>, vector<16xf32>,
    %broadcast_in_dim3A_1275 = arith.constant 0.000000e+00 : f32
    %broadcast_in_dim3A_1276 = vector.broadcast %broadcast_in_dim3A_1275 : f32 to vector<16xf32>
    %swap3A_1277 = arith.constant 56 : i32
    %swap3A_1278 = arith.index_cast %swap3A_1277 : i32 to index
    %swap3A_1279 = arith.constant 16 : index
    %swap3A_1280 = tpu.vector_load %arg6[%swap3A_1278, %swap3A_1279] {strides = array<i32>} : memref<64x32xf32, #tpu.memory_space<vmem>>, vector<16xf32>,
    tpu.vector_store %arg6[%swap3A_1278, %swap3A_1279], %broadcast_in_dim3A_1276 {strides = array<i32>} : memref<64x32xf32, #tpu.memory_space<vmem>>, vector<16xf32>,
    %broadcast_in_dim3A_1281 = arith.constant 0.000000e+00 : f32
    %broadcast_in_dim3A_1282 = vector.broadcast %broadcast_in_dim3A_1281 : f32 to vector<16xf32>
    %swap3A_1283 = arith.constant 57 : i32
    %swap3A_1284 = arith.index_cast %swap3A_1283 : i32 to index
    %swap3A_1285 = arith.constant 0 : index
    %swap3A_1286 = tpu.vector_load %arg6[%swap3A_1284, %swap3A_1285] {strides = array<i32>} : memref<64x32xf32, #tpu.memory_space<vmem>>, vector<16xf32>,
    tpu.vector_store %arg6[%swap3A_1284, %swap3A_1285], %broadcast_in_dim3A_1282 {strides = array<i32>} : memref<64x32xf32, #tpu.memory_space<vmem>>, vector<16xf32>,
    %broadcast_in_dim3A_1287 = arith.constant 0.000000e+00 : f32
    %broadcast_in_dim3A_1288 = vector.broadcast %broadcast_in_dim3A_1287 : f32 to vector<16xf32>
    %swap3A_1289 = arith.constant 57 : i32
    %swap3A_1290 = arith.index_cast %swap3A_1289 : i32 to index
    %swap3A_1291 = arith.constant 16 : index
    %swap3A_1292 = tpu.vector_load %arg6[%swap3A_1290, %swap3A_1291] {strides = array<i32>} : memref<64x32xf32, #tpu.memory_space<vmem>>, vector<16xf32>,
    tpu.vector_store %arg6[%swap3A_1290, %swap3A_1291], %broadcast_in_dim3A_1288 {strides = array<i32>} : memref<64x32xf32, #tpu.memory_space<vmem>>, vector<16xf32>,
    %broadcast_in_dim3A_1293 = arith.constant 0.000000e+00 : f32
    %broadcast_in_dim3A_1294 = vector.broadcast %broadcast_in_dim3A_1293 : f32 to vector<16xf32>
    %swap3A_1295 = arith.constant 58 : i32
    %swap3A_1296 = arith.index_cast %swap3A_1295 : i32 to index
    %swap3A_1297 = arith.constant 0 : index
    %swap3A_1298 = tpu.vector_load %arg6[%swap3A_1296, %swap3A_1297] {strides = array<i32>} : memref<64x32xf32, #tpu.memory_space<vmem>>, vector<16xf32>,
    tpu.vector_store %arg6[%swap3A_1296, %swap3A_1297], %broadcast_in_dim3A_1294 {strides = array<i32>} : memref<64x32xf32, #tpu.memory_space<vmem>>, vector<16xf32>,
    %broadcast_in_dim3A_1299 = arith.constant 0.000000e+00 : f32
    %broadcast_in_dim3A_1300 = vector.broadcast %broadcast_in_dim3A_1299 : f32 to vector<16xf32>
    %swap3A_1301 = arith.constant 58 : i32
    %swap3A_1302 = arith.index_cast %swap3A_1301 : i32 to index
    %swap3A_1303 = arith.constant 16 : index
    %swap3A_1304 = tpu.vector_load %arg6[%swap3A_1302, %swap3A_1303] {strides = array<i32>} : memref<64x32xf32, #tpu.memory_space<vmem>>, vector<16xf32>,
    tpu.vector_store %arg6[%swap3A_1302, %swap3A_1303], %broadcast_in_dim3A_1300 {strides = array<i32>} : memref<64x32xf32, #tpu.memory_space<vmem>>, vector<16xf32>,
    %broadcast_in_dim3A_1305 = arith.constant 0.000000e+00 : f32
    %broadcast_in_dim3A_1306 = vector.broadcast %broadcast_in_dim3A_1305 : f32 to vector<16xf32>
    %swap3A_1307 = arith.constant 59 : i32
    %swap3A_1308 = arith.index_cast %swap3A_1307 : i32 to index
    %swap3A_1309 = arith.constant 0 : index
    %swap3A_1310 = tpu.vector_load %arg6[%swap3A_1308, %swap3A_1309] {strides = array<i32>} : memref<64x32xf32, #tpu.memory_space<vmem>>, vector<16xf32>,
    tpu.vector_store %arg6[%swap3A_1308, %swap3A_1309], %broadcast_in_dim3A_1306 {strides = array<i32>} : memref<64x32xf32, #tpu.memory_space<vmem>>, vector<16xf32>,
    %broadcast_in_dim3A_1311 = arith.constant 0.000000e+00 : f32
    %broadcast_in_dim3A_1312 = vector.broadcast %broadcast_in_dim3A_1311 : f32 to vector<16xf32>
    %swap3A_1313 = arith.constant 59 : i32
    %swap3A_1314 = arith.index_cast %swap3A_1313 : i32 to index
    %swap3A_1315 = arith.constant 16 : index
    %swap3A_1316 = tpu.vector_load %arg6[%swap3A_1314, %swap3A_1315] {strides = array<i32>} : memref<64x32xf32, #tpu.memory_space<vmem>>, vector<16xf32>,
    tpu.vector_store %arg6[%swap3A_1314, %swap3A_1315], %broadcast_in_dim3A_1312 {strides = array<i32>} : memref<64x32xf32, #tpu.memory_space<vmem>>, vector<16xf32>,
    %broadcast_in_dim3A_1317 = arith.constant 0.000000e+00 : f32
    %broadcast_in_dim3A_1318 = vector.broadcast %broadcast_in_dim3A_1317 : f32 to vector<16xf32>
    %swap3A_1319 = arith.constant 60 : i32
    %swap3A_1320 = arith.index_cast %swap3A_1319 : i32 to index
    %swap3A_1321 = arith.constant 0 : index
    %swap3A_1322 = tpu.vector_load %arg6[%swap3A_1320, %swap3A_1321] {strides = array<i32>} : memref<64x32xf32, #tpu.memory_space<vmem>>, vector<16xf32>,
    tpu.vector_store %arg6[%swap3A_1320, %swap3A_1321], %broadcast_in_dim3A_1318 {strides = array<i32>} : memref<64x32xf32, #tpu.memory_space<vmem>>, vector<16xf32>,
    %broadcast_in_dim3A_1323 = arith.constant 0.000000e+00 : f32
    %broadcast_in_dim3A_1324 = vector.broadcast %broadcast_in_dim3A_1323 : f32 to vector<16xf32>
    %swap3A_1325 = arith.constant 60 : i32
    %swap3A_1326 = arith.index_cast %swap3A_1325 : i32 to index
    %swap3A_1327 = arith.constant 16 : index
    %swap3A_1328 = tpu.vector_load %arg6[%swap3A_1326, %swap3A_1327] {strides = array<i32>} : memref<64x32xf32, #tpu.memory_space<vmem>>, vector<16xf32>,
    tpu.vector_store %arg6[%swap3A_1326, %swap3A_1327], %broadcast_in_dim3A_1324 {strides = array<i32>} : memref<64x32xf32, #tpu.memory_space<vmem>>, vector<16xf32>,
    %broadcast_in_dim3A_1329 = arith.constant 0.000000e+00 : f32
    %broadcast_in_dim3A_1330 = vector.broadcast %broadcast_in_dim3A_1329 : f32 to vector<16xf32>
    %swap3A_1331 = arith.constant 61 : i32
    %swap3A_1332 = arith.index_cast %swap3A_1331 : i32 to index
    %swap3A_1333 = arith.constant 0 : index
    %swap3A_1334 = tpu.vector_load %arg6[%swap3A_1332, %swap3A_1333] {strides = array<i32>} : memref<64x32xf32, #tpu.memory_space<vmem>>, vector<16xf32>,
    tpu.vector_store %arg6[%swap3A_1332, %swap3A_1333], %broadcast_in_dim3A_1330 {strides = array<i32>} : memref<64x32xf32, #tpu.memory_space<vmem>>, vector<16xf32>,
    %broadcast_in_dim3A_1335 = arith.constant 0.000000e+00 : f32
    %broadcast_in_dim3A_1336 = vector.broadcast %broadcast_in_dim3A_1335 : f32 to vector<16xf32>
    %swap3A_1337 = arith.constant 61 : i32
    %swap3A_1338 = arith.index_cast %swap3A_1337 : i32 to index
    %swap3A_1339 = arith.constant 16 : index
    %swap3A_1340 = tpu.vector_load %arg6[%swap3A_1338, %swap3A_1339] {strides = array<i32>} : memref<64x32xf32, #tpu.memory_space<vmem>>, vector<16xf32>,
    tpu.vector_store %arg6[%swap3A_1338, %swap3A_1339], %broadcast_in_dim3A_1336 {strides = array<i32>} : memref<64x32xf32, #tpu.memory_space<vmem>>, vector<16xf32>,
    %broadcast_in_dim3A_1341 = arith.constant 0.000000e+00 : f32
    %broadcast_in_dim3A_1342 = vector.broadcast %broadcast_in_dim3A_1341 : f32 to vector<16xf32>
    %swap3A_1343 = arith.constant 62 : i32
    %swap3A_1344 = arith.index_cast %swap3A_1343 : i32 to index
    %swap3A_1345 = arith.constant 0 : index
    %swap3A_1346 = tpu.vector_load %arg6[%swap3A_1344, %swap3A_1345] {strides = array<i32>} : memref<64x32xf32, #tpu.memory_space<vmem>>, vector<16xf32>,
    tpu.vector_store %arg6[%swap3A_1344, %swap3A_1345], %broadcast_in_dim3A_1342 {strides = array<i32>} : memref<64x32xf32, #tpu.memory_space<vmem>>, vector<16xf32>,
    %broadcast_in_dim3A_1347 = arith.constant 0.000000e+00 : f32
    %broadcast_in_dim3A_1348 = vector.broadcast %broadcast_in_dim3A_1347 : f32 to vector<16xf32>
    %swap3A_1349 = arith.constant 62 : i32
    %swap3A_1350 = arith.index_cast %swap3A_1349 : i32 to index
    %swap3A_1351 = arith.constant 16 : index
    %swap3A_1352 = tpu.vector_load %arg6[%swap3A_1350, %swap3A_1351] {strides = array<i32>} : memref<64x32xf32, #tpu.memory_space<vmem>>, vector<16xf32>,
    tpu.vector_store %arg6[%swap3A_1350, %swap3A_1351], %broadcast_in_dim3A_1348 {strides = array<i32>} : memref<64x32xf32, #tpu.memory_space<vmem>>, vector<16xf32>,
    %broadcast_in_dim3A_1353 = arith.constant 0.000000e+00 : f32
    %broadcast_in_dim3A_1354 = vector.broadcast %broadcast_in_dim3A_1353 : f32 to vector<16xf32>
    %swap3A_1355 = arith.constant 63 : i32
    %swap3A_1356 = arith.index_cast %swap3A_1355 : i32 to index
    %swap3A_1357 = arith.constant 0 : index
    %swap3A_1358 = tpu.vector_load %arg6[%swap3A_1356, %swap3A_1357] {strides = array<i32>} : memref<64x32xf32, #tpu.memory_space<vmem>>, vector<16xf32>,
    tpu.vector_store %arg6[%swap3A_1356, %swap3A_1357], %broadcast_in_dim3A_1354 {strides = array<i32>} : memref<64x32xf32, #tpu.memory_space<vmem>>, vector<16xf32>,
    %broadcast_in_dim3A_1359 = arith.constant 0.000000e+00 : f32
    %broadcast_in_dim3A_1360 = vector.broadcast %broadcast_in_dim3A_1359 : f32 to vector<16xf32>
    %swap3A_1361 = arith.constant 63 : i32
    %swap3A_1362 = arith.index_cast %swap3A_1361 : i32 to index
    %swap3A_1363 = arith.constant 16 : index
    %swap3A_1364 = tpu.vector_load %arg6[%swap3A_1362, %swap3A_1363] {strides = array<i32>} : memref<64x32xf32, #tpu.memory_space<vmem>>, vector<16xf32>,
    tpu.vector_store %arg6[%swap3A_1362, %swap3A_1363], %broadcast_in_dim3A_1360 {strides = array<i32>} : memref<64x32xf32, #tpu.memory_space<vmem>>, vector<16xf32>,
    %mul3A_1365 = arith.constant 64 : i32
    %mul3A_1366 = arith.muli %add3A, %mul3A_1365 : i32
    %add3A_1367 = arith.constant 1000000 : i32
    %add3A_1368 = arith.addi %add3A_1367, %mul3A_1366 : i32
    "tpu.region"() ({
      %run_scoped3A = tpu.sem_alloc : memref<!tpu.dma_semaphore, #tpu.memory_space<semaphore_mem>>
      %dma_start3A_1369 = arith.constant 0 : i32
      %dma_start3A_1370 = tpu.memref_slice %arg3[%add3A_1368, %dma_start3A_1369] : memref<1002048x32xf32, #tpu.memory_space<hbm>> -> memref<64x32xf32, #tpu.memory_space<hbm>>
      %dma_start3A_1371 = arith.constant 0 : i32
      %dma_start3A_1372 = tpu.memref_slice %arg3[%add3A_1368, %dma_start3A_1371] : memref<1002048x32xf32, #tpu.memory_space<hbm>> -> memref<64x32xf32, #tpu.memory_space<hbm>>
      tpu.enqueue_dma source(%arg6 : memref<64x32xf32, #tpu.memory_space<vmem>>) target(%dma_start3A_1372 : memref<64x32xf32, #tpu.memory_space<hbm>>) target_semaphore(%run_scoped3A : memref<!tpu.dma_semaphore, #tpu.memory_space<semaphore_mem>>)
      %dma_wait3A_1373 = arith.constant 0 : i32
      %dma_wait3A_1374 = tpu.memref_slice %arg3[%add3A_1368, %dma_wait3A_1373] : memref<1002048x32xf32, #tpu.memory_space<hbm>> -> memref<64x32xf32, #tpu.memory_space<hbm>>
      %dma_wait3A_1375 = arith.constant 0 : i32
      %dma_wait3A_1376 = tpu.memref_slice %arg3[%add3A_1368, %dma_wait3A_1375] : memref<1002048x32xf32, #tpu.memory_space<hbm>> -> memref<64x32xf32, #tpu.memory_space<hbm>>
      tpu.wait_dma2 semaphore(%run_scoped3A : memref<!tpu.dma_semaphore, #tpu.memory_space<semaphore_mem>>) src(%arg6 : memref<64x32xf32, #tpu.memory_space<vmem>>) dst(%dma_wait3A_1376 : memref<64x32xf32, #tpu.memory_space<hbm>>)
      tpu.yield
    }) : () -> ()
    return
  }
}

#map = affine_map<(d0, d1) -> (0, 0)>
module attributes {stable_mosaic.version = 14 : i64} {
  func.func @_body(%arg0: i32, %arg1: i32, %arg2: memref<16384x50xi32, #tpu.memory_space<hbm>>, %arg3: memref<16384x50xi32, #tpu.memory_space<hbm>>, %arg4: memref<1002048x32xf32, #tpu.memory_space<hbm>>, %arg5: memref<16384x32xf32, #tpu.memory_space<hbm>>, %arg6: memref<512x50xi32, #tpu.memory_space<vmem>>, %arg7: memref<512x50xi32, #tpu.memory_space<vmem>>, %arg8: memref<50x512xi32, #tpu.memory_space<vmem>>, %arg9: memref<512x32xf32, #tpu.memory_space<vmem>>, %arg10: memref<!tpu.dma_semaphore, #tpu.memory_space<semaphore_mem>>, %arg11: memref<!tpu.dma_semaphore, #tpu.memory_space<semaphore_mem>>) attributes {dimension_semantics = [#tpu.dimension_semantics<core_parallel>, #tpu.dimension_semantics<subcore_parallel>], iteration_bounds = array<i64: 2, 16>, scalar_prefetch = 0 : i64, scratch_operands = 6 : i64, tpu.core_type = #tpu.core_type<sc_vector_subcore>, window_params = [{transform_indices = #map}, {transform_indices = #map}, {transform_indices = #map}, {transform_indices = #map}]} {
    %mul3A = arith.constant 2 : i32
    %mul3A_0 = arith.muli %arg1, %mul3A : i32
    %add3A = arith.addi %mul3A_0, %arg0 : i32
    %mul3A_1 = arith.constant 512 : i32
    %mul3A_2 = arith.muli %add3A, %mul3A_1 : i32
    "tpu.region"() ({
      %run_scoped3A = tpu.sem_alloc : memref<!tpu.dma_semaphore, #tpu.memory_space<semaphore_mem>>
      %dma_start3A_706 = arith.constant 0 : i32
      %dma_start3A_707 = tpu.memref_slice %arg2[%mul3A_2, %dma_start3A_706] : memref<16384x50xi32, #tpu.memory_space<hbm>> -> memref<512x50xi32, #tpu.memory_space<hbm>>
      %dma_start3A_708 = arith.constant 0 : i32
      %dma_start3A_709 = tpu.memref_slice %arg2[%mul3A_2, %dma_start3A_708] : memref<16384x50xi32, #tpu.memory_space<hbm>> -> memref<512x50xi32, #tpu.memory_space<hbm>>
      tpu.enqueue_dma source(%dma_start3A_709 : memref<512x50xi32, #tpu.memory_space<hbm>>) target(%arg6 : memref<512x50xi32, #tpu.memory_space<vmem>>) target_semaphore(%run_scoped3A : memref<!tpu.dma_semaphore, #tpu.memory_space<semaphore_mem>>)
      %dma_wait3A_710 = arith.constant 0 : i32
      %dma_wait3A_711 = tpu.memref_slice %arg2[%mul3A_2, %dma_wait3A_710] : memref<16384x50xi32, #tpu.memory_space<hbm>> -> memref<512x50xi32, #tpu.memory_space<hbm>>
      %dma_wait3A_712 = arith.constant 0 : i32
      %dma_wait3A_713 = tpu.memref_slice %arg2[%mul3A_2, %dma_wait3A_712] : memref<16384x50xi32, #tpu.memory_space<hbm>> -> memref<512x50xi32, #tpu.memory_space<hbm>>
      tpu.wait_dma2 semaphore(%run_scoped3A : memref<!tpu.dma_semaphore, #tpu.memory_space<semaphore_mem>>) src(%dma_wait3A_713 : memref<512x50xi32, #tpu.memory_space<hbm>>) dst(%arg6 : memref<512x50xi32, #tpu.memory_space<vmem>>)
      tpu.yield
    }) : () -> ()
    "tpu.region"() ({
      %run_scoped3A = tpu.sem_alloc : memref<!tpu.dma_semaphore, #tpu.memory_space<semaphore_mem>>
      %dma_start3A_706 = arith.constant 0 : i32
      %dma_start3A_707 = tpu.memref_slice %arg3[%mul3A_2, %dma_start3A_706] : memref<16384x50xi32, #tpu.memory_space<hbm>> -> memref<512x50xi32, #tpu.memory_space<hbm>>
      %dma_start3A_708 = arith.constant 0 : i32
      %dma_start3A_709 = tpu.memref_slice %arg3[%mul3A_2, %dma_start3A_708] : memref<16384x50xi32, #tpu.memory_space<hbm>> -> memref<512x50xi32, #tpu.memory_space<hbm>>
      tpu.enqueue_dma source(%dma_start3A_709 : memref<512x50xi32, #tpu.memory_space<hbm>>) target(%arg7 : memref<512x50xi32, #tpu.memory_space<vmem>>) target_semaphore(%run_scoped3A : memref<!tpu.dma_semaphore, #tpu.memory_space<semaphore_mem>>)
      %dma_wait3A_710 = arith.constant 0 : i32
      %dma_wait3A_711 = tpu.memref_slice %arg3[%mul3A_2, %dma_wait3A_710] : memref<16384x50xi32, #tpu.memory_space<hbm>> -> memref<512x50xi32, #tpu.memory_space<hbm>>
      %dma_wait3A_712 = arith.constant 0 : i32
      %dma_wait3A_713 = tpu.memref_slice %arg3[%mul3A_2, %dma_wait3A_712] : memref<16384x50xi32, #tpu.memory_space<hbm>> -> memref<512x50xi32, #tpu.memory_space<hbm>>
      tpu.wait_dma2 semaphore(%run_scoped3A : memref<!tpu.dma_semaphore, #tpu.memory_space<semaphore_mem>>) src(%dma_wait3A_713 : memref<512x50xi32, #tpu.memory_space<hbm>>) dst(%arg7 : memref<512x50xi32, #tpu.memory_space<vmem>>)
      tpu.yield
    }) : () -> ()
    %iota3A = tpu.iota {dimensions = array<i32: 0>} : vector<16xi32>
    %scan3A = arith.constant 0 : i32
    %scan3A_3 = arith.constant 0 : i32
    %scan3A_4 = arith.constant 50 : i32
    %scan3A_5 = arith.addi %scan3A_3, %scan3A_4 : i32
    %scan3A_6 = arith.constant 1 : i32
    scf.for %scan3A_706 = %scan3A_3 to %scan3A_5 step %scan3A_6  : i32 {
      %broadcast_in_dim3A = arith.constant 0 : i32
      %broadcast_in_dim3A_707 = vector.broadcast %broadcast_in_dim3A : i32 to vector<16xi32>
      %add3A_708 = vector.broadcast %scan3A_706 : i32 to vector<16xi32>
      %add3A_709 = arith.addi %broadcast_in_dim3A_707, %add3A_708 : vector<16xi32>
      %add3A_710 = arith.constant 0 : i32
      %add3A_711 = vector.broadcast %add3A_710 : i32 to vector<16xi32>
      %add3A_712 = arith.addi %iota3A, %add3A_711 : vector<16xi32>
      %gather3A = tpu.vector_load_idx %arg6[%add3A_712, %add3A_709] : memref<512x50xi32, #tpu.memory_space<vmem>>[vector<16xi32>, vector<16xi32>], vector<16xi32>,
      %gather3A_713 = tpu.vector_load_idx %arg7[%add3A_712, %add3A_709] : memref<512x50xi32, #tpu.memory_space<vmem>>[vector<16xi32>, vector<16xi32>], vector<16xi32>,
      %gt3A = arith.constant 0 : i32
      %gt3A_714 = vector.broadcast %gt3A : i32 to vector<16xi32>
      %gt3A_715 = arith.cmpi sgt, %gather3A_713, %gt3A_714 : vector<16xi32>
      %and3A = arith.constant 2047 : i32
      %and3A_716 = vector.broadcast %and3A : i32 to vector<16xi32>
      %and3A_717 = arith.andi %gather3A, %and3A_716 : vector<16xi32>
      %add3A_718 = arith.constant 1000000 : i32
      %add3A_719 = vector.broadcast %add3A_718 : i32 to vector<16xi32>
      %add3A_720 = arith.addi %add3A_719, %and3A_717 : vector<16xi32>
      %select_n3A = arith.select %gt3A_715, %gather3A, %add3A_720 : vector<16xi1>, vector<16xi32>
      %swap3A = arith.index_cast %scan3A_706 : i32 to index
      %swap3A_721 = arith.constant 0 : index
      %swap3A_722 = tpu.vector_load %arg8[%swap3A, %swap3A_721] {strides = array<i32>} : memref<50x512xi32, #tpu.memory_space<vmem>>, vector<16xi32>,
      tpu.vector_store %arg8[%swap3A, %swap3A_721], %select_n3A {strides = array<i32>} : memref<50x512xi32, #tpu.memory_space<vmem>>, vector<16xi32>,
      %add3A_723 = arith.constant 16 : i32
      %add3A_724 = vector.broadcast %add3A_723 : i32 to vector<16xi32>
      %add3A_725 = arith.addi %iota3A, %add3A_724 : vector<16xi32>
      %gather3A_726 = tpu.vector_load_idx %arg6[%add3A_725, %add3A_709] : memref<512x50xi32, #tpu.memory_space<vmem>>[vector<16xi32>, vector<16xi32>], vector<16xi32>,
      %gather3A_727 = tpu.vector_load_idx %arg7[%add3A_725, %add3A_709] : memref<512x50xi32, #tpu.memory_space<vmem>>[vector<16xi32>, vector<16xi32>], vector<16xi32>,
      %gt3A_728 = arith.constant 0 : i32
      %gt3A_729 = vector.broadcast %gt3A_728 : i32 to vector<16xi32>
      %gt3A_730 = arith.cmpi sgt, %gather3A_727, %gt3A_729 : vector<16xi32>
      %and3A_731 = arith.constant 2047 : i32
      %and3A_732 = vector.broadcast %and3A_731 : i32 to vector<16xi32>
      %and3A_733 = arith.andi %gather3A_726, %and3A_732 : vector<16xi32>
      %add3A_734 = arith.constant 1000000 : i32
      %add3A_735 = vector.broadcast %add3A_734 : i32 to vector<16xi32>
      %add3A_736 = arith.addi %add3A_735, %and3A_733 : vector<16xi32>
      %select_n3A_737 = arith.select %gt3A_730, %gather3A_726, %add3A_736 : vector<16xi1>, vector<16xi32>
      %swap3A_738 = arith.index_cast %scan3A_706 : i32 to index
      %swap3A_739 = arith.constant 16 : index
      %swap3A_740 = tpu.vector_load %arg8[%swap3A_738, %swap3A_739] {strides = array<i32>} : memref<50x512xi32, #tpu.memory_space<vmem>>, vector<16xi32>,
      tpu.vector_store %arg8[%swap3A_738, %swap3A_739], %select_n3A_737 {strides = array<i32>} : memref<50x512xi32, #tpu.memory_space<vmem>>, vector<16xi32>,
      %add3A_741 = arith.constant 32 : i32
      %add3A_742 = vector.broadcast %add3A_741 : i32 to vector<16xi32>
      %add3A_743 = arith.addi %iota3A, %add3A_742 : vector<16xi32>
      %gather3A_744 = tpu.vector_load_idx %arg6[%add3A_743, %add3A_709] : memref<512x50xi32, #tpu.memory_space<vmem>>[vector<16xi32>, vector<16xi32>], vector<16xi32>,
      %gather3A_745 = tpu.vector_load_idx %arg7[%add3A_743, %add3A_709] : memref<512x50xi32, #tpu.memory_space<vmem>>[vector<16xi32>, vector<16xi32>], vector<16xi32>,
      %gt3A_746 = arith.constant 0 : i32
      %gt3A_747 = vector.broadcast %gt3A_746 : i32 to vector<16xi32>
      %gt3A_748 = arith.cmpi sgt, %gather3A_745, %gt3A_747 : vector<16xi32>
      %and3A_749 = arith.constant 2047 : i32
      %and3A_750 = vector.broadcast %and3A_749 : i32 to vector<16xi32>
      %and3A_751 = arith.andi %gather3A_744, %and3A_750 : vector<16xi32>
      %add3A_752 = arith.constant 1000000 : i32
      %add3A_753 = vector.broadcast %add3A_752 : i32 to vector<16xi32>
      %add3A_754 = arith.addi %add3A_753, %and3A_751 : vector<16xi32>
      %select_n3A_755 = arith.select %gt3A_748, %gather3A_744, %add3A_754 : vector<16xi1>, vector<16xi32>
      %swap3A_756 = arith.index_cast %scan3A_706 : i32 to index
      %swap3A_757 = arith.constant 32 : index
      %swap3A_758 = tpu.vector_load %arg8[%swap3A_756, %swap3A_757] {strides = array<i32>} : memref<50x512xi32, #tpu.memory_space<vmem>>, vector<16xi32>,
      tpu.vector_store %arg8[%swap3A_756, %swap3A_757], %select_n3A_755 {strides = array<i32>} : memref<50x512xi32, #tpu.memory_space<vmem>>, vector<16xi32>,
      %add3A_759 = arith.constant 48 : i32
      %add3A_760 = vector.broadcast %add3A_759 : i32 to vector<16xi32>
      %add3A_761 = arith.addi %iota3A, %add3A_760 : vector<16xi32>
      %gather3A_762 = tpu.vector_load_idx %arg6[%add3A_761, %add3A_709] : memref<512x50xi32, #tpu.memory_space<vmem>>[vector<16xi32>, vector<16xi32>], vector<16xi32>,
      %gather3A_763 = tpu.vector_load_idx %arg7[%add3A_761, %add3A_709] : memref<512x50xi32, #tpu.memory_space<vmem>>[vector<16xi32>, vector<16xi32>], vector<16xi32>,
      %gt3A_764 = arith.constant 0 : i32
      %gt3A_765 = vector.broadcast %gt3A_764 : i32 to vector<16xi32>
      %gt3A_766 = arith.cmpi sgt, %gather3A_763, %gt3A_765 : vector<16xi32>
      %and3A_767 = arith.constant 2047 : i32
      %and3A_768 = vector.broadcast %and3A_767 : i32 to vector<16xi32>
      %and3A_769 = arith.andi %gather3A_762, %and3A_768 : vector<16xi32>
      %add3A_770 = arith.constant 1000000 : i32
      %add3A_771 = vector.broadcast %add3A_770 : i32 to vector<16xi32>
      %add3A_772 = arith.addi %add3A_771, %and3A_769 : vector<16xi32>
      %select_n3A_773 = arith.select %gt3A_766, %gather3A_762, %add3A_772 : vector<16xi1>, vector<16xi32>
      %swap3A_774 = arith.index_cast %scan3A_706 : i32 to index
      %swap3A_775 = arith.constant 48 : index
      %swap3A_776 = tpu.vector_load %arg8[%swap3A_774, %swap3A_775] {strides = array<i32>} : memref<50x512xi32, #tpu.memory_space<vmem>>, vector<16xi32>,
      tpu.vector_store %arg8[%swap3A_774, %swap3A_775], %select_n3A_773 {strides = array<i32>} : memref<50x512xi32, #tpu.memory_space<vmem>>, vector<16xi32>,
      %add3A_777 = arith.constant 64 : i32
      %add3A_778 = vector.broadcast %add3A_777 : i32 to vector<16xi32>
      %add3A_779 = arith.addi %iota3A, %add3A_778 : vector<16xi32>
      %gather3A_780 = tpu.vector_load_idx %arg6[%add3A_779, %add3A_709] : memref<512x50xi32, #tpu.memory_space<vmem>>[vector<16xi32>, vector<16xi32>], vector<16xi32>,
      %gather3A_781 = tpu.vector_load_idx %arg7[%add3A_779, %add3A_709] : memref<512x50xi32, #tpu.memory_space<vmem>>[vector<16xi32>, vector<16xi32>], vector<16xi32>,
      %gt3A_782 = arith.constant 0 : i32
      %gt3A_783 = vector.broadcast %gt3A_782 : i32 to vector<16xi32>
      %gt3A_784 = arith.cmpi sgt, %gather3A_781, %gt3A_783 : vector<16xi32>
      %and3A_785 = arith.constant 2047 : i32
      %and3A_786 = vector.broadcast %and3A_785 : i32 to vector<16xi32>
      %and3A_787 = arith.andi %gather3A_780, %and3A_786 : vector<16xi32>
      %add3A_788 = arith.constant 1000000 : i32
      %add3A_789 = vector.broadcast %add3A_788 : i32 to vector<16xi32>
      %add3A_790 = arith.addi %add3A_789, %and3A_787 : vector<16xi32>
      %select_n3A_791 = arith.select %gt3A_784, %gather3A_780, %add3A_790 : vector<16xi1>, vector<16xi32>
      %swap3A_792 = arith.index_cast %scan3A_706 : i32 to index
      %swap3A_793 = arith.constant 64 : index
      %swap3A_794 = tpu.vector_load %arg8[%swap3A_792, %swap3A_793] {strides = array<i32>} : memref<50x512xi32, #tpu.memory_space<vmem>>, vector<16xi32>,
      tpu.vector_store %arg8[%swap3A_792, %swap3A_793], %select_n3A_791 {strides = array<i32>} : memref<50x512xi32, #tpu.memory_space<vmem>>, vector<16xi32>,
      %add3A_795 = arith.constant 80 : i32
      %add3A_796 = vector.broadcast %add3A_795 : i32 to vector<16xi32>
      %add3A_797 = arith.addi %iota3A, %add3A_796 : vector<16xi32>
      %gather3A_798 = tpu.vector_load_idx %arg6[%add3A_797, %add3A_709] : memref<512x50xi32, #tpu.memory_space<vmem>>[vector<16xi32>, vector<16xi32>], vector<16xi32>,
      %gather3A_799 = tpu.vector_load_idx %arg7[%add3A_797, %add3A_709] : memref<512x50xi32, #tpu.memory_space<vmem>>[vector<16xi32>, vector<16xi32>], vector<16xi32>,
      %gt3A_800 = arith.constant 0 : i32
      %gt3A_801 = vector.broadcast %gt3A_800 : i32 to vector<16xi32>
      %gt3A_802 = arith.cmpi sgt, %gather3A_799, %gt3A_801 : vector<16xi32>
      %and3A_803 = arith.constant 2047 : i32
      %and3A_804 = vector.broadcast %and3A_803 : i32 to vector<16xi32>
      %and3A_805 = arith.andi %gather3A_798, %and3A_804 : vector<16xi32>
      %add3A_806 = arith.constant 1000000 : i32
      %add3A_807 = vector.broadcast %add3A_806 : i32 to vector<16xi32>
      %add3A_808 = arith.addi %add3A_807, %and3A_805 : vector<16xi32>
      %select_n3A_809 = arith.select %gt3A_802, %gather3A_798, %add3A_808 : vector<16xi1>, vector<16xi32>
      %swap3A_810 = arith.index_cast %scan3A_706 : i32 to index
      %swap3A_811 = arith.constant 80 : index
      %swap3A_812 = tpu.vector_load %arg8[%swap3A_810, %swap3A_811] {strides = array<i32>} : memref<50x512xi32, #tpu.memory_space<vmem>>, vector<16xi32>,
      tpu.vector_store %arg8[%swap3A_810, %swap3A_811], %select_n3A_809 {strides = array<i32>} : memref<50x512xi32, #tpu.memory_space<vmem>>, vector<16xi32>,
      %add3A_813 = arith.constant 96 : i32
      %add3A_814 = vector.broadcast %add3A_813 : i32 to vector<16xi32>
      %add3A_815 = arith.addi %iota3A, %add3A_814 : vector<16xi32>
      %gather3A_816 = tpu.vector_load_idx %arg6[%add3A_815, %add3A_709] : memref<512x50xi32, #tpu.memory_space<vmem>>[vector<16xi32>, vector<16xi32>], vector<16xi32>,
      %gather3A_817 = tpu.vector_load_idx %arg7[%add3A_815, %add3A_709] : memref<512x50xi32, #tpu.memory_space<vmem>>[vector<16xi32>, vector<16xi32>], vector<16xi32>,
      %gt3A_818 = arith.constant 0 : i32
      %gt3A_819 = vector.broadcast %gt3A_818 : i32 to vector<16xi32>
      %gt3A_820 = arith.cmpi sgt, %gather3A_817, %gt3A_819 : vector<16xi32>
      %and3A_821 = arith.constant 2047 : i32
      %and3A_822 = vector.broadcast %and3A_821 : i32 to vector<16xi32>
      %and3A_823 = arith.andi %gather3A_816, %and3A_822 : vector<16xi32>
      %add3A_824 = arith.constant 1000000 : i32
      %add3A_825 = vector.broadcast %add3A_824 : i32 to vector<16xi32>
      %add3A_826 = arith.addi %add3A_825, %and3A_823 : vector<16xi32>
      %select_n3A_827 = arith.select %gt3A_820, %gather3A_816, %add3A_826 : vector<16xi1>, vector<16xi32>
      %swap3A_828 = arith.index_cast %scan3A_706 : i32 to index
      %swap3A_829 = arith.constant 96 : index
      %swap3A_830 = tpu.vector_load %arg8[%swap3A_828, %swap3A_829] {strides = array<i32>} : memref<50x512xi32, #tpu.memory_space<vmem>>, vector<16xi32>,
      tpu.vector_store %arg8[%swap3A_828, %swap3A_829], %select_n3A_827 {strides = array<i32>} : memref<50x512xi32, #tpu.memory_space<vmem>>, vector<16xi32>,
      %add3A_831 = arith.constant 112 : i32
      %add3A_832 = vector.broadcast %add3A_831 : i32 to vector<16xi32>
      %add3A_833 = arith.addi %iota3A, %add3A_832 : vector<16xi32>
      %gather3A_834 = tpu.vector_load_idx %arg6[%add3A_833, %add3A_709] : memref<512x50xi32, #tpu.memory_space<vmem>>[vector<16xi32>, vector<16xi32>], vector<16xi32>,
      %gather3A_835 = tpu.vector_load_idx %arg7[%add3A_833, %add3A_709] : memref<512x50xi32, #tpu.memory_space<vmem>>[vector<16xi32>, vector<16xi32>], vector<16xi32>,
      %gt3A_836 = arith.constant 0 : i32
      %gt3A_837 = vector.broadcast %gt3A_836 : i32 to vector<16xi32>
      %gt3A_838 = arith.cmpi sgt, %gather3A_835, %gt3A_837 : vector<16xi32>
      %and3A_839 = arith.constant 2047 : i32
      %and3A_840 = vector.broadcast %and3A_839 : i32 to vector<16xi32>
      %and3A_841 = arith.andi %gather3A_834, %and3A_840 : vector<16xi32>
      %add3A_842 = arith.constant 1000000 : i32
      %add3A_843 = vector.broadcast %add3A_842 : i32 to vector<16xi32>
      %add3A_844 = arith.addi %add3A_843, %and3A_841 : vector<16xi32>
      %select_n3A_845 = arith.select %gt3A_838, %gather3A_834, %add3A_844 : vector<16xi1>, vector<16xi32>
      %swap3A_846 = arith.index_cast %scan3A_706 : i32 to index
      %swap3A_847 = arith.constant 112 : index
      %swap3A_848 = tpu.vector_load %arg8[%swap3A_846, %swap3A_847] {strides = array<i32>} : memref<50x512xi32, #tpu.memory_space<vmem>>, vector<16xi32>,
      tpu.vector_store %arg8[%swap3A_846, %swap3A_847], %select_n3A_845 {strides = array<i32>} : memref<50x512xi32, #tpu.memory_space<vmem>>, vector<16xi32>,
      %add3A_849 = arith.constant 128 : i32
      %add3A_850 = vector.broadcast %add3A_849 : i32 to vector<16xi32>
      %add3A_851 = arith.addi %iota3A, %add3A_850 : vector<16xi32>
      %gather3A_852 = tpu.vector_load_idx %arg6[%add3A_851, %add3A_709] : memref<512x50xi32, #tpu.memory_space<vmem>>[vector<16xi32>, vector<16xi32>], vector<16xi32>,
      %gather3A_853 = tpu.vector_load_idx %arg7[%add3A_851, %add3A_709] : memref<512x50xi32, #tpu.memory_space<vmem>>[vector<16xi32>, vector<16xi32>], vector<16xi32>,
      %gt3A_854 = arith.constant 0 : i32
      %gt3A_855 = vector.broadcast %gt3A_854 : i32 to vector<16xi32>
      %gt3A_856 = arith.cmpi sgt, %gather3A_853, %gt3A_855 : vector<16xi32>
      %and3A_857 = arith.constant 2047 : i32
      %and3A_858 = vector.broadcast %and3A_857 : i32 to vector<16xi32>
      %and3A_859 = arith.andi %gather3A_852, %and3A_858 : vector<16xi32>
      %add3A_860 = arith.constant 1000000 : i32
      %add3A_861 = vector.broadcast %add3A_860 : i32 to vector<16xi32>
      %add3A_862 = arith.addi %add3A_861, %and3A_859 : vector<16xi32>
      %select_n3A_863 = arith.select %gt3A_856, %gather3A_852, %add3A_862 : vector<16xi1>, vector<16xi32>
      %swap3A_864 = arith.index_cast %scan3A_706 : i32 to index
      %swap3A_865 = arith.constant 128 : index
      %swap3A_866 = tpu.vector_load %arg8[%swap3A_864, %swap3A_865] {strides = array<i32>} : memref<50x512xi32, #tpu.memory_space<vmem>>, vector<16xi32>,
      tpu.vector_store %arg8[%swap3A_864, %swap3A_865], %select_n3A_863 {strides = array<i32>} : memref<50x512xi32, #tpu.memory_space<vmem>>, vector<16xi32>,
      %add3A_867 = arith.constant 144 : i32
      %add3A_868 = vector.broadcast %add3A_867 : i32 to vector<16xi32>
      %add3A_869 = arith.addi %iota3A, %add3A_868 : vector<16xi32>
      %gather3A_870 = tpu.vector_load_idx %arg6[%add3A_869, %add3A_709] : memref<512x50xi32, #tpu.memory_space<vmem>>[vector<16xi32>, vector<16xi32>], vector<16xi32>,
      %gather3A_871 = tpu.vector_load_idx %arg7[%add3A_869, %add3A_709] : memref<512x50xi32, #tpu.memory_space<vmem>>[vector<16xi32>, vector<16xi32>], vector<16xi32>,
      %gt3A_872 = arith.constant 0 : i32
      %gt3A_873 = vector.broadcast %gt3A_872 : i32 to vector<16xi32>
      %gt3A_874 = arith.cmpi sgt, %gather3A_871, %gt3A_873 : vector<16xi32>
      %and3A_875 = arith.constant 2047 : i32
      %and3A_876 = vector.broadcast %and3A_875 : i32 to vector<16xi32>
      %and3A_877 = arith.andi %gather3A_870, %and3A_876 : vector<16xi32>
      %add3A_878 = arith.constant 1000000 : i32
      %add3A_879 = vector.broadcast %add3A_878 : i32 to vector<16xi32>
      %add3A_880 = arith.addi %add3A_879, %and3A_877 : vector<16xi32>
      %select_n3A_881 = arith.select %gt3A_874, %gather3A_870, %add3A_880 : vector<16xi1>, vector<16xi32>
      %swap3A_882 = arith.index_cast %scan3A_706 : i32 to index
      %swap3A_883 = arith.constant 144 : index
      %swap3A_884 = tpu.vector_load %arg8[%swap3A_882, %swap3A_883] {strides = array<i32>} : memref<50x512xi32, #tpu.memory_space<vmem>>, vector<16xi32>,
      tpu.vector_store %arg8[%swap3A_882, %swap3A_883], %select_n3A_881 {strides = array<i32>} : memref<50x512xi32, #tpu.memory_space<vmem>>, vector<16xi32>,
      %add3A_885 = arith.constant 160 : i32
      %add3A_886 = vector.broadcast %add3A_885 : i32 to vector<16xi32>
      %add3A_887 = arith.addi %iota3A, %add3A_886 : vector<16xi32>
      %gather3A_888 = tpu.vector_load_idx %arg6[%add3A_887, %add3A_709] : memref<512x50xi32, #tpu.memory_space<vmem>>[vector<16xi32>, vector<16xi32>], vector<16xi32>,
      %gather3A_889 = tpu.vector_load_idx %arg7[%add3A_887, %add3A_709] : memref<512x50xi32, #tpu.memory_space<vmem>>[vector<16xi32>, vector<16xi32>], vector<16xi32>,
      %gt3A_890 = arith.constant 0 : i32
      %gt3A_891 = vector.broadcast %gt3A_890 : i32 to vector<16xi32>
      %gt3A_892 = arith.cmpi sgt, %gather3A_889, %gt3A_891 : vector<16xi32>
      %and3A_893 = arith.constant 2047 : i32
      %and3A_894 = vector.broadcast %and3A_893 : i32 to vector<16xi32>
      %and3A_895 = arith.andi %gather3A_888, %and3A_894 : vector<16xi32>
      %add3A_896 = arith.constant 1000000 : i32
      %add3A_897 = vector.broadcast %add3A_896 : i32 to vector<16xi32>
      %add3A_898 = arith.addi %add3A_897, %and3A_895 : vector<16xi32>
      %select_n3A_899 = arith.select %gt3A_892, %gather3A_888, %add3A_898 : vector<16xi1>, vector<16xi32>
      %swap3A_900 = arith.index_cast %scan3A_706 : i32 to index
      %swap3A_901 = arith.constant 160 : index
      %swap3A_902 = tpu.vector_load %arg8[%swap3A_900, %swap3A_901] {strides = array<i32>} : memref<50x512xi32, #tpu.memory_space<vmem>>, vector<16xi32>,
      tpu.vector_store %arg8[%swap3A_900, %swap3A_901], %select_n3A_899 {strides = array<i32>} : memref<50x512xi32, #tpu.memory_space<vmem>>, vector<16xi32>,
      %add3A_903 = arith.constant 176 : i32
      %add3A_904 = vector.broadcast %add3A_903 : i32 to vector<16xi32>
      %add3A_905 = arith.addi %iota3A, %add3A_904 : vector<16xi32>
      %gather3A_906 = tpu.vector_load_idx %arg6[%add3A_905, %add3A_709] : memref<512x50xi32, #tpu.memory_space<vmem>>[vector<16xi32>, vector<16xi32>], vector<16xi32>,
      %gather3A_907 = tpu.vector_load_idx %arg7[%add3A_905, %add3A_709] : memref<512x50xi32, #tpu.memory_space<vmem>>[vector<16xi32>, vector<16xi32>], vector<16xi32>,
      %gt3A_908 = arith.constant 0 : i32
      %gt3A_909 = vector.broadcast %gt3A_908 : i32 to vector<16xi32>
      %gt3A_910 = arith.cmpi sgt, %gather3A_907, %gt3A_909 : vector<16xi32>
      %and3A_911 = arith.constant 2047 : i32
      %and3A_912 = vector.broadcast %and3A_911 : i32 to vector<16xi32>
      %and3A_913 = arith.andi %gather3A_906, %and3A_912 : vector<16xi32>
      %add3A_914 = arith.constant 1000000 : i32
      %add3A_915 = vector.broadcast %add3A_914 : i32 to vector<16xi32>
      %add3A_916 = arith.addi %add3A_915, %and3A_913 : vector<16xi32>
      %select_n3A_917 = arith.select %gt3A_910, %gather3A_906, %add3A_916 : vector<16xi1>, vector<16xi32>
      %swap3A_918 = arith.index_cast %scan3A_706 : i32 to index
      %swap3A_919 = arith.constant 176 : index
      %swap3A_920 = tpu.vector_load %arg8[%swap3A_918, %swap3A_919] {strides = array<i32>} : memref<50x512xi32, #tpu.memory_space<vmem>>, vector<16xi32>,
      tpu.vector_store %arg8[%swap3A_918, %swap3A_919], %select_n3A_917 {strides = array<i32>} : memref<50x512xi32, #tpu.memory_space<vmem>>, vector<16xi32>,
      %add3A_921 = arith.constant 192 : i32
      %add3A_922 = vector.broadcast %add3A_921 : i32 to vector<16xi32>
      %add3A_923 = arith.addi %iota3A, %add3A_922 : vector<16xi32>
      %gather3A_924 = tpu.vector_load_idx %arg6[%add3A_923, %add3A_709] : memref<512x50xi32, #tpu.memory_space<vmem>>[vector<16xi32>, vector<16xi32>], vector<16xi32>,
      %gather3A_925 = tpu.vector_load_idx %arg7[%add3A_923, %add3A_709] : memref<512x50xi32, #tpu.memory_space<vmem>>[vector<16xi32>, vector<16xi32>], vector<16xi32>,
      %gt3A_926 = arith.constant 0 : i32
      %gt3A_927 = vector.broadcast %gt3A_926 : i32 to vector<16xi32>
      %gt3A_928 = arith.cmpi sgt, %gather3A_925, %gt3A_927 : vector<16xi32>
      %and3A_929 = arith.constant 2047 : i32
      %and3A_930 = vector.broadcast %and3A_929 : i32 to vector<16xi32>
      %and3A_931 = arith.andi %gather3A_924, %and3A_930 : vector<16xi32>
      %add3A_932 = arith.constant 1000000 : i32
      %add3A_933 = vector.broadcast %add3A_932 : i32 to vector<16xi32>
      %add3A_934 = arith.addi %add3A_933, %and3A_931 : vector<16xi32>
      %select_n3A_935 = arith.select %gt3A_928, %gather3A_924, %add3A_934 : vector<16xi1>, vector<16xi32>
      %swap3A_936 = arith.index_cast %scan3A_706 : i32 to index
      %swap3A_937 = arith.constant 192 : index
      %swap3A_938 = tpu.vector_load %arg8[%swap3A_936, %swap3A_937] {strides = array<i32>} : memref<50x512xi32, #tpu.memory_space<vmem>>, vector<16xi32>,
      tpu.vector_store %arg8[%swap3A_936, %swap3A_937], %select_n3A_935 {strides = array<i32>} : memref<50x512xi32, #tpu.memory_space<vmem>>, vector<16xi32>,
      %add3A_939 = arith.constant 208 : i32
      %add3A_940 = vector.broadcast %add3A_939 : i32 to vector<16xi32>
      %add3A_941 = arith.addi %iota3A, %add3A_940 : vector<16xi32>
      %gather3A_942 = tpu.vector_load_idx %arg6[%add3A_941, %add3A_709] : memref<512x50xi32, #tpu.memory_space<vmem>>[vector<16xi32>, vector<16xi32>], vector<16xi32>,
      %gather3A_943 = tpu.vector_load_idx %arg7[%add3A_941, %add3A_709] : memref<512x50xi32, #tpu.memory_space<vmem>>[vector<16xi32>, vector<16xi32>], vector<16xi32>,
      %gt3A_944 = arith.constant 0 : i32
      %gt3A_945 = vector.broadcast %gt3A_944 : i32 to vector<16xi32>
      %gt3A_946 = arith.cmpi sgt, %gather3A_943, %gt3A_945 : vector<16xi32>
      %and3A_947 = arith.constant 2047 : i32
      %and3A_948 = vector.broadcast %and3A_947 : i32 to vector<16xi32>
      %and3A_949 = arith.andi %gather3A_942, %and3A_948 : vector<16xi32>
      %add3A_950 = arith.constant 1000000 : i32
      %add3A_951 = vector.broadcast %add3A_950 : i32 to vector<16xi32>
      %add3A_952 = arith.addi %add3A_951, %and3A_949 : vector<16xi32>
      %select_n3A_953 = arith.select %gt3A_946, %gather3A_942, %add3A_952 : vector<16xi1>, vector<16xi32>
      %swap3A_954 = arith.index_cast %scan3A_706 : i32 to index
      %swap3A_955 = arith.constant 208 : index
      %swap3A_956 = tpu.vector_load %arg8[%swap3A_954, %swap3A_955] {strides = array<i32>} : memref<50x512xi32, #tpu.memory_space<vmem>>, vector<16xi32>,
      tpu.vector_store %arg8[%swap3A_954, %swap3A_955], %select_n3A_953 {strides = array<i32>} : memref<50x512xi32, #tpu.memory_space<vmem>>, vector<16xi32>,
      %add3A_957 = arith.constant 224 : i32
      %add3A_958 = vector.broadcast %add3A_957 : i32 to vector<16xi32>
      %add3A_959 = arith.addi %iota3A, %add3A_958 : vector<16xi32>
      %gather3A_960 = tpu.vector_load_idx %arg6[%add3A_959, %add3A_709] : memref<512x50xi32, #tpu.memory_space<vmem>>[vector<16xi32>, vector<16xi32>], vector<16xi32>,
      %gather3A_961 = tpu.vector_load_idx %arg7[%add3A_959, %add3A_709] : memref<512x50xi32, #tpu.memory_space<vmem>>[vector<16xi32>, vector<16xi32>], vector<16xi32>,
      %gt3A_962 = arith.constant 0 : i32
      %gt3A_963 = vector.broadcast %gt3A_962 : i32 to vector<16xi32>
      %gt3A_964 = arith.cmpi sgt, %gather3A_961, %gt3A_963 : vector<16xi32>
      %and3A_965 = arith.constant 2047 : i32
      %and3A_966 = vector.broadcast %and3A_965 : i32 to vector<16xi32>
      %and3A_967 = arith.andi %gather3A_960, %and3A_966 : vector<16xi32>
      %add3A_968 = arith.constant 1000000 : i32
      %add3A_969 = vector.broadcast %add3A_968 : i32 to vector<16xi32>
      %add3A_970 = arith.addi %add3A_969, %and3A_967 : vector<16xi32>
      %select_n3A_971 = arith.select %gt3A_964, %gather3A_960, %add3A_970 : vector<16xi1>, vector<16xi32>
      %swap3A_972 = arith.index_cast %scan3A_706 : i32 to index
      %swap3A_973 = arith.constant 224 : index
      %swap3A_974 = tpu.vector_load %arg8[%swap3A_972, %swap3A_973] {strides = array<i32>} : memref<50x512xi32, #tpu.memory_space<vmem>>, vector<16xi32>,
      tpu.vector_store %arg8[%swap3A_972, %swap3A_973], %select_n3A_971 {strides = array<i32>} : memref<50x512xi32, #tpu.memory_space<vmem>>, vector<16xi32>,
      %add3A_975 = arith.constant 240 : i32
      %add3A_976 = vector.broadcast %add3A_975 : i32 to vector<16xi32>
      %add3A_977 = arith.addi %iota3A, %add3A_976 : vector<16xi32>
      %gather3A_978 = tpu.vector_load_idx %arg6[%add3A_977, %add3A_709] : memref<512x50xi32, #tpu.memory_space<vmem>>[vector<16xi32>, vector<16xi32>], vector<16xi32>,
      %gather3A_979 = tpu.vector_load_idx %arg7[%add3A_977, %add3A_709] : memref<512x50xi32, #tpu.memory_space<vmem>>[vector<16xi32>, vector<16xi32>], vector<16xi32>,
      %gt3A_980 = arith.constant 0 : i32
      %gt3A_981 = vector.broadcast %gt3A_980 : i32 to vector<16xi32>
      %gt3A_982 = arith.cmpi sgt, %gather3A_979, %gt3A_981 : vector<16xi32>
      %and3A_983 = arith.constant 2047 : i32
      %and3A_984 = vector.broadcast %and3A_983 : i32 to vector<16xi32>
      %and3A_985 = arith.andi %gather3A_978, %and3A_984 : vector<16xi32>
      %add3A_986 = arith.constant 1000000 : i32
      %add3A_987 = vector.broadcast %add3A_986 : i32 to vector<16xi32>
      %add3A_988 = arith.addi %add3A_987, %and3A_985 : vector<16xi32>
      %select_n3A_989 = arith.select %gt3A_982, %gather3A_978, %add3A_988 : vector<16xi1>, vector<16xi32>
      %swap3A_990 = arith.index_cast %scan3A_706 : i32 to index
      %swap3A_991 = arith.constant 240 : index
      %swap3A_992 = tpu.vector_load %arg8[%swap3A_990, %swap3A_991] {strides = array<i32>} : memref<50x512xi32, #tpu.memory_space<vmem>>, vector<16xi32>,
      tpu.vector_store %arg8[%swap3A_990, %swap3A_991], %select_n3A_989 {strides = array<i32>} : memref<50x512xi32, #tpu.memory_space<vmem>>, vector<16xi32>,
      %add3A_993 = arith.constant 256 : i32
      %add3A_994 = vector.broadcast %add3A_993 : i32 to vector<16xi32>
      %add3A_995 = arith.addi %iota3A, %add3A_994 : vector<16xi32>
      %gather3A_996 = tpu.vector_load_idx %arg6[%add3A_995, %add3A_709] : memref<512x50xi32, #tpu.memory_space<vmem>>[vector<16xi32>, vector<16xi32>], vector<16xi32>,
      %gather3A_997 = tpu.vector_load_idx %arg7[%add3A_995, %add3A_709] : memref<512x50xi32, #tpu.memory_space<vmem>>[vector<16xi32>, vector<16xi32>], vector<16xi32>,
      %gt3A_998 = arith.constant 0 : i32
      %gt3A_999 = vector.broadcast %gt3A_998 : i32 to vector<16xi32>
      %gt3A_1000 = arith.cmpi sgt, %gather3A_997, %gt3A_999 : vector<16xi32>
      %and3A_1001 = arith.constant 2047 : i32
      %and3A_1002 = vector.broadcast %and3A_1001 : i32 to vector<16xi32>
      %and3A_1003 = arith.andi %gather3A_996, %and3A_1002 : vector<16xi32>
      %add3A_1004 = arith.constant 1000000 : i32
      %add3A_1005 = vector.broadcast %add3A_1004 : i32 to vector<16xi32>
      %add3A_1006 = arith.addi %add3A_1005, %and3A_1003 : vector<16xi32>
      %select_n3A_1007 = arith.select %gt3A_1000, %gather3A_996, %add3A_1006 : vector<16xi1>, vector<16xi32>
      %swap3A_1008 = arith.index_cast %scan3A_706 : i32 to index
      %swap3A_1009 = arith.constant 256 : index
      %swap3A_1010 = tpu.vector_load %arg8[%swap3A_1008, %swap3A_1009] {strides = array<i32>} : memref<50x512xi32, #tpu.memory_space<vmem>>, vector<16xi32>,
      tpu.vector_store %arg8[%swap3A_1008, %swap3A_1009], %select_n3A_1007 {strides = array<i32>} : memref<50x512xi32, #tpu.memory_space<vmem>>, vector<16xi32>,
      %add3A_1011 = arith.constant 272 : i32
      %add3A_1012 = vector.broadcast %add3A_1011 : i32 to vector<16xi32>
      %add3A_1013 = arith.addi %iota3A, %add3A_1012 : vector<16xi32>
      %gather3A_1014 = tpu.vector_load_idx %arg6[%add3A_1013, %add3A_709] : memref<512x50xi32, #tpu.memory_space<vmem>>[vector<16xi32>, vector<16xi32>], vector<16xi32>,
      %gather3A_1015 = tpu.vector_load_idx %arg7[%add3A_1013, %add3A_709] : memref<512x50xi32, #tpu.memory_space<vmem>>[vector<16xi32>, vector<16xi32>], vector<16xi32>,
      %gt3A_1016 = arith.constant 0 : i32
      %gt3A_1017 = vector.broadcast %gt3A_1016 : i32 to vector<16xi32>
      %gt3A_1018 = arith.cmpi sgt, %gather3A_1015, %gt3A_1017 : vector<16xi32>
      %and3A_1019 = arith.constant 2047 : i32
      %and3A_1020 = vector.broadcast %and3A_1019 : i32 to vector<16xi32>
      %and3A_1021 = arith.andi %gather3A_1014, %and3A_1020 : vector<16xi32>
      %add3A_1022 = arith.constant 1000000 : i32
      %add3A_1023 = vector.broadcast %add3A_1022 : i32 to vector<16xi32>
      %add3A_1024 = arith.addi %add3A_1023, %and3A_1021 : vector<16xi32>
      %select_n3A_1025 = arith.select %gt3A_1018, %gather3A_1014, %add3A_1024 : vector<16xi1>, vector<16xi32>
      %swap3A_1026 = arith.index_cast %scan3A_706 : i32 to index
      %swap3A_1027 = arith.constant 272 : index
      %swap3A_1028 = tpu.vector_load %arg8[%swap3A_1026, %swap3A_1027] {strides = array<i32>} : memref<50x512xi32, #tpu.memory_space<vmem>>, vector<16xi32>,
      tpu.vector_store %arg8[%swap3A_1026, %swap3A_1027], %select_n3A_1025 {strides = array<i32>} : memref<50x512xi32, #tpu.memory_space<vmem>>, vector<16xi32>,
      %add3A_1029 = arith.constant 288 : i32
      %add3A_1030 = vector.broadcast %add3A_1029 : i32 to vector<16xi32>
      %add3A_1031 = arith.addi %iota3A, %add3A_1030 : vector<16xi32>
      %gather3A_1032 = tpu.vector_load_idx %arg6[%add3A_1031, %add3A_709] : memref<512x50xi32, #tpu.memory_space<vmem>>[vector<16xi32>, vector<16xi32>], vector<16xi32>,
      %gather3A_1033 = tpu.vector_load_idx %arg7[%add3A_1031, %add3A_709] : memref<512x50xi32, #tpu.memory_space<vmem>>[vector<16xi32>, vector<16xi32>], vector<16xi32>,
      %gt3A_1034 = arith.constant 0 : i32
      %gt3A_1035 = vector.broadcast %gt3A_1034 : i32 to vector<16xi32>
      %gt3A_1036 = arith.cmpi sgt, %gather3A_1033, %gt3A_1035 : vector<16xi32>
      %and3A_1037 = arith.constant 2047 : i32
      %and3A_1038 = vector.broadcast %and3A_1037 : i32 to vector<16xi32>
      %and3A_1039 = arith.andi %gather3A_1032, %and3A_1038 : vector<16xi32>
      %add3A_1040 = arith.constant 1000000 : i32
      %add3A_1041 = vector.broadcast %add3A_1040 : i32 to vector<16xi32>
      %add3A_1042 = arith.addi %add3A_1041, %and3A_1039 : vector<16xi32>
      %select_n3A_1043 = arith.select %gt3A_1036, %gather3A_1032, %add3A_1042 : vector<16xi1>, vector<16xi32>
      %swap3A_1044 = arith.index_cast %scan3A_706 : i32 to index
      %swap3A_1045 = arith.constant 288 : index
      %swap3A_1046 = tpu.vector_load %arg8[%swap3A_1044, %swap3A_1045] {strides = array<i32>} : memref<50x512xi32, #tpu.memory_space<vmem>>, vector<16xi32>,
      tpu.vector_store %arg8[%swap3A_1044, %swap3A_1045], %select_n3A_1043 {strides = array<i32>} : memref<50x512xi32, #tpu.memory_space<vmem>>, vector<16xi32>,
      %add3A_1047 = arith.constant 304 : i32
      %add3A_1048 = vector.broadcast %add3A_1047 : i32 to vector<16xi32>
      %add3A_1049 = arith.addi %iota3A, %add3A_1048 : vector<16xi32>
      %gather3A_1050 = tpu.vector_load_idx %arg6[%add3A_1049, %add3A_709] : memref<512x50xi32, #tpu.memory_space<vmem>>[vector<16xi32>, vector<16xi32>], vector<16xi32>,
      %gather3A_1051 = tpu.vector_load_idx %arg7[%add3A_1049, %add3A_709] : memref<512x50xi32, #tpu.memory_space<vmem>>[vector<16xi32>, vector<16xi32>], vector<16xi32>,
      %gt3A_1052 = arith.constant 0 : i32
      %gt3A_1053 = vector.broadcast %gt3A_1052 : i32 to vector<16xi32>
      %gt3A_1054 = arith.cmpi sgt, %gather3A_1051, %gt3A_1053 : vector<16xi32>
      %and3A_1055 = arith.constant 2047 : i32
      %and3A_1056 = vector.broadcast %and3A_1055 : i32 to vector<16xi32>
      %and3A_1057 = arith.andi %gather3A_1050, %and3A_1056 : vector<16xi32>
      %add3A_1058 = arith.constant 1000000 : i32
      %add3A_1059 = vector.broadcast %add3A_1058 : i32 to vector<16xi32>
      %add3A_1060 = arith.addi %add3A_1059, %and3A_1057 : vector<16xi32>
      %select_n3A_1061 = arith.select %gt3A_1054, %gather3A_1050, %add3A_1060 : vector<16xi1>, vector<16xi32>
      %swap3A_1062 = arith.index_cast %scan3A_706 : i32 to index
      %swap3A_1063 = arith.constant 304 : index
      %swap3A_1064 = tpu.vector_load %arg8[%swap3A_1062, %swap3A_1063] {strides = array<i32>} : memref<50x512xi32, #tpu.memory_space<vmem>>, vector<16xi32>,
      tpu.vector_store %arg8[%swap3A_1062, %swap3A_1063], %select_n3A_1061 {strides = array<i32>} : memref<50x512xi32, #tpu.memory_space<vmem>>, vector<16xi32>,
      %add3A_1065 = arith.constant 320 : i32
      %add3A_1066 = vector.broadcast %add3A_1065 : i32 to vector<16xi32>
      %add3A_1067 = arith.addi %iota3A, %add3A_1066 : vector<16xi32>
      %gather3A_1068 = tpu.vector_load_idx %arg6[%add3A_1067, %add3A_709] : memref<512x50xi32, #tpu.memory_space<vmem>>[vector<16xi32>, vector<16xi32>], vector<16xi32>,
      %gather3A_1069 = tpu.vector_load_idx %arg7[%add3A_1067, %add3A_709] : memref<512x50xi32, #tpu.memory_space<vmem>>[vector<16xi32>, vector<16xi32>], vector<16xi32>,
      %gt3A_1070 = arith.constant 0 : i32
      %gt3A_1071 = vector.broadcast %gt3A_1070 : i32 to vector<16xi32>
      %gt3A_1072 = arith.cmpi sgt, %gather3A_1069, %gt3A_1071 : vector<16xi32>
      %and3A_1073 = arith.constant 2047 : i32
      %and3A_1074 = vector.broadcast %and3A_1073 : i32 to vector<16xi32>
      %and3A_1075 = arith.andi %gather3A_1068, %and3A_1074 : vector<16xi32>
      %add3A_1076 = arith.constant 1000000 : i32
      %add3A_1077 = vector.broadcast %add3A_1076 : i32 to vector<16xi32>
      %add3A_1078 = arith.addi %add3A_1077, %and3A_1075 : vector<16xi32>
      %select_n3A_1079 = arith.select %gt3A_1072, %gather3A_1068, %add3A_1078 : vector<16xi1>, vector<16xi32>
      %swap3A_1080 = arith.index_cast %scan3A_706 : i32 to index
      %swap3A_1081 = arith.constant 320 : index
      %swap3A_1082 = tpu.vector_load %arg8[%swap3A_1080, %swap3A_1081] {strides = array<i32>} : memref<50x512xi32, #tpu.memory_space<vmem>>, vector<16xi32>,
      tpu.vector_store %arg8[%swap3A_1080, %swap3A_1081], %select_n3A_1079 {strides = array<i32>} : memref<50x512xi32, #tpu.memory_space<vmem>>, vector<16xi32>,
      %add3A_1083 = arith.constant 336 : i32
      %add3A_1084 = vector.broadcast %add3A_1083 : i32 to vector<16xi32>
      %add3A_1085 = arith.addi %iota3A, %add3A_1084 : vector<16xi32>
      %gather3A_1086 = tpu.vector_load_idx %arg6[%add3A_1085, %add3A_709] : memref<512x50xi32, #tpu.memory_space<vmem>>[vector<16xi32>, vector<16xi32>], vector<16xi32>,
      %gather3A_1087 = tpu.vector_load_idx %arg7[%add3A_1085, %add3A_709] : memref<512x50xi32, #tpu.memory_space<vmem>>[vector<16xi32>, vector<16xi32>], vector<16xi32>,
      %gt3A_1088 = arith.constant 0 : i32
      %gt3A_1089 = vector.broadcast %gt3A_1088 : i32 to vector<16xi32>
      %gt3A_1090 = arith.cmpi sgt, %gather3A_1087, %gt3A_1089 : vector<16xi32>
      %and3A_1091 = arith.constant 2047 : i32
      %and3A_1092 = vector.broadcast %and3A_1091 : i32 to vector<16xi32>
      %and3A_1093 = arith.andi %gather3A_1086, %and3A_1092 : vector<16xi32>
      %add3A_1094 = arith.constant 1000000 : i32
      %add3A_1095 = vector.broadcast %add3A_1094 : i32 to vector<16xi32>
      %add3A_1096 = arith.addi %add3A_1095, %and3A_1093 : vector<16xi32>
      %select_n3A_1097 = arith.select %gt3A_1090, %gather3A_1086, %add3A_1096 : vector<16xi1>, vector<16xi32>
      %swap3A_1098 = arith.index_cast %scan3A_706 : i32 to index
      %swap3A_1099 = arith.constant 336 : index
      %swap3A_1100 = tpu.vector_load %arg8[%swap3A_1098, %swap3A_1099] {strides = array<i32>} : memref<50x512xi32, #tpu.memory_space<vmem>>, vector<16xi32>,
      tpu.vector_store %arg8[%swap3A_1098, %swap3A_1099], %select_n3A_1097 {strides = array<i32>} : memref<50x512xi32, #tpu.memory_space<vmem>>, vector<16xi32>,
      %add3A_1101 = arith.constant 352 : i32
      %add3A_1102 = vector.broadcast %add3A_1101 : i32 to vector<16xi32>
      %add3A_1103 = arith.addi %iota3A, %add3A_1102 : vector<16xi32>
      %gather3A_1104 = tpu.vector_load_idx %arg6[%add3A_1103, %add3A_709] : memref<512x50xi32, #tpu.memory_space<vmem>>[vector<16xi32>, vector<16xi32>], vector<16xi32>,
      %gather3A_1105 = tpu.vector_load_idx %arg7[%add3A_1103, %add3A_709] : memref<512x50xi32, #tpu.memory_space<vmem>>[vector<16xi32>, vector<16xi32>], vector<16xi32>,
      %gt3A_1106 = arith.constant 0 : i32
      %gt3A_1107 = vector.broadcast %gt3A_1106 : i32 to vector<16xi32>
      %gt3A_1108 = arith.cmpi sgt, %gather3A_1105, %gt3A_1107 : vector<16xi32>
      %and3A_1109 = arith.constant 2047 : i32
      %and3A_1110 = vector.broadcast %and3A_1109 : i32 to vector<16xi32>
      %and3A_1111 = arith.andi %gather3A_1104, %and3A_1110 : vector<16xi32>
      %add3A_1112 = arith.constant 1000000 : i32
      %add3A_1113 = vector.broadcast %add3A_1112 : i32 to vector<16xi32>
      %add3A_1114 = arith.addi %add3A_1113, %and3A_1111 : vector<16xi32>
      %select_n3A_1115 = arith.select %gt3A_1108, %gather3A_1104, %add3A_1114 : vector<16xi1>, vector<16xi32>
      %swap3A_1116 = arith.index_cast %scan3A_706 : i32 to index
      %swap3A_1117 = arith.constant 352 : index
      %swap3A_1118 = tpu.vector_load %arg8[%swap3A_1116, %swap3A_1117] {strides = array<i32>} : memref<50x512xi32, #tpu.memory_space<vmem>>, vector<16xi32>,
      tpu.vector_store %arg8[%swap3A_1116, %swap3A_1117], %select_n3A_1115 {strides = array<i32>} : memref<50x512xi32, #tpu.memory_space<vmem>>, vector<16xi32>,
      %add3A_1119 = arith.constant 368 : i32
      %add3A_1120 = vector.broadcast %add3A_1119 : i32 to vector<16xi32>
      %add3A_1121 = arith.addi %iota3A, %add3A_1120 : vector<16xi32>
      %gather3A_1122 = tpu.vector_load_idx %arg6[%add3A_1121, %add3A_709] : memref<512x50xi32, #tpu.memory_space<vmem>>[vector<16xi32>, vector<16xi32>], vector<16xi32>,
      %gather3A_1123 = tpu.vector_load_idx %arg7[%add3A_1121, %add3A_709] : memref<512x50xi32, #tpu.memory_space<vmem>>[vector<16xi32>, vector<16xi32>], vector<16xi32>,
      %gt3A_1124 = arith.constant 0 : i32
      %gt3A_1125 = vector.broadcast %gt3A_1124 : i32 to vector<16xi32>
      %gt3A_1126 = arith.cmpi sgt, %gather3A_1123, %gt3A_1125 : vector<16xi32>
      %and3A_1127 = arith.constant 2047 : i32
      %and3A_1128 = vector.broadcast %and3A_1127 : i32 to vector<16xi32>
      %and3A_1129 = arith.andi %gather3A_1122, %and3A_1128 : vector<16xi32>
      %add3A_1130 = arith.constant 1000000 : i32
      %add3A_1131 = vector.broadcast %add3A_1130 : i32 to vector<16xi32>
      %add3A_1132 = arith.addi %add3A_1131, %and3A_1129 : vector<16xi32>
      %select_n3A_1133 = arith.select %gt3A_1126, %gather3A_1122, %add3A_1132 : vector<16xi1>, vector<16xi32>
      %swap3A_1134 = arith.index_cast %scan3A_706 : i32 to index
      %swap3A_1135 = arith.constant 368 : index
      %swap3A_1136 = tpu.vector_load %arg8[%swap3A_1134, %swap3A_1135] {strides = array<i32>} : memref<50x512xi32, #tpu.memory_space<vmem>>, vector<16xi32>,
      tpu.vector_store %arg8[%swap3A_1134, %swap3A_1135], %select_n3A_1133 {strides = array<i32>} : memref<50x512xi32, #tpu.memory_space<vmem>>, vector<16xi32>,
      %add3A_1137 = arith.constant 384 : i32
      %add3A_1138 = vector.broadcast %add3A_1137 : i32 to vector<16xi32>
      %add3A_1139 = arith.addi %iota3A, %add3A_1138 : vector<16xi32>
      %gather3A_1140 = tpu.vector_load_idx %arg6[%add3A_1139, %add3A_709] : memref<512x50xi32, #tpu.memory_space<vmem>>[vector<16xi32>, vector<16xi32>], vector<16xi32>,
      %gather3A_1141 = tpu.vector_load_idx %arg7[%add3A_1139, %add3A_709] : memref<512x50xi32, #tpu.memory_space<vmem>>[vector<16xi32>, vector<16xi32>], vector<16xi32>,
      %gt3A_1142 = arith.constant 0 : i32
      %gt3A_1143 = vector.broadcast %gt3A_1142 : i32 to vector<16xi32>
      %gt3A_1144 = arith.cmpi sgt, %gather3A_1141, %gt3A_1143 : vector<16xi32>
      %and3A_1145 = arith.constant 2047 : i32
      %and3A_1146 = vector.broadcast %and3A_1145 : i32 to vector<16xi32>
      %and3A_1147 = arith.andi %gather3A_1140, %and3A_1146 : vector<16xi32>
      %add3A_1148 = arith.constant 1000000 : i32
      %add3A_1149 = vector.broadcast %add3A_1148 : i32 to vector<16xi32>
      %add3A_1150 = arith.addi %add3A_1149, %and3A_1147 : vector<16xi32>
      %select_n3A_1151 = arith.select %gt3A_1144, %gather3A_1140, %add3A_1150 : vector<16xi1>, vector<16xi32>
      %swap3A_1152 = arith.index_cast %scan3A_706 : i32 to index
      %swap3A_1153 = arith.constant 384 : index
      %swap3A_1154 = tpu.vector_load %arg8[%swap3A_1152, %swap3A_1153] {strides = array<i32>} : memref<50x512xi32, #tpu.memory_space<vmem>>, vector<16xi32>,
      tpu.vector_store %arg8[%swap3A_1152, %swap3A_1153], %select_n3A_1151 {strides = array<i32>} : memref<50x512xi32, #tpu.memory_space<vmem>>, vector<16xi32>,
      %add3A_1155 = arith.constant 400 : i32
      %add3A_1156 = vector.broadcast %add3A_1155 : i32 to vector<16xi32>
      %add3A_1157 = arith.addi %iota3A, %add3A_1156 : vector<16xi32>
      %gather3A_1158 = tpu.vector_load_idx %arg6[%add3A_1157, %add3A_709] : memref<512x50xi32, #tpu.memory_space<vmem>>[vector<16xi32>, vector<16xi32>], vector<16xi32>,
      %gather3A_1159 = tpu.vector_load_idx %arg7[%add3A_1157, %add3A_709] : memref<512x50xi32, #tpu.memory_space<vmem>>[vector<16xi32>, vector<16xi32>], vector<16xi32>,
      %gt3A_1160 = arith.constant 0 : i32
      %gt3A_1161 = vector.broadcast %gt3A_1160 : i32 to vector<16xi32>
      %gt3A_1162 = arith.cmpi sgt, %gather3A_1159, %gt3A_1161 : vector<16xi32>
      %and3A_1163 = arith.constant 2047 : i32
      %and3A_1164 = vector.broadcast %and3A_1163 : i32 to vector<16xi32>
      %and3A_1165 = arith.andi %gather3A_1158, %and3A_1164 : vector<16xi32>
      %add3A_1166 = arith.constant 1000000 : i32
      %add3A_1167 = vector.broadcast %add3A_1166 : i32 to vector<16xi32>
      %add3A_1168 = arith.addi %add3A_1167, %and3A_1165 : vector<16xi32>
      %select_n3A_1169 = arith.select %gt3A_1162, %gather3A_1158, %add3A_1168 : vector<16xi1>, vector<16xi32>
      %swap3A_1170 = arith.index_cast %scan3A_706 : i32 to index
      %swap3A_1171 = arith.constant 400 : index
      %swap3A_1172 = tpu.vector_load %arg8[%swap3A_1170, %swap3A_1171] {strides = array<i32>} : memref<50x512xi32, #tpu.memory_space<vmem>>, vector<16xi32>,
      tpu.vector_store %arg8[%swap3A_1170, %swap3A_1171], %select_n3A_1169 {strides = array<i32>} : memref<50x512xi32, #tpu.memory_space<vmem>>, vector<16xi32>,
      %add3A_1173 = arith.constant 416 : i32
      %add3A_1174 = vector.broadcast %add3A_1173 : i32 to vector<16xi32>
      %add3A_1175 = arith.addi %iota3A, %add3A_1174 : vector<16xi32>
      %gather3A_1176 = tpu.vector_load_idx %arg6[%add3A_1175, %add3A_709] : memref<512x50xi32, #tpu.memory_space<vmem>>[vector<16xi32>, vector<16xi32>], vector<16xi32>,
      %gather3A_1177 = tpu.vector_load_idx %arg7[%add3A_1175, %add3A_709] : memref<512x50xi32, #tpu.memory_space<vmem>>[vector<16xi32>, vector<16xi32>], vector<16xi32>,
      %gt3A_1178 = arith.constant 0 : i32
      %gt3A_1179 = vector.broadcast %gt3A_1178 : i32 to vector<16xi32>
      %gt3A_1180 = arith.cmpi sgt, %gather3A_1177, %gt3A_1179 : vector<16xi32>
      %and3A_1181 = arith.constant 2047 : i32
      %and3A_1182 = vector.broadcast %and3A_1181 : i32 to vector<16xi32>
      %and3A_1183 = arith.andi %gather3A_1176, %and3A_1182 : vector<16xi32>
      %add3A_1184 = arith.constant 1000000 : i32
      %add3A_1185 = vector.broadcast %add3A_1184 : i32 to vector<16xi32>
      %add3A_1186 = arith.addi %add3A_1185, %and3A_1183 : vector<16xi32>
      %select_n3A_1187 = arith.select %gt3A_1180, %gather3A_1176, %add3A_1186 : vector<16xi1>, vector<16xi32>
      %swap3A_1188 = arith.index_cast %scan3A_706 : i32 to index
      %swap3A_1189 = arith.constant 416 : index
      %swap3A_1190 = tpu.vector_load %arg8[%swap3A_1188, %swap3A_1189] {strides = array<i32>} : memref<50x512xi32, #tpu.memory_space<vmem>>, vector<16xi32>,
      tpu.vector_store %arg8[%swap3A_1188, %swap3A_1189], %select_n3A_1187 {strides = array<i32>} : memref<50x512xi32, #tpu.memory_space<vmem>>, vector<16xi32>,
      %add3A_1191 = arith.constant 432 : i32
      %add3A_1192 = vector.broadcast %add3A_1191 : i32 to vector<16xi32>
      %add3A_1193 = arith.addi %iota3A, %add3A_1192 : vector<16xi32>
      %gather3A_1194 = tpu.vector_load_idx %arg6[%add3A_1193, %add3A_709] : memref<512x50xi32, #tpu.memory_space<vmem>>[vector<16xi32>, vector<16xi32>], vector<16xi32>,
      %gather3A_1195 = tpu.vector_load_idx %arg7[%add3A_1193, %add3A_709] : memref<512x50xi32, #tpu.memory_space<vmem>>[vector<16xi32>, vector<16xi32>], vector<16xi32>,
      %gt3A_1196 = arith.constant 0 : i32
      %gt3A_1197 = vector.broadcast %gt3A_1196 : i32 to vector<16xi32>
      %gt3A_1198 = arith.cmpi sgt, %gather3A_1195, %gt3A_1197 : vector<16xi32>
      %and3A_1199 = arith.constant 2047 : i32
      %and3A_1200 = vector.broadcast %and3A_1199 : i32 to vector<16xi32>
      %and3A_1201 = arith.andi %gather3A_1194, %and3A_1200 : vector<16xi32>
      %add3A_1202 = arith.constant 1000000 : i32
      %add3A_1203 = vector.broadcast %add3A_1202 : i32 to vector<16xi32>
      %add3A_1204 = arith.addi %add3A_1203, %and3A_1201 : vector<16xi32>
      %select_n3A_1205 = arith.select %gt3A_1198, %gather3A_1194, %add3A_1204 : vector<16xi1>, vector<16xi32>
      %swap3A_1206 = arith.index_cast %scan3A_706 : i32 to index
      %swap3A_1207 = arith.constant 432 : index
      %swap3A_1208 = tpu.vector_load %arg8[%swap3A_1206, %swap3A_1207] {strides = array<i32>} : memref<50x512xi32, #tpu.memory_space<vmem>>, vector<16xi32>,
      tpu.vector_store %arg8[%swap3A_1206, %swap3A_1207], %select_n3A_1205 {strides = array<i32>} : memref<50x512xi32, #tpu.memory_space<vmem>>, vector<16xi32>,
      %add3A_1209 = arith.constant 448 : i32
      %add3A_1210 = vector.broadcast %add3A_1209 : i32 to vector<16xi32>
      %add3A_1211 = arith.addi %iota3A, %add3A_1210 : vector<16xi32>
      %gather3A_1212 = tpu.vector_load_idx %arg6[%add3A_1211, %add3A_709] : memref<512x50xi32, #tpu.memory_space<vmem>>[vector<16xi32>, vector<16xi32>], vector<16xi32>,
      %gather3A_1213 = tpu.vector_load_idx %arg7[%add3A_1211, %add3A_709] : memref<512x50xi32, #tpu.memory_space<vmem>>[vector<16xi32>, vector<16xi32>], vector<16xi32>,
      %gt3A_1214 = arith.constant 0 : i32
      %gt3A_1215 = vector.broadcast %gt3A_1214 : i32 to vector<16xi32>
      %gt3A_1216 = arith.cmpi sgt, %gather3A_1213, %gt3A_1215 : vector<16xi32>
      %and3A_1217 = arith.constant 2047 : i32
      %and3A_1218 = vector.broadcast %and3A_1217 : i32 to vector<16xi32>
      %and3A_1219 = arith.andi %gather3A_1212, %and3A_1218 : vector<16xi32>
      %add3A_1220 = arith.constant 1000000 : i32
      %add3A_1221 = vector.broadcast %add3A_1220 : i32 to vector<16xi32>
      %add3A_1222 = arith.addi %add3A_1221, %and3A_1219 : vector<16xi32>
      %select_n3A_1223 = arith.select %gt3A_1216, %gather3A_1212, %add3A_1222 : vector<16xi1>, vector<16xi32>
      %swap3A_1224 = arith.index_cast %scan3A_706 : i32 to index
      %swap3A_1225 = arith.constant 448 : index
      %swap3A_1226 = tpu.vector_load %arg8[%swap3A_1224, %swap3A_1225] {strides = array<i32>} : memref<50x512xi32, #tpu.memory_space<vmem>>, vector<16xi32>,
      tpu.vector_store %arg8[%swap3A_1224, %swap3A_1225], %select_n3A_1223 {strides = array<i32>} : memref<50x512xi32, #tpu.memory_space<vmem>>, vector<16xi32>,
      %add3A_1227 = arith.constant 464 : i32
      %add3A_1228 = vector.broadcast %add3A_1227 : i32 to vector<16xi32>
      %add3A_1229 = arith.addi %iota3A, %add3A_1228 : vector<16xi32>
      %gather3A_1230 = tpu.vector_load_idx %arg6[%add3A_1229, %add3A_709] : memref<512x50xi32, #tpu.memory_space<vmem>>[vector<16xi32>, vector<16xi32>], vector<16xi32>,
      %gather3A_1231 = tpu.vector_load_idx %arg7[%add3A_1229, %add3A_709] : memref<512x50xi32, #tpu.memory_space<vmem>>[vector<16xi32>, vector<16xi32>], vector<16xi32>,
      %gt3A_1232 = arith.constant 0 : i32
      %gt3A_1233 = vector.broadcast %gt3A_1232 : i32 to vector<16xi32>
      %gt3A_1234 = arith.cmpi sgt, %gather3A_1231, %gt3A_1233 : vector<16xi32>
      %and3A_1235 = arith.constant 2047 : i32
      %and3A_1236 = vector.broadcast %and3A_1235 : i32 to vector<16xi32>
      %and3A_1237 = arith.andi %gather3A_1230, %and3A_1236 : vector<16xi32>
      %add3A_1238 = arith.constant 1000000 : i32
      %add3A_1239 = vector.broadcast %add3A_1238 : i32 to vector<16xi32>
      %add3A_1240 = arith.addi %add3A_1239, %and3A_1237 : vector<16xi32>
      %select_n3A_1241 = arith.select %gt3A_1234, %gather3A_1230, %add3A_1240 : vector<16xi1>, vector<16xi32>
      %swap3A_1242 = arith.index_cast %scan3A_706 : i32 to index
      %swap3A_1243 = arith.constant 464 : index
      %swap3A_1244 = tpu.vector_load %arg8[%swap3A_1242, %swap3A_1243] {strides = array<i32>} : memref<50x512xi32, #tpu.memory_space<vmem>>, vector<16xi32>,
      tpu.vector_store %arg8[%swap3A_1242, %swap3A_1243], %select_n3A_1241 {strides = array<i32>} : memref<50x512xi32, #tpu.memory_space<vmem>>, vector<16xi32>,
      %add3A_1245 = arith.constant 480 : i32
      %add3A_1246 = vector.broadcast %add3A_1245 : i32 to vector<16xi32>
      %add3A_1247 = arith.addi %iota3A, %add3A_1246 : vector<16xi32>
      %gather3A_1248 = tpu.vector_load_idx %arg6[%add3A_1247, %add3A_709] : memref<512x50xi32, #tpu.memory_space<vmem>>[vector<16xi32>, vector<16xi32>], vector<16xi32>,
      %gather3A_1249 = tpu.vector_load_idx %arg7[%add3A_1247, %add3A_709] : memref<512x50xi32, #tpu.memory_space<vmem>>[vector<16xi32>, vector<16xi32>], vector<16xi32>,
      %gt3A_1250 = arith.constant 0 : i32
      %gt3A_1251 = vector.broadcast %gt3A_1250 : i32 to vector<16xi32>
      %gt3A_1252 = arith.cmpi sgt, %gather3A_1249, %gt3A_1251 : vector<16xi32>
      %and3A_1253 = arith.constant 2047 : i32
      %and3A_1254 = vector.broadcast %and3A_1253 : i32 to vector<16xi32>
      %and3A_1255 = arith.andi %gather3A_1248, %and3A_1254 : vector<16xi32>
      %add3A_1256 = arith.constant 1000000 : i32
      %add3A_1257 = vector.broadcast %add3A_1256 : i32 to vector<16xi32>
      %add3A_1258 = arith.addi %add3A_1257, %and3A_1255 : vector<16xi32>
      %select_n3A_1259 = arith.select %gt3A_1252, %gather3A_1248, %add3A_1258 : vector<16xi1>, vector<16xi32>
      %swap3A_1260 = arith.index_cast %scan3A_706 : i32 to index
      %swap3A_1261 = arith.constant 480 : index
      %swap3A_1262 = tpu.vector_load %arg8[%swap3A_1260, %swap3A_1261] {strides = array<i32>} : memref<50x512xi32, #tpu.memory_space<vmem>>, vector<16xi32>,
      tpu.vector_store %arg8[%swap3A_1260, %swap3A_1261], %select_n3A_1259 {strides = array<i32>} : memref<50x512xi32, #tpu.memory_space<vmem>>, vector<16xi32>,
      %add3A_1263 = arith.constant 496 : i32
      %add3A_1264 = vector.broadcast %add3A_1263 : i32 to vector<16xi32>
      %add3A_1265 = arith.addi %iota3A, %add3A_1264 : vector<16xi32>
      %gather3A_1266 = tpu.vector_load_idx %arg6[%add3A_1265, %add3A_709] : memref<512x50xi32, #tpu.memory_space<vmem>>[vector<16xi32>, vector<16xi32>], vector<16xi32>,
      %gather3A_1267 = tpu.vector_load_idx %arg7[%add3A_1265, %add3A_709] : memref<512x50xi32, #tpu.memory_space<vmem>>[vector<16xi32>, vector<16xi32>], vector<16xi32>,
      %gt3A_1268 = arith.constant 0 : i32
      %gt3A_1269 = vector.broadcast %gt3A_1268 : i32 to vector<16xi32>
      %gt3A_1270 = arith.cmpi sgt, %gather3A_1267, %gt3A_1269 : vector<16xi32>
      %and3A_1271 = arith.constant 2047 : i32
      %and3A_1272 = vector.broadcast %and3A_1271 : i32 to vector<16xi32>
      %and3A_1273 = arith.andi %gather3A_1266, %and3A_1272 : vector<16xi32>
      %add3A_1274 = arith.constant 1000000 : i32
      %add3A_1275 = vector.broadcast %add3A_1274 : i32 to vector<16xi32>
      %add3A_1276 = arith.addi %add3A_1275, %and3A_1273 : vector<16xi32>
      %select_n3A_1277 = arith.select %gt3A_1270, %gather3A_1266, %add3A_1276 : vector<16xi1>, vector<16xi32>
      %swap3A_1278 = arith.index_cast %scan3A_706 : i32 to index
      %swap3A_1279 = arith.constant 496 : index
      %swap3A_1280 = tpu.vector_load %arg8[%swap3A_1278, %swap3A_1279] {strides = array<i32>} : memref<50x512xi32, #tpu.memory_space<vmem>>, vector<16xi32>,
      tpu.vector_store %arg8[%swap3A_1278, %swap3A_1279], %select_n3A_1277 {strides = array<i32>} : memref<50x512xi32, #tpu.memory_space<vmem>>, vector<16xi32>,
    }
    %scan3A_7 = arith.constant 50 : i32
    %dma_start3A = arith.constant 0 : i32
    %dma_start3A_8 = arith.constant 0 : i32
    %dma_start3A_9 = tpu.memref_slice %arg8[%dma_start3A, %dma_start3A_8] : memref<50x512xi32, #tpu.memory_space<vmem>> -> memref<1x512xi32, #tpu.memory_space<vmem>>
    %dma_start3A_10 = tpu.memref_squeeze %dma_start3A_9 : memref<1x512xi32, #tpu.memory_space<vmem>> -> memref<512xi32, #tpu.memory_space<vmem>>
    %dma_start3A_11 = arith.constant 0 : i32
    %dma_start3A_12 = arith.constant 0 : i32
    %dma_start3A_13 = tpu.memref_slice %arg4[%dma_start3A_11, %dma_start3A_12] : memref<1002048x32xf32, #tpu.memory_space<hbm>> -> memref<1002048x32xf32, #tpu.memory_space<hbm>>
    tpu.enqueue_indirect_dma source(%dma_start3A_13 : memref<1002048x32xf32, #tpu.memory_space<hbm>>) target(%arg9 : memref<512x32xf32, #tpu.memory_space<vmem>>) offsets(%dma_start3A_10 : memref<512xi32, #tpu.memory_space<vmem>>) semaphore(%arg10 : memref<!tpu.dma_semaphore, #tpu.memory_space<semaphore_mem>>)
    %dma_wait3A = arith.constant 0 : i32
    %dma_wait3A_14 = arith.constant 0 : i32
    %dma_wait3A_15 = tpu.memref_slice %arg8[%dma_wait3A, %dma_wait3A_14] : memref<50x512xi32, #tpu.memory_space<vmem>> -> memref<1x512xi32, #tpu.memory_space<vmem>>
    %dma_wait3A_16 = tpu.memref_squeeze %dma_wait3A_15 : memref<1x512xi32, #tpu.memory_space<vmem>> -> memref<512xi32, #tpu.memory_space<vmem>>
    %dma_wait3A_17 = arith.constant 0 : i32
    %dma_wait3A_18 = arith.constant 0 : i32
    %dma_wait3A_19 = tpu.memref_slice %arg4[%dma_wait3A_17, %dma_wait3A_18] : memref<1002048x32xf32, #tpu.memory_space<hbm>> -> memref<1002048x32xf32, #tpu.memory_space<hbm>>
    tpu.wait_indirect_dma semaphore(%arg10 : memref<!tpu.dma_semaphore, #tpu.memory_space<semaphore_mem>>) src(%dma_wait3A_19 : memref<1002048x32xf32, #tpu.memory_space<hbm>>) dst(%arg9 : memref<512x32xf32, #tpu.memory_space<vmem>>)
    %dma_start3A_20 = arith.constant 1 : i32
    %dma_start3A_21 = arith.constant 0 : i32
    %dma_start3A_22 = tpu.memref_slice %arg8[%dma_start3A_20, %dma_start3A_21] : memref<50x512xi32, #tpu.memory_space<vmem>> -> memref<1x512xi32, #tpu.memory_space<vmem>>
    %dma_start3A_23 = tpu.memref_squeeze %dma_start3A_22 : memref<1x512xi32, #tpu.memory_space<vmem>> -> memref<512xi32, #tpu.memory_space<vmem>>
    %dma_start3A_24 = arith.constant 0 : i32
    %dma_start3A_25 = arith.constant 0 : i32
    %dma_start3A_26 = tpu.memref_slice %arg4[%dma_start3A_24, %dma_start3A_25] : memref<1002048x32xf32, #tpu.memory_space<hbm>> -> memref<1002048x32xf32, #tpu.memory_space<hbm>>
    tpu.enqueue_indirect_dma source(%dma_start3A_26 : memref<1002048x32xf32, #tpu.memory_space<hbm>>) target(%arg9 : memref<512x32xf32, #tpu.memory_space<vmem>>) offsets(%dma_start3A_23 : memref<512xi32, #tpu.memory_space<vmem>>) semaphore(%arg11 : memref<!tpu.dma_semaphore, #tpu.memory_space<semaphore_mem>>) {add = true}
    %dma_start3A_27 = arith.constant 2 : i32
    %dma_start3A_28 = arith.constant 0 : i32
    %dma_start3A_29 = tpu.memref_slice %arg8[%dma_start3A_27, %dma_start3A_28] : memref<50x512xi32, #tpu.memory_space<vmem>> -> memref<1x512xi32, #tpu.memory_space<vmem>>
    %dma_start3A_30 = tpu.memref_squeeze %dma_start3A_29 : memref<1x512xi32, #tpu.memory_space<vmem>> -> memref<512xi32, #tpu.memory_space<vmem>>
    %dma_start3A_31 = arith.constant 0 : i32
    %dma_start3A_32 = arith.constant 0 : i32
    %dma_start3A_33 = tpu.memref_slice %arg4[%dma_start3A_31, %dma_start3A_32] : memref<1002048x32xf32, #tpu.memory_space<hbm>> -> memref<1002048x32xf32, #tpu.memory_space<hbm>>
    tpu.enqueue_indirect_dma source(%dma_start3A_33 : memref<1002048x32xf32, #tpu.memory_space<hbm>>) target(%arg9 : memref<512x32xf32, #tpu.memory_space<vmem>>) offsets(%dma_start3A_30 : memref<512xi32, #tpu.memory_space<vmem>>) semaphore(%arg11 : memref<!tpu.dma_semaphore, #tpu.memory_space<semaphore_mem>>) {add = true}
    %dma_start3A_34 = arith.constant 3 : i32
    %dma_start3A_35 = arith.constant 0 : i32
    %dma_start3A_36 = tpu.memref_slice %arg8[%dma_start3A_34, %dma_start3A_35] : memref<50x512xi32, #tpu.memory_space<vmem>> -> memref<1x512xi32, #tpu.memory_space<vmem>>
    %dma_start3A_37 = tpu.memref_squeeze %dma_start3A_36 : memref<1x512xi32, #tpu.memory_space<vmem>> -> memref<512xi32, #tpu.memory_space<vmem>>
    %dma_start3A_38 = arith.constant 0 : i32
    %dma_start3A_39 = arith.constant 0 : i32
    %dma_start3A_40 = tpu.memref_slice %arg4[%dma_start3A_38, %dma_start3A_39] : memref<1002048x32xf32, #tpu.memory_space<hbm>> -> memref<1002048x32xf32, #tpu.memory_space<hbm>>
    tpu.enqueue_indirect_dma source(%dma_start3A_40 : memref<1002048x32xf32, #tpu.memory_space<hbm>>) target(%arg9 : memref<512x32xf32, #tpu.memory_space<vmem>>) offsets(%dma_start3A_37 : memref<512xi32, #tpu.memory_space<vmem>>) semaphore(%arg11 : memref<!tpu.dma_semaphore, #tpu.memory_space<semaphore_mem>>) {add = true}
    %dma_start3A_41 = arith.constant 4 : i32
    %dma_start3A_42 = arith.constant 0 : i32
    %dma_start3A_43 = tpu.memref_slice %arg8[%dma_start3A_41, %dma_start3A_42] : memref<50x512xi32, #tpu.memory_space<vmem>> -> memref<1x512xi32, #tpu.memory_space<vmem>>
    %dma_start3A_44 = tpu.memref_squeeze %dma_start3A_43 : memref<1x512xi32, #tpu.memory_space<vmem>> -> memref<512xi32, #tpu.memory_space<vmem>>
    %dma_start3A_45 = arith.constant 0 : i32
    %dma_start3A_46 = arith.constant 0 : i32
    %dma_start3A_47 = tpu.memref_slice %arg4[%dma_start3A_45, %dma_start3A_46] : memref<1002048x32xf32, #tpu.memory_space<hbm>> -> memref<1002048x32xf32, #tpu.memory_space<hbm>>
    tpu.enqueue_indirect_dma source(%dma_start3A_47 : memref<1002048x32xf32, #tpu.memory_space<hbm>>) target(%arg9 : memref<512x32xf32, #tpu.memory_space<vmem>>) offsets(%dma_start3A_44 : memref<512xi32, #tpu.memory_space<vmem>>) semaphore(%arg11 : memref<!tpu.dma_semaphore, #tpu.memory_space<semaphore_mem>>) {add = true}
    %dma_start3A_48 = arith.constant 5 : i32
    %dma_start3A_49 = arith.constant 0 : i32
    %dma_start3A_50 = tpu.memref_slice %arg8[%dma_start3A_48, %dma_start3A_49] : memref<50x512xi32, #tpu.memory_space<vmem>> -> memref<1x512xi32, #tpu.memory_space<vmem>>
    %dma_start3A_51 = tpu.memref_squeeze %dma_start3A_50 : memref<1x512xi32, #tpu.memory_space<vmem>> -> memref<512xi32, #tpu.memory_space<vmem>>
    %dma_start3A_52 = arith.constant 0 : i32
    %dma_start3A_53 = arith.constant 0 : i32
    %dma_start3A_54 = tpu.memref_slice %arg4[%dma_start3A_52, %dma_start3A_53] : memref<1002048x32xf32, #tpu.memory_space<hbm>> -> memref<1002048x32xf32, #tpu.memory_space<hbm>>
    tpu.enqueue_indirect_dma source(%dma_start3A_54 : memref<1002048x32xf32, #tpu.memory_space<hbm>>) target(%arg9 : memref<512x32xf32, #tpu.memory_space<vmem>>) offsets(%dma_start3A_51 : memref<512xi32, #tpu.memory_space<vmem>>) semaphore(%arg11 : memref<!tpu.dma_semaphore, #tpu.memory_space<semaphore_mem>>) {add = true}
    %dma_start3A_55 = arith.constant 6 : i32
    %dma_start3A_56 = arith.constant 0 : i32
    %dma_start3A_57 = tpu.memref_slice %arg8[%dma_start3A_55, %dma_start3A_56] : memref<50x512xi32, #tpu.memory_space<vmem>> -> memref<1x512xi32, #tpu.memory_space<vmem>>
    %dma_start3A_58 = tpu.memref_squeeze %dma_start3A_57 : memref<1x512xi32, #tpu.memory_space<vmem>> -> memref<512xi32, #tpu.memory_space<vmem>>
    %dma_start3A_59 = arith.constant 0 : i32
    %dma_start3A_60 = arith.constant 0 : i32
    %dma_start3A_61 = tpu.memref_slice %arg4[%dma_start3A_59, %dma_start3A_60] : memref<1002048x32xf32, #tpu.memory_space<hbm>> -> memref<1002048x32xf32, #tpu.memory_space<hbm>>
    tpu.enqueue_indirect_dma source(%dma_start3A_61 : memref<1002048x32xf32, #tpu.memory_space<hbm>>) target(%arg9 : memref<512x32xf32, #tpu.memory_space<vmem>>) offsets(%dma_start3A_58 : memref<512xi32, #tpu.memory_space<vmem>>) semaphore(%arg11 : memref<!tpu.dma_semaphore, #tpu.memory_space<semaphore_mem>>) {add = true}
    %dma_start3A_62 = arith.constant 7 : i32
    %dma_start3A_63 = arith.constant 0 : i32
    %dma_start3A_64 = tpu.memref_slice %arg8[%dma_start3A_62, %dma_start3A_63] : memref<50x512xi32, #tpu.memory_space<vmem>> -> memref<1x512xi32, #tpu.memory_space<vmem>>
    %dma_start3A_65 = tpu.memref_squeeze %dma_start3A_64 : memref<1x512xi32, #tpu.memory_space<vmem>> -> memref<512xi32, #tpu.memory_space<vmem>>
    %dma_start3A_66 = arith.constant 0 : i32
    %dma_start3A_67 = arith.constant 0 : i32
    %dma_start3A_68 = tpu.memref_slice %arg4[%dma_start3A_66, %dma_start3A_67] : memref<1002048x32xf32, #tpu.memory_space<hbm>> -> memref<1002048x32xf32, #tpu.memory_space<hbm>>
    tpu.enqueue_indirect_dma source(%dma_start3A_68 : memref<1002048x32xf32, #tpu.memory_space<hbm>>) target(%arg9 : memref<512x32xf32, #tpu.memory_space<vmem>>) offsets(%dma_start3A_65 : memref<512xi32, #tpu.memory_space<vmem>>) semaphore(%arg11 : memref<!tpu.dma_semaphore, #tpu.memory_space<semaphore_mem>>) {add = true}
    %dma_start3A_69 = arith.constant 8 : i32
    %dma_start3A_70 = arith.constant 0 : i32
    %dma_start3A_71 = tpu.memref_slice %arg8[%dma_start3A_69, %dma_start3A_70] : memref<50x512xi32, #tpu.memory_space<vmem>> -> memref<1x512xi32, #tpu.memory_space<vmem>>
    %dma_start3A_72 = tpu.memref_squeeze %dma_start3A_71 : memref<1x512xi32, #tpu.memory_space<vmem>> -> memref<512xi32, #tpu.memory_space<vmem>>
    %dma_start3A_73 = arith.constant 0 : i32
    %dma_start3A_74 = arith.constant 0 : i32
    %dma_start3A_75 = tpu.memref_slice %arg4[%dma_start3A_73, %dma_start3A_74] : memref<1002048x32xf32, #tpu.memory_space<hbm>> -> memref<1002048x32xf32, #tpu.memory_space<hbm>>
    tpu.enqueue_indirect_dma source(%dma_start3A_75 : memref<1002048x32xf32, #tpu.memory_space<hbm>>) target(%arg9 : memref<512x32xf32, #tpu.memory_space<vmem>>) offsets(%dma_start3A_72 : memref<512xi32, #tpu.memory_space<vmem>>) semaphore(%arg11 : memref<!tpu.dma_semaphore, #tpu.memory_space<semaphore_mem>>) {add = true}
    %dma_start3A_76 = arith.constant 9 : i32
    %dma_start3A_77 = arith.constant 0 : i32
    %dma_start3A_78 = tpu.memref_slice %arg8[%dma_start3A_76, %dma_start3A_77] : memref<50x512xi32, #tpu.memory_space<vmem>> -> memref<1x512xi32, #tpu.memory_space<vmem>>
    %dma_start3A_79 = tpu.memref_squeeze %dma_start3A_78 : memref<1x512xi32, #tpu.memory_space<vmem>> -> memref<512xi32, #tpu.memory_space<vmem>>
    %dma_start3A_80 = arith.constant 0 : i32
    %dma_start3A_81 = arith.constant 0 : i32
    %dma_start3A_82 = tpu.memref_slice %arg4[%dma_start3A_80, %dma_start3A_81] : memref<1002048x32xf32, #tpu.memory_space<hbm>> -> memref<1002048x32xf32, #tpu.memory_space<hbm>>
    tpu.enqueue_indirect_dma source(%dma_start3A_82 : memref<1002048x32xf32, #tpu.memory_space<hbm>>) target(%arg9 : memref<512x32xf32, #tpu.memory_space<vmem>>) offsets(%dma_start3A_79 : memref<512xi32, #tpu.memory_space<vmem>>) semaphore(%arg11 : memref<!tpu.dma_semaphore, #tpu.memory_space<semaphore_mem>>) {add = true}
    %dma_start3A_83 = arith.constant 10 : i32
    %dma_start3A_84 = arith.constant 0 : i32
    %dma_start3A_85 = tpu.memref_slice %arg8[%dma_start3A_83, %dma_start3A_84] : memref<50x512xi32, #tpu.memory_space<vmem>> -> memref<1x512xi32, #tpu.memory_space<vmem>>
    %dma_start3A_86 = tpu.memref_squeeze %dma_start3A_85 : memref<1x512xi32, #tpu.memory_space<vmem>> -> memref<512xi32, #tpu.memory_space<vmem>>
    %dma_start3A_87 = arith.constant 0 : i32
    %dma_start3A_88 = arith.constant 0 : i32
    %dma_start3A_89 = tpu.memref_slice %arg4[%dma_start3A_87, %dma_start3A_88] : memref<1002048x32xf32, #tpu.memory_space<hbm>> -> memref<1002048x32xf32, #tpu.memory_space<hbm>>
    tpu.enqueue_indirect_dma source(%dma_start3A_89 : memref<1002048x32xf32, #tpu.memory_space<hbm>>) target(%arg9 : memref<512x32xf32, #tpu.memory_space<vmem>>) offsets(%dma_start3A_86 : memref<512xi32, #tpu.memory_space<vmem>>) semaphore(%arg11 : memref<!tpu.dma_semaphore, #tpu.memory_space<semaphore_mem>>) {add = true}
    %dma_start3A_90 = arith.constant 11 : i32
    %dma_start3A_91 = arith.constant 0 : i32
    %dma_start3A_92 = tpu.memref_slice %arg8[%dma_start3A_90, %dma_start3A_91] : memref<50x512xi32, #tpu.memory_space<vmem>> -> memref<1x512xi32, #tpu.memory_space<vmem>>
    %dma_start3A_93 = tpu.memref_squeeze %dma_start3A_92 : memref<1x512xi32, #tpu.memory_space<vmem>> -> memref<512xi32, #tpu.memory_space<vmem>>
    %dma_start3A_94 = arith.constant 0 : i32
    %dma_start3A_95 = arith.constant 0 : i32
    %dma_start3A_96 = tpu.memref_slice %arg4[%dma_start3A_94, %dma_start3A_95] : memref<1002048x32xf32, #tpu.memory_space<hbm>> -> memref<1002048x32xf32, #tpu.memory_space<hbm>>
    tpu.enqueue_indirect_dma source(%dma_start3A_96 : memref<1002048x32xf32, #tpu.memory_space<hbm>>) target(%arg9 : memref<512x32xf32, #tpu.memory_space<vmem>>) offsets(%dma_start3A_93 : memref<512xi32, #tpu.memory_space<vmem>>) semaphore(%arg11 : memref<!tpu.dma_semaphore, #tpu.memory_space<semaphore_mem>>) {add = true}
    %dma_start3A_97 = arith.constant 12 : i32
    %dma_start3A_98 = arith.constant 0 : i32
    %dma_start3A_99 = tpu.memref_slice %arg8[%dma_start3A_97, %dma_start3A_98] : memref<50x512xi32, #tpu.memory_space<vmem>> -> memref<1x512xi32, #tpu.memory_space<vmem>>
    %dma_start3A_100 = tpu.memref_squeeze %dma_start3A_99 : memref<1x512xi32, #tpu.memory_space<vmem>> -> memref<512xi32, #tpu.memory_space<vmem>>
    %dma_start3A_101 = arith.constant 0 : i32
    %dma_start3A_102 = arith.constant 0 : i32
    %dma_start3A_103 = tpu.memref_slice %arg4[%dma_start3A_101, %dma_start3A_102] : memref<1002048x32xf32, #tpu.memory_space<hbm>> -> memref<1002048x32xf32, #tpu.memory_space<hbm>>
    tpu.enqueue_indirect_dma source(%dma_start3A_103 : memref<1002048x32xf32, #tpu.memory_space<hbm>>) target(%arg9 : memref<512x32xf32, #tpu.memory_space<vmem>>) offsets(%dma_start3A_100 : memref<512xi32, #tpu.memory_space<vmem>>) semaphore(%arg11 : memref<!tpu.dma_semaphore, #tpu.memory_space<semaphore_mem>>) {add = true}
    %dma_start3A_104 = arith.constant 13 : i32
    %dma_start3A_105 = arith.constant 0 : i32
    %dma_start3A_106 = tpu.memref_slice %arg8[%dma_start3A_104, %dma_start3A_105] : memref<50x512xi32, #tpu.memory_space<vmem>> -> memref<1x512xi32, #tpu.memory_space<vmem>>
    %dma_start3A_107 = tpu.memref_squeeze %dma_start3A_106 : memref<1x512xi32, #tpu.memory_space<vmem>> -> memref<512xi32, #tpu.memory_space<vmem>>
    %dma_start3A_108 = arith.constant 0 : i32
    %dma_start3A_109 = arith.constant 0 : i32
    %dma_start3A_110 = tpu.memref_slice %arg4[%dma_start3A_108, %dma_start3A_109] : memref<1002048x32xf32, #tpu.memory_space<hbm>> -> memref<1002048x32xf32, #tpu.memory_space<hbm>>
    tpu.enqueue_indirect_dma source(%dma_start3A_110 : memref<1002048x32xf32, #tpu.memory_space<hbm>>) target(%arg9 : memref<512x32xf32, #tpu.memory_space<vmem>>) offsets(%dma_start3A_107 : memref<512xi32, #tpu.memory_space<vmem>>) semaphore(%arg11 : memref<!tpu.dma_semaphore, #tpu.memory_space<semaphore_mem>>) {add = true}
    %dma_start3A_111 = arith.constant 14 : i32
    %dma_start3A_112 = arith.constant 0 : i32
    %dma_start3A_113 = tpu.memref_slice %arg8[%dma_start3A_111, %dma_start3A_112] : memref<50x512xi32, #tpu.memory_space<vmem>> -> memref<1x512xi32, #tpu.memory_space<vmem>>
    %dma_start3A_114 = tpu.memref_squeeze %dma_start3A_113 : memref<1x512xi32, #tpu.memory_space<vmem>> -> memref<512xi32, #tpu.memory_space<vmem>>
    %dma_start3A_115 = arith.constant 0 : i32
    %dma_start3A_116 = arith.constant 0 : i32
    %dma_start3A_117 = tpu.memref_slice %arg4[%dma_start3A_115, %dma_start3A_116] : memref<1002048x32xf32, #tpu.memory_space<hbm>> -> memref<1002048x32xf32, #tpu.memory_space<hbm>>
    tpu.enqueue_indirect_dma source(%dma_start3A_117 : memref<1002048x32xf32, #tpu.memory_space<hbm>>) target(%arg9 : memref<512x32xf32, #tpu.memory_space<vmem>>) offsets(%dma_start3A_114 : memref<512xi32, #tpu.memory_space<vmem>>) semaphore(%arg11 : memref<!tpu.dma_semaphore, #tpu.memory_space<semaphore_mem>>) {add = true}
    %dma_start3A_118 = arith.constant 15 : i32
    %dma_start3A_119 = arith.constant 0 : i32
    %dma_start3A_120 = tpu.memref_slice %arg8[%dma_start3A_118, %dma_start3A_119] : memref<50x512xi32, #tpu.memory_space<vmem>> -> memref<1x512xi32, #tpu.memory_space<vmem>>
    %dma_start3A_121 = tpu.memref_squeeze %dma_start3A_120 : memref<1x512xi32, #tpu.memory_space<vmem>> -> memref<512xi32, #tpu.memory_space<vmem>>
    %dma_start3A_122 = arith.constant 0 : i32
    %dma_start3A_123 = arith.constant 0 : i32
    %dma_start3A_124 = tpu.memref_slice %arg4[%dma_start3A_122, %dma_start3A_123] : memref<1002048x32xf32, #tpu.memory_space<hbm>> -> memref<1002048x32xf32, #tpu.memory_space<hbm>>
    tpu.enqueue_indirect_dma source(%dma_start3A_124 : memref<1002048x32xf32, #tpu.memory_space<hbm>>) target(%arg9 : memref<512x32xf32, #tpu.memory_space<vmem>>) offsets(%dma_start3A_121 : memref<512xi32, #tpu.memory_space<vmem>>) semaphore(%arg11 : memref<!tpu.dma_semaphore, #tpu.memory_space<semaphore_mem>>) {add = true}
    %dma_start3A_125 = arith.constant 16 : i32
    %dma_start3A_126 = arith.constant 0 : i32
    %dma_start3A_127 = tpu.memref_slice %arg8[%dma_start3A_125, %dma_start3A_126] : memref<50x512xi32, #tpu.memory_space<vmem>> -> memref<1x512xi32, #tpu.memory_space<vmem>>
    %dma_start3A_128 = tpu.memref_squeeze %dma_start3A_127 : memref<1x512xi32, #tpu.memory_space<vmem>> -> memref<512xi32, #tpu.memory_space<vmem>>
    %dma_start3A_129 = arith.constant 0 : i32
    %dma_start3A_130 = arith.constant 0 : i32
    %dma_start3A_131 = tpu.memref_slice %arg4[%dma_start3A_129, %dma_start3A_130] : memref<1002048x32xf32, #tpu.memory_space<hbm>> -> memref<1002048x32xf32, #tpu.memory_space<hbm>>
    tpu.enqueue_indirect_dma source(%dma_start3A_131 : memref<1002048x32xf32, #tpu.memory_space<hbm>>) target(%arg9 : memref<512x32xf32, #tpu.memory_space<vmem>>) offsets(%dma_start3A_128 : memref<512xi32, #tpu.memory_space<vmem>>) semaphore(%arg11 : memref<!tpu.dma_semaphore, #tpu.memory_space<semaphore_mem>>) {add = true}
    %dma_start3A_132 = arith.constant 17 : i32
    %dma_start3A_133 = arith.constant 0 : i32
    %dma_start3A_134 = tpu.memref_slice %arg8[%dma_start3A_132, %dma_start3A_133] : memref<50x512xi32, #tpu.memory_space<vmem>> -> memref<1x512xi32, #tpu.memory_space<vmem>>
    %dma_start3A_135 = tpu.memref_squeeze %dma_start3A_134 : memref<1x512xi32, #tpu.memory_space<vmem>> -> memref<512xi32, #tpu.memory_space<vmem>>
    %dma_start3A_136 = arith.constant 0 : i32
    %dma_start3A_137 = arith.constant 0 : i32
    %dma_start3A_138 = tpu.memref_slice %arg4[%dma_start3A_136, %dma_start3A_137] : memref<1002048x32xf32, #tpu.memory_space<hbm>> -> memref<1002048x32xf32, #tpu.memory_space<hbm>>
    tpu.enqueue_indirect_dma source(%dma_start3A_138 : memref<1002048x32xf32, #tpu.memory_space<hbm>>) target(%arg9 : memref<512x32xf32, #tpu.memory_space<vmem>>) offsets(%dma_start3A_135 : memref<512xi32, #tpu.memory_space<vmem>>) semaphore(%arg11 : memref<!tpu.dma_semaphore, #tpu.memory_space<semaphore_mem>>) {add = true}
    %dma_start3A_139 = arith.constant 18 : i32
    %dma_start3A_140 = arith.constant 0 : i32
    %dma_start3A_141 = tpu.memref_slice %arg8[%dma_start3A_139, %dma_start3A_140] : memref<50x512xi32, #tpu.memory_space<vmem>> -> memref<1x512xi32, #tpu.memory_space<vmem>>
    %dma_start3A_142 = tpu.memref_squeeze %dma_start3A_141 : memref<1x512xi32, #tpu.memory_space<vmem>> -> memref<512xi32, #tpu.memory_space<vmem>>
    %dma_start3A_143 = arith.constant 0 : i32
    %dma_start3A_144 = arith.constant 0 : i32
    %dma_start3A_145 = tpu.memref_slice %arg4[%dma_start3A_143, %dma_start3A_144] : memref<1002048x32xf32, #tpu.memory_space<hbm>> -> memref<1002048x32xf32, #tpu.memory_space<hbm>>
    tpu.enqueue_indirect_dma source(%dma_start3A_145 : memref<1002048x32xf32, #tpu.memory_space<hbm>>) target(%arg9 : memref<512x32xf32, #tpu.memory_space<vmem>>) offsets(%dma_start3A_142 : memref<512xi32, #tpu.memory_space<vmem>>) semaphore(%arg11 : memref<!tpu.dma_semaphore, #tpu.memory_space<semaphore_mem>>) {add = true}
    %dma_start3A_146 = arith.constant 19 : i32
    %dma_start3A_147 = arith.constant 0 : i32
    %dma_start3A_148 = tpu.memref_slice %arg8[%dma_start3A_146, %dma_start3A_147] : memref<50x512xi32, #tpu.memory_space<vmem>> -> memref<1x512xi32, #tpu.memory_space<vmem>>
    %dma_start3A_149 = tpu.memref_squeeze %dma_start3A_148 : memref<1x512xi32, #tpu.memory_space<vmem>> -> memref<512xi32, #tpu.memory_space<vmem>>
    %dma_start3A_150 = arith.constant 0 : i32
    %dma_start3A_151 = arith.constant 0 : i32
    %dma_start3A_152 = tpu.memref_slice %arg4[%dma_start3A_150, %dma_start3A_151] : memref<1002048x32xf32, #tpu.memory_space<hbm>> -> memref<1002048x32xf32, #tpu.memory_space<hbm>>
    tpu.enqueue_indirect_dma source(%dma_start3A_152 : memref<1002048x32xf32, #tpu.memory_space<hbm>>) target(%arg9 : memref<512x32xf32, #tpu.memory_space<vmem>>) offsets(%dma_start3A_149 : memref<512xi32, #tpu.memory_space<vmem>>) semaphore(%arg11 : memref<!tpu.dma_semaphore, #tpu.memory_space<semaphore_mem>>) {add = true}
    %dma_start3A_153 = arith.constant 20 : i32
    %dma_start3A_154 = arith.constant 0 : i32
    %dma_start3A_155 = tpu.memref_slice %arg8[%dma_start3A_153, %dma_start3A_154] : memref<50x512xi32, #tpu.memory_space<vmem>> -> memref<1x512xi32, #tpu.memory_space<vmem>>
    %dma_start3A_156 = tpu.memref_squeeze %dma_start3A_155 : memref<1x512xi32, #tpu.memory_space<vmem>> -> memref<512xi32, #tpu.memory_space<vmem>>
    %dma_start3A_157 = arith.constant 0 : i32
    %dma_start3A_158 = arith.constant 0 : i32
    %dma_start3A_159 = tpu.memref_slice %arg4[%dma_start3A_157, %dma_start3A_158] : memref<1002048x32xf32, #tpu.memory_space<hbm>> -> memref<1002048x32xf32, #tpu.memory_space<hbm>>
    tpu.enqueue_indirect_dma source(%dma_start3A_159 : memref<1002048x32xf32, #tpu.memory_space<hbm>>) target(%arg9 : memref<512x32xf32, #tpu.memory_space<vmem>>) offsets(%dma_start3A_156 : memref<512xi32, #tpu.memory_space<vmem>>) semaphore(%arg11 : memref<!tpu.dma_semaphore, #tpu.memory_space<semaphore_mem>>) {add = true}
    %dma_start3A_160 = arith.constant 21 : i32
    %dma_start3A_161 = arith.constant 0 : i32
    %dma_start3A_162 = tpu.memref_slice %arg8[%dma_start3A_160, %dma_start3A_161] : memref<50x512xi32, #tpu.memory_space<vmem>> -> memref<1x512xi32, #tpu.memory_space<vmem>>
    %dma_start3A_163 = tpu.memref_squeeze %dma_start3A_162 : memref<1x512xi32, #tpu.memory_space<vmem>> -> memref<512xi32, #tpu.memory_space<vmem>>
    %dma_start3A_164 = arith.constant 0 : i32
    %dma_start3A_165 = arith.constant 0 : i32
    %dma_start3A_166 = tpu.memref_slice %arg4[%dma_start3A_164, %dma_start3A_165] : memref<1002048x32xf32, #tpu.memory_space<hbm>> -> memref<1002048x32xf32, #tpu.memory_space<hbm>>
    tpu.enqueue_indirect_dma source(%dma_start3A_166 : memref<1002048x32xf32, #tpu.memory_space<hbm>>) target(%arg9 : memref<512x32xf32, #tpu.memory_space<vmem>>) offsets(%dma_start3A_163 : memref<512xi32, #tpu.memory_space<vmem>>) semaphore(%arg11 : memref<!tpu.dma_semaphore, #tpu.memory_space<semaphore_mem>>) {add = true}
    %dma_start3A_167 = arith.constant 22 : i32
    %dma_start3A_168 = arith.constant 0 : i32
    %dma_start3A_169 = tpu.memref_slice %arg8[%dma_start3A_167, %dma_start3A_168] : memref<50x512xi32, #tpu.memory_space<vmem>> -> memref<1x512xi32, #tpu.memory_space<vmem>>
    %dma_start3A_170 = tpu.memref_squeeze %dma_start3A_169 : memref<1x512xi32, #tpu.memory_space<vmem>> -> memref<512xi32, #tpu.memory_space<vmem>>
    %dma_start3A_171 = arith.constant 0 : i32
    %dma_start3A_172 = arith.constant 0 : i32
    %dma_start3A_173 = tpu.memref_slice %arg4[%dma_start3A_171, %dma_start3A_172] : memref<1002048x32xf32, #tpu.memory_space<hbm>> -> memref<1002048x32xf32, #tpu.memory_space<hbm>>
    tpu.enqueue_indirect_dma source(%dma_start3A_173 : memref<1002048x32xf32, #tpu.memory_space<hbm>>) target(%arg9 : memref<512x32xf32, #tpu.memory_space<vmem>>) offsets(%dma_start3A_170 : memref<512xi32, #tpu.memory_space<vmem>>) semaphore(%arg11 : memref<!tpu.dma_semaphore, #tpu.memory_space<semaphore_mem>>) {add = true}
    %dma_start3A_174 = arith.constant 23 : i32
    %dma_start3A_175 = arith.constant 0 : i32
    %dma_start3A_176 = tpu.memref_slice %arg8[%dma_start3A_174, %dma_start3A_175] : memref<50x512xi32, #tpu.memory_space<vmem>> -> memref<1x512xi32, #tpu.memory_space<vmem>>
    %dma_start3A_177 = tpu.memref_squeeze %dma_start3A_176 : memref<1x512xi32, #tpu.memory_space<vmem>> -> memref<512xi32, #tpu.memory_space<vmem>>
    %dma_start3A_178 = arith.constant 0 : i32
    %dma_start3A_179 = arith.constant 0 : i32
    %dma_start3A_180 = tpu.memref_slice %arg4[%dma_start3A_178, %dma_start3A_179] : memref<1002048x32xf32, #tpu.memory_space<hbm>> -> memref<1002048x32xf32, #tpu.memory_space<hbm>>
    tpu.enqueue_indirect_dma source(%dma_start3A_180 : memref<1002048x32xf32, #tpu.memory_space<hbm>>) target(%arg9 : memref<512x32xf32, #tpu.memory_space<vmem>>) offsets(%dma_start3A_177 : memref<512xi32, #tpu.memory_space<vmem>>) semaphore(%arg11 : memref<!tpu.dma_semaphore, #tpu.memory_space<semaphore_mem>>) {add = true}
    %dma_start3A_181 = arith.constant 24 : i32
    %dma_start3A_182 = arith.constant 0 : i32
    %dma_start3A_183 = tpu.memref_slice %arg8[%dma_start3A_181, %dma_start3A_182] : memref<50x512xi32, #tpu.memory_space<vmem>> -> memref<1x512xi32, #tpu.memory_space<vmem>>
    %dma_start3A_184 = tpu.memref_squeeze %dma_start3A_183 : memref<1x512xi32, #tpu.memory_space<vmem>> -> memref<512xi32, #tpu.memory_space<vmem>>
    %dma_start3A_185 = arith.constant 0 : i32
    %dma_start3A_186 = arith.constant 0 : i32
    %dma_start3A_187 = tpu.memref_slice %arg4[%dma_start3A_185, %dma_start3A_186] : memref<1002048x32xf32, #tpu.memory_space<hbm>> -> memref<1002048x32xf32, #tpu.memory_space<hbm>>
    tpu.enqueue_indirect_dma source(%dma_start3A_187 : memref<1002048x32xf32, #tpu.memory_space<hbm>>) target(%arg9 : memref<512x32xf32, #tpu.memory_space<vmem>>) offsets(%dma_start3A_184 : memref<512xi32, #tpu.memory_space<vmem>>) semaphore(%arg11 : memref<!tpu.dma_semaphore, #tpu.memory_space<semaphore_mem>>) {add = true}
    %dma_start3A_188 = arith.constant 25 : i32
    %dma_start3A_189 = arith.constant 0 : i32
    %dma_start3A_190 = tpu.memref_slice %arg8[%dma_start3A_188, %dma_start3A_189] : memref<50x512xi32, #tpu.memory_space<vmem>> -> memref<1x512xi32, #tpu.memory_space<vmem>>
    %dma_start3A_191 = tpu.memref_squeeze %dma_start3A_190 : memref<1x512xi32, #tpu.memory_space<vmem>> -> memref<512xi32, #tpu.memory_space<vmem>>
    %dma_start3A_192 = arith.constant 0 : i32
    %dma_start3A_193 = arith.constant 0 : i32
    %dma_start3A_194 = tpu.memref_slice %arg4[%dma_start3A_192, %dma_start3A_193] : memref<1002048x32xf32, #tpu.memory_space<hbm>> -> memref<1002048x32xf32, #tpu.memory_space<hbm>>
    tpu.enqueue_indirect_dma source(%dma_start3A_194 : memref<1002048x32xf32, #tpu.memory_space<hbm>>) target(%arg9 : memref<512x32xf32, #tpu.memory_space<vmem>>) offsets(%dma_start3A_191 : memref<512xi32, #tpu.memory_space<vmem>>) semaphore(%arg11 : memref<!tpu.dma_semaphore, #tpu.memory_space<semaphore_mem>>) {add = true}
    %dma_start3A_195 = arith.constant 26 : i32
    %dma_start3A_196 = arith.constant 0 : i32
    %dma_start3A_197 = tpu.memref_slice %arg8[%dma_start3A_195, %dma_start3A_196] : memref<50x512xi32, #tpu.memory_space<vmem>> -> memref<1x512xi32, #tpu.memory_space<vmem>>
    %dma_start3A_198 = tpu.memref_squeeze %dma_start3A_197 : memref<1x512xi32, #tpu.memory_space<vmem>> -> memref<512xi32, #tpu.memory_space<vmem>>
    %dma_start3A_199 = arith.constant 0 : i32
    %dma_start3A_200 = arith.constant 0 : i32
    %dma_start3A_201 = tpu.memref_slice %arg4[%dma_start3A_199, %dma_start3A_200] : memref<1002048x32xf32, #tpu.memory_space<hbm>> -> memref<1002048x32xf32, #tpu.memory_space<hbm>>
    tpu.enqueue_indirect_dma source(%dma_start3A_201 : memref<1002048x32xf32, #tpu.memory_space<hbm>>) target(%arg9 : memref<512x32xf32, #tpu.memory_space<vmem>>) offsets(%dma_start3A_198 : memref<512xi32, #tpu.memory_space<vmem>>) semaphore(%arg11 : memref<!tpu.dma_semaphore, #tpu.memory_space<semaphore_mem>>) {add = true}
    %dma_start3A_202 = arith.constant 27 : i32
    %dma_start3A_203 = arith.constant 0 : i32
    %dma_start3A_204 = tpu.memref_slice %arg8[%dma_start3A_202, %dma_start3A_203] : memref<50x512xi32, #tpu.memory_space<vmem>> -> memref<1x512xi32, #tpu.memory_space<vmem>>
    %dma_start3A_205 = tpu.memref_squeeze %dma_start3A_204 : memref<1x512xi32, #tpu.memory_space<vmem>> -> memref<512xi32, #tpu.memory_space<vmem>>
    %dma_start3A_206 = arith.constant 0 : i32
    %dma_start3A_207 = arith.constant 0 : i32
    %dma_start3A_208 = tpu.memref_slice %arg4[%dma_start3A_206, %dma_start3A_207] : memref<1002048x32xf32, #tpu.memory_space<hbm>> -> memref<1002048x32xf32, #tpu.memory_space<hbm>>
    tpu.enqueue_indirect_dma source(%dma_start3A_208 : memref<1002048x32xf32, #tpu.memory_space<hbm>>) target(%arg9 : memref<512x32xf32, #tpu.memory_space<vmem>>) offsets(%dma_start3A_205 : memref<512xi32, #tpu.memory_space<vmem>>) semaphore(%arg11 : memref<!tpu.dma_semaphore, #tpu.memory_space<semaphore_mem>>) {add = true}
    %dma_start3A_209 = arith.constant 28 : i32
    %dma_start3A_210 = arith.constant 0 : i32
    %dma_start3A_211 = tpu.memref_slice %arg8[%dma_start3A_209, %dma_start3A_210] : memref<50x512xi32, #tpu.memory_space<vmem>> -> memref<1x512xi32, #tpu.memory_space<vmem>>
    %dma_start3A_212 = tpu.memref_squeeze %dma_start3A_211 : memref<1x512xi32, #tpu.memory_space<vmem>> -> memref<512xi32, #tpu.memory_space<vmem>>
    %dma_start3A_213 = arith.constant 0 : i32
    %dma_start3A_214 = arith.constant 0 : i32
    %dma_start3A_215 = tpu.memref_slice %arg4[%dma_start3A_213, %dma_start3A_214] : memref<1002048x32xf32, #tpu.memory_space<hbm>> -> memref<1002048x32xf32, #tpu.memory_space<hbm>>
    tpu.enqueue_indirect_dma source(%dma_start3A_215 : memref<1002048x32xf32, #tpu.memory_space<hbm>>) target(%arg9 : memref<512x32xf32, #tpu.memory_space<vmem>>) offsets(%dma_start3A_212 : memref<512xi32, #tpu.memory_space<vmem>>) semaphore(%arg11 : memref<!tpu.dma_semaphore, #tpu.memory_space<semaphore_mem>>) {add = true}
    %dma_start3A_216 = arith.constant 29 : i32
    %dma_start3A_217 = arith.constant 0 : i32
    %dma_start3A_218 = tpu.memref_slice %arg8[%dma_start3A_216, %dma_start3A_217] : memref<50x512xi32, #tpu.memory_space<vmem>> -> memref<1x512xi32, #tpu.memory_space<vmem>>
    %dma_start3A_219 = tpu.memref_squeeze %dma_start3A_218 : memref<1x512xi32, #tpu.memory_space<vmem>> -> memref<512xi32, #tpu.memory_space<vmem>>
    %dma_start3A_220 = arith.constant 0 : i32
    %dma_start3A_221 = arith.constant 0 : i32
    %dma_start3A_222 = tpu.memref_slice %arg4[%dma_start3A_220, %dma_start3A_221] : memref<1002048x32xf32, #tpu.memory_space<hbm>> -> memref<1002048x32xf32, #tpu.memory_space<hbm>>
    tpu.enqueue_indirect_dma source(%dma_start3A_222 : memref<1002048x32xf32, #tpu.memory_space<hbm>>) target(%arg9 : memref<512x32xf32, #tpu.memory_space<vmem>>) offsets(%dma_start3A_219 : memref<512xi32, #tpu.memory_space<vmem>>) semaphore(%arg11 : memref<!tpu.dma_semaphore, #tpu.memory_space<semaphore_mem>>) {add = true}
    %dma_start3A_223 = arith.constant 30 : i32
    %dma_start3A_224 = arith.constant 0 : i32
    %dma_start3A_225 = tpu.memref_slice %arg8[%dma_start3A_223, %dma_start3A_224] : memref<50x512xi32, #tpu.memory_space<vmem>> -> memref<1x512xi32, #tpu.memory_space<vmem>>
    %dma_start3A_226 = tpu.memref_squeeze %dma_start3A_225 : memref<1x512xi32, #tpu.memory_space<vmem>> -> memref<512xi32, #tpu.memory_space<vmem>>
    %dma_start3A_227 = arith.constant 0 : i32
    %dma_start3A_228 = arith.constant 0 : i32
    %dma_start3A_229 = tpu.memref_slice %arg4[%dma_start3A_227, %dma_start3A_228] : memref<1002048x32xf32, #tpu.memory_space<hbm>> -> memref<1002048x32xf32, #tpu.memory_space<hbm>>
    tpu.enqueue_indirect_dma source(%dma_start3A_229 : memref<1002048x32xf32, #tpu.memory_space<hbm>>) target(%arg9 : memref<512x32xf32, #tpu.memory_space<vmem>>) offsets(%dma_start3A_226 : memref<512xi32, #tpu.memory_space<vmem>>) semaphore(%arg11 : memref<!tpu.dma_semaphore, #tpu.memory_space<semaphore_mem>>) {add = true}
    %dma_start3A_230 = arith.constant 31 : i32
    %dma_start3A_231 = arith.constant 0 : i32
    %dma_start3A_232 = tpu.memref_slice %arg8[%dma_start3A_230, %dma_start3A_231] : memref<50x512xi32, #tpu.memory_space<vmem>> -> memref<1x512xi32, #tpu.memory_space<vmem>>
    %dma_start3A_233 = tpu.memref_squeeze %dma_start3A_232 : memref<1x512xi32, #tpu.memory_space<vmem>> -> memref<512xi32, #tpu.memory_space<vmem>>
    %dma_start3A_234 = arith.constant 0 : i32
    %dma_start3A_235 = arith.constant 0 : i32
    %dma_start3A_236 = tpu.memref_slice %arg4[%dma_start3A_234, %dma_start3A_235] : memref<1002048x32xf32, #tpu.memory_space<hbm>> -> memref<1002048x32xf32, #tpu.memory_space<hbm>>
    tpu.enqueue_indirect_dma source(%dma_start3A_236 : memref<1002048x32xf32, #tpu.memory_space<hbm>>) target(%arg9 : memref<512x32xf32, #tpu.memory_space<vmem>>) offsets(%dma_start3A_233 : memref<512xi32, #tpu.memory_space<vmem>>) semaphore(%arg11 : memref<!tpu.dma_semaphore, #tpu.memory_space<semaphore_mem>>) {add = true}
    %dma_start3A_237 = arith.constant 32 : i32
    %dma_start3A_238 = arith.constant 0 : i32
    %dma_start3A_239 = tpu.memref_slice %arg8[%dma_start3A_237, %dma_start3A_238] : memref<50x512xi32, #tpu.memory_space<vmem>> -> memref<1x512xi32, #tpu.memory_space<vmem>>
    %dma_start3A_240 = tpu.memref_squeeze %dma_start3A_239 : memref<1x512xi32, #tpu.memory_space<vmem>> -> memref<512xi32, #tpu.memory_space<vmem>>
    %dma_start3A_241 = arith.constant 0 : i32
    %dma_start3A_242 = arith.constant 0 : i32
    %dma_start3A_243 = tpu.memref_slice %arg4[%dma_start3A_241, %dma_start3A_242] : memref<1002048x32xf32, #tpu.memory_space<hbm>> -> memref<1002048x32xf32, #tpu.memory_space<hbm>>
    tpu.enqueue_indirect_dma source(%dma_start3A_243 : memref<1002048x32xf32, #tpu.memory_space<hbm>>) target(%arg9 : memref<512x32xf32, #tpu.memory_space<vmem>>) offsets(%dma_start3A_240 : memref<512xi32, #tpu.memory_space<vmem>>) semaphore(%arg11 : memref<!tpu.dma_semaphore, #tpu.memory_space<semaphore_mem>>) {add = true}
    %dma_start3A_244 = arith.constant 33 : i32
    %dma_start3A_245 = arith.constant 0 : i32
    %dma_start3A_246 = tpu.memref_slice %arg8[%dma_start3A_244, %dma_start3A_245] : memref<50x512xi32, #tpu.memory_space<vmem>> -> memref<1x512xi32, #tpu.memory_space<vmem>>
    %dma_start3A_247 = tpu.memref_squeeze %dma_start3A_246 : memref<1x512xi32, #tpu.memory_space<vmem>> -> memref<512xi32, #tpu.memory_space<vmem>>
    %dma_start3A_248 = arith.constant 0 : i32
    %dma_start3A_249 = arith.constant 0 : i32
    %dma_start3A_250 = tpu.memref_slice %arg4[%dma_start3A_248, %dma_start3A_249] : memref<1002048x32xf32, #tpu.memory_space<hbm>> -> memref<1002048x32xf32, #tpu.memory_space<hbm>>
    tpu.enqueue_indirect_dma source(%dma_start3A_250 : memref<1002048x32xf32, #tpu.memory_space<hbm>>) target(%arg9 : memref<512x32xf32, #tpu.memory_space<vmem>>) offsets(%dma_start3A_247 : memref<512xi32, #tpu.memory_space<vmem>>) semaphore(%arg11 : memref<!tpu.dma_semaphore, #tpu.memory_space<semaphore_mem>>) {add = true}
    %dma_start3A_251 = arith.constant 34 : i32
    %dma_start3A_252 = arith.constant 0 : i32
    %dma_start3A_253 = tpu.memref_slice %arg8[%dma_start3A_251, %dma_start3A_252] : memref<50x512xi32, #tpu.memory_space<vmem>> -> memref<1x512xi32, #tpu.memory_space<vmem>>
    %dma_start3A_254 = tpu.memref_squeeze %dma_start3A_253 : memref<1x512xi32, #tpu.memory_space<vmem>> -> memref<512xi32, #tpu.memory_space<vmem>>
    %dma_start3A_255 = arith.constant 0 : i32
    %dma_start3A_256 = arith.constant 0 : i32
    %dma_start3A_257 = tpu.memref_slice %arg4[%dma_start3A_255, %dma_start3A_256] : memref<1002048x32xf32, #tpu.memory_space<hbm>> -> memref<1002048x32xf32, #tpu.memory_space<hbm>>
    tpu.enqueue_indirect_dma source(%dma_start3A_257 : memref<1002048x32xf32, #tpu.memory_space<hbm>>) target(%arg9 : memref<512x32xf32, #tpu.memory_space<vmem>>) offsets(%dma_start3A_254 : memref<512xi32, #tpu.memory_space<vmem>>) semaphore(%arg11 : memref<!tpu.dma_semaphore, #tpu.memory_space<semaphore_mem>>) {add = true}
    %dma_start3A_258 = arith.constant 35 : i32
    %dma_start3A_259 = arith.constant 0 : i32
    %dma_start3A_260 = tpu.memref_slice %arg8[%dma_start3A_258, %dma_start3A_259] : memref<50x512xi32, #tpu.memory_space<vmem>> -> memref<1x512xi32, #tpu.memory_space<vmem>>
    %dma_start3A_261 = tpu.memref_squeeze %dma_start3A_260 : memref<1x512xi32, #tpu.memory_space<vmem>> -> memref<512xi32, #tpu.memory_space<vmem>>
    %dma_start3A_262 = arith.constant 0 : i32
    %dma_start3A_263 = arith.constant 0 : i32
    %dma_start3A_264 = tpu.memref_slice %arg4[%dma_start3A_262, %dma_start3A_263] : memref<1002048x32xf32, #tpu.memory_space<hbm>> -> memref<1002048x32xf32, #tpu.memory_space<hbm>>
    tpu.enqueue_indirect_dma source(%dma_start3A_264 : memref<1002048x32xf32, #tpu.memory_space<hbm>>) target(%arg9 : memref<512x32xf32, #tpu.memory_space<vmem>>) offsets(%dma_start3A_261 : memref<512xi32, #tpu.memory_space<vmem>>) semaphore(%arg11 : memref<!tpu.dma_semaphore, #tpu.memory_space<semaphore_mem>>) {add = true}
    %dma_start3A_265 = arith.constant 36 : i32
    %dma_start3A_266 = arith.constant 0 : i32
    %dma_start3A_267 = tpu.memref_slice %arg8[%dma_start3A_265, %dma_start3A_266] : memref<50x512xi32, #tpu.memory_space<vmem>> -> memref<1x512xi32, #tpu.memory_space<vmem>>
    %dma_start3A_268 = tpu.memref_squeeze %dma_start3A_267 : memref<1x512xi32, #tpu.memory_space<vmem>> -> memref<512xi32, #tpu.memory_space<vmem>>
    %dma_start3A_269 = arith.constant 0 : i32
    %dma_start3A_270 = arith.constant 0 : i32
    %dma_start3A_271 = tpu.memref_slice %arg4[%dma_start3A_269, %dma_start3A_270] : memref<1002048x32xf32, #tpu.memory_space<hbm>> -> memref<1002048x32xf32, #tpu.memory_space<hbm>>
    tpu.enqueue_indirect_dma source(%dma_start3A_271 : memref<1002048x32xf32, #tpu.memory_space<hbm>>) target(%arg9 : memref<512x32xf32, #tpu.memory_space<vmem>>) offsets(%dma_start3A_268 : memref<512xi32, #tpu.memory_space<vmem>>) semaphore(%arg11 : memref<!tpu.dma_semaphore, #tpu.memory_space<semaphore_mem>>) {add = true}
    %dma_start3A_272 = arith.constant 37 : i32
    %dma_start3A_273 = arith.constant 0 : i32
    %dma_start3A_274 = tpu.memref_slice %arg8[%dma_start3A_272, %dma_start3A_273] : memref<50x512xi32, #tpu.memory_space<vmem>> -> memref<1x512xi32, #tpu.memory_space<vmem>>
    %dma_start3A_275 = tpu.memref_squeeze %dma_start3A_274 : memref<1x512xi32, #tpu.memory_space<vmem>> -> memref<512xi32, #tpu.memory_space<vmem>>
    %dma_start3A_276 = arith.constant 0 : i32
    %dma_start3A_277 = arith.constant 0 : i32
    %dma_start3A_278 = tpu.memref_slice %arg4[%dma_start3A_276, %dma_start3A_277] : memref<1002048x32xf32, #tpu.memory_space<hbm>> -> memref<1002048x32xf32, #tpu.memory_space<hbm>>
    tpu.enqueue_indirect_dma source(%dma_start3A_278 : memref<1002048x32xf32, #tpu.memory_space<hbm>>) target(%arg9 : memref<512x32xf32, #tpu.memory_space<vmem>>) offsets(%dma_start3A_275 : memref<512xi32, #tpu.memory_space<vmem>>) semaphore(%arg11 : memref<!tpu.dma_semaphore, #tpu.memory_space<semaphore_mem>>) {add = true}
    %dma_start3A_279 = arith.constant 38 : i32
    %dma_start3A_280 = arith.constant 0 : i32
    %dma_start3A_281 = tpu.memref_slice %arg8[%dma_start3A_279, %dma_start3A_280] : memref<50x512xi32, #tpu.memory_space<vmem>> -> memref<1x512xi32, #tpu.memory_space<vmem>>
    %dma_start3A_282 = tpu.memref_squeeze %dma_start3A_281 : memref<1x512xi32, #tpu.memory_space<vmem>> -> memref<512xi32, #tpu.memory_space<vmem>>
    %dma_start3A_283 = arith.constant 0 : i32
    %dma_start3A_284 = arith.constant 0 : i32
    %dma_start3A_285 = tpu.memref_slice %arg4[%dma_start3A_283, %dma_start3A_284] : memref<1002048x32xf32, #tpu.memory_space<hbm>> -> memref<1002048x32xf32, #tpu.memory_space<hbm>>
    tpu.enqueue_indirect_dma source(%dma_start3A_285 : memref<1002048x32xf32, #tpu.memory_space<hbm>>) target(%arg9 : memref<512x32xf32, #tpu.memory_space<vmem>>) offsets(%dma_start3A_282 : memref<512xi32, #tpu.memory_space<vmem>>) semaphore(%arg11 : memref<!tpu.dma_semaphore, #tpu.memory_space<semaphore_mem>>) {add = true}
    %dma_start3A_286 = arith.constant 39 : i32
    %dma_start3A_287 = arith.constant 0 : i32
    %dma_start3A_288 = tpu.memref_slice %arg8[%dma_start3A_286, %dma_start3A_287] : memref<50x512xi32, #tpu.memory_space<vmem>> -> memref<1x512xi32, #tpu.memory_space<vmem>>
    %dma_start3A_289 = tpu.memref_squeeze %dma_start3A_288 : memref<1x512xi32, #tpu.memory_space<vmem>> -> memref<512xi32, #tpu.memory_space<vmem>>
    %dma_start3A_290 = arith.constant 0 : i32
    %dma_start3A_291 = arith.constant 0 : i32
    %dma_start3A_292 = tpu.memref_slice %arg4[%dma_start3A_290, %dma_start3A_291] : memref<1002048x32xf32, #tpu.memory_space<hbm>> -> memref<1002048x32xf32, #tpu.memory_space<hbm>>
    tpu.enqueue_indirect_dma source(%dma_start3A_292 : memref<1002048x32xf32, #tpu.memory_space<hbm>>) target(%arg9 : memref<512x32xf32, #tpu.memory_space<vmem>>) offsets(%dma_start3A_289 : memref<512xi32, #tpu.memory_space<vmem>>) semaphore(%arg11 : memref<!tpu.dma_semaphore, #tpu.memory_space<semaphore_mem>>) {add = true}
    %dma_start3A_293 = arith.constant 40 : i32
    %dma_start3A_294 = arith.constant 0 : i32
    %dma_start3A_295 = tpu.memref_slice %arg8[%dma_start3A_293, %dma_start3A_294] : memref<50x512xi32, #tpu.memory_space<vmem>> -> memref<1x512xi32, #tpu.memory_space<vmem>>
    %dma_start3A_296 = tpu.memref_squeeze %dma_start3A_295 : memref<1x512xi32, #tpu.memory_space<vmem>> -> memref<512xi32, #tpu.memory_space<vmem>>
    %dma_start3A_297 = arith.constant 0 : i32
    %dma_start3A_298 = arith.constant 0 : i32
    %dma_start3A_299 = tpu.memref_slice %arg4[%dma_start3A_297, %dma_start3A_298] : memref<1002048x32xf32, #tpu.memory_space<hbm>> -> memref<1002048x32xf32, #tpu.memory_space<hbm>>
    tpu.enqueue_indirect_dma source(%dma_start3A_299 : memref<1002048x32xf32, #tpu.memory_space<hbm>>) target(%arg9 : memref<512x32xf32, #tpu.memory_space<vmem>>) offsets(%dma_start3A_296 : memref<512xi32, #tpu.memory_space<vmem>>) semaphore(%arg11 : memref<!tpu.dma_semaphore, #tpu.memory_space<semaphore_mem>>) {add = true}
    %dma_start3A_300 = arith.constant 41 : i32
    %dma_start3A_301 = arith.constant 0 : i32
    %dma_start3A_302 = tpu.memref_slice %arg8[%dma_start3A_300, %dma_start3A_301] : memref<50x512xi32, #tpu.memory_space<vmem>> -> memref<1x512xi32, #tpu.memory_space<vmem>>
    %dma_start3A_303 = tpu.memref_squeeze %dma_start3A_302 : memref<1x512xi32, #tpu.memory_space<vmem>> -> memref<512xi32, #tpu.memory_space<vmem>>
    %dma_start3A_304 = arith.constant 0 : i32
    %dma_start3A_305 = arith.constant 0 : i32
    %dma_start3A_306 = tpu.memref_slice %arg4[%dma_start3A_304, %dma_start3A_305] : memref<1002048x32xf32, #tpu.memory_space<hbm>> -> memref<1002048x32xf32, #tpu.memory_space<hbm>>
    tpu.enqueue_indirect_dma source(%dma_start3A_306 : memref<1002048x32xf32, #tpu.memory_space<hbm>>) target(%arg9 : memref<512x32xf32, #tpu.memory_space<vmem>>) offsets(%dma_start3A_303 : memref<512xi32, #tpu.memory_space<vmem>>) semaphore(%arg11 : memref<!tpu.dma_semaphore, #tpu.memory_space<semaphore_mem>>) {add = true}
    %dma_start3A_307 = arith.constant 42 : i32
    %dma_start3A_308 = arith.constant 0 : i32
    %dma_start3A_309 = tpu.memref_slice %arg8[%dma_start3A_307, %dma_start3A_308] : memref<50x512xi32, #tpu.memory_space<vmem>> -> memref<1x512xi32, #tpu.memory_space<vmem>>
    %dma_start3A_310 = tpu.memref_squeeze %dma_start3A_309 : memref<1x512xi32, #tpu.memory_space<vmem>> -> memref<512xi32, #tpu.memory_space<vmem>>
    %dma_start3A_311 = arith.constant 0 : i32
    %dma_start3A_312 = arith.constant 0 : i32
    %dma_start3A_313 = tpu.memref_slice %arg4[%dma_start3A_311, %dma_start3A_312] : memref<1002048x32xf32, #tpu.memory_space<hbm>> -> memref<1002048x32xf32, #tpu.memory_space<hbm>>
    tpu.enqueue_indirect_dma source(%dma_start3A_313 : memref<1002048x32xf32, #tpu.memory_space<hbm>>) target(%arg9 : memref<512x32xf32, #tpu.memory_space<vmem>>) offsets(%dma_start3A_310 : memref<512xi32, #tpu.memory_space<vmem>>) semaphore(%arg11 : memref<!tpu.dma_semaphore, #tpu.memory_space<semaphore_mem>>) {add = true}
    %dma_start3A_314 = arith.constant 43 : i32
    %dma_start3A_315 = arith.constant 0 : i32
    %dma_start3A_316 = tpu.memref_slice %arg8[%dma_start3A_314, %dma_start3A_315] : memref<50x512xi32, #tpu.memory_space<vmem>> -> memref<1x512xi32, #tpu.memory_space<vmem>>
    %dma_start3A_317 = tpu.memref_squeeze %dma_start3A_316 : memref<1x512xi32, #tpu.memory_space<vmem>> -> memref<512xi32, #tpu.memory_space<vmem>>
    %dma_start3A_318 = arith.constant 0 : i32
    %dma_start3A_319 = arith.constant 0 : i32
    %dma_start3A_320 = tpu.memref_slice %arg4[%dma_start3A_318, %dma_start3A_319] : memref<1002048x32xf32, #tpu.memory_space<hbm>> -> memref<1002048x32xf32, #tpu.memory_space<hbm>>
    tpu.enqueue_indirect_dma source(%dma_start3A_320 : memref<1002048x32xf32, #tpu.memory_space<hbm>>) target(%arg9 : memref<512x32xf32, #tpu.memory_space<vmem>>) offsets(%dma_start3A_317 : memref<512xi32, #tpu.memory_space<vmem>>) semaphore(%arg11 : memref<!tpu.dma_semaphore, #tpu.memory_space<semaphore_mem>>) {add = true}
    %dma_start3A_321 = arith.constant 44 : i32
    %dma_start3A_322 = arith.constant 0 : i32
    %dma_start3A_323 = tpu.memref_slice %arg8[%dma_start3A_321, %dma_start3A_322] : memref<50x512xi32, #tpu.memory_space<vmem>> -> memref<1x512xi32, #tpu.memory_space<vmem>>
    %dma_start3A_324 = tpu.memref_squeeze %dma_start3A_323 : memref<1x512xi32, #tpu.memory_space<vmem>> -> memref<512xi32, #tpu.memory_space<vmem>>
    %dma_start3A_325 = arith.constant 0 : i32
    %dma_start3A_326 = arith.constant 0 : i32
    %dma_start3A_327 = tpu.memref_slice %arg4[%dma_start3A_325, %dma_start3A_326] : memref<1002048x32xf32, #tpu.memory_space<hbm>> -> memref<1002048x32xf32, #tpu.memory_space<hbm>>
    tpu.enqueue_indirect_dma source(%dma_start3A_327 : memref<1002048x32xf32, #tpu.memory_space<hbm>>) target(%arg9 : memref<512x32xf32, #tpu.memory_space<vmem>>) offsets(%dma_start3A_324 : memref<512xi32, #tpu.memory_space<vmem>>) semaphore(%arg11 : memref<!tpu.dma_semaphore, #tpu.memory_space<semaphore_mem>>) {add = true}
    %dma_start3A_328 = arith.constant 45 : i32
    %dma_start3A_329 = arith.constant 0 : i32
    %dma_start3A_330 = tpu.memref_slice %arg8[%dma_start3A_328, %dma_start3A_329] : memref<50x512xi32, #tpu.memory_space<vmem>> -> memref<1x512xi32, #tpu.memory_space<vmem>>
    %dma_start3A_331 = tpu.memref_squeeze %dma_start3A_330 : memref<1x512xi32, #tpu.memory_space<vmem>> -> memref<512xi32, #tpu.memory_space<vmem>>
    %dma_start3A_332 = arith.constant 0 : i32
    %dma_start3A_333 = arith.constant 0 : i32
    %dma_start3A_334 = tpu.memref_slice %arg4[%dma_start3A_332, %dma_start3A_333] : memref<1002048x32xf32, #tpu.memory_space<hbm>> -> memref<1002048x32xf32, #tpu.memory_space<hbm>>
    tpu.enqueue_indirect_dma source(%dma_start3A_334 : memref<1002048x32xf32, #tpu.memory_space<hbm>>) target(%arg9 : memref<512x32xf32, #tpu.memory_space<vmem>>) offsets(%dma_start3A_331 : memref<512xi32, #tpu.memory_space<vmem>>) semaphore(%arg11 : memref<!tpu.dma_semaphore, #tpu.memory_space<semaphore_mem>>) {add = true}
    %dma_start3A_335 = arith.constant 46 : i32
    %dma_start3A_336 = arith.constant 0 : i32
    %dma_start3A_337 = tpu.memref_slice %arg8[%dma_start3A_335, %dma_start3A_336] : memref<50x512xi32, #tpu.memory_space<vmem>> -> memref<1x512xi32, #tpu.memory_space<vmem>>
    %dma_start3A_338 = tpu.memref_squeeze %dma_start3A_337 : memref<1x512xi32, #tpu.memory_space<vmem>> -> memref<512xi32, #tpu.memory_space<vmem>>
    %dma_start3A_339 = arith.constant 0 : i32
    %dma_start3A_340 = arith.constant 0 : i32
    %dma_start3A_341 = tpu.memref_slice %arg4[%dma_start3A_339, %dma_start3A_340] : memref<1002048x32xf32, #tpu.memory_space<hbm>> -> memref<1002048x32xf32, #tpu.memory_space<hbm>>
    tpu.enqueue_indirect_dma source(%dma_start3A_341 : memref<1002048x32xf32, #tpu.memory_space<hbm>>) target(%arg9 : memref<512x32xf32, #tpu.memory_space<vmem>>) offsets(%dma_start3A_338 : memref<512xi32, #tpu.memory_space<vmem>>) semaphore(%arg11 : memref<!tpu.dma_semaphore, #tpu.memory_space<semaphore_mem>>) {add = true}
    %dma_start3A_342 = arith.constant 47 : i32
    %dma_start3A_343 = arith.constant 0 : i32
    %dma_start3A_344 = tpu.memref_slice %arg8[%dma_start3A_342, %dma_start3A_343] : memref<50x512xi32, #tpu.memory_space<vmem>> -> memref<1x512xi32, #tpu.memory_space<vmem>>
    %dma_start3A_345 = tpu.memref_squeeze %dma_start3A_344 : memref<1x512xi32, #tpu.memory_space<vmem>> -> memref<512xi32, #tpu.memory_space<vmem>>
    %dma_start3A_346 = arith.constant 0 : i32
    %dma_start3A_347 = arith.constant 0 : i32
    %dma_start3A_348 = tpu.memref_slice %arg4[%dma_start3A_346, %dma_start3A_347] : memref<1002048x32xf32, #tpu.memory_space<hbm>> -> memref<1002048x32xf32, #tpu.memory_space<hbm>>
    tpu.enqueue_indirect_dma source(%dma_start3A_348 : memref<1002048x32xf32, #tpu.memory_space<hbm>>) target(%arg9 : memref<512x32xf32, #tpu.memory_space<vmem>>) offsets(%dma_start3A_345 : memref<512xi32, #tpu.memory_space<vmem>>) semaphore(%arg11 : memref<!tpu.dma_semaphore, #tpu.memory_space<semaphore_mem>>) {add = true}
    %dma_start3A_349 = arith.constant 48 : i32
    %dma_start3A_350 = arith.constant 0 : i32
    %dma_start3A_351 = tpu.memref_slice %arg8[%dma_start3A_349, %dma_start3A_350] : memref<50x512xi32, #tpu.memory_space<vmem>> -> memref<1x512xi32, #tpu.memory_space<vmem>>
    %dma_start3A_352 = tpu.memref_squeeze %dma_start3A_351 : memref<1x512xi32, #tpu.memory_space<vmem>> -> memref<512xi32, #tpu.memory_space<vmem>>
    %dma_start3A_353 = arith.constant 0 : i32
    %dma_start3A_354 = arith.constant 0 : i32
    %dma_start3A_355 = tpu.memref_slice %arg4[%dma_start3A_353, %dma_start3A_354] : memref<1002048x32xf32, #tpu.memory_space<hbm>> -> memref<1002048x32xf32, #tpu.memory_space<hbm>>
    tpu.enqueue_indirect_dma source(%dma_start3A_355 : memref<1002048x32xf32, #tpu.memory_space<hbm>>) target(%arg9 : memref<512x32xf32, #tpu.memory_space<vmem>>) offsets(%dma_start3A_352 : memref<512xi32, #tpu.memory_space<vmem>>) semaphore(%arg11 : memref<!tpu.dma_semaphore, #tpu.memory_space<semaphore_mem>>) {add = true}
    %dma_start3A_356 = arith.constant 49 : i32
    %dma_start3A_357 = arith.constant 0 : i32
    %dma_start3A_358 = tpu.memref_slice %arg8[%dma_start3A_356, %dma_start3A_357] : memref<50x512xi32, #tpu.memory_space<vmem>> -> memref<1x512xi32, #tpu.memory_space<vmem>>
    %dma_start3A_359 = tpu.memref_squeeze %dma_start3A_358 : memref<1x512xi32, #tpu.memory_space<vmem>> -> memref<512xi32, #tpu.memory_space<vmem>>
    %dma_start3A_360 = arith.constant 0 : i32
    %dma_start3A_361 = arith.constant 0 : i32
    %dma_start3A_362 = tpu.memref_slice %arg4[%dma_start3A_360, %dma_start3A_361] : memref<1002048x32xf32, #tpu.memory_space<hbm>> -> memref<1002048x32xf32, #tpu.memory_space<hbm>>
    tpu.enqueue_indirect_dma source(%dma_start3A_362 : memref<1002048x32xf32, #tpu.memory_space<hbm>>) target(%arg9 : memref<512x32xf32, #tpu.memory_space<vmem>>) offsets(%dma_start3A_359 : memref<512xi32, #tpu.memory_space<vmem>>) semaphore(%arg11 : memref<!tpu.dma_semaphore, #tpu.memory_space<semaphore_mem>>) {add = true}
    %dma_wait3A_363 = arith.constant 0 : i32
    %dma_wait3A_364 = arith.constant 0 : i32
    %dma_wait3A_365 = tpu.memref_slice %arg8[%dma_wait3A_363, %dma_wait3A_364] : memref<50x512xi32, #tpu.memory_space<vmem>> -> memref<1x512xi32, #tpu.memory_space<vmem>>
    %dma_wait3A_366 = tpu.memref_squeeze %dma_wait3A_365 : memref<1x512xi32, #tpu.memory_space<vmem>> -> memref<512xi32, #tpu.memory_space<vmem>>
    %dma_wait3A_367 = arith.constant 0 : i32
    %dma_wait3A_368 = arith.constant 0 : i32
    %dma_wait3A_369 = tpu.memref_slice %arg4[%dma_wait3A_367, %dma_wait3A_368] : memref<1002048x32xf32, #tpu.memory_space<hbm>> -> memref<1002048x32xf32, #tpu.memory_space<hbm>>
    tpu.wait_indirect_dma semaphore(%arg11 : memref<!tpu.dma_semaphore, #tpu.memory_space<semaphore_mem>>) src(%dma_wait3A_369 : memref<1002048x32xf32, #tpu.memory_space<hbm>>) dst(%arg9 : memref<512x32xf32, #tpu.memory_space<vmem>>)
    %dma_wait3A_370 = arith.constant 0 : i32
    %dma_wait3A_371 = arith.constant 0 : i32
    %dma_wait3A_372 = tpu.memref_slice %arg8[%dma_wait3A_370, %dma_wait3A_371] : memref<50x512xi32, #tpu.memory_space<vmem>> -> memref<1x512xi32, #tpu.memory_space<vmem>>
    %dma_wait3A_373 = tpu.memref_squeeze %dma_wait3A_372 : memref<1x512xi32, #tpu.memory_space<vmem>> -> memref<512xi32, #tpu.memory_space<vmem>>
    %dma_wait3A_374 = arith.constant 0 : i32
    %dma_wait3A_375 = arith.constant 0 : i32
    %dma_wait3A_376 = tpu.memref_slice %arg4[%dma_wait3A_374, %dma_wait3A_375] : memref<1002048x32xf32, #tpu.memory_space<hbm>> -> memref<1002048x32xf32, #tpu.memory_space<hbm>>
    tpu.wait_indirect_dma semaphore(%arg11 : memref<!tpu.dma_semaphore, #tpu.memory_space<semaphore_mem>>) src(%dma_wait3A_376 : memref<1002048x32xf32, #tpu.memory_space<hbm>>) dst(%arg9 : memref<512x32xf32, #tpu.memory_space<vmem>>)
    %dma_wait3A_377 = arith.constant 0 : i32
    %dma_wait3A_378 = arith.constant 0 : i32
    %dma_wait3A_379 = tpu.memref_slice %arg8[%dma_wait3A_377, %dma_wait3A_378] : memref<50x512xi32, #tpu.memory_space<vmem>> -> memref<1x512xi32, #tpu.memory_space<vmem>>
    %dma_wait3A_380 = tpu.memref_squeeze %dma_wait3A_379 : memref<1x512xi32, #tpu.memory_space<vmem>> -> memref<512xi32, #tpu.memory_space<vmem>>
    %dma_wait3A_381 = arith.constant 0 : i32
    %dma_wait3A_382 = arith.constant 0 : i32
    %dma_wait3A_383 = tpu.memref_slice %arg4[%dma_wait3A_381, %dma_wait3A_382] : memref<1002048x32xf32, #tpu.memory_space<hbm>> -> memref<1002048x32xf32, #tpu.memory_space<hbm>>
    tpu.wait_indirect_dma semaphore(%arg11 : memref<!tpu.dma_semaphore, #tpu.memory_space<semaphore_mem>>) src(%dma_wait3A_383 : memref<1002048x32xf32, #tpu.memory_space<hbm>>) dst(%arg9 : memref<512x32xf32, #tpu.memory_space<vmem>>)
    %dma_wait3A_384 = arith.constant 0 : i32
    %dma_wait3A_385 = arith.constant 0 : i32
    %dma_wait3A_386 = tpu.memref_slice %arg8[%dma_wait3A_384, %dma_wait3A_385] : memref<50x512xi32, #tpu.memory_space<vmem>> -> memref<1x512xi32, #tpu.memory_space<vmem>>
    %dma_wait3A_387 = tpu.memref_squeeze %dma_wait3A_386 : memref<1x512xi32, #tpu.memory_space<vmem>> -> memref<512xi32, #tpu.memory_space<vmem>>
    %dma_wait3A_388 = arith.constant 0 : i32
    %dma_wait3A_389 = arith.constant 0 : i32
    %dma_wait3A_390 = tpu.memref_slice %arg4[%dma_wait3A_388, %dma_wait3A_389] : memref<1002048x32xf32, #tpu.memory_space<hbm>> -> memref<1002048x32xf32, #tpu.memory_space<hbm>>
    tpu.wait_indirect_dma semaphore(%arg11 : memref<!tpu.dma_semaphore, #tpu.memory_space<semaphore_mem>>) src(%dma_wait3A_390 : memref<1002048x32xf32, #tpu.memory_space<hbm>>) dst(%arg9 : memref<512x32xf32, #tpu.memory_space<vmem>>)
    %dma_wait3A_391 = arith.constant 0 : i32
    %dma_wait3A_392 = arith.constant 0 : i32
    %dma_wait3A_393 = tpu.memref_slice %arg8[%dma_wait3A_391, %dma_wait3A_392] : memref<50x512xi32, #tpu.memory_space<vmem>> -> memref<1x512xi32, #tpu.memory_space<vmem>>
    %dma_wait3A_394 = tpu.memref_squeeze %dma_wait3A_393 : memref<1x512xi32, #tpu.memory_space<vmem>> -> memref<512xi32, #tpu.memory_space<vmem>>
    %dma_wait3A_395 = arith.constant 0 : i32
    %dma_wait3A_396 = arith.constant 0 : i32
    %dma_wait3A_397 = tpu.memref_slice %arg4[%dma_wait3A_395, %dma_wait3A_396] : memref<1002048x32xf32, #tpu.memory_space<hbm>> -> memref<1002048x32xf32, #tpu.memory_space<hbm>>
    tpu.wait_indirect_dma semaphore(%arg11 : memref<!tpu.dma_semaphore, #tpu.memory_space<semaphore_mem>>) src(%dma_wait3A_397 : memref<1002048x32xf32, #tpu.memory_space<hbm>>) dst(%arg9 : memref<512x32xf32, #tpu.memory_space<vmem>>)
    %dma_wait3A_398 = arith.constant 0 : i32
    %dma_wait3A_399 = arith.constant 0 : i32
    %dma_wait3A_400 = tpu.memref_slice %arg8[%dma_wait3A_398, %dma_wait3A_399] : memref<50x512xi32, #tpu.memory_space<vmem>> -> memref<1x512xi32, #tpu.memory_space<vmem>>
    %dma_wait3A_401 = tpu.memref_squeeze %dma_wait3A_400 : memref<1x512xi32, #tpu.memory_space<vmem>> -> memref<512xi32, #tpu.memory_space<vmem>>
    %dma_wait3A_402 = arith.constant 0 : i32
    %dma_wait3A_403 = arith.constant 0 : i32
    %dma_wait3A_404 = tpu.memref_slice %arg4[%dma_wait3A_402, %dma_wait3A_403] : memref<1002048x32xf32, #tpu.memory_space<hbm>> -> memref<1002048x32xf32, #tpu.memory_space<hbm>>
    tpu.wait_indirect_dma semaphore(%arg11 : memref<!tpu.dma_semaphore, #tpu.memory_space<semaphore_mem>>) src(%dma_wait3A_404 : memref<1002048x32xf32, #tpu.memory_space<hbm>>) dst(%arg9 : memref<512x32xf32, #tpu.memory_space<vmem>>)
    %dma_wait3A_405 = arith.constant 0 : i32
    %dma_wait3A_406 = arith.constant 0 : i32
    %dma_wait3A_407 = tpu.memref_slice %arg8[%dma_wait3A_405, %dma_wait3A_406] : memref<50x512xi32, #tpu.memory_space<vmem>> -> memref<1x512xi32, #tpu.memory_space<vmem>>
    %dma_wait3A_408 = tpu.memref_squeeze %dma_wait3A_407 : memref<1x512xi32, #tpu.memory_space<vmem>> -> memref<512xi32, #tpu.memory_space<vmem>>
    %dma_wait3A_409 = arith.constant 0 : i32
    %dma_wait3A_410 = arith.constant 0 : i32
    %dma_wait3A_411 = tpu.memref_slice %arg4[%dma_wait3A_409, %dma_wait3A_410] : memref<1002048x32xf32, #tpu.memory_space<hbm>> -> memref<1002048x32xf32, #tpu.memory_space<hbm>>
    tpu.wait_indirect_dma semaphore(%arg11 : memref<!tpu.dma_semaphore, #tpu.memory_space<semaphore_mem>>) src(%dma_wait3A_411 : memref<1002048x32xf32, #tpu.memory_space<hbm>>) dst(%arg9 : memref<512x32xf32, #tpu.memory_space<vmem>>)
    %dma_wait3A_412 = arith.constant 0 : i32
    %dma_wait3A_413 = arith.constant 0 : i32
    %dma_wait3A_414 = tpu.memref_slice %arg8[%dma_wait3A_412, %dma_wait3A_413] : memref<50x512xi32, #tpu.memory_space<vmem>> -> memref<1x512xi32, #tpu.memory_space<vmem>>
    %dma_wait3A_415 = tpu.memref_squeeze %dma_wait3A_414 : memref<1x512xi32, #tpu.memory_space<vmem>> -> memref<512xi32, #tpu.memory_space<vmem>>
    %dma_wait3A_416 = arith.constant 0 : i32
    %dma_wait3A_417 = arith.constant 0 : i32
    %dma_wait3A_418 = tpu.memref_slice %arg4[%dma_wait3A_416, %dma_wait3A_417] : memref<1002048x32xf32, #tpu.memory_space<hbm>> -> memref<1002048x32xf32, #tpu.memory_space<hbm>>
    tpu.wait_indirect_dma semaphore(%arg11 : memref<!tpu.dma_semaphore, #tpu.memory_space<semaphore_mem>>) src(%dma_wait3A_418 : memref<1002048x32xf32, #tpu.memory_space<hbm>>) dst(%arg9 : memref<512x32xf32, #tpu.memory_space<vmem>>)
    %dma_wait3A_419 = arith.constant 0 : i32
    %dma_wait3A_420 = arith.constant 0 : i32
    %dma_wait3A_421 = tpu.memref_slice %arg8[%dma_wait3A_419, %dma_wait3A_420] : memref<50x512xi32, #tpu.memory_space<vmem>> -> memref<1x512xi32, #tpu.memory_space<vmem>>
    %dma_wait3A_422 = tpu.memref_squeeze %dma_wait3A_421 : memref<1x512xi32, #tpu.memory_space<vmem>> -> memref<512xi32, #tpu.memory_space<vmem>>
    %dma_wait3A_423 = arith.constant 0 : i32
    %dma_wait3A_424 = arith.constant 0 : i32
    %dma_wait3A_425 = tpu.memref_slice %arg4[%dma_wait3A_423, %dma_wait3A_424] : memref<1002048x32xf32, #tpu.memory_space<hbm>> -> memref<1002048x32xf32, #tpu.memory_space<hbm>>
    tpu.wait_indirect_dma semaphore(%arg11 : memref<!tpu.dma_semaphore, #tpu.memory_space<semaphore_mem>>) src(%dma_wait3A_425 : memref<1002048x32xf32, #tpu.memory_space<hbm>>) dst(%arg9 : memref<512x32xf32, #tpu.memory_space<vmem>>)
    %dma_wait3A_426 = arith.constant 0 : i32
    %dma_wait3A_427 = arith.constant 0 : i32
    %dma_wait3A_428 = tpu.memref_slice %arg8[%dma_wait3A_426, %dma_wait3A_427] : memref<50x512xi32, #tpu.memory_space<vmem>> -> memref<1x512xi32, #tpu.memory_space<vmem>>
    %dma_wait3A_429 = tpu.memref_squeeze %dma_wait3A_428 : memref<1x512xi32, #tpu.memory_space<vmem>> -> memref<512xi32, #tpu.memory_space<vmem>>
    %dma_wait3A_430 = arith.constant 0 : i32
    %dma_wait3A_431 = arith.constant 0 : i32
    %dma_wait3A_432 = tpu.memref_slice %arg4[%dma_wait3A_430, %dma_wait3A_431] : memref<1002048x32xf32, #tpu.memory_space<hbm>> -> memref<1002048x32xf32, #tpu.memory_space<hbm>>
    tpu.wait_indirect_dma semaphore(%arg11 : memref<!tpu.dma_semaphore, #tpu.memory_space<semaphore_mem>>) src(%dma_wait3A_432 : memref<1002048x32xf32, #tpu.memory_space<hbm>>) dst(%arg9 : memref<512x32xf32, #tpu.memory_space<vmem>>)
    %dma_wait3A_433 = arith.constant 0 : i32
    %dma_wait3A_434 = arith.constant 0 : i32
    %dma_wait3A_435 = tpu.memref_slice %arg8[%dma_wait3A_433, %dma_wait3A_434] : memref<50x512xi32, #tpu.memory_space<vmem>> -> memref<1x512xi32, #tpu.memory_space<vmem>>
    %dma_wait3A_436 = tpu.memref_squeeze %dma_wait3A_435 : memref<1x512xi32, #tpu.memory_space<vmem>> -> memref<512xi32, #tpu.memory_space<vmem>>
    %dma_wait3A_437 = arith.constant 0 : i32
    %dma_wait3A_438 = arith.constant 0 : i32
    %dma_wait3A_439 = tpu.memref_slice %arg4[%dma_wait3A_437, %dma_wait3A_438] : memref<1002048x32xf32, #tpu.memory_space<hbm>> -> memref<1002048x32xf32, #tpu.memory_space<hbm>>
    tpu.wait_indirect_dma semaphore(%arg11 : memref<!tpu.dma_semaphore, #tpu.memory_space<semaphore_mem>>) src(%dma_wait3A_439 : memref<1002048x32xf32, #tpu.memory_space<hbm>>) dst(%arg9 : memref<512x32xf32, #tpu.memory_space<vmem>>)
    %dma_wait3A_440 = arith.constant 0 : i32
    %dma_wait3A_441 = arith.constant 0 : i32
    %dma_wait3A_442 = tpu.memref_slice %arg8[%dma_wait3A_440, %dma_wait3A_441] : memref<50x512xi32, #tpu.memory_space<vmem>> -> memref<1x512xi32, #tpu.memory_space<vmem>>
    %dma_wait3A_443 = tpu.memref_squeeze %dma_wait3A_442 : memref<1x512xi32, #tpu.memory_space<vmem>> -> memref<512xi32, #tpu.memory_space<vmem>>
    %dma_wait3A_444 = arith.constant 0 : i32
    %dma_wait3A_445 = arith.constant 0 : i32
    %dma_wait3A_446 = tpu.memref_slice %arg4[%dma_wait3A_444, %dma_wait3A_445] : memref<1002048x32xf32, #tpu.memory_space<hbm>> -> memref<1002048x32xf32, #tpu.memory_space<hbm>>
    tpu.wait_indirect_dma semaphore(%arg11 : memref<!tpu.dma_semaphore, #tpu.memory_space<semaphore_mem>>) src(%dma_wait3A_446 : memref<1002048x32xf32, #tpu.memory_space<hbm>>) dst(%arg9 : memref<512x32xf32, #tpu.memory_space<vmem>>)
    %dma_wait3A_447 = arith.constant 0 : i32
    %dma_wait3A_448 = arith.constant 0 : i32
    %dma_wait3A_449 = tpu.memref_slice %arg8[%dma_wait3A_447, %dma_wait3A_448] : memref<50x512xi32, #tpu.memory_space<vmem>> -> memref<1x512xi32, #tpu.memory_space<vmem>>
    %dma_wait3A_450 = tpu.memref_squeeze %dma_wait3A_449 : memref<1x512xi32, #tpu.memory_space<vmem>> -> memref<512xi32, #tpu.memory_space<vmem>>
    %dma_wait3A_451 = arith.constant 0 : i32
    %dma_wait3A_452 = arith.constant 0 : i32
    %dma_wait3A_453 = tpu.memref_slice %arg4[%dma_wait3A_451, %dma_wait3A_452] : memref<1002048x32xf32, #tpu.memory_space<hbm>> -> memref<1002048x32xf32, #tpu.memory_space<hbm>>
    tpu.wait_indirect_dma semaphore(%arg11 : memref<!tpu.dma_semaphore, #tpu.memory_space<semaphore_mem>>) src(%dma_wait3A_453 : memref<1002048x32xf32, #tpu.memory_space<hbm>>) dst(%arg9 : memref<512x32xf32, #tpu.memory_space<vmem>>)
    %dma_wait3A_454 = arith.constant 0 : i32
    %dma_wait3A_455 = arith.constant 0 : i32
    %dma_wait3A_456 = tpu.memref_slice %arg8[%dma_wait3A_454, %dma_wait3A_455] : memref<50x512xi32, #tpu.memory_space<vmem>> -> memref<1x512xi32, #tpu.memory_space<vmem>>
    %dma_wait3A_457 = tpu.memref_squeeze %dma_wait3A_456 : memref<1x512xi32, #tpu.memory_space<vmem>> -> memref<512xi32, #tpu.memory_space<vmem>>
    %dma_wait3A_458 = arith.constant 0 : i32
    %dma_wait3A_459 = arith.constant 0 : i32
    %dma_wait3A_460 = tpu.memref_slice %arg4[%dma_wait3A_458, %dma_wait3A_459] : memref<1002048x32xf32, #tpu.memory_space<hbm>> -> memref<1002048x32xf32, #tpu.memory_space<hbm>>
    tpu.wait_indirect_dma semaphore(%arg11 : memref<!tpu.dma_semaphore, #tpu.memory_space<semaphore_mem>>) src(%dma_wait3A_460 : memref<1002048x32xf32, #tpu.memory_space<hbm>>) dst(%arg9 : memref<512x32xf32, #tpu.memory_space<vmem>>)
    %dma_wait3A_461 = arith.constant 0 : i32
    %dma_wait3A_462 = arith.constant 0 : i32
    %dma_wait3A_463 = tpu.memref_slice %arg8[%dma_wait3A_461, %dma_wait3A_462] : memref<50x512xi32, #tpu.memory_space<vmem>> -> memref<1x512xi32, #tpu.memory_space<vmem>>
    %dma_wait3A_464 = tpu.memref_squeeze %dma_wait3A_463 : memref<1x512xi32, #tpu.memory_space<vmem>> -> memref<512xi32, #tpu.memory_space<vmem>>
    %dma_wait3A_465 = arith.constant 0 : i32
    %dma_wait3A_466 = arith.constant 0 : i32
    %dma_wait3A_467 = tpu.memref_slice %arg4[%dma_wait3A_465, %dma_wait3A_466] : memref<1002048x32xf32, #tpu.memory_space<hbm>> -> memref<1002048x32xf32, #tpu.memory_space<hbm>>
    tpu.wait_indirect_dma semaphore(%arg11 : memref<!tpu.dma_semaphore, #tpu.memory_space<semaphore_mem>>) src(%dma_wait3A_467 : memref<1002048x32xf32, #tpu.memory_space<hbm>>) dst(%arg9 : memref<512x32xf32, #tpu.memory_space<vmem>>)
    %dma_wait3A_468 = arith.constant 0 : i32
    %dma_wait3A_469 = arith.constant 0 : i32
    %dma_wait3A_470 = tpu.memref_slice %arg8[%dma_wait3A_468, %dma_wait3A_469] : memref<50x512xi32, #tpu.memory_space<vmem>> -> memref<1x512xi32, #tpu.memory_space<vmem>>
    %dma_wait3A_471 = tpu.memref_squeeze %dma_wait3A_470 : memref<1x512xi32, #tpu.memory_space<vmem>> -> memref<512xi32, #tpu.memory_space<vmem>>
    %dma_wait3A_472 = arith.constant 0 : i32
    %dma_wait3A_473 = arith.constant 0 : i32
    %dma_wait3A_474 = tpu.memref_slice %arg4[%dma_wait3A_472, %dma_wait3A_473] : memref<1002048x32xf32, #tpu.memory_space<hbm>> -> memref<1002048x32xf32, #tpu.memory_space<hbm>>
    tpu.wait_indirect_dma semaphore(%arg11 : memref<!tpu.dma_semaphore, #tpu.memory_space<semaphore_mem>>) src(%dma_wait3A_474 : memref<1002048x32xf32, #tpu.memory_space<hbm>>) dst(%arg9 : memref<512x32xf32, #tpu.memory_space<vmem>>)
    %dma_wait3A_475 = arith.constant 0 : i32
    %dma_wait3A_476 = arith.constant 0 : i32
    %dma_wait3A_477 = tpu.memref_slice %arg8[%dma_wait3A_475, %dma_wait3A_476] : memref<50x512xi32, #tpu.memory_space<vmem>> -> memref<1x512xi32, #tpu.memory_space<vmem>>
    %dma_wait3A_478 = tpu.memref_squeeze %dma_wait3A_477 : memref<1x512xi32, #tpu.memory_space<vmem>> -> memref<512xi32, #tpu.memory_space<vmem>>
    %dma_wait3A_479 = arith.constant 0 : i32
    %dma_wait3A_480 = arith.constant 0 : i32
    %dma_wait3A_481 = tpu.memref_slice %arg4[%dma_wait3A_479, %dma_wait3A_480] : memref<1002048x32xf32, #tpu.memory_space<hbm>> -> memref<1002048x32xf32, #tpu.memory_space<hbm>>
    tpu.wait_indirect_dma semaphore(%arg11 : memref<!tpu.dma_semaphore, #tpu.memory_space<semaphore_mem>>) src(%dma_wait3A_481 : memref<1002048x32xf32, #tpu.memory_space<hbm>>) dst(%arg9 : memref<512x32xf32, #tpu.memory_space<vmem>>)
    %dma_wait3A_482 = arith.constant 0 : i32
    %dma_wait3A_483 = arith.constant 0 : i32
    %dma_wait3A_484 = tpu.memref_slice %arg8[%dma_wait3A_482, %dma_wait3A_483] : memref<50x512xi32, #tpu.memory_space<vmem>> -> memref<1x512xi32, #tpu.memory_space<vmem>>
    %dma_wait3A_485 = tpu.memref_squeeze %dma_wait3A_484 : memref<1x512xi32, #tpu.memory_space<vmem>> -> memref<512xi32, #tpu.memory_space<vmem>>
    %dma_wait3A_486 = arith.constant 0 : i32
    %dma_wait3A_487 = arith.constant 0 : i32
    %dma_wait3A_488 = tpu.memref_slice %arg4[%dma_wait3A_486, %dma_wait3A_487] : memref<1002048x32xf32, #tpu.memory_space<hbm>> -> memref<1002048x32xf32, #tpu.memory_space<hbm>>
    tpu.wait_indirect_dma semaphore(%arg11 : memref<!tpu.dma_semaphore, #tpu.memory_space<semaphore_mem>>) src(%dma_wait3A_488 : memref<1002048x32xf32, #tpu.memory_space<hbm>>) dst(%arg9 : memref<512x32xf32, #tpu.memory_space<vmem>>)
    %dma_wait3A_489 = arith.constant 0 : i32
    %dma_wait3A_490 = arith.constant 0 : i32
    %dma_wait3A_491 = tpu.memref_slice %arg8[%dma_wait3A_489, %dma_wait3A_490] : memref<50x512xi32, #tpu.memory_space<vmem>> -> memref<1x512xi32, #tpu.memory_space<vmem>>
    %dma_wait3A_492 = tpu.memref_squeeze %dma_wait3A_491 : memref<1x512xi32, #tpu.memory_space<vmem>> -> memref<512xi32, #tpu.memory_space<vmem>>
    %dma_wait3A_493 = arith.constant 0 : i32
    %dma_wait3A_494 = arith.constant 0 : i32
    %dma_wait3A_495 = tpu.memref_slice %arg4[%dma_wait3A_493, %dma_wait3A_494] : memref<1002048x32xf32, #tpu.memory_space<hbm>> -> memref<1002048x32xf32, #tpu.memory_space<hbm>>
    tpu.wait_indirect_dma semaphore(%arg11 : memref<!tpu.dma_semaphore, #tpu.memory_space<semaphore_mem>>) src(%dma_wait3A_495 : memref<1002048x32xf32, #tpu.memory_space<hbm>>) dst(%arg9 : memref<512x32xf32, #tpu.memory_space<vmem>>)
    %dma_wait3A_496 = arith.constant 0 : i32
    %dma_wait3A_497 = arith.constant 0 : i32
    %dma_wait3A_498 = tpu.memref_slice %arg8[%dma_wait3A_496, %dma_wait3A_497] : memref<50x512xi32, #tpu.memory_space<vmem>> -> memref<1x512xi32, #tpu.memory_space<vmem>>
    %dma_wait3A_499 = tpu.memref_squeeze %dma_wait3A_498 : memref<1x512xi32, #tpu.memory_space<vmem>> -> memref<512xi32, #tpu.memory_space<vmem>>
    %dma_wait3A_500 = arith.constant 0 : i32
    %dma_wait3A_501 = arith.constant 0 : i32
    %dma_wait3A_502 = tpu.memref_slice %arg4[%dma_wait3A_500, %dma_wait3A_501] : memref<1002048x32xf32, #tpu.memory_space<hbm>> -> memref<1002048x32xf32, #tpu.memory_space<hbm>>
    tpu.wait_indirect_dma semaphore(%arg11 : memref<!tpu.dma_semaphore, #tpu.memory_space<semaphore_mem>>) src(%dma_wait3A_502 : memref<1002048x32xf32, #tpu.memory_space<hbm>>) dst(%arg9 : memref<512x32xf32, #tpu.memory_space<vmem>>)
    %dma_wait3A_503 = arith.constant 0 : i32
    %dma_wait3A_504 = arith.constant 0 : i32
    %dma_wait3A_505 = tpu.memref_slice %arg8[%dma_wait3A_503, %dma_wait3A_504] : memref<50x512xi32, #tpu.memory_space<vmem>> -> memref<1x512xi32, #tpu.memory_space<vmem>>
    %dma_wait3A_506 = tpu.memref_squeeze %dma_wait3A_505 : memref<1x512xi32, #tpu.memory_space<vmem>> -> memref<512xi32, #tpu.memory_space<vmem>>
    %dma_wait3A_507 = arith.constant 0 : i32
    %dma_wait3A_508 = arith.constant 0 : i32
    %dma_wait3A_509 = tpu.memref_slice %arg4[%dma_wait3A_507, %dma_wait3A_508] : memref<1002048x32xf32, #tpu.memory_space<hbm>> -> memref<1002048x32xf32, #tpu.memory_space<hbm>>
    tpu.wait_indirect_dma semaphore(%arg11 : memref<!tpu.dma_semaphore, #tpu.memory_space<semaphore_mem>>) src(%dma_wait3A_509 : memref<1002048x32xf32, #tpu.memory_space<hbm>>) dst(%arg9 : memref<512x32xf32, #tpu.memory_space<vmem>>)
    %dma_wait3A_510 = arith.constant 0 : i32
    %dma_wait3A_511 = arith.constant 0 : i32
    %dma_wait3A_512 = tpu.memref_slice %arg8[%dma_wait3A_510, %dma_wait3A_511] : memref<50x512xi32, #tpu.memory_space<vmem>> -> memref<1x512xi32, #tpu.memory_space<vmem>>
    %dma_wait3A_513 = tpu.memref_squeeze %dma_wait3A_512 : memref<1x512xi32, #tpu.memory_space<vmem>> -> memref<512xi32, #tpu.memory_space<vmem>>
    %dma_wait3A_514 = arith.constant 0 : i32
    %dma_wait3A_515 = arith.constant 0 : i32
    %dma_wait3A_516 = tpu.memref_slice %arg4[%dma_wait3A_514, %dma_wait3A_515] : memref<1002048x32xf32, #tpu.memory_space<hbm>> -> memref<1002048x32xf32, #tpu.memory_space<hbm>>
    tpu.wait_indirect_dma semaphore(%arg11 : memref<!tpu.dma_semaphore, #tpu.memory_space<semaphore_mem>>) src(%dma_wait3A_516 : memref<1002048x32xf32, #tpu.memory_space<hbm>>) dst(%arg9 : memref<512x32xf32, #tpu.memory_space<vmem>>)
    %dma_wait3A_517 = arith.constant 0 : i32
    %dma_wait3A_518 = arith.constant 0 : i32
    %dma_wait3A_519 = tpu.memref_slice %arg8[%dma_wait3A_517, %dma_wait3A_518] : memref<50x512xi32, #tpu.memory_space<vmem>> -> memref<1x512xi32, #tpu.memory_space<vmem>>
    %dma_wait3A_520 = tpu.memref_squeeze %dma_wait3A_519 : memref<1x512xi32, #tpu.memory_space<vmem>> -> memref<512xi32, #tpu.memory_space<vmem>>
    %dma_wait3A_521 = arith.constant 0 : i32
    %dma_wait3A_522 = arith.constant 0 : i32
    %dma_wait3A_523 = tpu.memref_slice %arg4[%dma_wait3A_521, %dma_wait3A_522] : memref<1002048x32xf32, #tpu.memory_space<hbm>> -> memref<1002048x32xf32, #tpu.memory_space<hbm>>
    tpu.wait_indirect_dma semaphore(%arg11 : memref<!tpu.dma_semaphore, #tpu.memory_space<semaphore_mem>>) src(%dma_wait3A_523 : memref<1002048x32xf32, #tpu.memory_space<hbm>>) dst(%arg9 : memref<512x32xf32, #tpu.memory_space<vmem>>)
    %dma_wait3A_524 = arith.constant 0 : i32
    %dma_wait3A_525 = arith.constant 0 : i32
    %dma_wait3A_526 = tpu.memref_slice %arg8[%dma_wait3A_524, %dma_wait3A_525] : memref<50x512xi32, #tpu.memory_space<vmem>> -> memref<1x512xi32, #tpu.memory_space<vmem>>
    %dma_wait3A_527 = tpu.memref_squeeze %dma_wait3A_526 : memref<1x512xi32, #tpu.memory_space<vmem>> -> memref<512xi32, #tpu.memory_space<vmem>>
    %dma_wait3A_528 = arith.constant 0 : i32
    %dma_wait3A_529 = arith.constant 0 : i32
    %dma_wait3A_530 = tpu.memref_slice %arg4[%dma_wait3A_528, %dma_wait3A_529] : memref<1002048x32xf32, #tpu.memory_space<hbm>> -> memref<1002048x32xf32, #tpu.memory_space<hbm>>
    tpu.wait_indirect_dma semaphore(%arg11 : memref<!tpu.dma_semaphore, #tpu.memory_space<semaphore_mem>>) src(%dma_wait3A_530 : memref<1002048x32xf32, #tpu.memory_space<hbm>>) dst(%arg9 : memref<512x32xf32, #tpu.memory_space<vmem>>)
    %dma_wait3A_531 = arith.constant 0 : i32
    %dma_wait3A_532 = arith.constant 0 : i32
    %dma_wait3A_533 = tpu.memref_slice %arg8[%dma_wait3A_531, %dma_wait3A_532] : memref<50x512xi32, #tpu.memory_space<vmem>> -> memref<1x512xi32, #tpu.memory_space<vmem>>
    %dma_wait3A_534 = tpu.memref_squeeze %dma_wait3A_533 : memref<1x512xi32, #tpu.memory_space<vmem>> -> memref<512xi32, #tpu.memory_space<vmem>>
    %dma_wait3A_535 = arith.constant 0 : i32
    %dma_wait3A_536 = arith.constant 0 : i32
    %dma_wait3A_537 = tpu.memref_slice %arg4[%dma_wait3A_535, %dma_wait3A_536] : memref<1002048x32xf32, #tpu.memory_space<hbm>> -> memref<1002048x32xf32, #tpu.memory_space<hbm>>
    tpu.wait_indirect_dma semaphore(%arg11 : memref<!tpu.dma_semaphore, #tpu.memory_space<semaphore_mem>>) src(%dma_wait3A_537 : memref<1002048x32xf32, #tpu.memory_space<hbm>>) dst(%arg9 : memref<512x32xf32, #tpu.memory_space<vmem>>)
    %dma_wait3A_538 = arith.constant 0 : i32
    %dma_wait3A_539 = arith.constant 0 : i32
    %dma_wait3A_540 = tpu.memref_slice %arg8[%dma_wait3A_538, %dma_wait3A_539] : memref<50x512xi32, #tpu.memory_space<vmem>> -> memref<1x512xi32, #tpu.memory_space<vmem>>
    %dma_wait3A_541 = tpu.memref_squeeze %dma_wait3A_540 : memref<1x512xi32, #tpu.memory_space<vmem>> -> memref<512xi32, #tpu.memory_space<vmem>>
    %dma_wait3A_542 = arith.constant 0 : i32
    %dma_wait3A_543 = arith.constant 0 : i32
    %dma_wait3A_544 = tpu.memref_slice %arg4[%dma_wait3A_542, %dma_wait3A_543] : memref<1002048x32xf32, #tpu.memory_space<hbm>> -> memref<1002048x32xf32, #tpu.memory_space<hbm>>
    tpu.wait_indirect_dma semaphore(%arg11 : memref<!tpu.dma_semaphore, #tpu.memory_space<semaphore_mem>>) src(%dma_wait3A_544 : memref<1002048x32xf32, #tpu.memory_space<hbm>>) dst(%arg9 : memref<512x32xf32, #tpu.memory_space<vmem>>)
    %dma_wait3A_545 = arith.constant 0 : i32
    %dma_wait3A_546 = arith.constant 0 : i32
    %dma_wait3A_547 = tpu.memref_slice %arg8[%dma_wait3A_545, %dma_wait3A_546] : memref<50x512xi32, #tpu.memory_space<vmem>> -> memref<1x512xi32, #tpu.memory_space<vmem>>
    %dma_wait3A_548 = tpu.memref_squeeze %dma_wait3A_547 : memref<1x512xi32, #tpu.memory_space<vmem>> -> memref<512xi32, #tpu.memory_space<vmem>>
    %dma_wait3A_549 = arith.constant 0 : i32
    %dma_wait3A_550 = arith.constant 0 : i32
    %dma_wait3A_551 = tpu.memref_slice %arg4[%dma_wait3A_549, %dma_wait3A_550] : memref<1002048x32xf32, #tpu.memory_space<hbm>> -> memref<1002048x32xf32, #tpu.memory_space<hbm>>
    tpu.wait_indirect_dma semaphore(%arg11 : memref<!tpu.dma_semaphore, #tpu.memory_space<semaphore_mem>>) src(%dma_wait3A_551 : memref<1002048x32xf32, #tpu.memory_space<hbm>>) dst(%arg9 : memref<512x32xf32, #tpu.memory_space<vmem>>)
    %dma_wait3A_552 = arith.constant 0 : i32
    %dma_wait3A_553 = arith.constant 0 : i32
    %dma_wait3A_554 = tpu.memref_slice %arg8[%dma_wait3A_552, %dma_wait3A_553] : memref<50x512xi32, #tpu.memory_space<vmem>> -> memref<1x512xi32, #tpu.memory_space<vmem>>
    %dma_wait3A_555 = tpu.memref_squeeze %dma_wait3A_554 : memref<1x512xi32, #tpu.memory_space<vmem>> -> memref<512xi32, #tpu.memory_space<vmem>>
    %dma_wait3A_556 = arith.constant 0 : i32
    %dma_wait3A_557 = arith.constant 0 : i32
    %dma_wait3A_558 = tpu.memref_slice %arg4[%dma_wait3A_556, %dma_wait3A_557] : memref<1002048x32xf32, #tpu.memory_space<hbm>> -> memref<1002048x32xf32, #tpu.memory_space<hbm>>
    tpu.wait_indirect_dma semaphore(%arg11 : memref<!tpu.dma_semaphore, #tpu.memory_space<semaphore_mem>>) src(%dma_wait3A_558 : memref<1002048x32xf32, #tpu.memory_space<hbm>>) dst(%arg9 : memref<512x32xf32, #tpu.memory_space<vmem>>)
    %dma_wait3A_559 = arith.constant 0 : i32
    %dma_wait3A_560 = arith.constant 0 : i32
    %dma_wait3A_561 = tpu.memref_slice %arg8[%dma_wait3A_559, %dma_wait3A_560] : memref<50x512xi32, #tpu.memory_space<vmem>> -> memref<1x512xi32, #tpu.memory_space<vmem>>
    %dma_wait3A_562 = tpu.memref_squeeze %dma_wait3A_561 : memref<1x512xi32, #tpu.memory_space<vmem>> -> memref<512xi32, #tpu.memory_space<vmem>>
    %dma_wait3A_563 = arith.constant 0 : i32
    %dma_wait3A_564 = arith.constant 0 : i32
    %dma_wait3A_565 = tpu.memref_slice %arg4[%dma_wait3A_563, %dma_wait3A_564] : memref<1002048x32xf32, #tpu.memory_space<hbm>> -> memref<1002048x32xf32, #tpu.memory_space<hbm>>
    tpu.wait_indirect_dma semaphore(%arg11 : memref<!tpu.dma_semaphore, #tpu.memory_space<semaphore_mem>>) src(%dma_wait3A_565 : memref<1002048x32xf32, #tpu.memory_space<hbm>>) dst(%arg9 : memref<512x32xf32, #tpu.memory_space<vmem>>)
    %dma_wait3A_566 = arith.constant 0 : i32
    %dma_wait3A_567 = arith.constant 0 : i32
    %dma_wait3A_568 = tpu.memref_slice %arg8[%dma_wait3A_566, %dma_wait3A_567] : memref<50x512xi32, #tpu.memory_space<vmem>> -> memref<1x512xi32, #tpu.memory_space<vmem>>
    %dma_wait3A_569 = tpu.memref_squeeze %dma_wait3A_568 : memref<1x512xi32, #tpu.memory_space<vmem>> -> memref<512xi32, #tpu.memory_space<vmem>>
    %dma_wait3A_570 = arith.constant 0 : i32
    %dma_wait3A_571 = arith.constant 0 : i32
    %dma_wait3A_572 = tpu.memref_slice %arg4[%dma_wait3A_570, %dma_wait3A_571] : memref<1002048x32xf32, #tpu.memory_space<hbm>> -> memref<1002048x32xf32, #tpu.memory_space<hbm>>
    tpu.wait_indirect_dma semaphore(%arg11 : memref<!tpu.dma_semaphore, #tpu.memory_space<semaphore_mem>>) src(%dma_wait3A_572 : memref<1002048x32xf32, #tpu.memory_space<hbm>>) dst(%arg9 : memref<512x32xf32, #tpu.memory_space<vmem>>)
    %dma_wait3A_573 = arith.constant 0 : i32
    %dma_wait3A_574 = arith.constant 0 : i32
    %dma_wait3A_575 = tpu.memref_slice %arg8[%dma_wait3A_573, %dma_wait3A_574] : memref<50x512xi32, #tpu.memory_space<vmem>> -> memref<1x512xi32, #tpu.memory_space<vmem>>
    %dma_wait3A_576 = tpu.memref_squeeze %dma_wait3A_575 : memref<1x512xi32, #tpu.memory_space<vmem>> -> memref<512xi32, #tpu.memory_space<vmem>>
    %dma_wait3A_577 = arith.constant 0 : i32
    %dma_wait3A_578 = arith.constant 0 : i32
    %dma_wait3A_579 = tpu.memref_slice %arg4[%dma_wait3A_577, %dma_wait3A_578] : memref<1002048x32xf32, #tpu.memory_space<hbm>> -> memref<1002048x32xf32, #tpu.memory_space<hbm>>
    tpu.wait_indirect_dma semaphore(%arg11 : memref<!tpu.dma_semaphore, #tpu.memory_space<semaphore_mem>>) src(%dma_wait3A_579 : memref<1002048x32xf32, #tpu.memory_space<hbm>>) dst(%arg9 : memref<512x32xf32, #tpu.memory_space<vmem>>)
    %dma_wait3A_580 = arith.constant 0 : i32
    %dma_wait3A_581 = arith.constant 0 : i32
    %dma_wait3A_582 = tpu.memref_slice %arg8[%dma_wait3A_580, %dma_wait3A_581] : memref<50x512xi32, #tpu.memory_space<vmem>> -> memref<1x512xi32, #tpu.memory_space<vmem>>
    %dma_wait3A_583 = tpu.memref_squeeze %dma_wait3A_582 : memref<1x512xi32, #tpu.memory_space<vmem>> -> memref<512xi32, #tpu.memory_space<vmem>>
    %dma_wait3A_584 = arith.constant 0 : i32
    %dma_wait3A_585 = arith.constant 0 : i32
    %dma_wait3A_586 = tpu.memref_slice %arg4[%dma_wait3A_584, %dma_wait3A_585] : memref<1002048x32xf32, #tpu.memory_space<hbm>> -> memref<1002048x32xf32, #tpu.memory_space<hbm>>
    tpu.wait_indirect_dma semaphore(%arg11 : memref<!tpu.dma_semaphore, #tpu.memory_space<semaphore_mem>>) src(%dma_wait3A_586 : memref<1002048x32xf32, #tpu.memory_space<hbm>>) dst(%arg9 : memref<512x32xf32, #tpu.memory_space<vmem>>)
    %dma_wait3A_587 = arith.constant 0 : i32
    %dma_wait3A_588 = arith.constant 0 : i32
    %dma_wait3A_589 = tpu.memref_slice %arg8[%dma_wait3A_587, %dma_wait3A_588] : memref<50x512xi32, #tpu.memory_space<vmem>> -> memref<1x512xi32, #tpu.memory_space<vmem>>
    %dma_wait3A_590 = tpu.memref_squeeze %dma_wait3A_589 : memref<1x512xi32, #tpu.memory_space<vmem>> -> memref<512xi32, #tpu.memory_space<vmem>>
    %dma_wait3A_591 = arith.constant 0 : i32
    %dma_wait3A_592 = arith.constant 0 : i32
    %dma_wait3A_593 = tpu.memref_slice %arg4[%dma_wait3A_591, %dma_wait3A_592] : memref<1002048x32xf32, #tpu.memory_space<hbm>> -> memref<1002048x32xf32, #tpu.memory_space<hbm>>
    tpu.wait_indirect_dma semaphore(%arg11 : memref<!tpu.dma_semaphore, #tpu.memory_space<semaphore_mem>>) src(%dma_wait3A_593 : memref<1002048x32xf32, #tpu.memory_space<hbm>>) dst(%arg9 : memref<512x32xf32, #tpu.memory_space<vmem>>)
    %dma_wait3A_594 = arith.constant 0 : i32
    %dma_wait3A_595 = arith.constant 0 : i32
    %dma_wait3A_596 = tpu.memref_slice %arg8[%dma_wait3A_594, %dma_wait3A_595] : memref<50x512xi32, #tpu.memory_space<vmem>> -> memref<1x512xi32, #tpu.memory_space<vmem>>
    %dma_wait3A_597 = tpu.memref_squeeze %dma_wait3A_596 : memref<1x512xi32, #tpu.memory_space<vmem>> -> memref<512xi32, #tpu.memory_space<vmem>>
    %dma_wait3A_598 = arith.constant 0 : i32
    %dma_wait3A_599 = arith.constant 0 : i32
    %dma_wait3A_600 = tpu.memref_slice %arg4[%dma_wait3A_598, %dma_wait3A_599] : memref<1002048x32xf32, #tpu.memory_space<hbm>> -> memref<1002048x32xf32, #tpu.memory_space<hbm>>
    tpu.wait_indirect_dma semaphore(%arg11 : memref<!tpu.dma_semaphore, #tpu.memory_space<semaphore_mem>>) src(%dma_wait3A_600 : memref<1002048x32xf32, #tpu.memory_space<hbm>>) dst(%arg9 : memref<512x32xf32, #tpu.memory_space<vmem>>)
    %dma_wait3A_601 = arith.constant 0 : i32
    %dma_wait3A_602 = arith.constant 0 : i32
    %dma_wait3A_603 = tpu.memref_slice %arg8[%dma_wait3A_601, %dma_wait3A_602] : memref<50x512xi32, #tpu.memory_space<vmem>> -> memref<1x512xi32, #tpu.memory_space<vmem>>
    %dma_wait3A_604 = tpu.memref_squeeze %dma_wait3A_603 : memref<1x512xi32, #tpu.memory_space<vmem>> -> memref<512xi32, #tpu.memory_space<vmem>>
    %dma_wait3A_605 = arith.constant 0 : i32
    %dma_wait3A_606 = arith.constant 0 : i32
    %dma_wait3A_607 = tpu.memref_slice %arg4[%dma_wait3A_605, %dma_wait3A_606] : memref<1002048x32xf32, #tpu.memory_space<hbm>> -> memref<1002048x32xf32, #tpu.memory_space<hbm>>
    tpu.wait_indirect_dma semaphore(%arg11 : memref<!tpu.dma_semaphore, #tpu.memory_space<semaphore_mem>>) src(%dma_wait3A_607 : memref<1002048x32xf32, #tpu.memory_space<hbm>>) dst(%arg9 : memref<512x32xf32, #tpu.memory_space<vmem>>)
    %dma_wait3A_608 = arith.constant 0 : i32
    %dma_wait3A_609 = arith.constant 0 : i32
    %dma_wait3A_610 = tpu.memref_slice %arg8[%dma_wait3A_608, %dma_wait3A_609] : memref<50x512xi32, #tpu.memory_space<vmem>> -> memref<1x512xi32, #tpu.memory_space<vmem>>
    %dma_wait3A_611 = tpu.memref_squeeze %dma_wait3A_610 : memref<1x512xi32, #tpu.memory_space<vmem>> -> memref<512xi32, #tpu.memory_space<vmem>>
    %dma_wait3A_612 = arith.constant 0 : i32
    %dma_wait3A_613 = arith.constant 0 : i32
    %dma_wait3A_614 = tpu.memref_slice %arg4[%dma_wait3A_612, %dma_wait3A_613] : memref<1002048x32xf32, #tpu.memory_space<hbm>> -> memref<1002048x32xf32, #tpu.memory_space<hbm>>
    tpu.wait_indirect_dma semaphore(%arg11 : memref<!tpu.dma_semaphore, #tpu.memory_space<semaphore_mem>>) src(%dma_wait3A_614 : memref<1002048x32xf32, #tpu.memory_space<hbm>>) dst(%arg9 : memref<512x32xf32, #tpu.memory_space<vmem>>)
    %dma_wait3A_615 = arith.constant 0 : i32
    %dma_wait3A_616 = arith.constant 0 : i32
    %dma_wait3A_617 = tpu.memref_slice %arg8[%dma_wait3A_615, %dma_wait3A_616] : memref<50x512xi32, #tpu.memory_space<vmem>> -> memref<1x512xi32, #tpu.memory_space<vmem>>
    %dma_wait3A_618 = tpu.memref_squeeze %dma_wait3A_617 : memref<1x512xi32, #tpu.memory_space<vmem>> -> memref<512xi32, #tpu.memory_space<vmem>>
    %dma_wait3A_619 = arith.constant 0 : i32
    %dma_wait3A_620 = arith.constant 0 : i32
    %dma_wait3A_621 = tpu.memref_slice %arg4[%dma_wait3A_619, %dma_wait3A_620] : memref<1002048x32xf32, #tpu.memory_space<hbm>> -> memref<1002048x32xf32, #tpu.memory_space<hbm>>
    tpu.wait_indirect_dma semaphore(%arg11 : memref<!tpu.dma_semaphore, #tpu.memory_space<semaphore_mem>>) src(%dma_wait3A_621 : memref<1002048x32xf32, #tpu.memory_space<hbm>>) dst(%arg9 : memref<512x32xf32, #tpu.memory_space<vmem>>)
    %dma_wait3A_622 = arith.constant 0 : i32
    %dma_wait3A_623 = arith.constant 0 : i32
    %dma_wait3A_624 = tpu.memref_slice %arg8[%dma_wait3A_622, %dma_wait3A_623] : memref<50x512xi32, #tpu.memory_space<vmem>> -> memref<1x512xi32, #tpu.memory_space<vmem>>
    %dma_wait3A_625 = tpu.memref_squeeze %dma_wait3A_624 : memref<1x512xi32, #tpu.memory_space<vmem>> -> memref<512xi32, #tpu.memory_space<vmem>>
    %dma_wait3A_626 = arith.constant 0 : i32
    %dma_wait3A_627 = arith.constant 0 : i32
    %dma_wait3A_628 = tpu.memref_slice %arg4[%dma_wait3A_626, %dma_wait3A_627] : memref<1002048x32xf32, #tpu.memory_space<hbm>> -> memref<1002048x32xf32, #tpu.memory_space<hbm>>
    tpu.wait_indirect_dma semaphore(%arg11 : memref<!tpu.dma_semaphore, #tpu.memory_space<semaphore_mem>>) src(%dma_wait3A_628 : memref<1002048x32xf32, #tpu.memory_space<hbm>>) dst(%arg9 : memref<512x32xf32, #tpu.memory_space<vmem>>)
    %dma_wait3A_629 = arith.constant 0 : i32
    %dma_wait3A_630 = arith.constant 0 : i32
    %dma_wait3A_631 = tpu.memref_slice %arg8[%dma_wait3A_629, %dma_wait3A_630] : memref<50x512xi32, #tpu.memory_space<vmem>> -> memref<1x512xi32, #tpu.memory_space<vmem>>
    %dma_wait3A_632 = tpu.memref_squeeze %dma_wait3A_631 : memref<1x512xi32, #tpu.memory_space<vmem>> -> memref<512xi32, #tpu.memory_space<vmem>>
    %dma_wait3A_633 = arith.constant 0 : i32
    %dma_wait3A_634 = arith.constant 0 : i32
    %dma_wait3A_635 = tpu.memref_slice %arg4[%dma_wait3A_633, %dma_wait3A_634] : memref<1002048x32xf32, #tpu.memory_space<hbm>> -> memref<1002048x32xf32, #tpu.memory_space<hbm>>
    tpu.wait_indirect_dma semaphore(%arg11 : memref<!tpu.dma_semaphore, #tpu.memory_space<semaphore_mem>>) src(%dma_wait3A_635 : memref<1002048x32xf32, #tpu.memory_space<hbm>>) dst(%arg9 : memref<512x32xf32, #tpu.memory_space<vmem>>)
    %dma_wait3A_636 = arith.constant 0 : i32
    %dma_wait3A_637 = arith.constant 0 : i32
    %dma_wait3A_638 = tpu.memref_slice %arg8[%dma_wait3A_636, %dma_wait3A_637] : memref<50x512xi32, #tpu.memory_space<vmem>> -> memref<1x512xi32, #tpu.memory_space<vmem>>
    %dma_wait3A_639 = tpu.memref_squeeze %dma_wait3A_638 : memref<1x512xi32, #tpu.memory_space<vmem>> -> memref<512xi32, #tpu.memory_space<vmem>>
    %dma_wait3A_640 = arith.constant 0 : i32
    %dma_wait3A_641 = arith.constant 0 : i32
    %dma_wait3A_642 = tpu.memref_slice %arg4[%dma_wait3A_640, %dma_wait3A_641] : memref<1002048x32xf32, #tpu.memory_space<hbm>> -> memref<1002048x32xf32, #tpu.memory_space<hbm>>
    tpu.wait_indirect_dma semaphore(%arg11 : memref<!tpu.dma_semaphore, #tpu.memory_space<semaphore_mem>>) src(%dma_wait3A_642 : memref<1002048x32xf32, #tpu.memory_space<hbm>>) dst(%arg9 : memref<512x32xf32, #tpu.memory_space<vmem>>)
    %dma_wait3A_643 = arith.constant 0 : i32
    %dma_wait3A_644 = arith.constant 0 : i32
    %dma_wait3A_645 = tpu.memref_slice %arg8[%dma_wait3A_643, %dma_wait3A_644] : memref<50x512xi32, #tpu.memory_space<vmem>> -> memref<1x512xi32, #tpu.memory_space<vmem>>
    %dma_wait3A_646 = tpu.memref_squeeze %dma_wait3A_645 : memref<1x512xi32, #tpu.memory_space<vmem>> -> memref<512xi32, #tpu.memory_space<vmem>>
    %dma_wait3A_647 = arith.constant 0 : i32
    %dma_wait3A_648 = arith.constant 0 : i32
    %dma_wait3A_649 = tpu.memref_slice %arg4[%dma_wait3A_647, %dma_wait3A_648] : memref<1002048x32xf32, #tpu.memory_space<hbm>> -> memref<1002048x32xf32, #tpu.memory_space<hbm>>
    tpu.wait_indirect_dma semaphore(%arg11 : memref<!tpu.dma_semaphore, #tpu.memory_space<semaphore_mem>>) src(%dma_wait3A_649 : memref<1002048x32xf32, #tpu.memory_space<hbm>>) dst(%arg9 : memref<512x32xf32, #tpu.memory_space<vmem>>)
    %dma_wait3A_650 = arith.constant 0 : i32
    %dma_wait3A_651 = arith.constant 0 : i32
    %dma_wait3A_652 = tpu.memref_slice %arg8[%dma_wait3A_650, %dma_wait3A_651] : memref<50x512xi32, #tpu.memory_space<vmem>> -> memref<1x512xi32, #tpu.memory_space<vmem>>
    %dma_wait3A_653 = tpu.memref_squeeze %dma_wait3A_652 : memref<1x512xi32, #tpu.memory_space<vmem>> -> memref<512xi32, #tpu.memory_space<vmem>>
    %dma_wait3A_654 = arith.constant 0 : i32
    %dma_wait3A_655 = arith.constant 0 : i32
    %dma_wait3A_656 = tpu.memref_slice %arg4[%dma_wait3A_654, %dma_wait3A_655] : memref<1002048x32xf32, #tpu.memory_space<hbm>> -> memref<1002048x32xf32, #tpu.memory_space<hbm>>
    tpu.wait_indirect_dma semaphore(%arg11 : memref<!tpu.dma_semaphore, #tpu.memory_space<semaphore_mem>>) src(%dma_wait3A_656 : memref<1002048x32xf32, #tpu.memory_space<hbm>>) dst(%arg9 : memref<512x32xf32, #tpu.memory_space<vmem>>)
    %dma_wait3A_657 = arith.constant 0 : i32
    %dma_wait3A_658 = arith.constant 0 : i32
    %dma_wait3A_659 = tpu.memref_slice %arg8[%dma_wait3A_657, %dma_wait3A_658] : memref<50x512xi32, #tpu.memory_space<vmem>> -> memref<1x512xi32, #tpu.memory_space<vmem>>
    %dma_wait3A_660 = tpu.memref_squeeze %dma_wait3A_659 : memref<1x512xi32, #tpu.memory_space<vmem>> -> memref<512xi32, #tpu.memory_space<vmem>>
    %dma_wait3A_661 = arith.constant 0 : i32
    %dma_wait3A_662 = arith.constant 0 : i32
    %dma_wait3A_663 = tpu.memref_slice %arg4[%dma_wait3A_661, %dma_wait3A_662] : memref<1002048x32xf32, #tpu.memory_space<hbm>> -> memref<1002048x32xf32, #tpu.memory_space<hbm>>
    tpu.wait_indirect_dma semaphore(%arg11 : memref<!tpu.dma_semaphore, #tpu.memory_space<semaphore_mem>>) src(%dma_wait3A_663 : memref<1002048x32xf32, #tpu.memory_space<hbm>>) dst(%arg9 : memref<512x32xf32, #tpu.memory_space<vmem>>)
    %dma_wait3A_664 = arith.constant 0 : i32
    %dma_wait3A_665 = arith.constant 0 : i32
    %dma_wait3A_666 = tpu.memref_slice %arg8[%dma_wait3A_664, %dma_wait3A_665] : memref<50x512xi32, #tpu.memory_space<vmem>> -> memref<1x512xi32, #tpu.memory_space<vmem>>
    %dma_wait3A_667 = tpu.memref_squeeze %dma_wait3A_666 : memref<1x512xi32, #tpu.memory_space<vmem>> -> memref<512xi32, #tpu.memory_space<vmem>>
    %dma_wait3A_668 = arith.constant 0 : i32
    %dma_wait3A_669 = arith.constant 0 : i32
    %dma_wait3A_670 = tpu.memref_slice %arg4[%dma_wait3A_668, %dma_wait3A_669] : memref<1002048x32xf32, #tpu.memory_space<hbm>> -> memref<1002048x32xf32, #tpu.memory_space<hbm>>
    tpu.wait_indirect_dma semaphore(%arg11 : memref<!tpu.dma_semaphore, #tpu.memory_space<semaphore_mem>>) src(%dma_wait3A_670 : memref<1002048x32xf32, #tpu.memory_space<hbm>>) dst(%arg9 : memref<512x32xf32, #tpu.memory_space<vmem>>)
    %dma_wait3A_671 = arith.constant 0 : i32
    %dma_wait3A_672 = arith.constant 0 : i32
    %dma_wait3A_673 = tpu.memref_slice %arg8[%dma_wait3A_671, %dma_wait3A_672] : memref<50x512xi32, #tpu.memory_space<vmem>> -> memref<1x512xi32, #tpu.memory_space<vmem>>
    %dma_wait3A_674 = tpu.memref_squeeze %dma_wait3A_673 : memref<1x512xi32, #tpu.memory_space<vmem>> -> memref<512xi32, #tpu.memory_space<vmem>>
    %dma_wait3A_675 = arith.constant 0 : i32
    %dma_wait3A_676 = arith.constant 0 : i32
    %dma_wait3A_677 = tpu.memref_slice %arg4[%dma_wait3A_675, %dma_wait3A_676] : memref<1002048x32xf32, #tpu.memory_space<hbm>> -> memref<1002048x32xf32, #tpu.memory_space<hbm>>
    tpu.wait_indirect_dma semaphore(%arg11 : memref<!tpu.dma_semaphore, #tpu.memory_space<semaphore_mem>>) src(%dma_wait3A_677 : memref<1002048x32xf32, #tpu.memory_space<hbm>>) dst(%arg9 : memref<512x32xf32, #tpu.memory_space<vmem>>)
    %dma_wait3A_678 = arith.constant 0 : i32
    %dma_wait3A_679 = arith.constant 0 : i32
    %dma_wait3A_680 = tpu.memref_slice %arg8[%dma_wait3A_678, %dma_wait3A_679] : memref<50x512xi32, #tpu.memory_space<vmem>> -> memref<1x512xi32, #tpu.memory_space<vmem>>
    %dma_wait3A_681 = tpu.memref_squeeze %dma_wait3A_680 : memref<1x512xi32, #tpu.memory_space<vmem>> -> memref<512xi32, #tpu.memory_space<vmem>>
    %dma_wait3A_682 = arith.constant 0 : i32
    %dma_wait3A_683 = arith.constant 0 : i32
    %dma_wait3A_684 = tpu.memref_slice %arg4[%dma_wait3A_682, %dma_wait3A_683] : memref<1002048x32xf32, #tpu.memory_space<hbm>> -> memref<1002048x32xf32, #tpu.memory_space<hbm>>
    tpu.wait_indirect_dma semaphore(%arg11 : memref<!tpu.dma_semaphore, #tpu.memory_space<semaphore_mem>>) src(%dma_wait3A_684 : memref<1002048x32xf32, #tpu.memory_space<hbm>>) dst(%arg9 : memref<512x32xf32, #tpu.memory_space<vmem>>)
    %dma_wait3A_685 = arith.constant 0 : i32
    %dma_wait3A_686 = arith.constant 0 : i32
    %dma_wait3A_687 = tpu.memref_slice %arg8[%dma_wait3A_685, %dma_wait3A_686] : memref<50x512xi32, #tpu.memory_space<vmem>> -> memref<1x512xi32, #tpu.memory_space<vmem>>
    %dma_wait3A_688 = tpu.memref_squeeze %dma_wait3A_687 : memref<1x512xi32, #tpu.memory_space<vmem>> -> memref<512xi32, #tpu.memory_space<vmem>>
    %dma_wait3A_689 = arith.constant 0 : i32
    %dma_wait3A_690 = arith.constant 0 : i32
    %dma_wait3A_691 = tpu.memref_slice %arg4[%dma_wait3A_689, %dma_wait3A_690] : memref<1002048x32xf32, #tpu.memory_space<hbm>> -> memref<1002048x32xf32, #tpu.memory_space<hbm>>
    tpu.wait_indirect_dma semaphore(%arg11 : memref<!tpu.dma_semaphore, #tpu.memory_space<semaphore_mem>>) src(%dma_wait3A_691 : memref<1002048x32xf32, #tpu.memory_space<hbm>>) dst(%arg9 : memref<512x32xf32, #tpu.memory_space<vmem>>)
    %dma_wait3A_692 = arith.constant 0 : i32
    %dma_wait3A_693 = arith.constant 0 : i32
    %dma_wait3A_694 = tpu.memref_slice %arg8[%dma_wait3A_692, %dma_wait3A_693] : memref<50x512xi32, #tpu.memory_space<vmem>> -> memref<1x512xi32, #tpu.memory_space<vmem>>
    %dma_wait3A_695 = tpu.memref_squeeze %dma_wait3A_694 : memref<1x512xi32, #tpu.memory_space<vmem>> -> memref<512xi32, #tpu.memory_space<vmem>>
    %dma_wait3A_696 = arith.constant 0 : i32
    %dma_wait3A_697 = arith.constant 0 : i32
    %dma_wait3A_698 = tpu.memref_slice %arg4[%dma_wait3A_696, %dma_wait3A_697] : memref<1002048x32xf32, #tpu.memory_space<hbm>> -> memref<1002048x32xf32, #tpu.memory_space<hbm>>
    tpu.wait_indirect_dma semaphore(%arg11 : memref<!tpu.dma_semaphore, #tpu.memory_space<semaphore_mem>>) src(%dma_wait3A_698 : memref<1002048x32xf32, #tpu.memory_space<hbm>>) dst(%arg9 : memref<512x32xf32, #tpu.memory_space<vmem>>)
    %dma_wait3A_699 = arith.constant 0 : i32
    %dma_wait3A_700 = arith.constant 0 : i32
    %dma_wait3A_701 = tpu.memref_slice %arg8[%dma_wait3A_699, %dma_wait3A_700] : memref<50x512xi32, #tpu.memory_space<vmem>> -> memref<1x512xi32, #tpu.memory_space<vmem>>
    %dma_wait3A_702 = tpu.memref_squeeze %dma_wait3A_701 : memref<1x512xi32, #tpu.memory_space<vmem>> -> memref<512xi32, #tpu.memory_space<vmem>>
    %dma_wait3A_703 = arith.constant 0 : i32
    %dma_wait3A_704 = arith.constant 0 : i32
    %dma_wait3A_705 = tpu.memref_slice %arg4[%dma_wait3A_703, %dma_wait3A_704] : memref<1002048x32xf32, #tpu.memory_space<hbm>> -> memref<1002048x32xf32, #tpu.memory_space<hbm>>
    tpu.wait_indirect_dma semaphore(%arg11 : memref<!tpu.dma_semaphore, #tpu.memory_space<semaphore_mem>>) src(%dma_wait3A_705 : memref<1002048x32xf32, #tpu.memory_space<hbm>>) dst(%arg9 : memref<512x32xf32, #tpu.memory_space<vmem>>)
    "tpu.region"() ({
      %run_scoped3A = tpu.sem_alloc : memref<!tpu.dma_semaphore, #tpu.memory_space<semaphore_mem>>
      %dma_start3A_706 = arith.constant 0 : i32
      %dma_start3A_707 = tpu.memref_slice %arg5[%mul3A_2, %dma_start3A_706] : memref<16384x32xf32, #tpu.memory_space<hbm>> -> memref<512x32xf32, #tpu.memory_space<hbm>>
      %dma_start3A_708 = arith.constant 0 : i32
      %dma_start3A_709 = tpu.memref_slice %arg5[%mul3A_2, %dma_start3A_708] : memref<16384x32xf32, #tpu.memory_space<hbm>> -> memref<512x32xf32, #tpu.memory_space<hbm>>
      tpu.enqueue_dma source(%arg9 : memref<512x32xf32, #tpu.memory_space<vmem>>) target(%dma_start3A_709 : memref<512x32xf32, #tpu.memory_space<hbm>>) target_semaphore(%run_scoped3A : memref<!tpu.dma_semaphore, #tpu.memory_space<semaphore_mem>>)
      %dma_wait3A_710 = arith.constant 0 : i32
      %dma_wait3A_711 = tpu.memref_slice %arg5[%mul3A_2, %dma_wait3A_710] : memref<16384x32xf32, #tpu.memory_space<hbm>> -> memref<512x32xf32, #tpu.memory_space<hbm>>
      %dma_wait3A_712 = arith.constant 0 : i32
      %dma_wait3A_713 = tpu.memref_slice %arg5[%mul3A_2, %dma_wait3A_712] : memref<16384x32xf32, #tpu.memory_space<hbm>> -> memref<512x32xf32, #tpu.memory_space<hbm>>
      tpu.wait_dma2 semaphore(%run_scoped3A : memref<!tpu.dma_semaphore, #tpu.memory_space<semaphore_mem>>) src(%arg9 : memref<512x32xf32, #tpu.memory_space<vmem>>) dst(%dma_wait3A_713 : memref<512x32xf32, #tpu.memory_space<hbm>>)
      tpu.yield
    }) : () -> ()
    return
  }
}

</mosaic_0001>

<sc_bundles>
// kernel: kernel.4.cloned.1.call-start
scs
__scs_entry_jumppad:
0x0: {  	(pc) =	sbr.rel $0x88, $3  }
0x1: {  	(tag) =	ssettag $0x0;
	lr =	simm.s32 $0x1  }
0x2: {  	[smem:$0x3F9E] =	sst lr;
	_ =	strace $0xD0000000  }
0x3: {  	_ = 	snop  }
0x4: {  	_ = 	snop  }
0x5: {  	_ = 	snop  }
0x6: {  	_ = 	snop  }
0x7: {  	_ = 	snop  }
__scs_overlays_trampoline_lowered:
0x8: {  	[smem:$0x3FAD] =	sst s0  }
0x9: {  	[smem:$0x3FAE] =	sst s1  }
0xa: {  	[smem:$0x3FAF] =	sst s2  }
0xb: {  	[smem:$0x3FB0] =	sst s3  }
0xc: {  	[smem:$0x3FB1] =	sst s4  }
0xd: {  	[smem:$0x3FB2] =	sst s5  }
0xe: {  	[smem:$0x3FB3] =	sst s6  }
0xf: {  	[smem:$0x3FB4] =	sst s7  }
0x10: {  	[smem:$0x3FB5] =	sst s8  }
0x11: {  	[smem:$0x3FB6] =	sst s9;
	s0 =	simm.s32 @!p0 $0x0  }
0x12: {  	s1 =	sld [smem:$0x3F9C];
	s0 =	simm.s32 @p0 $0x1  }
0x13: {  	[smem:$0x3FB7] =	sst s0;
	s0 =	simm.s32 @!p1 $0x0  }
0x14: {  	s2 =	sld [smem:$0x3F9B];
	s0 =	simm.s32 @p1 $0x1  }
0x15: {  	[smem:$0x3FB8] =	sst s0;
	s0 =	simm.s32 @!p2 $0x0  }
0x16: {  	s3 =	sld [smem:$0x3FDB];
	s0 =	simm.s32 @p2 $0x1  }
0x17: {  	s4 =	simm.s32 $0x1BF5;
	[smem:$0x3FBA] =	sst s0  }
0x18: {  	s0 =	sld [smem:$0x3F9D];
	_ =	swait.ge [sflag:s4], $0x0  }
0x19: {  	s7 =	sld [smem:$0x3F9E]  }
0x1a: {  	s8 =	sadd.s32 $0xFFFFE003, lr  }
0x1b: {  	s9 =	sadd.s32 $0xFFFFFEF7, lr;
	s5 =	simm.s32 $0xFFFFFFFF;
	p2 =	slt.u32 s8, $0xFFFFF086  }
0x1c: {  	p1 =	slt.u32 s9, $0xF7A;
	s5 =	simm.s32 @!p2 $0x0  }
0x1d: {  	s5 =	simm.s32 @p1 $0x1;
	p0 =	seq.s32 s7, s2  }
0x1e: {  	s7 =	smul.u32 @!p0 $0xF7A, s2;
	p2 =	seq.s32 @!p0 s5, $0x0  }
0x1f: {  	s9 =	smul.u32 $0xF7A, s1;
	s8 =	simm.s32 @!p0 $0x1BF5;
	p2 =	por !p2, p0  }
0x20: {  	[sflag:s8] =	ssyncset.s32 @!p0 $0xFFFFF086;
	s6 =	sadd.s32 @!p0 s3, s7;
	s7 =	simm.s32 @!p0 $0x108  }
0x21: {  	s3 =	sadd.s32 s3, s9;
	s6 =	sadd.s32 @!p0 $0x88, s6;
	s7 =	simm.s32 @p2 $0x1082  }
0x22: {  	[simem:s7], [sflag:s8] =	dma.local @!p0 [hbm:s6], $0xF7A  }
0x23: {  	s9 =	sor.u32 $0xD0000000, s2;
	s6 =	simm.s32 $0x108;
	_ =	swait.ge @!p0 [sflag:s8], $0x0  }
0x24: {  	s3 =	sadd.s32 $0x88, s3;
	s6 =	simm.s32 @!p1 $0x1082;
	[sflag:s4] =	ssyncset.s32 $0xFFFFF086  }
0x25: {  	[simem:s6], [sflag:s4] =	dma.local [hbm:s3], $0xF7A  }
0x26: {  	[smem:$0x3F9E] =	sst s1;
	(tag) =	ssettag s2;
	_ =	strace s9  }
0x27: {  	s1 =	sld [smem:$0x3FAE]  }
0x28: {  	s2 =	sld [smem:$0x3FAF]  }
0x29: {  	s4 =	sld [smem:$0x3FB1]  }
0x2a: {  	p0 =	seq.s32 s5, $0x0;
	s5 =	sld [smem:$0x3FB2]  }
0x2b: {  	s6 =	sld [smem:$0x3FB3]  }
0x2c: {  	s7 =	sld [smem:$0x3FB4]  }
0x2d: {  	s3 =	simm.s32 $0x108;
	s8 =	sld [smem:$0x3FB5]  }
0x2e: {  	s3 =	simm.s32 @!p0 $0x1082;
	s9 =	sld [smem:$0x3FB6]  }
0x2f: {  	lr =	sadd.s32 s0, s3;
	s0 =	sld [smem:$0x3FAD]  }
0x30: {  	s3 =	sld [smem:$0x3FB0]  }
0x31: {  	[smem:$0x3FB9] =	sst s10  }
0x32: {  	s10 =	sld [smem:$0x3FB7];
	_ =	sdelay $0x3  }
0x33: {  	p0 =	seq.s32 s10, $0x1;
	s10 =	sld [smem:$0x3FB9];
	_ =	sdelay $0x3  }
0x34: {  	[smem:$0x3FB9] =	sst s10  }
0x35: {  	s10 =	sld [smem:$0x3FB8];
	_ =	sdelay $0x3  }
0x36: {  	p1 =	seq.s32 s10, $0x1;
	s10 =	sld [smem:$0x3FB9];
	_ =	sdelay $0x3  }
0x37: {  	[smem:$0x3FB9] =	sst s10  }
0x38: {  	s10 =	sld [smem:$0x3FBA]  }
0x39: {  	_ = 	snop;
	(pc) =	sbr.ind lr, $3  }
0x3a: {  	_ = 	snop  }
0x3b: {  	_ = 	snop  }
0x3c: {  	p2 =	seq.s32 s10, $0x1;
	s10 =	sld [smem:$0x3FB9]  }
0x3d: {  	_ =	shalt  }
0x3e: {  	_ =	shalt  }
0x3f: {  	_ =	shalt  }
0x40: {  	_ =	shalt  }
0x41: {  	_ =	shalt  }
0x42: {  	_ =	shalt  }
0x43: {  	_ =	shalt  }
0x44: {  	_ =	shalt  }
0x45: {  	_ =	shalt  }
0x46: {  	_ =	shalt  }
0x47: {  	_ =	shalt  }
0x48: {  	_ =	shalt  }
0x49: {  	_ =	shalt  }
0x4a: {  	_ =	shalt  }
0x4b: {  	_ =	shalt  }
0x4c: {  	_ =	shalt  }
0x4d: {  	_ =	shalt  }
0x4e: {  	_ =	shalt  }
0x4f: {  	_ =	shalt  }
0x50: {  	_ =	shalt  }
0x51: {  	_ =	shalt  }
0x52: {  	_ =	shalt  }
0x53: {  	_ =	shalt  }
0x54: {  	_ =	shalt  }
0x55: {  	_ =	shalt  }
0x56: {  	_ =	shalt  }
0x57: {  	_ =	shalt  }
0x58: {  	_ =	shalt  }
0x59: {  	_ =	shalt  }
0x5a: {  	_ =	shalt  }
0x5b: {  	_ =	shalt  }
0x5c: {  	_ =	shalt  }
0x5d: {  	_ =	shalt  }
0x5e: {  	_ =	shalt  }
0x5f: {  	_ =	shalt  }
0x60: {  	_ =	shalt  }
0x61: {  	_ =	shalt  }
0x62: {  	_ =	shalt  }
0x63: {  	_ =	shalt  }
0x64: {  	_ =	shalt  }
0x65: {  	_ =	shalt  }
0x66: {  	_ =	shalt  }
0x67: {  	_ =	shalt  }
0x68: {  	_ =	shalt  }
0x69: {  	_ =	shalt  }
0x6a: {  	_ =	shalt  }
0x6b: {  	_ =	shalt  }
0x6c: {  	_ =	shalt  }
0x6d: {  	_ =	shalt  }
0x6e: {  	_ =	shalt  }
0x6f: {  	_ =	shalt  }
0x70: {  	_ =	shalt  }
0x71: {  	_ =	shalt  }
0x72: {  	_ =	shalt  }
0x73: {  	_ =	shalt  }
0x74: {  	_ =	shalt  }
0x75: {  	_ =	shalt  }
0x76: {  	_ =	shalt  }
0x77: {  	_ =	shalt  }
0x78: {  	_ =	shalt  }
0x79: {  	_ =	shalt  }
0x7a: {  	_ =	shalt  }
0x7b: {  	_ =	shalt  }
0x7c: {  	_ =	shalt  }
0x7d: {  	_ =	shalt  }
0x7e: {  	_ =	shalt  }
0x7f: {  	_ =	shalt  }
0x80: {  	_ =	shalt  }
0x81: {  	_ =	shalt  }
0x82: {  	_ =	shalt  }
0x83: {  	_ =	shalt  }
0x84: {  	_ =	shalt  }
0x85: {  	_ =	shalt  }
0x86: {  	_ =	shalt  }
0x87: {  	_ =	shalt  }
.Lfunc_end0:
.L_simem_size_0:
called_computation_lowered:
.L_overlay_start_0:
0x88: {  	s2 =	sld [smem:$0x3FD9]  }
0x89: {  	s3 =	sld [smem:$0x3FFE];
	_ =	sdelay $0x1  }
0x8a: {  	s1 =	srdreg.scid  }
0x8b: {  	s0 =	sand.u32 $0x1, s1  }
0x8c: {  	s16 =	sshll.u32 s0, $0xA;
	s2 =	sadd.s32 s3, s2  }
0x8d: {  	s2 =	sadd.s32 s2, s16  }
0x8e: {  	[smem:$0x3FC5] =	sst s2  }
0x8f: {  	_ = 	snop  }
0x90: {  	(tm) =	ssettm $0x1  }
0x91: {  	s17 =	sld [smem:$0x3FFB];
	_ =	sdelay $0x3  }
0x92: {  	_ =	strace s17  }
0x93: {  	s2 =	sld [smem:$0x3FFC];
	_ =	sdelay $0x3  }
0x94: {  	_ =	strace s2  }
0x95: {  	s2 =	sld [smem:$0x3FFD];
	_ =	sdelay $0x3  }
0x96: {  	_ =	strace s2  }
0x97: {  	_ =	strace $0x8FFFFFFF  }
0x98: {  	s18 =	sld [smem:$0x3FDB];
	_ =	sdelay $0x1  }
0x99: {  	s19 =	simm.s32 $_scs_section_size  }
0x9a: {  	s4 =	simm.s32 $_size__tile_overlayer_lowered;
	s5 =	simm.s32 $_tile_overlayer_lowered  }
0x9b: {  	s22 =	simm.s32 $0x1BFF;
	s21 =	sshll.u32 s5, $0x1;
	s2 =	sadd.s32 s19, s18  }
0x9c: {  	s6 =	simm.s32 $0x0;
	s20 =	sshll.u32 s4, $0x1;
	s4 =	sadd.s32 s21, s2  }
0x9d: {  	[timem:s6], [sflag:s22] =	dma.local [hbm:s4], s20  }
0x9e: {  	_ =	swait.ge [sflag:s22], s20  }
0x9f: {  	s3 =	ssub.s32 $0x0, s20;
	[sflag:s22] =	ssyncset.done $0x0  }
0xa0: {  	[sflag:s22] =	ssyncadd.s32 s3;
	_ =	sdelay $0x1  }
0xa1: {  	s23 =	simm.s32 $0x1B8B  }
0xa2: {  	_ =	swait.ge [sflag:s23], $0x1  }
0xa3: {  	[sflag:s23] =	ssyncset.done $0x0  }
0xa4: {  	s25 =	simm.s32 $0x1B8E;
	s24 =	sld [smem:$0x3FFE];
	[sflag:s23] =	ssyncadd.s32 $0xFFFFFFFF  }
0xa5: {  	s26 =	simm.s32 $execute0_lowered;
	[smem:$0x3FD2] =	sst s25  }
0xa6: {  	s4 =	sshll.u32 s26, $0x1;
	_ =	strace $0x80000046;
	[dreg:$0x1] =	wrdreg $0xFFFFFFFF  }
0xa7: {  	s28 =	simm.s32 $_size_execute0_lowered;
	s2 =	sadd.s32 s2, s4;
	[dreg:$0x0] =	wrdreg $0x0  }
0xa8: {  	s4 =	sshll.u32 s28, $0x1;
	[dreg:$0x2] =	wrdreg s2  }
0xa9: {  	[dreg:$0x3] =	wrdreg s4  }
0xaa: {  	[dreg:$0x4] =	wrdreg $0xC0  }
0xab: {  	_ =	task [dreg:s6], $0x5FFFF  }
0xac: {  	[dreg:$0x1] =	wrdreg $0xFFFFFFFF  }
0xad: {  	[dreg:$0x0] =	wrdreg $0x60  }
0xae: {  	[dreg:$0x2] =	wrdreg s24  }
0xaf: {  	[dreg:$0x3] =	wrdreg $0x9  }
0xb0: {  	_ =	task.clear_ibuf [dreg:s6], $0x4FFFF;
	_ =	strace $0x90000046  }
0xb1: {  	s29 =	simm.s32 $0x9;
	_ =	strace $0x80000048  }
0xb2: {  	_ =	swait.ge [sflag:s29], $0x1  }
0xb3: {  	[sflag:s29] =	ssyncadd.s32 $0xFFFFFFFF  }
0xb4: {  	_ =	strace $0x90000048  }
0xb5: {  	_ =	sfence  }
0xb6: {  	s30 =	sld [smem:$0x0];
	_ =	sdelay $0x2  }
0xb7: {  	s31 =	sshll.u32 s1, $0xD;
	s1 =	sshrl.u32 s1, $0x2  }
0xb8: {  	s3 =	sand.u32 $0x4000, s31;
	s1 =	sadd.s32 s1, s30  }
0xb9: {  	s0 =	sor.u32 s3, s0;
	s1 =	sshll.u32 s1, $0x11  }
0xba: {  	s0 =	sor.u32 s1, s0  }
0xbb: {  	s0 =	sadd.s32 $0x8F2B, s0  }
0xbc: {  	[sflag:s0] =	ssyncadd.remote.s32 $0x1  }
0xbd: {  	_ =	sfence.sel $0xFFFF  }
0xbe: {  	[dreg:$0x0] =	wrdreg $0xFFFFFFFF;
	(pc) =	sbr.abs _section_cstart, $3  }
0xbf: {  	[dreg:$0x1] =	wrdreg $0xFFFFFFFF  }
0xc0: {  	_ =	task.clear_ibuf [dreg:s6], $0x2FFFF;
	_ =	strace $0x9FFFFFFF  }
0xc1: {  	(tm) =	ssettm $0x7FFFFFFF  }
tec
execute0_lowered:
.L_overlay_start_1:
0x0: {  	(tag) =	ssettag $0x1  }
0x1: {  	s1 =	srdreg.scid;
	s0 =	stileid.u32  }
0x2: {  	s3 =	sand.u32 $0x1, s1;
	s13 =	sshll.u32 s0, $0x1  }
0x3: {  	s1 =	sor.u32 s3, s13  }
0x4: {  	s5 =	smul.u32 $0xF4240, s1  }
0x5: {  	s4 =	rddreg [dreg:$0x0];
	s2 =	simm.s32 $0x0;
	s6 =	smul.u32 $0x1E848, s1  }
0x6: {  	[smem:$0x7FF] =	sst s2;
	s22 =	sadd.s32 $0xF43000, s4;
	s24 =	sadd.s32 $0xC00, s4  }
0x7: {  	_ =	strace $0x80000047;
	s21 =	sshrl.u32 s5, $0x3;
	s14 =	sadd.s32 s22, s6  }
0x8: {  	s16 =	sadd.s32 s24, s6;
	s7 =	sadd.s32 $0x9C4, s21;
	[dreg:$0x2] =	wrdreg s14  }
0x9: {  	s17 =	sadd.s32 $0x1388, s21;
	[dreg:$0x4] =	wrdreg s16;
	s15 =	sadd.s32 s22, s7  }
0xa: {  	s18 =	sadd.s32 s22, s17;
	[dreg:$0x3] =	wrdreg s15  }
0xb: {  	s20 =	sadd.s32 $0x1D4C, s21;
	s19 =	sadd.s32 s24, s7;
	[dreg:$0x5] =	wrdreg s18  }
0xc: {  	s23 =	sadd.s32 s22, s20;
	[dreg:$0x6] =	wrdreg s19  }
0xd: {  	s26 =	sadd.s32 $0x2710, s21;
	s25 =	sadd.s32 s24, s17;
	[dreg:$0x7] =	wrdreg s23  }
0xe: {  	s0 =	sadd.s32 s22, s26;
	[dreg:$0x8] =	wrdreg s25  }
0xf: {  	s8 =	sadd.s32 $0x30D4, s21;
	s7 =	sadd.s32 s24, s20;
	[dreg:$0x9] =	wrdreg s0  }
0x10: {  	s9 =	sadd.s32 s22, s8;
	[dreg:$0xa] =	wrdreg s7  }
0x11: {  	s11 =	sadd.s32 $0x3A98, s21;
	s10 =	sadd.s32 s24, s26;
	[dreg:$0xb] =	wrdreg s9  }
0x12: {  	s12 =	sadd.s32 s22, s11;
	[dreg:$0xc] =	wrdreg s10  }
0x13: {  	s13 =	sadd.s32 s24, s8;
	[dreg:$0xd] =	wrdreg s12  }
0x14: {  	s14 =	sadd.s32 $0x445C, s21;
	s16 =	sadd.s32 s24, s11;
	[dreg:$0xe] =	wrdreg s13  }
0x15: {  	s17 =	sadd.s32 $0x4E20, s21;
	s15 =	sadd.s32 s22, s14;
	[dreg:$0x10] =	wrdreg s16  }
0x16: {  	s18 =	sadd.s32 s22, s17;
	[dreg:$0xf] =	wrdreg s15  }
0x17: {  	s20 =	sadd.s32 $0x57E4, s21;
	s19 =	sadd.s32 s24, s14;
	[dreg:$0x11] =	wrdreg s18  }
0x18: {  	s23 =	sadd.s32 s22, s20;
	[dreg:$0x12] =	wrdreg s19  }
0x19: {  	s26 =	sadd.s32 $0x61A8, s21;
	s25 =	sadd.s32 s24, s17;
	[dreg:$0x13] =	wrdreg s23  }
0x1a: {  	s0 =	sadd.s32 s22, s26;
	[dreg:$0x14] =	wrdreg s25  }
0x1b: {  	s8 =	sadd.s32 $0x6B6C, s21;
	s7 =	sadd.s32 s24, s20;
	[dreg:$0x15] =	wrdreg s0  }
0x1c: {  	s9 =	sadd.s32 s22, s8;
	[dreg:$0x16] =	wrdreg s7  }
0x1d: {  	s11 =	sadd.s32 $0x7530, s21;
	s10 =	sadd.s32 s24, s26;
	[dreg:$0x17] =	wrdreg s9  }
0x1e: {  	s12 =	sadd.s32 s22, s11;
	[dreg:$0x18] =	wrdreg s10  }
0x1f: {  	s13 =	sadd.s32 s24, s8;
	[dreg:$0x19] =	wrdreg s12  }
0x20: {  	s14 =	sadd.s32 $0x7EF4, s21;
	s16 =	sadd.s32 s24, s11;
	[dreg:$0x1a] =	wrdreg s13  }
0x21: {  	s17 =	sadd.s32 $0x88B8, s21;
	s15 =	sadd.s32 s22, s14;
	[dreg:$0x1c] =	wrdreg s16  }
0x22: {  	s18 =	sadd.s32 s22, s17;
	[dreg:$0x1b] =	wrdreg s15  }
0x23: {  	s20 =	sadd.s32 $0x927C, s21;
	s19 =	sadd.s32 s24, s14;
	[dreg:$0x1d] =	wrdreg s18  }
0x24: {  	s23 =	sadd.s32 s22, s20;
	[dreg:$0x1e] =	wrdreg s19  }
0x25: {  	s26 =	sadd.s32 $0x9C40, s21;
	s25 =	sadd.s32 s24, s17;
	[dreg:$0x1f] =	wrdreg s23  }
0x26: {  	s0 =	sadd.s32 s22, s26;
	[smem:$0x7CE] =	sst s25  }
0x27: {  	s8 =	sadd.s32 $0xA604, s21;
	s7 =	sadd.s32 s24, s20;
	[smem:$0x7CF] =	sst s0  }
0x28: {  	s9 =	sadd.s32 s22, s8;
	[smem:$0x7D0] =	sst s7  }
0x29: {  	s11 =	sadd.s32 $0xAFC8, s21;
	s10 =	sadd.s32 s24, s26;
	[smem:$0x7D1] =	sst s9  }
0x2a: {  	s12 =	sadd.s32 s22, s11;
	[smem:$0x7D2] =	sst s10  }
0x2b: {  	s13 =	sadd.s32 s24, s8;
	[smem:$0x7D3] =	sst s12  }
0x2c: {  	s14 =	sadd.s32 $0xB98C, s21;
	s16 =	sadd.s32 s24, s11;
	[smem:$0x7D4] =	sst s13  }
0x2d: {  	s17 =	sadd.s32 $0xC350, s21;
	s15 =	sadd.s32 s22, s14;
	[smem:$0x7D6] =	sst s16  }
0x2e: {  	s18 =	sadd.s32 s22, s17;
	[smem:$0x7D5] =	sst s15  }
0x2f: {  	s20 =	sadd.s32 $0xCD14, s21;
	s19 =	sadd.s32 s24, s14;
	[smem:$0x7D7] =	sst s18  }
0x30: {  	s23 =	sadd.s32 s22, s20;
	[smem:$0x7D8] =	sst s19  }
0x31: {  	s26 =	sadd.s32 $0xD6D8, s21;
	s25 =	sadd.s32 s24, s17;
	[smem:$0x7D9] =	sst s23  }
0x32: {  	s0 =	sadd.s32 s22, s26;
	[smem:$0x7DA] =	sst s25  }
0x33: {  	s8 =	sadd.s32 $0xE09C, s21;
	s7 =	sadd.s32 s24, s20;
	[smem:$0x7DB] =	sst s0  }
0x34: {  	s9 =	sadd.s32 s22, s8;
	[smem:$0x7DC] =	sst s7  }
0x35: {  	s11 =	sadd.s32 $0xEA60, s21;
	s10 =	sadd.s32 s24, s26;
	[smem:$0x7DD] =	sst s9  }
0x36: {  	s12 =	sadd.s32 s22, s11;
	[smem:$0x7DE] =	sst s10  }
0x37: {  	s13 =	sadd.s32 s24, s8;
	[smem:$0x7DF] =	sst s12  }
0x38: {  	s14 =	sadd.s32 $0xF424, s21;
	s16 =	sadd.s32 s24, s11;
	[smem:$0x7E0] =	sst s13  }
0x39: {  	s17 =	sadd.s32 $0xFDE8, s21;
	s15 =	sadd.s32 s22, s14;
	[smem:$0x7E2] =	sst s16  }
0x3a: {  	s28 =	simm.s32 $0x1;
	s18 =	sadd.s32 s22, s17;
	[smem:$0x7E1] =	sst s15  }
0x3b: {  	s20 =	sadd.s32 $0x107AC, s21;
	s19 =	sadd.s32 s24, s14;
	[smem:$0x7E3] =	sst s18  }
0x3c: {  	s29 =	simm.s32 $0x4E20;
	s23 =	sadd.s32 s22, s20;
	[smem:$0x7E4] =	sst s19  }
0x3d: {  	s26 =	sadd.s32 $0x11170, s21;
	s25 =	sadd.s32 s24, s17;
	[smem:$0x7E5] =	sst s23  }
0x3e: {  	s30 =	simm.s32 $0x3;
	s0 =	sadd.s32 s22, s26;
	[smem:$0x7E6] =	sst s25  }
0x3f: {  	s8 =	sadd.s32 $0x11B34, s21;
	s7 =	sadd.s32 s24, s20;
	[smem:$0x7E7] =	sst s0  }
0x40: {  	s31 =	simm.s32 $0x2;
	s9 =	sadd.s32 s22, s8;
	[smem:$0x7E8] =	sst s7  }
0x41: {  	s11 =	sadd.s32 $0x124F8, s21;
	s10 =	sadd.s32 s24, s26;
	[smem:$0x7E9] =	sst s9  }
0x42: {  	s3 =	ssub.s32 $0x2, s3;
	s12 =	sadd.s32 s22, s11;
	[smem:$0x7EA] =	sst s10  }
0x43: {  	s1 =	sshll.u32 s1, $0x8;
	s13 =	sadd.s32 s24, s8;
	[smem:$0x7EB] =	sst s12  }
0x44: {  	s14 =	sadd.s32 $0x12EBC, s21;
	s16 =	sadd.s32 s24, s11;
	[smem:$0x7EC] =	sst s13  }
0x45: {  	s17 =	sadd.s32 $0x13880, s21;
	s15 =	sadd.s32 s22, s14;
	[smem:$0x7EE] =	sst s16  }
0x46: {  	s1 =	sadd.s32 s1, s24;
	s18 =	sadd.s32 s22, s17;
	[smem:$0x7ED] =	sst s15  }
0x47: {  	s20 =	sadd.s32 $0x14244, s21;
	s19 =	sadd.s32 s24, s14;
	[smem:$0x7EF] =	sst s18  }
0x48: {  	s26 =	sadd.s32 $0x14C08, s21;
	s23 =	sadd.s32 s22, s20;
	[smem:$0x7F0] =	sst s19  }
0x49: {  	s25 =	sadd.s32 s24, s17;
	s0 =	sadd.s32 s22, s26;
	[smem:$0x7F1] =	sst s23  }
0x4a: {  	s6 =	sadd.s32 s24, s20;
	s7 =	sadd.s32 $0x155CC, s21;
	[smem:$0x7F2] =	sst s25  }
0x4b: {  	s9 =	sadd.s32 s24, s26;
	s10 =	sadd.s32 $0x15F90, s21;
	[smem:$0x7F3] =	sst s0  }
0x4c: {  	s13 =	sadd.s32 $0x16954, s21;
	s16 =	sadd.s32 $0x17318, s21;
	[smem:$0x7F4] =	sst s6  }
0x4d: {  	s17 =	sshrl.u32 s3, $0x1;
	s8 =	sadd.s32 s22, s7;
	[smem:$0x7F6] =	sst s9  }
0x4e: {  	s20 =	sadd.s32 $0x17CDC, s21;
	s11 =	sadd.s32 s22, s10;
	[smem:$0x7F5] =	sst s8  }
0x4f: {  	s12 =	sadd.s32 s24, s7;
	s14 =	sadd.s32 s22, s13;
	[smem:$0x7F7] =	sst s11  }
0x50: {  	s15 =	sadd.s32 s24, s10;
	s18 =	sadd.s32 s22, s16;
	[smem:$0x7F8] =	sst s12  }
0x51: {  	s19 =	sadd.s32 s24, s13;
	s26 =	ssub.s32 s3, s17;
	[smem:$0x7F9] =	sst s14  }
0x52: {  	s23 =	sadd.s32 s22, s20;
	s3 =	sadd.s32 s24, s16;
	[smem:$0x7FA] =	sst s15  }
0x53: {  	s25 =	sadd.s32 $0x186A0, s21;
	s5 =	sadd.s32 s24, s20;
	[smem:$0x7FB] =	sst s18  }
0x54: {  	s9 =	sadd.s32 $0x19064, s21;
	s13 =	sadd.s32 $0x1A3EC, s21;
	[smem:$0x7FC] =	sst s19  }
0x55: {  	s17 =	sadd.s32 $0x1B774, s21;
	s20 =	sadd.s32 $0x1CAFC, s21;
	[smem:$0x7FD] =	sst s23  }
0x56: {  	s4 =	sadd.s32 s22, s25;
	s6 =	sadd.s32 s22, s9;
	s7 =	sadd.s32 s24, s25  }
0x57: {  	s11 =	sadd.s32 $0x19A28, s21;
	s9 =	sadd.s32 s24, s9;
	s10 =	sadd.s32 s22, s13  }
0x58: {  	s15 =	sadd.s32 $0x1ADB0, s21;
	s13 =	sadd.s32 s24, s13;
	s14 =	sadd.s32 s22, s17  }
0x59: {  	s19 =	sadd.s32 $0x1C138, s21;
	s17 =	sadd.s32 s24, s17;
	s18 =	sadd.s32 s22, s20  }
0x5a: {  	s20 =	sadd.s32 s24, s20;
	s23 =	sadd.s32 $0x1D4C0, s21;
	s25 =	sadd.s32 $0x1DE84, s21  }
0x5b: {  	s26 =	smax.u32 s26, $0x1;
	s8 =	sadd.s32 s22, s11;
	s11 =	sadd.s32 s24, s11  }
0x5c: {  	s12 =	sadd.s32 s22, s15;
	s15 =	sadd.s32 s24, s15;
	s16 =	sadd.s32 s22, s19  }
0x5d: {  	s19 =	sadd.s32 s24, s19;
	s21 =	sadd.s32 s22, s23;
	s22 =	sadd.s32 s22, s25  }
0x5e: {  	v0 =	vimm.f32 $0.0e+00;
	s23 =	sadd.s32 s24, s23;
	s24 =	sadd.s32 s24, s25;
	s25 =	sadd.s32 $0x3D0900, s1  }
.LBB2_1:
0x5f: {  	s0 =	rddreg [dreg:$0x2]  }
0x60: {  	[tilespmem:s2], [sflag:$0x1] =	stream.linear.gather [hbm4b:s0+s2], $0x4E20, $0x38;
	[tilespmem:$0xA440] =	vst v63  }
0x61: {  	_ =	swait.ge [sflag:s28], $0x4E20  }
0x62: {  	[sflag:s28] =	ssyncset.done $0x0  }
0x63: {  	s0 =	rddreg [dreg:$0x3];
	[sflag:s28] =	ssyncadd.s32 $0xFFFFB1E0  }
0x64: {  	[tilespmem:s29], [sflag:$0x2] =	stream.linear.gather [hbm4b:s0+s2], $0x4E20, $0x38;
	[tilespmem:$0xA440] =	vst v63  }
0x65: {  	s1 =	rddreg [dreg:$0x4]  }
0x66: {  	[hbm4b:s1+s2] =	stream.linear.scatter [tilespmem:s2], [sflag:$0x3], $0x4E20, $0x38;
	[tilespmem:$0xA440] =	vst v63  }
0x67: {  	_ =	swait.ge [sflag:s30], $0x4E20  }
0x68: {  	[sflag:s30] =	ssyncset.done $0x0  }
0x69: {  	[sflag:s30] =	ssyncadd.s32 $0xFFFFB1E0  }
0x6a: {  	_ =	swait.ge [sflag:s31], $0x4E20  }
0x6b: {  	[sflag:s31] =	ssyncset.done $0x0  }
0x6c: {  	s0 =	rddreg [dreg:$0x5];
	[sflag:s31] =	ssyncadd.s32 $0xFFFFB1E0  }
0x6d: {  	[tilespmem:s2], [sflag:$0x1] =	stream.linear.gather [hbm4b:s0+s2], $0x4E20, $0x38;
	[tilespmem:$0xA440] =	vst v63  }
0x6e: {  	s1 =	rddreg [dreg:$0x6]  }
0x6f: {  	[hbm4b:s1+s2] =	stream.linear.scatter [tilespmem:s29], [sflag:$0x3], $0x4E20, $0x38;
	[tilespmem:$0xA440] =	vst v63  }
0x70: {  	_ =	swait.ge [sflag:s30], $0x4E20  }
0x71: {  	[sflag:s30] =	ssyncset.done $0x0  }
0x72: {  	[sflag:s30] =	ssyncadd.s32 $0xFFFFB1E0  }
0x73: {  	_ =	swait.ge [sflag:s28], $0x4E20  }
0x74: {  	[sflag:s28] =	ssyncset.done $0x0  }
0x75: {  	s0 =	rddreg [dreg:$0x7];
	[sflag:s28] =	ssyncadd.s32 $0xFFFFB1E0  }
0x76: {  	[tilespmem:s29], [sflag:$0x2] =	stream.linear.gather [hbm4b:s0+s2], $0x4E20, $0x38;
	[tilespmem:$0xA440] =	vst v63  }
0x77: {  	s1 =	rddreg [dreg:$0x8]  }
0x78: {  	[hbm4b:s1+s2] =	stream.linear.scatter [tilespmem:s2], [sflag:$0x3], $0x4E20, $0x38;
	[tilespmem:$0xA440] =	vst v63  }
0x79: {  	_ =	swait.ge [sflag:s30], $0x4E20  }
0x7a: {  	[sflag:s30] =	ssyncset.done $0x0  }
0x7b: {  	[sflag:s30] =	ssyncadd.s32 $0xFFFFB1E0  }
0x7c: {  	_ =	swait.ge [sflag:s31], $0x4E20  }
0x7d: {  	[sflag:s31] =	ssyncset.done $0x0  }
0x7e: {  	s0 =	rddreg [dreg:$0x9];
	[sflag:s31] =	ssyncadd.s32 $0xFFFFB1E0  }
0x7f: {  	[tilespmem:s2], [sflag:$0x1] =	stream.linear.gather [hbm4b:s0+s2], $0x4E20, $0x38;
	[tilespmem:$0xA440] =	vst v63  }
0x80: {  	s1 =	rddreg [dreg:$0xa]  }
0x81: {  	[hbm4b:s1+s2] =	stream.linear.scatter [tilespmem:s29], [sflag:$0x3], $0x4E20, $0x38;
	[tilespmem:$0xA440] =	vst v63  }
0x82: {  	_ =	swait.ge [sflag:s30], $0x4E20  }
0x83: {  	[sflag:s30] =	ssyncset.done $0x0  }
0x84: {  	[sflag:s30] =	ssyncadd.s32 $0xFFFFB1E0  }
0x85: {  	_ =	swait.ge [sflag:s28], $0x4E20  }
0x86: {  	[sflag:s28] =	ssyncset.done $0x0  }
0x87: {  	s0 =	rddreg [dreg:$0xb];
	[sflag:s28] =	ssyncadd.s32 $0xFFFFB1E0  }
0x88: {  	[tilespmem:s29], [sflag:$0x2] =	stream.linear.gather [hbm4b:s0+s2], $0x4E20, $0x38;
	[tilespmem:$0xA440] =	vst v63  }
0x89: {  	s1 =	rddreg [dreg:$0xc]  }
0x8a: {  	[hbm4b:s1+s2] =	stream.linear.scatter [tilespmem:s2], [sflag:$0x3], $0x4E20, $0x38;
	[tilespmem:$0xA440] =	vst v63  }
0x8b: {  	_ =	swait.ge [sflag:s30], $0x4E20  }
0x8c: {  	[sflag:s30] =	ssyncset.done $0x0  }
0x8d: {  	[sflag:s30] =	ssyncadd.s32 $0xFFFFB1E0  }
0x8e: {  	_ =	swait.ge [sflag:s31], $0x4E20  }
0x8f: {  	[sflag:s31] =	ssyncset.done $0x0  }
0x90: {  	s0 =	rddreg [dreg:$0xd];
	[sflag:s31] =	ssyncadd.s32 $0xFFFFB1E0  }
0x91: {  	[tilespmem:s2], [sflag:$0x1] =	stream.linear.gather [hbm4b:s0+s2], $0x4E20, $0x38;
	[tilespmem:$0xA440] =	vst v63  }
0x92: {  	s1 =	rddreg [dreg:$0xe]  }
0x93: {  	[hbm4b:s1+s2] =	stream.linear.scatter [tilespmem:s29], [sflag:$0x3], $0x4E20, $0x38;
	[tilespmem:$0xA440] =	vst v63  }
0x94: {  	_ =	swait.ge [sflag:s30], $0x4E20  }
0x95: {  	[sflag:s30] =	ssyncset.done $0x0  }
0x96: {  	[sflag:s30] =	ssyncadd.s32 $0xFFFFB1E0  }
0x97: {  	_ =	swait.ge [sflag:s28], $0x4E20  }
0x98: {  	[sflag:s28] =	ssyncset.done $0x0  }
0x99: {  	s0 =	rddreg [dreg:$0xf];
	[sflag:s28] =	ssyncadd.s32 $0xFFFFB1E0  }
0x9a: {  	[tilespmem:s29], [sflag:$0x2] =	stream.linear.gather [hbm4b:s0+s2], $0x4E20, $0x38;
	[tilespmem:$0xA440] =	vst v63  }
0x9b: {  	s1 =	rddreg [dreg:$0x10]  }
0x9c: {  	[hbm4b:s1+s2] =	stream.linear.scatter [tilespmem:s2], [sflag:$0x3], $0x4E20, $0x38;
	[tilespmem:$0xA440] =	vst v63  }
0x9d: {  	_ =	swait.ge [sflag:s30], $0x4E20  }
0x9e: {  	[sflag:s30] =	ssyncset.done $0x0  }
0x9f: {  	[sflag:s30] =	ssyncadd.s32 $0xFFFFB1E0  }
0xa0: {  	_ =	swait.ge [sflag:s31], $0x4E20  }
0xa1: {  	[sflag:s31] =	ssyncset.done $0x0  }
0xa2: {  	s0 =	rddreg [dreg:$0x11];
	[sflag:s31] =	ssyncadd.s32 $0xFFFFB1E0  }
0xa3: {  	[tilespmem:s2], [sflag:$0x1] =	stream.linear.gather [hbm4b:s0+s2], $0x4E20, $0x38;
	[tilespmem:$0xA440] =	vst v63  }
0xa4: {  	s1 =	rddreg [dreg:$0x12]  }
0xa5: {  	[hbm4b:s1+s2] =	stream.linear.scatter [tilespmem:s29], [sflag:$0x3], $0x4E20, $0x38;
	[tilespmem:$0xA440] =	vst v63  }
0xa6: {  	_ =	swait.ge [sflag:s30], $0x4E20  }
0xa7: {  	[sflag:s30] =	ssyncset.done $0x0  }
0xa8: {  	[sflag:s30] =	ssyncadd.s32 $0xFFFFB1E0  }
0xa9: {  	_ =	swait.ge [sflag:s28], $0x4E20  }
0xaa: {  	[sflag:s28] =	ssyncset.done $0x0  }
0xab: {  	s0 =	rddreg [dreg:$0x13];
	[sflag:s28] =	ssyncadd.s32 $0xFFFFB1E0  }
0xac: {  	[tilespmem:s29], [sflag:$0x2] =	stream.linear.gather [hbm4b:s0+s2], $0x4E20, $0x38;
	[tilespmem:$0xA440] =	vst v63  }
0xad: {  	s1 =	rddreg [dreg:$0x14]  }
0xae: {  	[hbm4b:s1+s2] =	stream.linear.scatter [tilespmem:s2], [sflag:$0x3], $0x4E20, $0x38;
	[tilespmem:$0xA440] =	vst v63  }
0xaf: {  	_ =	swait.ge [sflag:s30], $0x4E20  }
0xb0: {  	[sflag:s30] =	ssyncset.done $0x0  }
0xb1: {  	[sflag:s30] =	ssyncadd.s32 $0xFFFFB1E0  }
0xb2: {  	_ =	swait.ge [sflag:s31], $0x4E20  }
0xb3: {  	[sflag:s31] =	ssyncset.done $0x0  }
0xb4: {  	s0 =	rddreg [dreg:$0x15];
	[sflag:s31] =	ssyncadd.s32 $0xFFFFB1E0  }
0xb5: {  	[tilespmem:s2], [sflag:$0x1] =	stream.linear.gather [hbm4b:s0+s2], $0x4E20, $0x38;
	[tilespmem:$0xA440] =	vst v63  }
0xb6: {  	s1 =	rddreg [dreg:$0x16]  }
0xb7: {  	[hbm4b:s1+s2] =	stream.linear.scatter [tilespmem:s29], [sflag:$0x3], $0x4E20, $0x38;
	[tilespmem:$0xA440] =	vst v63  }
0xb8: {  	_ =	swait.ge [sflag:s30], $0x4E20  }
0xb9: {  	[sflag:s30] =	ssyncset.done $0x0  }
0xba: {  	[sflag:s30] =	ssyncadd.s32 $0xFFFFB1E0  }
0xbb: {  	_ =	swait.ge [sflag:s28], $0x4E20  }
0xbc: {  	[sflag:s28] =	ssyncset.done $0x0  }
0xbd: {  	s0 =	rddreg [dreg:$0x17];
	[sflag:s28] =	ssyncadd.s32 $0xFFFFB1E0  }
0xbe: {  	[tilespmem:s29], [sflag:$0x2] =	stream.linear.gather [hbm4b:s0+s2], $0x4E20, $0x38;
	[tilespmem:$0xA440] =	vst v63  }
0xbf: {  	s1 =	rddreg [dreg:$0x18]  }
0xc0: {  	[hbm4b:s1+s2] =	stream.linear.scatter [tilespmem:s2], [sflag:$0x3], $0x4E20, $0x38;
	[tilespmem:$0xA440] =	vst v63  }
0xc1: {  	_ =	swait.ge [sflag:s30], $0x4E20  }
0xc2: {  	[sflag:s30] =	ssyncset.done $0x0  }
0xc3: {  	[sflag:s30] =	ssyncadd.s32 $0xFFFFB1E0  }
0xc4: {  	_ =	swait.ge [sflag:s31], $0x4E20  }
0xc5: {  	[sflag:s31] =	ssyncset.done $0x0  }
0xc6: {  	s0 =	rddreg [dreg:$0x19];
	[sflag:s31] =	ssyncadd.s32 $0xFFFFB1E0  }
0xc7: {  	[tilespmem:s2], [sflag:$0x1] =	stream.linear.gather [hbm4b:s0+s2], $0x4E20, $0x38;
	[tilespmem:$0xA440] =	vst v63  }
0xc8: {  	s1 =	rddreg [dreg:$0x1a]  }
0xc9: {  	[hbm4b:s1+s2] =	stream.linear.scatter [tilespmem:s29], [sflag:$0x3], $0x4E20, $0x38;
	[tilespmem:$0xA440] =	vst v63  }
0xca: {  	_ =	swait.ge [sflag:s30], $0x4E20  }
0xcb: {  	[sflag:s30] =	ssyncset.done $0x0  }
0xcc: {  	[sflag:s30] =	ssyncadd.s32 $0xFFFFB1E0  }
0xcd: {  	_ =	swait.ge [sflag:s28], $0x4E20  }
0xce: {  	[sflag:s28] =	ssyncset.done $0x0  }
0xcf: {  	s0 =	rddreg [dreg:$0x1b];
	[sflag:s28] =	ssyncadd.s32 $0xFFFFB1E0  }
0xd0: {  	[tilespmem:s29], [sflag:$0x2] =	stream.linear.gather [hbm4b:s0+s2], $0x4E20, $0x38;
	[tilespmem:$0xA440] =	vst v63  }
0xd1: {  	s1 =	rddreg [dreg:$0x1c]  }
0xd2: {  	[hbm4b:s1+s2] =	stream.linear.scatter [tilespmem:s2], [sflag:$0x3], $0x4E20, $0x38;
	[tilespmem:$0xA440] =	vst v63  }
0xd3: {  	_ =	swait.ge [sflag:s30], $0x4E20  }
0xd4: {  	[sflag:s30] =	ssyncset.done $0x0  }
0xd5: {  	[sflag:s30] =	ssyncadd.s32 $0xFFFFB1E0  }
0xd6: {  	_ =	swait.ge [sflag:s31], $0x4E20  }
0xd7: {  	[sflag:s31] =	ssyncset.done $0x0  }
0xd8: {  	s0 =	rddreg [dreg:$0x1d];
	[sflag:s31] =	ssyncadd.s32 $0xFFFFB1E0  }
0xd9: {  	[tilespmem:s2], [sflag:$0x1] =	stream.linear.gather [hbm4b:s0+s2], $0x4E20, $0x38;
	[tilespmem:$0xA440] =	vst v63  }
0xda: {  	s1 =	rddreg [dreg:$0x1e]  }
0xdb: {  	[hbm4b:s1+s2] =	stream.linear.scatter [tilespmem:s29], [sflag:$0x3], $0x4E20, $0x38;
	[tilespmem:$0xA440] =	vst v63  }
0xdc: {  	_ =	swait.ge [sflag:s30], $0x4E20  }
0xdd: {  	[sflag:s30] =	ssyncset.done $0x0  }
0xde: {  	[sflag:s30] =	ssyncadd.s32 $0xFFFFB1E0  }
0xdf: {  	_ =	swait.ge [sflag:s28], $0x4E20  }
0xe0: {  	s0 =	rddreg [dreg:$0x1f];
	[sflag:s28] =	ssyncset.done $0x0  }
0xe1: {  	s1 =	sld [smem:$0x7CE];
	[sflag:s28] =	ssyncadd.s32 $0xFFFFB1E0  }
0xe2: {  	[tilespmem:s29], [sflag:$0x2] =	stream.linear.gather [hbm4b:s0+s2], $0x4E20, $0x38;
	[tilespmem:$0xA440] =	vst v63  }
0xe3: {  	_ = 	snop  }
0xe4: {  	[hbm4b:s1+s2] =	stream.linear.scatter [tilespmem:s2], [sflag:$0x3], $0x4E20, $0x38;
	[tilespmem:$0xA440] =	vst v63  }
0xe5: {  	_ =	swait.ge [sflag:s30], $0x4E20  }
0xe6: {  	[sflag:s30] =	ssyncset.done $0x0  }
0xe7: {  	[sflag:s30] =	ssyncadd.s32 $0xFFFFB1E0  }
0xe8: {  	_ =	swait.ge [sflag:s31], $0x4E20  }
0xe9: {  	s0 =	sld [smem:$0x7CF]  }
0xea: {  	[sflag:s31] =	ssyncset.done $0x0  }
0xeb: {  	s1 =	sld [smem:$0x7D0];
	[sflag:s31] =	ssyncadd.s32 $0xFFFFB1E0  }
0xec: {  	[tilespmem:s2], [sflag:$0x1] =	stream.linear.gather [hbm4b:s0+s2], $0x4E20, $0x38;
	[tilespmem:$0xA440] =	vst v63  }
0xed: {  	_ = 	snop  }
0xee: {  	[hbm4b:s1+s2] =	stream.linear.scatter [tilespmem:s29], [sflag:$0x3], $0x4E20, $0x38;
	[tilespmem:$0xA440] =	vst v63  }
0xef: {  	_ =	swait.ge [sflag:s30], $0x4E20  }
0xf0: {  	[sflag:s30] =	ssyncset.done $0x0  }
0xf1: {  	[sflag:s30] =	ssyncadd.s32 $0xFFFFB1E0  }
0xf2: {  	_ =	swait.ge [sflag:s28], $0x4E20  }
0xf3: {  	s0 =	sld [smem:$0x7D1]  }
0xf4: {  	[sflag:s28] =	ssyncset.done $0x0  }
0xf5: {  	s1 =	sld [smem:$0x7D2];
	[sflag:s28] =	ssyncadd.s32 $0xFFFFB1E0  }
0xf6: {  	[tilespmem:s29], [sflag:$0x2] =	stream.linear.gather [hbm4b:s0+s2], $0x4E20, $0x38;
	[tilespmem:$0xA440] =	vst v63  }
0xf7: {  	_ = 	snop  }
0xf8: {  	[hbm4b:s1+s2] =	stream.linear.scatter [tilespmem:s2], [sflag:$0x3], $0x4E20, $0x38;
	[tilespmem:$0xA440] =	vst v63  }
0xf9: {  	_ =	swait.ge [sflag:s30], $0x4E20  }
0xfa: {  	[sflag:s30] =	ssyncset.done $0x0  }
0xfb: {  	[sflag:s30] =	ssyncadd.s32 $0xFFFFB1E0  }
0xfc: {  	_ =	swait.ge [sflag:s31], $0x4E20  }
0xfd: {  	s0 =	sld [smem:$0x7D3]  }
0xfe: {  	[sflag:s31] =	ssyncset.done $0x0  }
0xff: {  	s1 =	sld [smem:$0x7D4];
	[sflag:s31] =	ssyncadd.s32 $0xFFFFB1E0  }
0x100: {  	[tilespmem:s2], [sflag:$0x1] =	stream.linear.gather [hbm4b:s0+s2], $0x4E20, $0x38;
	[tilespmem:$0xA440] =	vst v63  }
0x101: {  	_ = 	snop  }
0x102: {  	[hbm4b:s1+s2] =	stream.linear.scatter [tilespmem:s29], [sflag:$0x3], $0x4E20, $0x38;
	[tilespmem:$0xA440] =	vst v63  }
0x103: {  	_ =	swait.ge [sflag:s30], $0x4E20  }
0x104: {  	[sflag:s30] =	ssyncset.done $0x0  }
0x105: {  	[sflag:s30] =	ssyncadd.s32 $0xFFFFB1E0  }
0x106: {  	_ =	swait.ge [sflag:s28], $0x4E20  }
0x107: {  	s0 =	sld [smem:$0x7D5]  }
0x108: {  	[sflag:s28] =	ssyncset.done $0x0  }
0x109: {  	s1 =	sld [smem:$0x7D6];
	[sflag:s28] =	ssyncadd.s32 $0xFFFFB1E0  }
0x10a: {  	[tilespmem:s29], [sflag:$0x2] =	stream.linear.gather [hbm4b:s0+s2], $0x4E20, $0x38;
	[tilespmem:$0xA440] =	vst v63  }
0x10b: {  	_ = 	snop  }
0x10c: {  	[hbm4b:s1+s2] =	stream.linear.scatter [tilespmem:s2], [sflag:$0x3], $0x4E20, $0x38;
	[tilespmem:$0xA440] =	vst v63  }
0x10d: {  	_ =	swait.ge [sflag:s30], $0x4E20  }
0x10e: {  	[sflag:s30] =	ssyncset.done $0x0  }
0x10f: {  	[sflag:s30] =	ssyncadd.s32 $0xFFFFB1E0  }
0x110: {  	_ =	swait.ge [sflag:s31], $0x4E20  }
0x111: {  	s0 =	sld [smem:$0x7D7]  }
0x112: {  	[sflag:s31] =	ssyncset.done $0x0  }
0x113: {  	s1 =	sld [smem:$0x7D8];
	[sflag:s31] =	ssyncadd.s32 $0xFFFFB1E0  }
0x114: {  	[tilespmem:s2], [sflag:$0x1] =	stream.linear.gather [hbm4b:s0+s2], $0x4E20, $0x38;
	[tilespmem:$0xA440] =	vst v63  }
0x115: {  	_ = 	snop  }
0x116: {  	[hbm4b:s1+s2] =	stream.linear.scatter [tilespmem:s29], [sflag:$0x3], $0x4E20, $0x38;
	[tilespmem:$0xA440] =	vst v63  }
0x117: {  	_ =	swait.ge [sflag:s30], $0x4E20  }
0x118: {  	[sflag:s30] =	ssyncset.done $0x0  }
0x119: {  	[sflag:s30] =	ssyncadd.s32 $0xFFFFB1E0  }
0x11a: {  	_ =	swait.ge [sflag:s28], $0x4E20  }
0x11b: {  	s0 =	sld [smem:$0x7D9]  }
0x11c: {  	[sflag:s28] =	ssyncset.done $0x0  }
0x11d: {  	s1 =	sld [smem:$0x7DA];
	[sflag:s28] =	ssyncadd.s32 $0xFFFFB1E0  }
0x11e: {  	[tilespmem:s29], [sflag:$0x2] =	stream.linear.gather [hbm4b:s0+s2], $0x4E20, $0x38;
	[tilespmem:$0xA440] =	vst v63  }
0x11f: {  	_ = 	snop  }
0x120: {  	[hbm4b:s1+s2] =	stream.linear.scatter [tilespmem:s2], [sflag:$0x3], $0x4E20, $0x38;
	[tilespmem:$0xA440] =	vst v63  }
0x121: {  	_ =	swait.ge [sflag:s30], $0x4E20  }
0x122: {  	[sflag:s30] =	ssyncset.done $0x0  }
0x123: {  	[sflag:s30] =	ssyncadd.s32 $0xFFFFB1E0  }
0x124: {  	_ =	swait.ge [sflag:s31], $0x4E20  }
0x125: {  	s0 =	sld [smem:$0x7DB]  }
0x126: {  	[sflag:s31] =	ssyncset.done $0x0  }
0x127: {  	s1 =	sld [smem:$0x7DC];
	[sflag:s31] =	ssyncadd.s32 $0xFFFFB1E0  }
0x128: {  	[tilespmem:s2], [sflag:$0x1] =	stream.linear.gather [hbm4b:s0+s2], $0x4E20, $0x38;
	[tilespmem:$0xA440] =	vst v63  }
0x129: {  	_ = 	snop  }
0x12a: {  	[hbm4b:s1+s2] =	stream.linear.scatter [tilespmem:s29], [sflag:$0x3], $0x4E20, $0x38;
	[tilespmem:$0xA440] =	vst v63  }
0x12b: {  	_ =	swait.ge [sflag:s30], $0x4E20  }
0x12c: {  	[sflag:s30] =	ssyncset.done $0x0  }
0x12d: {  	[sflag:s30] =	ssyncadd.s32 $0xFFFFB1E0  }
0x12e: {  	_ =	swait.ge [sflag:s28], $0x4E20  }
0x12f: {  	s0 =	sld [smem:$0x7DD]  }
0x130: {  	[sflag:s28] =	ssyncset.done $0x0  }
0x131: {  	s1 =	sld [smem:$0x7DE];
	[sflag:s28] =	ssyncadd.s32 $0xFFFFB1E0  }
0x132: {  	[tilespmem:s29], [sflag:$0x2] =	stream.linear.gather [hbm4b:s0+s2], $0x4E20, $0x38;
	[tilespmem:$0xA440] =	vst v63  }
0x133: {  	_ = 	snop  }
0x134: {  	[hbm4b:s1+s2] =	stream.linear.scatter [tilespmem:s2], [sflag:$0x3], $0x4E20, $0x38;
	[tilespmem:$0xA440] =	vst v63  }
0x135: {  	_ =	swait.ge [sflag:s30], $0x4E20  }
0x136: {  	[sflag:s30] =	ssyncset.done $0x0  }
0x137: {  	[sflag:s30] =	ssyncadd.s32 $0xFFFFB1E0  }
0x138: {  	_ =	swait.ge [sflag:s31], $0x4E20  }
0x139: {  	s0 =	sld [smem:$0x7DF]  }
0x13a: {  	[sflag:s31] =	ssyncset.done $0x0  }
0x13b: {  	s1 =	sld [smem:$0x7E0];
	[sflag:s31] =	ssyncadd.s32 $0xFFFFB1E0  }
0x13c: {  	[tilespmem:s2], [sflag:$0x1] =	stream.linear.gather [hbm4b:s0+s2], $0x4E20, $0x38;
	[tilespmem:$0xA440] =	vst v63  }
0x13d: {  	_ = 	snop  }
0x13e: {  	[hbm4b:s1+s2] =	stream.linear.scatter [tilespmem:s29], [sflag:$0x3], $0x4E20, $0x38;
	[tilespmem:$0xA440] =	vst v63  }
0x13f: {  	_ =	swait.ge [sflag:s30], $0x4E20  }
0x140: {  	[sflag:s30] =	ssyncset.done $0x0  }
0x141: {  	[sflag:s30] =	ssyncadd.s32 $0xFFFFB1E0  }
0x142: {  	_ =	swait.ge [sflag:s28], $0x4E20  }
0x143: {  	s0 =	sld [smem:$0x7E1]  }
0x144: {  	[sflag:s28] =	ssyncset.done $0x0  }
0x145: {  	s1 =	sld [smem:$0x7E2];
	[sflag:s28] =	ssyncadd.s32 $0xFFFFB1E0  }
0x146: {  	[tilespmem:s29], [sflag:$0x2] =	stream.linear.gather [hbm4b:s0+s2], $0x4E20, $0x38;
	[tilespmem:$0xA440] =	vst v63  }
0x147: {  	_ = 	snop  }
0x148: {  	[hbm4b:s1+s2] =	stream.linear.scatter [tilespmem:s2], [sflag:$0x3], $0x4E20, $0x38;
	[tilespmem:$0xA440] =	vst v63  }
0x149: {  	_ =	swait.ge [sflag:s30], $0x4E20  }
0x14a: {  	[sflag:s30] =	ssyncset.done $0x0  }
0x14b: {  	[sflag:s30] =	ssyncadd.s32 $0xFFFFB1E0  }
0x14c: {  	_ =	swait.ge [sflag:s31], $0x4E20  }
0x14d: {  	s0 =	sld [smem:$0x7E3]  }
0x14e: {  	[sflag:s31] =	ssyncset.done $0x0  }
0x14f: {  	s1 =	sld [smem:$0x7E4];
	[sflag:s31] =	ssyncadd.s32 $0xFFFFB1E0  }
0x150: {  	[tilespmem:s2], [sflag:$0x1] =	stream.linear.gather [hbm4b:s0+s2], $0x4E20, $0x38;
	[tilespmem:$0xA440] =	vst v63  }
0x151: {  	_ = 	snop  }
0x152: {  	[hbm4b:s1+s2] =	stream.linear.scatter [tilespmem:s29], [sflag:$0x3], $0x4E20, $0x38;
	[tilespmem:$0xA440] =	vst v63  }
0x153: {  	_ =	swait.ge [sflag:s30], $0x4E20  }
0x154: {  	[sflag:s30] =	ssyncset.done $0x0  }
0x155: {  	[sflag:s30] =	ssyncadd.s32 $0xFFFFB1E0  }
0x156: {  	_ =	swait.ge [sflag:s28], $0x4E20  }
0x157: {  	s0 =	sld [smem:$0x7E5]  }
0x158: {  	[sflag:s28] =	ssyncset.done $0x0  }
0x159: {  	s1 =	sld [smem:$0x7E6];
	[sflag:s28] =	ssyncadd.s32 $0xFFFFB1E0  }
0x15a: {  	[tilespmem:s29], [sflag:$0x2] =	stream.linear.gather [hbm4b:s0+s2], $0x4E20, $0x38;
	[tilespmem:$0xA440] =	vst v63  }
0x15b: {  	_ = 	snop  }
0x15c: {  	[hbm4b:s1+s2] =	stream.linear.scatter [tilespmem:s2], [sflag:$0x3], $0x4E20, $0x38;
	[tilespmem:$0xA440] =	vst v63  }
0x15d: {  	_ =	swait.ge [sflag:s30], $0x4E20  }
0x15e: {  	[sflag:s30] =	ssyncset.done $0x0  }
0x15f: {  	[sflag:s30] =	ssyncadd.s32 $0xFFFFB1E0  }
0x160: {  	_ =	swait.ge [sflag:s31], $0x4E20  }
0x161: {  	s0 =	sld [smem:$0x7E7]  }
0x162: {  	[sflag:s31] =	ssyncset.done $0x0  }
0x163: {  	s1 =	sld [smem:$0x7E8];
	[sflag:s31] =	ssyncadd.s32 $0xFFFFB1E0  }
0x164: {  	[tilespmem:s2], [sflag:$0x1] =	stream.linear.gather [hbm4b:s0+s2], $0x4E20, $0x38;
	[tilespmem:$0xA440] =	vst v63  }
0x165: {  	_ = 	snop  }
0x166: {  	[hbm4b:s1+s2] =	stream.linear.scatter [tilespmem:s29], [sflag:$0x3], $0x4E20, $0x38;
	[tilespmem:$0xA440] =	vst v63  }
0x167: {  	_ =	swait.ge [sflag:s30], $0x4E20  }
0x168: {  	[sflag:s30] =	ssyncset.done $0x0  }
0x169: {  	[sflag:s30] =	ssyncadd.s32 $0xFFFFB1E0  }
0x16a: {  	_ =	swait.ge [sflag:s28], $0x4E20  }
0x16b: {  	s0 =	sld [smem:$0x7E9]  }
0x16c: {  	[sflag:s28] =	ssyncset.done $0x0  }
0x16d: {  	s1 =	sld [smem:$0x7EA];
	[sflag:s28] =	ssyncadd.s32 $0xFFFFB1E0  }
0x16e: {  	[tilespmem:s29], [sflag:$0x2] =	stream.linear.gather [hbm4b:s0+s2], $0x4E20, $0x38;
	[tilespmem:$0xA440] =	vst v63  }
0x16f: {  	_ = 	snop  }
0x170: {  	[hbm4b:s1+s2] =	stream.linear.scatter [tilespmem:s2], [sflag:$0x3], $0x4E20, $0x38;
	[tilespmem:$0xA440] =	vst v63  }
0x171: {  	_ =	swait.ge [sflag:s30], $0x4E20  }
0x172: {  	[sflag:s30] =	ssyncset.done $0x0  }
0x173: {  	[sflag:s30] =	ssyncadd.s32 $0xFFFFB1E0  }
0x174: {  	_ =	swait.ge [sflag:s31], $0x4E20  }
0x175: {  	s0 =	sld [smem:$0x7EB]  }
0x176: {  	[sflag:s31] =	ssyncset.done $0x0  }
0x177: {  	s1 =	sld [smem:$0x7EC];
	[sflag:s31] =	ssyncadd.s32 $0xFFFFB1E0  }
0x178: {  	[tilespmem:s2], [sflag:$0x1] =	stream.linear.gather [hbm4b:s0+s2], $0x4E20, $0x38;
	[tilespmem:$0xA440] =	vst v63  }
0x179: {  	_ = 	snop  }
0x17a: {  	[hbm4b:s1+s2] =	stream.linear.scatter [tilespmem:s29], [sflag:$0x3], $0x4E20, $0x38;
	[tilespmem:$0xA440] =	vst v63  }
0x17b: {  	_ =	swait.ge [sflag:s30], $0x4E20  }
0x17c: {  	[sflag:s30] =	ssyncset.done $0x0  }
0x17d: {  	[sflag:s30] =	ssyncadd.s32 $0xFFFFB1E0  }
0x17e: {  	_ =	swait.ge [sflag:s28], $0x4E20  }
0x17f: {  	s0 =	sld [smem:$0x7ED]  }
0x180: {  	[sflag:s28] =	ssyncset.done $0x0  }
0x181: {  	s1 =	sld [smem:$0x7EE];
	[sflag:s28] =	ssyncadd.s32 $0xFFFFB1E0  }
0x182: {  	[tilespmem:s29], [sflag:$0x2] =	stream.linear.gather [hbm4b:s0+s2], $0x4E20, $0x38;
	[tilespmem:$0xA440] =	vst v63  }
0x183: {  	_ = 	snop  }
0x184: {  	[hbm4b:s1+s2] =	stream.linear.scatter [tilespmem:s2], [sflag:$0x3], $0x4E20, $0x38;
	[tilespmem:$0xA440] =	vst v63  }
0x185: {  	_ =	swait.ge [sflag:s30], $0x4E20  }
0x186: {  	[sflag:s30] =	ssyncset.done $0x0  }
0x187: {  	[sflag:s30] =	ssyncadd.s32 $0xFFFFB1E0  }
0x188: {  	_ =	swait.ge [sflag:s31], $0x4E20  }
0x189: {  	s0 =	sld [smem:$0x7EF]  }
0x18a: {  	[sflag:s31] =	ssyncset.done $0x0  }
0x18b: {  	s1 =	sld [smem:$0x7F0];
	[sflag:s31] =	ssyncadd.s32 $0xFFFFB1E0  }
0x18c: {  	[tilespmem:s2], [sflag:$0x1] =	stream.linear.gather [hbm4b:s0+s2], $0x4E20, $0x38;
	[tilespmem:$0xA440] =	vst v63  }
0x18d: {  	_ = 	snop  }
0x18e: {  	[hbm4b:s1+s2] =	stream.linear.scatter [tilespmem:s29], [sflag:$0x3], $0x4E20, $0x38;
	[tilespmem:$0xA440] =	vst v63  }
0x18f: {  	_ =	swait.ge [sflag:s30], $0x4E20  }
0x190: {  	[sflag:s30] =	ssyncset.done $0x0  }
0x191: {  	[sflag:s30] =	ssyncadd.s32 $0xFFFFB1E0  }
0x192: {  	_ =	swait.ge [sflag:s28], $0x4E20  }
0x193: {  	s0 =	sld [smem:$0x7F1]  }
0x194: {  	[sflag:s28] =	ssyncset.done $0x0  }
0x195: {  	s1 =	sld [smem:$0x7F2];
	[sflag:s28] =	ssyncadd.s32 $0xFFFFB1E0  }
0x196: {  	[tilespmem:s29], [sflag:$0x2] =	stream.linear.gather [hbm4b:s0+s2], $0x4E20, $0x38;
	[tilespmem:$0xA440] =	vst v63  }
0x197: {  	_ = 	snop  }
0x198: {  	[hbm4b:s1+s2] =	stream.linear.scatter [tilespmem:s2], [sflag:$0x3], $0x4E20, $0x38;
	[tilespmem:$0xA440] =	vst v63  }
0x199: {  	_ =	swait.ge [sflag:s30], $0x4E20  }
0x19a: {  	[sflag:s30] =	ssyncset.done $0x0  }
0x19b: {  	[sflag:s30] =	ssyncadd.s32 $0xFFFFB1E0  }
0x19c: {  	_ =	swait.ge [sflag:s31], $0x4E20  }
0x19d: {  	s0 =	sld [smem:$0x7F3]  }
0x19e: {  	[sflag:s31] =	ssyncset.done $0x0  }
0x19f: {  	s1 =	sld [smem:$0x7F4];
	[sflag:s31] =	ssyncadd.s32 $0xFFFFB1E0  }
0x1a0: {  	[tilespmem:s2], [sflag:$0x1] =	stream.linear.gather [hbm4b:s0+s2], $0x4E20, $0x38;
	[tilespmem:$0xA440] =	vst v63  }
0x1a1: {  	_ = 	snop  }
0x1a2: {  	[hbm4b:s1+s2] =	stream.linear.scatter [tilespmem:s29], [sflag:$0x3], $0x4E20, $0x38;
	[tilespmem:$0xA440] =	vst v63  }
0x1a3: {  	_ =	swait.ge [sflag:s30], $0x4E20  }
0x1a4: {  	[sflag:s30] =	ssyncset.done $0x0  }
0x1a5: {  	[sflag:s30] =	ssyncadd.s32 $0xFFFFB1E0  }
0x1a6: {  	_ =	swait.ge [sflag:s28], $0x4E20  }
0x1a7: {  	s0 =	sld [smem:$0x7F5]  }
0x1a8: {  	[sflag:s28] =	ssyncset.done $0x0  }
0x1a9: {  	s1 =	sld [smem:$0x7F6];
	[sflag:s28] =	ssyncadd.s32 $0xFFFFB1E0  }
0x1aa: {  	[tilespmem:s29], [sflag:$0x2] =	stream.linear.gather [hbm4b:s0+s2], $0x4E20, $0x38;
	[tilespmem:$0xA440] =	vst v63  }
0x1ab: {  	_ = 	snop  }
0x1ac: {  	[hbm4b:s1+s2] =	stream.linear.scatter [tilespmem:s2], [sflag:$0x3], $0x4E20, $0x38;
	[tilespmem:$0xA440] =	vst v63  }
0x1ad: {  	_ =	swait.ge [sflag:s30], $0x4E20  }
0x1ae: {  	[sflag:s30] =	ssyncset.done $0x0  }
0x1af: {  	[sflag:s30] =	ssyncadd.s32 $0xFFFFB1E0  }
0x1b0: {  	_ =	swait.ge [sflag:s31], $0x4E20  }
0x1b1: {  	s0 =	sld [smem:$0x7F7]  }
0x1b2: {  	[sflag:s31] =	ssyncset.done $0x0  }
0x1b3: {  	s1 =	sld [smem:$0x7F8];
	[sflag:s31] =	ssyncadd.s32 $0xFFFFB1E0  }
0x1b4: {  	[tilespmem:s2], [sflag:$0x1] =	stream.linear.gather [hbm4b:s0+s2], $0x4E20, $0x38;
	[tilespmem:$0xA440] =	vst v63  }
0x1b5: {  	_ = 	snop  }
0x1b6: {  	[hbm4b:s1+s2] =	stream.linear.scatter [tilespmem:s29], [sflag:$0x3], $0x4E20, $0x38;
	[tilespmem:$0xA440] =	vst v63  }
0x1b7: {  	_ =	swait.ge [sflag:s30], $0x4E20  }
0x1b8: {  	[sflag:s30] =	ssyncset.done $0x0  }
0x1b9: {  	[sflag:s30] =	ssyncadd.s32 $0xFFFFB1E0  }
0x1ba: {  	_ =	swait.ge [sflag:s28], $0x4E20  }
0x1bb: {  	s0 =	sld [smem:$0x7F9]  }
0x1bc: {  	[sflag:s28] =	ssyncset.done $0x0  }
0x1bd: {  	s1 =	sld [smem:$0x7FA];
	[sflag:s28] =	ssyncadd.s32 $0xFFFFB1E0  }
0x1be: {  	[tilespmem:s29], [sflag:$0x2] =	stream.linear.gather [hbm4b:s0+s2], $0x4E20, $0x38;
	[tilespmem:$0xA440] =	vst v63  }
0x1bf: {  	_ = 	snop  }
0x1c0: {  	[hbm4b:s1+s2] =	stream.linear.scatter [tilespmem:s2], [sflag:$0x3], $0x4E20, $0x38;
	[tilespmem:$0xA440] =	vst v63  }
0x1c1: {  	_ =	swait.ge [sflag:s30], $0x4E20  }
0x1c2: {  	[sflag:s30] =	ssyncset.done $0x0  }
0x1c3: {  	[sflag:s30] =	ssyncadd.s32 $0xFFFFB1E0  }
0x1c4: {  	_ =	swait.ge [sflag:s31], $0x4E20  }
0x1c5: {  	s0 =	sld [smem:$0x7FB]  }
0x1c6: {  	[sflag:s31] =	ssyncset.done $0x0  }
0x1c7: {  	s1 =	sld [smem:$0x7FC];
	[sflag:s31] =	ssyncadd.s32 $0xFFFFB1E0  }
0x1c8: {  	[tilespmem:s2], [sflag:$0x1] =	stream.linear.gather [hbm4b:s0+s2], $0x4E20, $0x38;
	[tilespmem:$0xA440] =	vst v63  }
0x1c9: {  	_ = 	snop  }
0x1ca: {  	[hbm4b:s1+s2] =	stream.linear.scatter [tilespmem:s29], [sflag:$0x3], $0x4E20, $0x38;
	[tilespmem:$0xA440] =	vst v63  }
0x1cb: {  	_ =	swait.ge [sflag:s30], $0x4E20  }
0x1cc: {  	[sflag:s30] =	ssyncset.done $0x0  }
0x1cd: {  	[sflag:s30] =	ssyncadd.s32 $0xFFFFB1E0  }
0x1ce: {  	_ =	swait.ge [sflag:s28], $0x4E20  }
0x1cf: {  	s1 =	sld [smem:$0x7FD]  }
0x1d0: {  	[sflag:s28] =	ssyncset.done $0x0  }
0x1d1: {  	[sflag:s28] =	ssyncadd.s32 $0xFFFFB1E0  }
0x1d2: {  	[tilespmem:s29], [sflag:$0x2] =	stream.linear.gather [hbm4b:s1+s2], $0x4E20, $0x38;
	[tilespmem:$0xA440] =	vst v63  }
0x1d3: {  	_ = 	snop  }
0x1d4: {  	[hbm4b:s3+s2] =	stream.linear.scatter [tilespmem:s2], [sflag:$0x3], $0x4E20, $0x38;
	[tilespmem:$0xA440] =	vst v63  }
0x1d5: {  	_ =	swait.ge [sflag:s30], $0x4E20  }
0x1d6: {  	[sflag:s30] =	ssyncset.done $0x0  }
0x1d7: {  	[sflag:s30] =	ssyncadd.s32 $0xFFFFB1E0  }
0x1d8: {  	_ =	swait.ge [sflag:s31], $0x4E20  }
0x1d9: {  	[sflag:s31] =	ssyncset.done $0x0  }
0x1da: {  	[sflag:s31] =	ssyncadd.s32 $0xFFFFB1E0  }
0x1db: {  	[tilespmem:s2], [sflag:$0x1] =	stream.linear.gather [hbm4b:s4+s2], $0x4E20, $0x38;
	[tilespmem:$0xA440] =	vst v63  }
0x1dc: {  	_ = 	snop  }
0x1dd: {  	[hbm4b:s5+s2] =	stream.linear.scatter [tilespmem:s29], [sflag:$0x3], $0x4E20, $0x38;
	[tilespmem:$0xA440] =	vst v63  }
0x1de: {  	_ =	swait.ge [sflag:s30], $0x4E20  }
0x1df: {  	[sflag:s30] =	ssyncset.done $0x0  }
0x1e0: {  	[sflag:s30] =	ssyncadd.s32 $0xFFFFB1E0  }
0x1e1: {  	_ =	swait.ge [sflag:s28], $0x4E20  }
0x1e2: {  	[sflag:s28] =	ssyncset.done $0x0  }
0x1e3: {  	[sflag:s28] =	ssyncadd.s32 $0xFFFFB1E0  }
0x1e4: {  	[tilespmem:s29], [sflag:$0x2] =	stream.linear.gather [hbm4b:s6+s2], $0x4E20, $0x38;
	[tilespmem:$0xA440] =	vst v63  }
0x1e5: {  	_ = 	snop  }
0x1e6: {  	[hbm4b:s7+s2] =	stream.linear.scatter [tilespmem:s2], [sflag:$0x3], $0x4E20, $0x38;
	[tilespmem:$0xA440] =	vst v63  }
0x1e7: {  	_ =	swait.ge [sflag:s30], $0x4E20  }
0x1e8: {  	[sflag:s30] =	ssyncset.done $0x0  }
0x1e9: {  	[sflag:s30] =	ssyncadd.s32 $0xFFFFB1E0  }
0x1ea: {  	_ =	swait.ge [sflag:s31], $0x4E20  }
0x1eb: {  	[sflag:s31] =	ssyncset.done $0x0  }
0x1ec: {  	[sflag:s31] =	ssyncadd.s32 $0xFFFFB1E0  }
0x1ed: {  	[tilespmem:s2], [sflag:$0x1] =	stream.linear.gather [hbm4b:s8+s2], $0x4E20, $0x38;
	[tilespmem:$0xA440] =	vst v63  }
0x1ee: {  	_ = 	snop  }
0x1ef: {  	[hbm4b:s9+s2] =	stream.linear.scatter [tilespmem:s29], [sflag:$0x3], $0x4E20, $0x38;
	[tilespmem:$0xA440] =	vst v63  }
0x1f0: {  	_ =	swait.ge [sflag:s30], $0x4E20  }
0x1f1: {  	[sflag:s30] =	ssyncset.done $0x0  }
0x1f2: {  	[sflag:s30] =	ssyncadd.s32 $0xFFFFB1E0  }
0x1f3: {  	_ =	swait.ge [sflag:s28], $0x4E20  }
0x1f4: {  	[sflag:s28] =	ssyncset.done $0x0  }
0x1f5: {  	[sflag:s28] =	ssyncadd.s32 $0xFFFFB1E0  }
0x1f6: {  	[tilespmem:s29], [sflag:$0x2] =	stream.linear.gather [hbm4b:s10+s2], $0x4E20, $0x38;
	[tilespmem:$0xA440] =	vst v63  }
0x1f7: {  	_ = 	snop  }
0x1f8: {  	[hbm4b:s11+s2] =	stream.linear.scatter [tilespmem:s2], [sflag:$0x3], $0x4E20, $0x38;
	[tilespmem:$0xA440] =	vst v63  }
0x1f9: {  	_ =	swait.ge [sflag:s30], $0x4E20  }
0x1fa: {  	[sflag:s30] =	ssyncset.done $0x0  }
0x1fb: {  	[sflag:s30] =	ssyncadd.s32 $0xFFFFB1E0  }
0x1fc: {  	_ =	swait.ge [sflag:s31], $0x4E20  }
0x1fd: {  	[sflag:s31] =	ssyncset.done $0x0  }
0x1fe: {  	[sflag:s31] =	ssyncadd.s32 $0xFFFFB1E0  }
0x1ff: {  	[tilespmem:s2], [sflag:$0x1] =	stream.linear.gather [hbm4b:s12+s2], $0x4E20, $0x38;
	[tilespmem:$0xA440] =	vst v63  }
0x200: {  	_ = 	snop  }
0x201: {  	[hbm4b:s13+s2] =	stream.linear.scatter [tilespmem:s29], [sflag:$0x3], $0x4E20, $0x38;
	[tilespmem:$0xA440] =	vst v63  }
0x202: {  	_ =	swait.ge [sflag:s30], $0x4E20  }
0x203: {  	[sflag:s30] =	ssyncset.done $0x0  }
0x204: {  	[sflag:s30] =	ssyncadd.s32 $0xFFFFB1E0  }
0x205: {  	_ =	swait.ge [sflag:s28], $0x4E20  }
0x206: {  	[sflag:s28] =	ssyncset.done $0x0  }
0x207: {  	[sflag:s28] =	ssyncadd.s32 $0xFFFFB1E0  }
0x208: {  	[tilespmem:s29], [sflag:$0x2] =	stream.linear.gather [hbm4b:s14+s2], $0x4E20, $0x38;
	[tilespmem:$0xA440] =	vst v63  }
0x209: {  	_ = 	snop  }
0x20a: {  	[hbm4b:s15+s2] =	stream.linear.scatter [tilespmem:s2], [sflag:$0x3], $0x4E20, $0x38;
	[tilespmem:$0xA440] =	vst v63  }
0x20b: {  	_ =	swait.ge [sflag:s30], $0x4E20  }
0x20c: {  	[sflag:s30] =	ssyncset.done $0x0  }
0x20d: {  	[sflag:s30] =	ssyncadd.s32 $0xFFFFB1E0  }
0x20e: {  	_ =	swait.ge [sflag:s31], $0x4E20  }
0x20f: {  	[sflag:s31] =	ssyncset.done $0x0  }
0x210: {  	[sflag:s31] =	ssyncadd.s32 $0xFFFFB1E0  }
0x211: {  	[tilespmem:s2], [sflag:$0x1] =	stream.linear.gather [hbm4b:s16+s2], $0x4E20, $0x38;
	[tilespmem:$0xA440] =	vst v63  }
0x212: {  	_ = 	snop  }
0x213: {  	[hbm4b:s17+s2] =	stream.linear.scatter [tilespmem:s29], [sflag:$0x3], $0x4E20, $0x38;
	[tilespmem:$0xA440] =	vst v63  }
0x214: {  	_ =	swait.ge [sflag:s30], $0x4E20  }
0x215: {  	[sflag:s30] =	ssyncset.done $0x0  }
0x216: {  	[sflag:s30] =	ssyncadd.s32 $0xFFFFB1E0  }
0x217: {  	_ =	swait.ge [sflag:s28], $0x4E20  }
0x218: {  	[sflag:s28] =	ssyncset.done $0x0  }
0x219: {  	[sflag:s28] =	ssyncadd.s32 $0xFFFFB1E0  }
0x21a: {  	[tilespmem:s29], [sflag:$0x2] =	stream.linear.gather [hbm4b:s18+s2], $0x4E20, $0x38;
	[tilespmem:$0xA440] =	vst v63  }
0x21b: {  	_ = 	snop  }
0x21c: {  	[hbm4b:s19+s2] =	stream.linear.scatter [tilespmem:s2], [sflag:$0x3], $0x4E20, $0x38;
	[tilespmem:$0xA440] =	vst v63  }
0x21d: {  	_ =	swait.ge [sflag:s30], $0x4E20  }
0x21e: {  	[sflag:s30] =	ssyncset.done $0x0  }
0x21f: {  	[sflag:s30] =	ssyncadd.s32 $0xFFFFB1E0  }
0x220: {  	_ =	swait.ge [sflag:s31], $0x4E20  }
0x221: {  	[sflag:s31] =	ssyncset.done $0x0  }
0x222: {  	[sflag:s31] =	ssyncadd.s32 $0xFFFFB1E0  }
0x223: {  	[tilespmem:s2], [sflag:$0x1] =	stream.linear.gather [hbm4b:s21+s2], $0x4E20, $0x38;
	[tilespmem:$0xA440] =	vst v63  }
0x224: {  	_ = 	snop  }
0x225: {  	[hbm4b:s20+s2] =	stream.linear.scatter [tilespmem:s29], [sflag:$0x3], $0x4E20, $0x38;
	[tilespmem:$0xA440] =	vst v63  }
0x226: {  	_ =	swait.ge [sflag:s30], $0x4E20  }
0x227: {  	[sflag:s30] =	ssyncset.done $0x0  }
0x228: {  	[sflag:s30] =	ssyncadd.s32 $0xFFFFB1E0  }
0x229: {  	_ =	swait.ge [sflag:s28], $0x4E20  }
0x22a: {  	[sflag:s28] =	ssyncset.done $0x0  }
0x22b: {  	[sflag:s28] =	ssyncadd.s32 $0xFFFFB1E0  }
0x22c: {  	[tilespmem:s29], [sflag:$0x2] =	stream.linear.gather [hbm4b:s22+s2], $0x4E20, $0x38;
	[tilespmem:$0xA440] =	vst v63  }
0x22d: {  	_ = 	snop  }
0x22e: {  	[hbm4b:s23+s2] =	stream.linear.scatter [tilespmem:s2], [sflag:$0x3], $0x4E20, $0x38;
	[tilespmem:$0xA440] =	vst v63  }
0x22f: {  	_ =	swait.ge [sflag:s30], $0x4E20  }
0x230: {  	[sflag:s30] =	ssyncset.done $0x0  }
0x231: {  	[sflag:s30] =	ssyncadd.s32 $0xFFFFB1E0  }
0x232: {  	_ =	swait.ge [sflag:s31], $0x4E20  }
0x233: {  	[sflag:s31] =	ssyncset.done $0x0  }
0x234: {  	[sflag:s31] =	ssyncadd.s32 $0xFFFFB1E0  }
0x235: {  	[hbm4b:s24+s2] =	stream.linear.scatter [tilespmem:s29], [sflag:$0x3], $0x4E20, $0x38;
	[tilespmem:$0xA440] =	vst v63  }
0x236: {  	_ =	swait.ge [sflag:s30], $0x4E20  }
0x237: {  	[sflag:s30] =	ssyncset.done $0x0  }
0x238: {  	[sflag:s30] =	ssyncadd.s32 $0xFFFFB1E0  }
0x239: {  	[tilespmem:$0x9C40] =	vst v0  }
0x23a: {  	[tilespmem:$0x9C50] =	vst v0  }
0x23b: {  	[tilespmem:$0x9C60] =	vst v0  }
0x23c: {  	[tilespmem:$0x9C70] =	vst v0  }
0x23d: {  	[tilespmem:$0x9C80] =	vst v0  }
0x23e: {  	[tilespmem:$0x9C90] =	vst v0  }
0x23f: {  	[tilespmem:$0x9CA0] =	vst v0  }
0x240: {  	[tilespmem:$0x9CB0] =	vst v0  }
0x241: {  	[tilespmem:$0x9CC0] =	vst v0  }
0x242: {  	[tilespmem:$0x9CD0] =	vst v0  }
0x243: {  	[tilespmem:$0x9CE0] =	vst v0  }
0x244: {  	[tilespmem:$0x9CF0] =	vst v0  }
0x245: {  	[tilespmem:$0x9D00] =	vst v0  }
0x246: {  	[tilespmem:$0x9D10] =	vst v0  }
0x247: {  	[tilespmem:$0x9D20] =	vst v0  }
0x248: {  	[tilespmem:$0x9D30] =	vst v0  }
0x249: {  	[tilespmem:$0x9D40] =	vst v0  }
0x24a: {  	[tilespmem:$0x9D50] =	vst v0  }
0x24b: {  	[tilespmem:$0x9D60] =	vst v0  }
0x24c: {  	[tilespmem:$0x9D70] =	vst v0  }
0x24d: {  	[tilespmem:$0x9D80] =	vst v0  }
0x24e: {  	[tilespmem:$0x9D90] =	vst v0  }
0x24f: {  	[tilespmem:$0x9DA0] =	vst v0  }
0x250: {  	[tilespmem:$0x9DB0] =	vst v0  }
0x251: {  	[tilespmem:$0x9DC0] =	vst v0  }
0x252: {  	[tilespmem:$0x9DD0] =	vst v0  }
0x253: {  	[tilespmem:$0x9DE0] =	vst v0  }
0x254: {  	[tilespmem:$0x9DF0] =	vst v0  }
0x255: {  	[tilespmem:$0x9E00] =	vst v0  }
0x256: {  	[tilespmem:$0x9E10] =	vst v0  }
0x257: {  	[tilespmem:$0x9E20] =	vst v0  }
0x258: {  	[tilespmem:$0x9E30] =	vst v0  }
0x259: {  	[tilespmem:$0x9E40] =	vst v0  }
0x25a: {  	[tilespmem:$0x9E50] =	vst v0  }
0x25b: {  	[tilespmem:$0x9E60] =	vst v0  }
0x25c: {  	[tilespmem:$0x9E70] =	vst v0  }
0x25d: {  	[tilespmem:$0x9E80] =	vst v0  }
0x25e: {  	[tilespmem:$0x9E90] =	vst v0  }
0x25f: {  	[tilespmem:$0x9EA0] =	vst v0  }
0x260: {  	[tilespmem:$0x9EB0] =	vst v0  }
0x261: {  	[tilespmem:$0x9EC0] =	vst v0  }
0x262: {  	[tilespmem:$0x9ED0] =	vst v0  }
0x263: {  	[tilespmem:$0x9EE0] =	vst v0  }
0x264: {  	[tilespmem:$0x9EF0] =	vst v0  }
0x265: {  	[tilespmem:$0x9F00] =	vst v0  }
0x266: {  	[tilespmem:$0x9F10] =	vst v0  }
0x267: {  	[tilespmem:$0x9F20] =	vst v0  }
0x268: {  	[tilespmem:$0x9F30] =	vst v0  }
0x269: {  	[tilespmem:$0x9F40] =	vst v0  }
0x26a: {  	[tilespmem:$0x9F50] =	vst v0  }
0x26b: {  	[tilespmem:$0x9F60] =	vst v0  }
0x26c: {  	[tilespmem:$0x9F70] =	vst v0  }
0x26d: {  	[tilespmem:$0x9F80] =	vst v0  }
0x26e: {  	[tilespmem:$0x9F90] =	vst v0  }
0x26f: {  	[tilespmem:$0x9FA0] =	vst v0  }
0x270: {  	[tilespmem:$0x9FB0] =	vst v0  }
0x271: {  	[tilespmem:$0x9FC0] =	vst v0  }
0x272: {  	[tilespmem:$0x9FD0] =	vst v0  }
0x273: {  	[tilespmem:$0x9FE0] =	vst v0  }
0x274: {  	[tilespmem:$0x9FF0] =	vst v0  }
0x275: {  	[tilespmem:$0xA000] =	vst v0  }
0x276: {  	[tilespmem:$0xA010] =	vst v0  }
0x277: {  	[tilespmem:$0xA020] =	vst v0  }
0x278: {  	[tilespmem:$0xA030] =	vst v0  }
0x279: {  	[tilespmem:$0xA040] =	vst v0  }
0x27a: {  	[tilespmem:$0xA050] =	vst v0  }
0x27b: {  	[tilespmem:$0xA060] =	vst v0  }
0x27c: {  	[tilespmem:$0xA070] =	vst v0  }
0x27d: {  	[tilespmem:$0xA080] =	vst v0  }
0x27e: {  	[tilespmem:$0xA090] =	vst v0  }
0x27f: {  	[tilespmem:$0xA0A0] =	vst v0  }
0x280: {  	[tilespmem:$0xA0B0] =	vst v0  }
0x281: {  	[tilespmem:$0xA0C0] =	vst v0  }
0x282: {  	[tilespmem:$0xA0D0] =	vst v0  }
0x283: {  	[tilespmem:$0xA0E0] =	vst v0  }
0x284: {  	[tilespmem:$0xA0F0] =	vst v0  }
0x285: {  	[tilespmem:$0xA100] =	vst v0  }
0x286: {  	[tilespmem:$0xA110] =	vst v0  }
0x287: {  	[tilespmem:$0xA120] =	vst v0  }
0x288: {  	[tilespmem:$0xA130] =	vst v0  }
0x289: {  	[tilespmem:$0xA140] =	vst v0  }
0x28a: {  	[tilespmem:$0xA150] =	vst v0  }
0x28b: {  	[tilespmem:$0xA160] =	vst v0  }
0x28c: {  	[tilespmem:$0xA170] =	vst v0  }
0x28d: {  	[tilespmem:$0xA180] =	vst v0  }
0x28e: {  	[tilespmem:$0xA190] =	vst v0  }
0x28f: {  	[tilespmem:$0xA1A0] =	vst v0  }
0x290: {  	[tilespmem:$0xA1B0] =	vst v0  }
0x291: {  	[tilespmem:$0xA1C0] =	vst v0  }
0x292: {  	[tilespmem:$0xA1D0] =	vst v0  }
0x293: {  	[tilespmem:$0xA1E0] =	vst v0  }
0x294: {  	[tilespmem:$0xA1F0] =	vst v0  }
0x295: {  	[tilespmem:$0xA200] =	vst v0  }
0x296: {  	[tilespmem:$0xA210] =	vst v0  }
0x297: {  	[tilespmem:$0xA220] =	vst v0  }
0x298: {  	[tilespmem:$0xA230] =	vst v0  }
0x299: {  	[tilespmem:$0xA240] =	vst v0  }
0x29a: {  	[tilespmem:$0xA250] =	vst v0  }
0x29b: {  	[tilespmem:$0xA260] =	vst v0  }
0x29c: {  	[tilespmem:$0xA270] =	vst v0  }
0x29d: {  	[tilespmem:$0xA280] =	vst v0  }
0x29e: {  	[tilespmem:$0xA290] =	vst v0  }
0x29f: {  	[tilespmem:$0xA2A0] =	vst v0  }
0x2a0: {  	[tilespmem:$0xA2B0] =	vst v0  }
0x2a1: {  	[tilespmem:$0xA2C0] =	vst v0  }
0x2a2: {  	[tilespmem:$0xA2D0] =	vst v0  }
0x2a3: {  	[tilespmem:$0xA2E0] =	vst v0  }
0x2a4: {  	[tilespmem:$0xA2F0] =	vst v0  }
0x2a5: {  	[tilespmem:$0xA300] =	vst v0  }
0x2a6: {  	[tilespmem:$0xA310] =	vst v0  }
0x2a7: {  	[tilespmem:$0xA320] =	vst v0  }
0x2a8: {  	[tilespmem:$0xA330] =	vst v0  }
0x2a9: {  	[tilespmem:$0xA340] =	vst v0  }
0x2aa: {  	[tilespmem:$0xA350] =	vst v0  }
0x2ab: {  	[tilespmem:$0xA360] =	vst v0  }
0x2ac: {  	[tilespmem:$0xA370] =	vst v0  }
0x2ad: {  	[tilespmem:$0xA380] =	vst v0  }
0x2ae: {  	[tilespmem:$0xA390] =	vst v0  }
0x2af: {  	[tilespmem:$0xA3A0] =	vst v0  }
0x2b0: {  	[tilespmem:$0xA3B0] =	vst v0  }
0x2b1: {  	[tilespmem:$0xA3C0] =	vst v0  }
0x2b2: {  	[tilespmem:$0xA3D0] =	vst v0  }
0x2b3: {  	[tilespmem:$0xA3E0] =	vst v0  }
0x2b4: {  	[tilespmem:$0xA3F0] =	vst v0  }
0x2b5: {  	[tilespmem:$0xA400] =	vst v0  }
0x2b6: {  	[tilespmem:$0xA410] =	vst v0  }
0x2b7: {  	p0 =	sne.s32 s26, $0x1;
	[tilespmem:$0xA420] =	vst v0  }
.Ltmp0:
0x2b8: {  	s1 =	simm.s32 $0x9C40;
	[tilespmem:$0xA430] =	vst v0;
	(pc) =	sbr.rel @p0 .LBB2_1-.Ltmp0, $4  }
0x2b9: {  	[hbm4b:s25+s2] =	stream.linear.scatter [tilespmem:s1], [sflag:$0x3], $0x800, $0x38;
	[tilespmem:$0xA440] =	vst v63  }
0x2ba: {  	_ =	swait.ge [sflag:s30], $0x800  }
0x2bb: {  	[sflag:s30] =	ssyncset.done $0x0  }
0x2bc: {  	s26 =	sadd.s32 $0xFFFFFFFF, s26;
	[sflag:s30] =	ssyncadd.s32 $0xFFFFF800  }
0x2bd: {  	_ =	sfence.sel $0x180000  }
0x2be: {  	[bflag:$0x0] =	sbarrier.arrive $0xFFFF  }
0x2bf: {  	_ =	strace $0x90000047  }
0x2c0: {  	s0 =	stileid.u32;
	[bflag:$0x2] =	sbarrier.arrive $0xFFFF  }
0x2c1: {  	p0 =	sne.s32 s0, $0x0;
	s0 =	rddreg [dreg:$0x1]  }
0x2c2: {  	s0 =	sadd.s32 @!p0 $0x100000, s0  }
0x2c3: {  	[sflag:s0] =	ssyncadd.tile.s32 @!p0 $0x1;
	_ =	shalt  }
.Lfunc_end2:
_tile_overlayer_lowered:
.L_overlay_start_2:
0x2c4: {  	(tag) =	ssettag $0x2  }
0x2c5: {  	s0 =	rddreg [dreg:$0x0];
	s2 =	stileid.u32  }
0x2c6: {  	s1 =	rddreg [dreg:$0x1];
	p0 =	sne.s32 s2, $0x0  }
0x2c7: {  	s3 =	rddreg [dreg:$0x2];
	[bflag:$0x3] =	sbarrier.arrive $0xFFFF;
	s2 =	simm.s32 @!p0 $0x1C03  }
0x2c8: {  	[timem:s3], [sflag:s2] =	dma.local @!p0 [hbm:s0], s1  }
0x2c9: {  	s0 =	simm.s32 @!p0 $0x3  }
0x2ca: {  	_ =	swait.ge @!p0 [sflag:s0], s1  }
0x2cb: {  	s1 =	ssub.s32 @!p0 $0x0, s1;
	[sflag:s0] =	ssyncset.done @!p0 $0x0  }
0x2cc: {  	[sflag:s0] =	ssyncadd.s32 @!p0 s1  }
0x2cd: {  	[bflag:$0x3] =	sbarrier.arrive $0xFFFF  }
0x2ce: {  	_ =	shalt  }

// kernel: kernel.7.cloned.1.call-start
scs
__scs_entry_jumppad:
0x0: {  	(pc) =	sbr.rel $0x88, $3  }
0x1: {  	(tag) =	ssettag $0x0;
	lr =	simm.s32 $0x1  }
0x2: {  	[smem:$0x3F9E] =	sst lr;
	_ =	strace $0xD0000000  }
0x3: {  	_ = 	snop  }
0x4: {  	_ = 	snop  }
0x5: {  	_ = 	snop  }
0x6: {  	_ = 	snop  }
0x7: {  	_ = 	snop  }
__scs_overlays_trampoline_lowered:
0x8: {  	[smem:$0x3FAD] =	sst s0  }
0x9: {  	[smem:$0x3FAE] =	sst s1  }
0xa: {  	[smem:$0x3FAF] =	sst s2  }
0xb: {  	[smem:$0x3FB0] =	sst s3  }
0xc: {  	[smem:$0x3FB1] =	sst s4  }
0xd: {  	[smem:$0x3FB2] =	sst s5  }
0xe: {  	[smem:$0x3FB3] =	sst s6  }
0xf: {  	[smem:$0x3FB4] =	sst s7  }
0x10: {  	[smem:$0x3FB5] =	sst s8  }
0x11: {  	[smem:$0x3FB6] =	sst s9;
	s0 =	simm.s32 @!p0 $0x0  }
0x12: {  	s1 =	sld [smem:$0x3F9C];
	s0 =	simm.s32 @p0 $0x1  }
0x13: {  	[smem:$0x3FB7] =	sst s0;
	s0 =	simm.s32 @!p1 $0x0  }
0x14: {  	s2 =	sld [smem:$0x3F9B];
	s0 =	simm.s32 @p1 $0x1  }
0x15: {  	[smem:$0x3FB8] =	sst s0;
	s0 =	simm.s32 @!p2 $0x0  }
0x16: {  	s3 =	sld [smem:$0x3FDB];
	s0 =	simm.s32 @p2 $0x1  }
0x17: {  	s4 =	simm.s32 $0x1BF5;
	[smem:$0x3FBA] =	sst s0  }
0x18: {  	s0 =	sld [smem:$0x3F9D];
	_ =	swait.ge [sflag:s4], $0x0  }
0x19: {  	s7 =	sld [smem:$0x3F9E]  }
0x1a: {  	s8 =	sadd.s32 $0xFFFFE003, lr  }
0x1b: {  	s9 =	sadd.s32 $0xFFFFFEF7, lr;
	s5 =	simm.s32 $0xFFFFFFFF;
	p2 =	slt.u32 s8, $0xFFFFF086  }
0x1c: {  	p1 =	slt.u32 s9, $0xF7A;
	s5 =	simm.s32 @!p2 $0x0  }
0x1d: {  	s5 =	simm.s32 @p1 $0x1;
	p0 =	seq.s32 s7, s2  }
0x1e: {  	s7 =	smul.u32 @!p0 $0xF7A, s2;
	p2 =	seq.s32 @!p0 s5, $0x0  }
0x1f: {  	s9 =	smul.u32 $0xF7A, s1;
	s8 =	simm.s32 @!p0 $0x1BF5;
	p2 =	por !p2, p0  }
0x20: {  	[sflag:s8] =	ssyncset.s32 @!p0 $0xFFFFF086;
	s6 =	sadd.s32 @!p0 s3, s7;
	s7 =	simm.s32 @!p0 $0x108  }
0x21: {  	s3 =	sadd.s32 s3, s9;
	s6 =	sadd.s32 @!p0 $0x88, s6;
	s7 =	simm.s32 @p2 $0x1082  }
0x22: {  	[simem:s7], [sflag:s8] =	dma.local @!p0 [hbm:s6], $0xF7A  }
0x23: {  	s9 =	sor.u32 $0xD0000000, s2;
	s6 =	simm.s32 $0x108;
	_ =	swait.ge @!p0 [sflag:s8], $0x0  }
0x24: {  	s3 =	sadd.s32 $0x88, s3;
	s6 =	simm.s32 @!p1 $0x1082;
	[sflag:s4] =	ssyncset.s32 $0xFFFFF086  }
0x25: {  	[simem:s6], [sflag:s4] =	dma.local [hbm:s3], $0xF7A  }
0x26: {  	[smem:$0x3F9E] =	sst s1;
	(tag) =	ssettag s2;
	_ =	strace s9  }
0x27: {  	s1 =	sld [smem:$0x3FAE]  }
0x28: {  	s2 =	sld [smem:$0x3FAF]  }
0x29: {  	s4 =	sld [smem:$0x3FB1]  }
0x2a: {  	p0 =	seq.s32 s5, $0x0;
	s5 =	sld [smem:$0x3FB2]  }
0x2b: {  	s6 =	sld [smem:$0x3FB3]  }
0x2c: {  	s7 =	sld [smem:$0x3FB4]  }
0x2d: {  	s3 =	simm.s32 $0x108;
	s8 =	sld [smem:$0x3FB5]  }
0x2e: {  	s3 =	simm.s32 @!p0 $0x1082;
	s9 =	sld [smem:$0x3FB6]  }
0x2f: {  	lr =	sadd.s32 s0, s3;
	s0 =	sld [smem:$0x3FAD]  }
0x30: {  	s3 =	sld [smem:$0x3FB0]  }
0x31: {  	[smem:$0x3FB9] =	sst s10  }
0x32: {  	s10 =	sld [smem:$0x3FB7];
	_ =	sdelay $0x3  }
0x33: {  	p0 =	seq.s32 s10, $0x1;
	s10 =	sld [smem:$0x3FB9];
	_ =	sdelay $0x3  }
0x34: {  	[smem:$0x3FB9] =	sst s10  }
0x35: {  	s10 =	sld [smem:$0x3FB8];
	_ =	sdelay $0x3  }
0x36: {  	p1 =	seq.s32 s10, $0x1;
	s10 =	sld [smem:$0x3FB9];
	_ =	sdelay $0x3  }
0x37: {  	[smem:$0x3FB9] =	sst s10  }
0x38: {  	s10 =	sld [smem:$0x3FBA]  }
0x39: {  	_ = 	snop;
	(pc) =	sbr.ind lr, $3  }
0x3a: {  	_ = 	snop  }
0x3b: {  	_ = 	snop  }
0x3c: {  	p2 =	seq.s32 s10, $0x1;
	s10 =	sld [smem:$0x3FB9]  }
0x3d: {  	_ =	shalt  }
0x3e: {  	_ =	shalt  }
0x3f: {  	_ =	shalt  }
0x40: {  	_ =	shalt  }
0x41: {  	_ =	shalt  }
0x42: {  	_ =	shalt  }
0x43: {  	_ =	shalt  }
0x44: {  	_ =	shalt  }
0x45: {  	_ =	shalt  }
0x46: {  	_ =	shalt  }
0x47: {  	_ =	shalt  }
0x48: {  	_ =	shalt  }
0x49: {  	_ =	shalt  }
0x4a: {  	_ =	shalt  }
0x4b: {  	_ =	shalt  }
0x4c: {  	_ =	shalt  }
0x4d: {  	_ =	shalt  }
0x4e: {  	_ =	shalt  }
0x4f: {  	_ =	shalt  }
0x50: {  	_ =	shalt  }
0x51: {  	_ =	shalt  }
0x52: {  	_ =	shalt  }
0x53: {  	_ =	shalt  }
0x54: {  	_ =	shalt  }
0x55: {  	_ =	shalt  }
0x56: {  	_ =	shalt  }
0x57: {  	_ =	shalt  }
0x58: {  	_ =	shalt  }
0x59: {  	_ =	shalt  }
0x5a: {  	_ =	shalt  }
0x5b: {  	_ =	shalt  }
0x5c: {  	_ =	shalt  }
0x5d: {  	_ =	shalt  }
0x5e: {  	_ =	shalt  }
0x5f: {  	_ =	shalt  }
0x60: {  	_ =	shalt  }
0x61: {  	_ =	shalt  }
0x62: {  	_ =	shalt  }
0x63: {  	_ =	shalt  }
0x64: {  	_ =	shalt  }
0x65: {  	_ =	shalt  }
0x66: {  	_ =	shalt  }
0x67: {  	_ =	shalt  }
0x68: {  	_ =	shalt  }
0x69: {  	_ =	shalt  }
0x6a: {  	_ =	shalt  }
0x6b: {  	_ =	shalt  }
0x6c: {  	_ =	shalt  }
0x6d: {  	_ =	shalt  }
0x6e: {  	_ =	shalt  }
0x6f: {  	_ =	shalt  }
0x70: {  	_ =	shalt  }
0x71: {  	_ =	shalt  }
0x72: {  	_ =	shalt  }
0x73: {  	_ =	shalt  }
0x74: {  	_ =	shalt  }
0x75: {  	_ =	shalt  }
0x76: {  	_ =	shalt  }
0x77: {  	_ =	shalt  }
0x78: {  	_ =	shalt  }
0x79: {  	_ =	shalt  }
0x7a: {  	_ =	shalt  }
0x7b: {  	_ =	shalt  }
0x7c: {  	_ =	shalt  }
0x7d: {  	_ =	shalt  }
0x7e: {  	_ =	shalt  }
0x7f: {  	_ =	shalt  }
0x80: {  	_ =	shalt  }
0x81: {  	_ =	shalt  }
0x82: {  	_ =	shalt  }
0x83: {  	_ =	shalt  }
0x84: {  	_ =	shalt  }
0x85: {  	_ =	shalt  }
0x86: {  	_ =	shalt  }
0x87: {  	_ =	shalt  }
.Lfunc_end0:
.L_simem_size_0:
called_computation.1_lowered:
.L_overlay_start_0:
0x88: {  	s2 =	sld [smem:$0x3FD9]  }
0x89: {  	s3 =	sld [smem:$0x3FFE];
	_ =	sdelay $0x1  }
0x8a: {  	s1 =	srdreg.scid  }
0x8b: {  	s0 =	sand.u32 $0x1, s1  }
0x8c: {  	s17 =	sshll.u32 s0, $0xA;
	s2 =	sadd.s32 s3, s2  }
0x8d: {  	s2 =	sadd.s32 s2, s17  }
0x8e: {  	[smem:$0x3FC5] =	sst s2  }
0x8f: {  	_ = 	snop  }
0x90: {  	s2 =	sld [smem:$0x3FD0];
	(tm) =	ssettm $0x1  }
0x91: {  	s18 =	sld [smem:$0x3FFB];
	_ =	sdelay $0x3  }
0x92: {  	_ =	strace s18  }
0x93: {  	s3 =	sld [smem:$0x3FFC];
	_ =	sdelay $0x3  }
0x94: {  	_ =	strace s3  }
0x95: {  	s3 =	sld [smem:$0x3FFD];
	_ =	sdelay $0x3  }
0x96: {  	_ =	strace s3  }
0x97: {  	_ =	strace $0x8FFFFFFF  }
0x98: {  	s19 =	sld [smem:$0x3FDB];
	_ =	sdelay $0x1  }
0x99: {  	s4 =	simm.s32 $_scs_section_size  }
0x9a: {  	s5 =	simm.s32 $_size__tile_overlayer_lowered;
	s6 =	simm.s32 $_tile_overlayer_lowered  }
0x9b: {  	s22 =	simm.s32 $0x1BFF;
	s21 =	sshll.u32 s6, $0x1;
	s3 =	sadd.s32 s4, s19  }
0x9c: {  	s7 =	simm.s32 $0x0;
	s20 =	sshll.u32 s5, $0x1;
	s5 =	sadd.s32 s21, s3  }
0x9d: {  	[timem:s7], [sflag:s22] =	dma.local [hbm:s5], s20  }
0x9e: {  	_ =	swait.ge [sflag:s22], s20  }
0x9f: {  	s4 =	ssub.s32 $0x0, s20;
	[sflag:s22] =	ssyncset.done $0x0  }
0xa0: {  	[sflag:s22] =	ssyncadd.s32 s4;
	_ =	sdelay $0x1  }
0xa1: {  	s23 =	simm.s32 $0x1B8B  }
0xa2: {  	_ =	swait.ge [sflag:s23], $0x1  }
0xa3: {  	[sflag:s23] =	ssyncset.done $0x0  }
0xa4: {  	s25 =	simm.s32 $0x1B8E;
	s24 =	sld [smem:$0x3FFE];
	[sflag:s23] =	ssyncadd.s32 $0xFFFFFFFF  }
0xa5: {  	s26 =	simm.s32 $execute0_lowered;
	[smem:$0x3FD2] =	sst s25  }
0xa6: {  	s5 =	sshll.u32 s26, $0x1;
	_ =	strace $0x80000049;
	[dreg:$0x1] =	wrdreg $0xFFFFFFFF  }
0xa7: {  	s28 =	simm.s32 $_size_execute0_lowered;
	s3 =	sadd.s32 s3, s5;
	[dreg:$0x0] =	wrdreg $0x0  }
0xa8: {  	s5 =	sshll.u32 s28, $0x1;
	[dreg:$0x2] =	wrdreg s3  }
0xa9: {  	[dreg:$0x3] =	wrdreg s5  }
0xaa: {  	[dreg:$0x4] =	wrdreg $0xC0  }
0xab: {  	_ =	task [dreg:s7], $0x5FFFF  }
0xac: {  	[dreg:$0x1] =	wrdreg $0xFFFFFFFF  }
0xad: {  	[dreg:$0x0] =	wrdreg $0x60  }
0xae: {  	[dreg:$0x2] =	wrdreg s24  }
0xaf: {  	[dreg:$0x3] =	wrdreg s2  }
0xb0: {  	[dreg:$0x4] =	wrdreg $0x9  }
0xb1: {  	_ =	task.clear_ibuf [dreg:s7], $0x5FFFF;
	_ =	strace $0x90000049  }
0xb2: {  	s29 =	simm.s32 $0x9;
	_ =	strace $0x8000004B  }
0xb3: {  	_ =	swait.ge [sflag:s29], $0x1  }
0xb4: {  	[sflag:s29] =	ssyncadd.s32 $0xFFFFFFFF  }
0xb5: {  	_ =	strace $0x9000004B  }
0xb6: {  	_ =	sfence  }
0xb7: {  	s30 =	sld [smem:$0x0];
	_ =	sdelay $0x2  }
0xb8: {  	s31 =	sshll.u32 s1, $0xD;
	s1 =	sshrl.u32 s1, $0x2  }
0xb9: {  	s3 =	sand.u32 $0x4000, s31;
	s1 =	sadd.s32 s1, s30  }
0xba: {  	s0 =	sor.u32 s3, s0;
	s1 =	sshll.u32 s1, $0x11  }
0xbb: {  	s0 =	sor.u32 s1, s0  }
0xbc: {  	s0 =	sadd.s32 $0x8F2B, s0  }
0xbd: {  	[sflag:s0] =	ssyncadd.remote.s32 $0x1  }
0xbe: {  	_ =	sfence.sel $0xFFFF  }
0xbf: {  	[dreg:$0x0] =	wrdreg $0xFFFFFFFF;
	(pc) =	sbr.abs _section_cstart, $3  }
0xc0: {  	[dreg:$0x1] =	wrdreg $0xFFFFFFFF  }
0xc1: {  	_ =	task.clear_ibuf [dreg:s7], $0x2FFFF;
	_ =	strace $0x9FFFFFFF  }
0xc2: {  	(tm) =	ssettm $0x7FFFFFFF  }
0xc3: {  	_ =	shalt  }
tec
execute0_lowered:
.L_overlay_start_1:
0x0: {  	(tag) =	ssettag $0x1  }
0x1: {  	s0 =	srdreg.scid  }
0x2: {  	s1 =	rddreg [dreg:$0x0];
	s2 =	stileid.u32  }
0x3: {  	s6 =	rddreg [dreg:$0x1];
	s8 =	simm.s32 $0x3;
	s9 =	simm.s32 $0x7000;
	v0 =	vlaneseq.u32  }
0x4: {  	s10 =	simm.s32 $0x200;
	s12 =	simm.s32 $0x14400;
	s13 =	simm.s32 $0x1;
	v0 =	vmul.u32 $0x38, v0  }
0x5: {  	s28 =	simm.s32 $0x12400;
	s29 =	simm.s32 $0x12600;
	s30 =	simm.s32 $0x12800  }
0x6: {  	s31 =	simm.s32 $0x12A00;
	s11 =	simm.s32 $0x13000;
	s14 =	simm.s32 $0x13200;
	v1 =	vadd.s32 $0x380, v0;
	v2 =	vadd.s32 $0x700, v0  }
0x7: {  	s15 =	simm.s32 $0x13400;
	s16 =	simm.s32 $0x13600;
	s17 =	simm.s32 $0x13800;
	v3 =	vadd.s32 $0xA80, v0;
	v4 =	vadd.s32 $0xE00, v0;
	v5 =	vadd.s32 $0x1180, v0  }
0x8: {  	s18 =	simm.s32 $0x13A00;
	s19 =	simm.s32 $0x13C00;
	s20 =	simm.s32 $0x13E00;
	v6 =	vadd.s32 $0x1500, v0;
	v7 =	vadd.s32 $0x1880, v0;
	v8 =	vor.u32 $0x1C00, v0  }
0x9: {  	s21 =	simm.s32 $0x14000;
	s22 =	simm.s32 $0x14200;
	s0 =	sand.u32 $0x1, s0;
	v9 =	vadd.s32 $0x1F80, v0;
	v10 =	vadd.s32 $0x2300, v0;
	v11 =	vadd.s32 $0x2680, v0  }
0xa: {  	s23 =	simm.s32 $0x2;
	s3 =	sshll.u32 s2, $0xA;
	s4 =	sshll.u32 s0, $0x9;
	v12 =	vadd.s32 $0x2A00, v0;
	v13 =	vadd.s32 $0x2D80, v0;
	v14 =	vadd.s32 $0x3100, v0  }
0xb: {  	s24 =	simm.s32 $0x0;
	s2 =	simm.s32 $0x0;
	s5 =	sor.u32 s4, s3;
	v15 =	vadd.s32 $0x3480, v0;
	v16 =	vor.u32 $0x3800, v0;
	v17 =	vadd.s32 $0x3B80, v0  }
0xc: {  	[smem:$0x7FF] =	sst s2;
	s0 =	ssub.s32 $0x2, s0;
	v18 =	vadd.s32 $0x3F00, v0;
	v19 =	vadd.s32 $0x4280, v0;
	v20 =	vadd.s32 $0x4600, v0;
	s3 =	smul.u32 $0x7, s5  }
0xd: {  	_ =	strace $0x8000004A;
	s25 =	sshrl.u32 s0, $0x1;
	v21 =	vadd.s32 $0x4980, v0;
	v22 =	vadd.s32 $0x4D00, v0;
	v23 =	vadd.s32 $0x5080, v0;
	s26 =	sshll.u32 s5, $0x2  }
0xe: {  	v24 =	vor.u32 $0x5400, v0;
	v25 =	vadd.s32 $0x5780, v0;
	v26 =	vadd.s32 $0x5B00, v0;
	s0 =	ssub.s32 s0, s25;
	s6 =	sadd.s32 s6, s26;
	s7 =	sadd.s32 s3, s1  }
0xf: {  	v27 =	vadd.s32 $0x5E80, v0;
	v28 =	vadd.s32 $0x6200, v0;
	s3 =	sadd.s32 $0xC00, s1;
	s1 =	simm.s32 $0x12C00;
	s4 =	sadd.s32 $0x3EF600, s7  }
0x10: {  	v29 =	vadd.s32 $0x6580, v0;
	v30 =	vadd.s32 $0x6900, v0;
	v31 =	vadd.s32 $0x6C80, v0;
	s5 =	sadd.s32 $0x3D3600, s7;
	s7 =	smax.u32 s0, $0x1;
	s0 =	simm.s32 $0x12E00  }
.LBB2_1:
0x11: {  	[tilespmem:s2], [sflag:$0x3] =	stream.linear.gather [hbm4b:s4+s2], $0x7000, $0x38;
	[tilespmem:$0x18400] =	vst v63  }
0x12: {  	_ =	swait.ge [sflag:s8], $0x7000  }
0x13: {  	[sflag:s8] =	ssyncset.done $0x0  }
0x14: {  	[sflag:s8] =	ssyncadd.s32 $0xFFFF9000  }
0x15: {  	[tilespmem:s9], [sflag:$0x3] =	stream.linear.gather [hbm4b:s5+s2], $0x7000, $0x38;
	[tilespmem:$0x18400] =	vst v63  }
0x16: {  	_ =	swait.ge [sflag:s8], $0x7000  }
0x17: {  	[sflag:s8] =	ssyncset.done $0x0  }
0x18: {  	s25 =	simm.s32 $0xE100;
	s26 =	simm.s32 $0x0;
	[sflag:s8] =	ssyncadd.s32 $0xFFFF9000  }
.LBB2_2:
0x19: {  	v32 =	vmov s26  }
0x1a: {  	v32 =	vand.u32 $0x3F, v32  }
0x1b: {  	v33 =	vadd.s32 v0, v32;
	_ =	sdelay $0x4  }
0x1c: {  	v34 =	vld.idx.msk [tilespmem:v33+s2+$0x0], $0xffff  }
0x1d: {  	v33 =	vld.idx.msk [tilespmem:v33+s9+$0x0], $0xffff;
	_ =	sdelay $0x2  }
0x1e: {  	v35 =	vadd.s32 v1, v32  }
0x1f: {  	v36 =	vand.u32 $0x7FF, v34  }
0x20: {  	vm0 =	vgt.s32 v33, $0x0;
	v62 =	vadd.s32 $0xF4240, v36  }
0x21: {  	v33 =	vsel vm0, v34, v62  }
0x22: {  	[tilespmem:s25+$0xFFFFFF00] =	vst v33  }
0x23: {  	v33 =	vld.idx.msk [tilespmem:v35+s2+$0x0], $0xffff  }
0x24: {  	v63 =	vld.idx.msk [tilespmem:v35+s9+$0x0], $0xffff;
	_ =	sdelay $0x2  }
0x25: {  	v40 =	vadd.s32 v2, v32  }
0x26: {  	v41 =	vand.u32 $0x7FF, v33  }
0x27: {  	vm9 =	vgt.s32 v63, $0x0;
	v42 =	vadd.s32 $0xF4240, v41  }
0x28: {  	v33 =	vsel vm9, v33, v42  }
0x29: {  	[tilespmem:s25+$0xFFFFFF10] =	vst v33  }
0x2a: {  	v33 =	vld.idx.msk [tilespmem:v40+s2+$0x0], $0xffff  }
0x2b: {  	v43 =	vld.idx.msk [tilespmem:v40+s9+$0x0], $0xffff;
	_ =	sdelay $0x2  }
0x2c: {  	v44 =	vadd.s32 v3, v32  }
0x2d: {  	v45 =	vand.u32 $0x7FF, v33  }
0x2e: {  	vm10 =	vgt.s32 v43, $0x0;
	v46 =	vadd.s32 $0xF4240, v45  }
0x2f: {  	v33 =	vsel vm10, v33, v46  }
0x30: {  	[tilespmem:s25+$0xFFFFFF20] =	vst v33  }
0x31: {  	v33 =	vld.idx.msk [tilespmem:v44+s2+$0x0], $0xffff  }
0x32: {  	v47 =	vld.idx.msk [tilespmem:v44+s9+$0x0], $0xffff;
	_ =	sdelay $0x2  }
0x33: {  	v48 =	vadd.s32 v4, v32  }
0x34: {  	v49 =	vand.u32 $0x7FF, v33  }
0x35: {  	vm11 =	vgt.s32 v47, $0x0;
	v50 =	vadd.s32 $0xF4240, v49  }
0x36: {  	v33 =	vsel vm11, v33, v50  }
0x37: {  	[tilespmem:s25+$0xFFFFFF30] =	vst v33  }
0x38: {  	v33 =	vld.idx.msk [tilespmem:v48+s2+$0x0], $0xffff  }
0x39: {  	v51 =	vld.idx.msk [tilespmem:v48+s9+$0x0], $0xffff;
	_ =	sdelay $0x2  }
0x3a: {  	v52 =	vadd.s32 v5, v32  }
0x3b: {  	v53 =	vand.u32 $0x7FF, v33  }
0x3c: {  	vm12 =	vgt.s32 v51, $0x0;
	v54 =	vadd.s32 $0xF4240, v53  }
0x3d: {  	v33 =	vsel vm12, v33, v54  }
0x3e: {  	[tilespmem:s25+$0xFFFFFF40] =	vst v33  }
0x3f: {  	v33 =	vld.idx.msk [tilespmem:v52+s2+$0x0], $0xffff  }
0x40: {  	v55 =	vld.idx.msk [tilespmem:v52+s9+$0x0], $0xffff;
	_ =	sdelay $0x2  }
0x41: {  	v56 =	vadd.s32 v6, v32  }
0x42: {  	v57 =	vand.u32 $0x7FF, v33  }
0x43: {  	vm13 =	vgt.s32 v55, $0x0;
	v58 =	vadd.s32 $0xF4240, v57  }
0x44: {  	v33 =	vsel vm13, v33, v58  }
0x45: {  	[tilespmem:s25+$0xFFFFFF50] =	vst v33  }
0x46: {  	v33 =	vld.idx.msk [tilespmem:v56+s2+$0x0], $0xffff  }
0x47: {  	v59 =	vld.idx.msk [tilespmem:v56+s9+$0x0], $0xffff;
	_ =	sdelay $0x2  }
0x48: {  	v60 =	vadd.s32 v7, v32  }
0x49: {  	v61 =	vand.u32 $0x7FF, v33  }
0x4a: {  	vm14 =	vgt.s32 v59, $0x0;
	v62 =	vadd.s32 $0xF4240, v61  }
0x4b: {  	v33 =	vsel vm14, v33, v62  }
0x4c: {  	[tilespmem:s25+$0xFFFFFF60] =	vst v33  }
0x4d: {  	v33 =	vld.idx.msk [tilespmem:v60+s2+$0x0], $0xffff  }
0x4e: {  	v63 =	vld.idx.msk [tilespmem:v60+s9+$0x0], $0xffff;
	_ =	sdelay $0x2  }
0x4f: {  	v40 =	vadd.s32 v8, v32  }
0x50: {  	v41 =	vand.u32 $0x7FF, v33  }
0x51: {  	vm15 =	vgt.s32 v63, $0x0;
	v42 =	vadd.s32 $0xF4240, v41  }
0x52: {  	v33 =	vsel vm15, v33, v42  }
0x53: {  	[tilespmem:s25+$0xFFFFFF70] =	vst v33  }
0x54: {  	v33 =	vld.idx.msk [tilespmem:v40+s2+$0x0], $0xffff  }
0x55: {  	v43 =	vld.idx.msk [tilespmem:v40+s9+$0x0], $0xffff;
	_ =	sdelay $0x2  }
0x56: {  	v44 =	vadd.s32 v9, v32  }
0x57: {  	v45 =	vand.u32 $0x7FF, v33  }
0x58: {  	vm4 =	vgt.s32 v43, $0x0;
	v46 =	vadd.s32 $0xF4240, v45  }
0x59: {  	v33 =	vsel vm4, v33, v46  }
0x5a: {  	[tilespmem:s25+$0xFFFFFF80] =	vst v33  }
0x5b: {  	v33 =	vld.idx.msk [tilespmem:v44+s2+$0x0], $0xffff  }
0x5c: {  	v47 =	vld.idx.msk [tilespmem:v44+s9+$0x0], $0xffff;
	_ =	sdelay $0x2  }
0x5d: {  	v48 =	vadd.s32 v10, v32  }
0x5e: {  	v49 =	vand.u32 $0x7FF, v33  }
0x5f: {  	vm5 =	vgt.s32 v47, $0x0;
	v50 =	vadd.s32 $0xF4240, v49  }
0x60: {  	v33 =	vsel vm5, v33, v50  }
0x61: {  	[tilespmem:s25+$0xFFFFFF90] =	vst v33  }
0x62: {  	v33 =	vld.idx.msk [tilespmem:v48+s2+$0x0], $0xffff  }
0x63: {  	v51 =	vld.idx.msk [tilespmem:v48+s9+$0x0], $0xffff;
	_ =	sdelay $0x2  }
0x64: {  	v52 =	vadd.s32 v11, v32  }
0x65: {  	v53 =	vand.u32 $0x7FF, v33  }
0x66: {  	vm6 =	vgt.s32 v51, $0x0;
	v54 =	vadd.s32 $0xF4240, v53  }
0x67: {  	v33 =	vsel vm6, v33, v54  }
0x68: {  	[tilespmem:s25+$0xFFFFFFA0] =	vst v33  }
0x69: {  	v33 =	vld.idx.msk [tilespmem:v52+s2+$0x0], $0xffff  }
0x6a: {  	v55 =	vld.idx.msk [tilespmem:v52+s9+$0x0], $0xffff;
	_ =	sdelay $0x2  }
0x6b: {  	v56 =	vadd.s32 v12, v32  }
0x6c: {  	v57 =	vand.u32 $0x7FF, v33  }
0x6d: {  	vm7 =	vgt.s32 v55, $0x0;
	v58 =	vadd.s32 $0xF4240, v57  }
0x6e: {  	v33 =	vsel vm7, v33, v58  }
0x6f: {  	[tilespmem:s25+$0xFFFFFFB0] =	vst v33  }
0x70: {  	v33 =	vld.idx.msk [tilespmem:v56+s2+$0x0], $0xffff  }
0x71: {  	v59 =	vld.idx.msk [tilespmem:v56+s9+$0x0], $0xffff;
	_ =	sdelay $0x2  }
0x72: {  	v60 =	vadd.s32 v13, v32  }
0x73: {  	v61 =	vand.u32 $0x7FF, v33  }
0x74: {  	vm8 =	vgt.s32 v59, $0x0;
	v62 =	vadd.s32 $0xF4240, v61  }
0x75: {  	v33 =	vsel vm8, v33, v62  }
0x76: {  	[tilespmem:s25+$0xFFFFFFC0] =	vst v33  }
0x77: {  	v33 =	vld.idx.msk [tilespmem:v60+s2+$0x0], $0xffff  }
0x78: {  	v63 =	vld.idx.msk [tilespmem:v60+s9+$0x0], $0xffff;
	_ =	sdelay $0x2  }
0x79: {  	v40 =	vadd.s32 v14, v32  }
0x7a: {  	v41 =	vand.u32 $0x7FF, v33  }
0x7b: {  	vm9 =	vgt.s32 v63, $0x0;
	v42 =	vadd.s32 $0xF4240, v41  }
0x7c: {  	v33 =	vsel vm9, v33, v42  }
0x7d: {  	[tilespmem:s25+$0xFFFFFFD0] =	vst v33  }
0x7e: {  	v33 =	vld.idx.msk [tilespmem:v40+s2+$0x0], $0xffff  }
0x7f: {  	v43 =	vld.idx.msk [tilespmem:v40+s9+$0x0], $0xffff;
	_ =	sdelay $0x2  }
0x80: {  	v44 =	vadd.s32 v15, v32  }
0x81: {  	v45 =	vand.u32 $0x7FF, v33  }
0x82: {  	vm10 =	vgt.s32 v43, $0x0;
	v46 =	vadd.s32 $0xF4240, v45  }
0x83: {  	v33 =	vsel vm10, v33, v46  }
0x84: {  	[tilespmem:s25+$0xFFFFFFE0] =	vst v33  }
0x85: {  	v33 =	vld.idx.msk [tilespmem:v44+s2+$0x0], $0xffff  }
0x86: {  	v47 =	vld.idx.msk [tilespmem:v44+s9+$0x0], $0xffff;
	_ =	sdelay $0x2  }
0x87: {  	v48 =	vadd.s32 v16, v32  }
0x88: {  	v49 =	vand.u32 $0x7FF, v33  }
0x89: {  	vm11 =	vgt.s32 v47, $0x0;
	v50 =	vadd.s32 $0xF4240, v49  }
0x8a: {  	v33 =	vsel vm11, v33, v50  }
0x8b: {  	[tilespmem:s25+$0xFFFFFFF0] =	vst v33  }
0x8c: {  	v33 =	vld.idx.msk [tilespmem:v48+s2+$0x0], $0xffff  }
0x8d: {  	v51 =	vld.idx.msk [tilespmem:v48+s9+$0x0], $0xffff;
	_ =	sdelay $0x2  }
0x8e: {  	v52 =	vadd.s32 v17, v32  }
0x8f: {  	v53 =	vand.u32 $0x7FF, v33  }
0x90: {  	vm12 =	vgt.s32 v51, $0x0;
	v54 =	vadd.s32 $0xF4240, v53  }
0x91: {  	v33 =	vsel vm12, v33, v54  }
0x92: {  	[tilespmem:s25+$0x0] =	vst v33  }
0x93: {  	v33 =	vld.idx.msk [tilespmem:v52+s2+$0x0], $0xffff  }
0x94: {  	v55 =	vld.idx.msk [tilespmem:v52+s9+$0x0], $0xffff;
	_ =	sdelay $0x2  }
0x95: {  	v56 =	vadd.s32 v18, v32  }
0x96: {  	v57 =	vand.u32 $0x7FF, v33  }
0x97: {  	vm13 =	vgt.s32 v55, $0x0;
	v58 =	vadd.s32 $0xF4240, v57  }
0x98: {  	v33 =	vsel vm13, v33, v58  }
0x99: {  	[tilespmem:s25+$0x10] =	vst v33  }
0x9a: {  	v33 =	vld.idx.msk [tilespmem:v56+s2+$0x0], $0xffff  }
0x9b: {  	v59 =	vld.idx.msk [tilespmem:v56+s9+$0x0], $0xffff;
	_ =	sdelay $0x2  }
0x9c: {  	v60 =	vadd.s32 v19, v32  }
0x9d: {  	v61 =	vand.u32 $0x7FF, v33  }
0x9e: {  	vm14 =	vgt.s32 v59, $0x0;
	v62 =	vadd.s32 $0xF4240, v61  }
0x9f: {  	v33 =	vsel vm14, v33, v62  }
0xa0: {  	[tilespmem:s25+$0x20] =	vst v33  }
0xa1: {  	v33 =	vld.idx.msk [tilespmem:v60+s2+$0x0], $0xffff  }
0xa2: {  	v63 =	vld.idx.msk [tilespmem:v60+s9+$0x0], $0xffff;
	_ =	sdelay $0x2  }
0xa3: {  	v40 =	vadd.s32 v20, v32  }
0xa4: {  	v41 =	vand.u32 $0x7FF, v33  }
0xa5: {  	vm15 =	vgt.s32 v63, $0x0;
	v42 =	vadd.s32 $0xF4240, v41  }
0xa6: {  	v33 =	vsel vm15, v33, v42  }
0xa7: {  	[tilespmem:s25+$0x30] =	vst v33  }
0xa8: {  	v33 =	vld.idx.msk [tilespmem:v40+s2+$0x0], $0xffff  }
0xa9: {  	v43 =	vld.idx.msk [tilespmem:v40+s9+$0x0], $0xffff;
	_ =	sdelay $0x2  }
0xaa: {  	v44 =	vadd.s32 v21, v32  }
0xab: {  	v45 =	vand.u32 $0x7FF, v33  }
0xac: {  	vm4 =	vgt.s32 v43, $0x0;
	v46 =	vadd.s32 $0xF4240, v45  }
0xad: {  	v33 =	vsel vm4, v33, v46  }
0xae: {  	[tilespmem:s25+$0x40] =	vst v33  }
0xaf: {  	v33 =	vld.idx.msk [tilespmem:v44+s2+$0x0], $0xffff  }
0xb0: {  	v47 =	vld.idx.msk [tilespmem:v44+s9+$0x0], $0xffff;
	_ =	sdelay $0x2  }
0xb1: {  	v48 =	vadd.s32 v22, v32  }
0xb2: {  	v49 =	vand.u32 $0x7FF, v33  }
0xb3: {  	vm5 =	vgt.s32 v47, $0x0;
	v50 =	vadd.s32 $0xF4240, v49  }
0xb4: {  	v33 =	vsel vm5, v33, v50  }
0xb5: {  	[tilespmem:s25+$0x50] =	vst v33  }
0xb6: {  	v33 =	vld.idx.msk [tilespmem:v48+s2+$0x0], $0xffff  }
0xb7: {  	v51 =	vld.idx.msk [tilespmem:v48+s9+$0x0], $0xffff;
	_ =	sdelay $0x2  }
0xb8: {  	v52 =	vadd.s32 v23, v32  }
0xb9: {  	v53 =	vand.u32 $0x7FF, v33  }
0xba: {  	vm6 =	vgt.s32 v51, $0x0;
	v54 =	vadd.s32 $0xF4240, v53  }
0xbb: {  	v33 =	vsel vm6, v33, v54  }
0xbc: {  	[tilespmem:s25+$0x60] =	vst v33  }
0xbd: {  	v33 =	vld.idx.msk [tilespmem:v52+s2+$0x0], $0xffff  }
0xbe: {  	v55 =	vld.idx.msk [tilespmem:v52+s9+$0x0], $0xffff;
	_ =	sdelay $0x2  }
0xbf: {  	v56 =	vadd.s32 v24, v32  }
0xc0: {  	v57 =	vand.u32 $0x7FF, v33  }
0xc1: {  	vm7 =	vgt.s32 v55, $0x0;
	v58 =	vadd.s32 $0xF4240, v57  }
0xc2: {  	v33 =	vsel vm7, v33, v58  }
0xc3: {  	[tilespmem:s25+$0x70] =	vst v33  }
0xc4: {  	v33 =	vld.idx.msk [tilespmem:v56+s2+$0x0], $0xffff  }
0xc5: {  	v59 =	vld.idx.msk [tilespmem:v56+s9+$0x0], $0xffff;
	_ =	sdelay $0x2  }
0xc6: {  	v60 =	vadd.s32 v25, v32  }
0xc7: {  	v61 =	vand.u32 $0x7FF, v33  }
0xc8: {  	vm8 =	vgt.s32 v59, $0x0;
	v62 =	vadd.s32 $0xF4240, v61  }
0xc9: {  	v33 =	vsel vm8, v33, v62  }
0xca: {  	[tilespmem:s25+$0x80] =	vst v33  }
0xcb: {  	v33 =	vld.idx.msk [tilespmem:v60+s2+$0x0], $0xffff  }
0xcc: {  	v63 =	vld.idx.msk [tilespmem:v60+s9+$0x0], $0xffff;
	_ =	sdelay $0x2  }
0xcd: {  	v40 =	vadd.s32 v26, v32  }
0xce: {  	v41 =	vand.u32 $0x7FF, v33  }
0xcf: {  	vm9 =	vgt.s32 v63, $0x0;
	v42 =	vadd.s32 $0xF4240, v41  }
0xd0: {  	v33 =	vsel vm9, v33, v42  }
0xd1: {  	[tilespmem:s25+$0x90] =	vst v33  }
0xd2: {  	v33 =	vld.idx.msk [tilespmem:v40+s2+$0x0], $0xffff  }
0xd3: {  	v43 =	vld.idx.msk [tilespmem:v40+s9+$0x0], $0xffff;
	_ =	sdelay $0x2  }
0xd4: {  	v44 =	vadd.s32 v27, v32  }
0xd5: {  	v45 =	vand.u32 $0x7FF, v33  }
0xd6: {  	vm10 =	vgt.s32 v43, $0x0;
	v46 =	vadd.s32 $0xF4240, v45  }
0xd7: {  	v33 =	vsel vm10, v33, v46  }
0xd8: {  	[tilespmem:s25+$0xA0] =	vst v33  }
0xd9: {  	v33 =	vld.idx.msk [tilespmem:v44+s2+$0x0], $0xffff  }
0xda: {  	v47 =	vld.idx.msk [tilespmem:v44+s9+$0x0], $0xffff;
	_ =	sdelay $0x2  }
0xdb: {  	v48 =	vadd.s32 v28, v32  }
0xdc: {  	v49 =	vand.u32 $0x7FF, v33  }
0xdd: {  	vm11 =	vgt.s32 v47, $0x0;
	v50 =	vadd.s32 $0xF4240, v49  }
0xde: {  	v33 =	vsel vm11, v33, v50  }
0xdf: {  	[tilespmem:s25+$0xB0] =	vst v33  }
0xe0: {  	v33 =	vld.idx.msk [tilespmem:v48+s2+$0x0], $0xffff  }
0xe1: {  	v51 =	vld.idx.msk [tilespmem:v48+s9+$0x0], $0xffff;
	_ =	sdelay $0x2  }
0xe2: {  	v52 =	vadd.s32 v29, v32  }
0xe3: {  	v53 =	vand.u32 $0x7FF, v33  }
0xe4: {  	vm12 =	vgt.s32 v51, $0x0;
	v54 =	vadd.s32 $0xF4240, v53  }
0xe5: {  	v33 =	vsel vm12, v33, v54  }
0xe6: {  	[tilespmem:s25+$0xC0] =	vst v33  }
0xe7: {  	v33 =	vld.idx.msk [tilespmem:v52+s2+$0x0], $0xffff  }
0xe8: {  	v55 =	vld.idx.msk [tilespmem:v52+s9+$0x0], $0xffff;
	_ =	sdelay $0x2  }
0xe9: {  	v56 =	vadd.s32 v30, v32  }
0xea: {  	v57 =	vand.u32 $0x7FF, v33  }
0xeb: {  	vm13 =	vgt.s32 v55, $0x0;
	v58 =	vadd.s32 $0xF4240, v57  }
0xec: {  	v33 =	vsel vm13, v33, v58  }
0xed: {  	[tilespmem:s25+$0xD0] =	vst v33  }
0xee: {  	v33 =	vld.idx.msk [tilespmem:v56+s2+$0x0], $0xffff  }
0xef: {  	v59 =	vld.idx.msk [tilespmem:v56+s9+$0x0], $0xffff;
	_ =	sdelay $0x2  }
0xf0: {  	v32 =	vadd.s32 v31, v32  }
0xf1: {  	v60 =	vand.u32 $0x7FF, v33  }
0xf2: {  	vm14 =	vgt.s32 v59, $0x0;
	v61 =	vadd.s32 $0xF4240, v60  }
0xf3: {  	v33 =	vsel vm14, v33, v61  }
0xf4: {  	[tilespmem:s25+$0xE0] =	vst v33  }
0xf5: {  	v33 =	vld.idx.msk [tilespmem:v32+s2+$0x0], $0xffff  }
0xf6: {  	v32 =	vld.idx.msk [tilespmem:v32+s9+$0x0], $0xffff;
	_ =	sdelay $0x1  }
0xf7: {  	p0 =	sne.s32 s26, $0x31  }
.Ltmp0:
0xf8: {  	_ = 	snop;
	(pc) =	sbr.rel @p0 .LBB2_2-.Ltmp0, $4  }
0xf9: {  	v62 =	vand.u32 $0x7FF, v33  }
0xfa: {  	vm15 =	vgt.s32 v32, $0x0;
	v63 =	vadd.s32 $0xF4240, v62  }
0xfb: {  	v32 =	vsel vm15, v33, v63  }
0xfc: {  	s26 =	sadd.s32 $0x1, s26;
	[tilespmem:s25+$0xF0] =	vst v32;
	s25 =	sadd.s32 $0x200, s25  }
0xfd: {  	s25 =	simm.s32 $0xE000  }
0xfe: {  	[tilespmem:s12], [sflag:$0x1] =	stream.indirect.gather [hbm4b:s3+s10], $0x20, s25, s10, $0xb8;
	[tilespmem:$0x18400] =	vst v63  }
0xff: {  	_ =	swait.ge [sflag:s13], $0x4000  }
0x100: {  	[sflag:s13] =	ssyncset.done $0x0  }
0x101: {  	s26 =	simm.s32 $0xE200;
	[sflag:s13] =	ssyncadd.s32 $0xFFFFC000  }
0x102: {  	[tilespmem:s12], [sflag:$0x2] =	stream.indirect.gather.add.f32 [hbm:s3], $0x20, s26, s10, $0xb8;
	[tilespmem:$0x18400] =	vst v63  }
0x103: {  	s26 =	simm.s32 $0xE400  }
0x104: {  	[tilespmem:s12], [sflag:$0x2] =	stream.indirect.gather.add.f32 [hbm:s3], $0x20, s26, s10, $0xb8;
	[tilespmem:$0x18400] =	vst v63  }
0x105: {  	s26 =	simm.s32 $0xE600  }
0x106: {  	[tilespmem:s12], [sflag:$0x2] =	stream.indirect.gather.add.f32 [hbm:s3], $0x20, s26, s10, $0xb8;
	[tilespmem:$0x18400] =	vst v63  }
0x107: {  	s26 =	simm.s32 $0xE800  }
0x108: {  	[tilespmem:s12], [sflag:$0x2] =	stream.indirect.gather.add.f32 [hbm:s3], $0x20, s26, s10, $0xb8;
	[tilespmem:$0x18400] =	vst v63  }
0x109: {  	s26 =	simm.s32 $0xEA00  }
0x10a: {  	[tilespmem:s12], [sflag:$0x2] =	stream.indirect.gather.add.f32 [hbm:s3], $0x20, s26, s10, $0xb8;
	[tilespmem:$0x18400] =	vst v63  }
0x10b: {  	s26 =	simm.s32 $0xEC00  }
0x10c: {  	[tilespmem:s12], [sflag:$0x2] =	stream.indirect.gather.add.f32 [hbm:s3], $0x20, s26, s10, $0xb8;
	[tilespmem:$0x18400] =	vst v63  }
0x10d: {  	s26 =	simm.s32 $0xEE00  }
0x10e: {  	[tilespmem:s12], [sflag:$0x2] =	stream.indirect.gather.add.f32 [hbm:s3], $0x20, s26, s10, $0xb8;
	[tilespmem:$0x18400] =	vst v63  }
0x10f: {  	s26 =	simm.s32 $0xF000  }
0x110: {  	[tilespmem:s12], [sflag:$0x2] =	stream.indirect.gather.add.f32 [hbm:s3], $0x20, s26, s10, $0xb8;
	[tilespmem:$0x18400] =	vst v63  }
0x111: {  	s26 =	simm.s32 $0xF200  }
0x112: {  	[tilespmem:s12], [sflag:$0x2] =	stream.indirect.gather.add.f32 [hbm:s3], $0x20, s26, s10, $0xb8;
	[tilespmem:$0x18400] =	vst v63  }
0x113: {  	s26 =	simm.s32 $0xF400  }
0x114: {  	[tilespmem:s12], [sflag:$0x2] =	stream.indirect.gather.add.f32 [hbm:s3], $0x20, s26, s10, $0xb8;
	[tilespmem:$0x18400] =	vst v63  }
0x115: {  	s26 =	simm.s32 $0xF600  }
0x116: {  	[tilespmem:s12], [sflag:$0x2] =	stream.indirect.gather.add.f32 [hbm:s3], $0x20, s26, s10, $0xb8;
	[tilespmem:$0x18400] =	vst v63  }
0x117: {  	s26 =	simm.s32 $0xF800  }
0x118: {  	[tilespmem:s12], [sflag:$0x2] =	stream.indirect.gather.add.f32 [hbm:s3], $0x20, s26, s10, $0xb8;
	[tilespmem:$0x18400] =	vst v63  }
0x119: {  	s26 =	simm.s32 $0xFA00  }
0x11a: {  	[tilespmem:s12], [sflag:$0x2] =	stream.indirect.gather.add.f32 [hbm:s3], $0x20, s26, s10, $0xb8;
	[tilespmem:$0x18400] =	vst v63  }
0x11b: {  	s26 =	simm.s32 $0xFC00  }
0x11c: {  	[tilespmem:s12], [sflag:$0x2] =	stream.indirect.gather.add.f32 [hbm:s3], $0x20, s26, s10, $0xb8;
	[tilespmem:$0x18400] =	vst v63  }
0x11d: {  	s26 =	simm.s32 $0xFE00  }
0x11e: {  	[tilespmem:s12], [sflag:$0x2] =	stream.indirect.gather.add.f32 [hbm:s3], $0x20, s26, s10, $0xb8;
	[tilespmem:$0x18400] =	vst v63  }
0x11f: {  	s26 =	simm.s32 $0x10000  }
0x120: {  	[tilespmem:s12], [sflag:$0x2] =	stream.indirect.gather.add.f32 [hbm:s3], $0x20, s26, s10, $0xb8;
	[tilespmem:$0x18400] =	vst v63  }
0x121: {  	s26 =	simm.s32 $0x10200  }
0x122: {  	[tilespmem:s12], [sflag:$0x2] =	stream.indirect.gather.add.f32 [hbm:s3], $0x20, s26, s10, $0xb8;
	[tilespmem:$0x18400] =	vst v63  }
0x123: {  	s26 =	simm.s32 $0x10400  }
0x124: {  	[tilespmem:s12], [sflag:$0x2] =	stream.indirect.gather.add.f32 [hbm:s3], $0x20, s26, s10, $0xb8;
	[tilespmem:$0x18400] =	vst v63  }
0x125: {  	s26 =	simm.s32 $0x10600  }
0x126: {  	[tilespmem:s12], [sflag:$0x2] =	stream.indirect.gather.add.f32 [hbm:s3], $0x20, s26, s10, $0xb8;
	[tilespmem:$0x18400] =	vst v63  }
0x127: {  	s26 =	simm.s32 $0x10800  }
0x128: {  	[tilespmem:s12], [sflag:$0x2] =	stream.indirect.gather.add.f32 [hbm:s3], $0x20, s26, s10, $0xb8;
	[tilespmem:$0x18400] =	vst v63  }
0x129: {  	s26 =	simm.s32 $0x10A00  }
0x12a: {  	[tilespmem:s12], [sflag:$0x2] =	stream.indirect.gather.add.f32 [hbm:s3], $0x20, s26, s10, $0xb8;
	[tilespmem:$0x18400] =	vst v63  }
0x12b: {  	s26 =	simm.s32 $0x10C00  }
0x12c: {  	[tilespmem:s12], [sflag:$0x2] =	stream.indirect.gather.add.f32 [hbm:s3], $0x20, s26, s10, $0xb8;
	[tilespmem:$0x18400] =	vst v63  }
0x12d: {  	s26 =	simm.s32 $0x10E00  }
0x12e: {  	[tilespmem:s12], [sflag:$0x2] =	stream.indirect.gather.add.f32 [hbm:s3], $0x20, s26, s10, $0xb8;
	[tilespmem:$0x18400] =	vst v63  }
0x12f: {  	s26 =	simm.s32 $0x11000  }
0x130: {  	[tilespmem:s12], [sflag:$0x2] =	stream.indirect.gather.add.f32 [hbm:s3], $0x20, s26, s10, $0xb8;
	[tilespmem:$0x18400] =	vst v63  }
0x131: {  	s26 =	simm.s32 $0x11200  }
0x132: {  	[tilespmem:s12], [sflag:$0x2] =	stream.indirect.gather.add.f32 [hbm:s3], $0x20, s26, s10, $0xb8;
	[tilespmem:$0x18400] =	vst v63  }
0x133: {  	s26 =	simm.s32 $0x11400  }
0x134: {  	[tilespmem:s12], [sflag:$0x2] =	stream.indirect.gather.add.f32 [hbm:s3], $0x20, s26, s10, $0xb8;
	[tilespmem:$0x18400] =	vst v63  }
0x135: {  	s26 =	simm.s32 $0x11600  }
0x136: {  	[tilespmem:s12], [sflag:$0x2] =	stream.indirect.gather.add.f32 [hbm:s3], $0x20, s26, s10, $0xb8;
	[tilespmem:$0x18400] =	vst v63  }
0x137: {  	s26 =	simm.s32 $0x11800  }
0x138: {  	[tilespmem:s12], [sflag:$0x2] =	stream.indirect.gather.add.f32 [hbm:s3], $0x20, s26, s10, $0xb8;
	[tilespmem:$0x18400] =	vst v63  }
0x139: {  	s26 =	simm.s32 $0x11A00  }
0x13a: {  	[tilespmem:s12], [sflag:$0x2] =	stream.indirect.gather.add.f32 [hbm:s3], $0x20, s26, s10, $0xb8;
	[tilespmem:$0x18400] =	vst v63  }
0x13b: {  	s26 =	simm.s32 $0x11C00  }
0x13c: {  	[tilespmem:s12], [sflag:$0x2] =	stream.indirect.gather.add.f32 [hbm:s3], $0x20, s26, s10, $0xb8;
	[tilespmem:$0x18400] =	vst v63  }
0x13d: {  	s26 =	simm.s32 $0x11E00  }
0x13e: {  	[tilespmem:s12], [sflag:$0x2] =	stream.indirect.gather.add.f32 [hbm:s3], $0x20, s26, s10, $0xb8;
	[tilespmem:$0x18400] =	vst v63  }
0x13f: {  	s26 =	simm.s32 $0x12000  }
0x140: {  	[tilespmem:s12], [sflag:$0x2] =	stream.indirect.gather.add.f32 [hbm:s3], $0x20, s26, s10, $0xb8;
	[tilespmem:$0x18400] =	vst v63  }
0x141: {  	s26 =	simm.s32 $0x12200  }
0x142: {  	[tilespmem:s12], [sflag:$0x2] =	stream.indirect.gather.add.f32 [hbm:s3], $0x20, s26, s10, $0xb8;
	[tilespmem:$0x18400] =	vst v63  }
0x143: {  	_ = 	snop  }
0x144: {  	[tilespmem:s12], [sflag:$0x2] =	stream.indirect.gather.add.f32 [hbm:s3], $0x20, s28, s10, $0xb8;
	[tilespmem:$0x18400] =	vst v63  }
0x145: {  	_ = 	snop  }
0x146: {  	[tilespmem:s12], [sflag:$0x2] =	stream.indirect.gather.add.f32 [hbm:s3], $0x20, s29, s10, $0xb8;
	[tilespmem:$0x18400] =	vst v63  }
0x147: {  	_ = 	snop  }
0x148: {  	[tilespmem:s12], [sflag:$0x2] =	stream.indirect.gather.add.f32 [hbm:s3], $0x20, s30, s10, $0xb8;
	[tilespmem:$0x18400] =	vst v63  }
0x149: {  	_ = 	snop  }
0x14a: {  	[tilespmem:s12], [sflag:$0x2] =	stream.indirect.gather.add.f32 [hbm:s3], $0x20, s31, s10, $0xb8;
	[tilespmem:$0x18400] =	vst v63  }
0x14b: {  	_ = 	snop  }
0x14c: {  	[tilespmem:s12], [sflag:$0x2] =	stream.indirect.gather.add.f32 [hbm:s3], $0x20, s1, s10, $0xb8;
	[tilespmem:$0x18400] =	vst v63  }
0x14d: {  	_ = 	snop  }
0x14e: {  	[tilespmem:s12], [sflag:$0x2] =	stream.indirect.gather.add.f32 [hbm:s3], $0x20, s0, s10, $0xb8;
	[tilespmem:$0x18400] =	vst v63  }
0x14f: {  	_ = 	snop  }
0x150: {  	[tilespmem:s12], [sflag:$0x2] =	stream.indirect.gather.add.f32 [hbm:s3], $0x20, s11, s10, $0xb8;
	[tilespmem:$0x18400] =	vst v63  }
0x151: {  	_ = 	snop  }
0x152: {  	[tilespmem:s12], [sflag:$0x2] =	stream.indirect.gather.add.f32 [hbm:s3], $0x20, s14, s10, $0xb8;
	[tilespmem:$0x18400] =	vst v63  }
0x153: {  	_ = 	snop  }
0x154: {  	[tilespmem:s12], [sflag:$0x2] =	stream.indirect.gather.add.f32 [hbm:s3], $0x20, s15, s10, $0xb8;
	[tilespmem:$0x18400] =	vst v63  }
0x155: {  	_ = 	snop  }
0x156: {  	[tilespmem:s12], [sflag:$0x2] =	stream.indirect.gather.add.f32 [hbm:s3], $0x20, s16, s10, $0xb8;
	[tilespmem:$0x18400] =	vst v63  }
0x157: {  	_ = 	snop  }
0x158: {  	[tilespmem:s12], [sflag:$0x2] =	stream.indirect.gather.add.f32 [hbm:s3], $0x20, s17, s10, $0xb8;
	[tilespmem:$0x18400] =	vst v63  }
0x159: {  	_ = 	snop  }
0x15a: {  	[tilespmem:s12], [sflag:$0x2] =	stream.indirect.gather.add.f32 [hbm:s3], $0x20, s18, s10, $0xb8;
	[tilespmem:$0x18400] =	vst v63  }
0x15b: {  	_ = 	snop  }
0x15c: {  	[tilespmem:s12], [sflag:$0x2] =	stream.indirect.gather.add.f32 [hbm:s3], $0x20, s19, s10, $0xb8;
	[tilespmem:$0x18400] =	vst v63  }
0x15d: {  	_ = 	snop  }
0x15e: {  	[tilespmem:s12], [sflag:$0x2] =	stream.indirect.gather.add.f32 [hbm:s3], $0x20, s20, s10, $0xb8;
	[tilespmem:$0x18400] =	vst v63  }
0x15f: {  	_ = 	snop  }
0x160: {  	[tilespmem:s12], [sflag:$0x2] =	stream.indirect.gather.add.f32 [hbm:s3], $0x20, s21, s10, $0xb8;
	[tilespmem:$0x18400] =	vst v63  }
0x161: {  	_ = 	snop  }
0x162: {  	[tilespmem:s12], [sflag:$0x2] =	stream.indirect.gather.add.f32 [hbm:s3], $0x20, s22, s10, $0xb8;
	[tilespmem:$0x18400] =	vst v63  }
0x163: {  	_ =	swait.ge [sflag:s23], $0x4000  }
0x164: {  	[sflag:s23] =	ssyncset.done $0x0  }
0x165: {  	[sflag:s23] =	ssyncadd.s32 $0xFFFFC000  }
0x166: {  	_ =	swait.ge [sflag:s23], $0x4000  }
0x167: {  	[sflag:s23] =	ssyncset.done $0x0  }
0x168: {  	[sflag:s23] =	ssyncadd.s32 $0xFFFFC000  }
0x169: {  	_ =	swait.ge [sflag:s23], $0x4000  }
0x16a: {  	[sflag:s23] =	ssyncset.done $0x0  }
0x16b: {  	[sflag:s23] =	ssyncadd.s32 $0xFFFFC000  }
0x16c: {  	_ =	swait.ge [sflag:s23], $0x4000  }
0x16d: {  	[sflag:s23] =	ssyncset.done $0x0  }
0x16e: {  	[sflag:s23] =	ssyncadd.s32 $0xFFFFC000  }
0x16f: {  	_ =	swait.ge [sflag:s23], $0x4000  }
0x170: {  	[sflag:s23] =	ssyncset.done $0x0  }
0x171: {  	[sflag:s23] =	ssyncadd.s32 $0xFFFFC000  }
0x172: {  	_ =	swait.ge [sflag:s23], $0x4000  }
0x173: {  	[sflag:s23] =	ssyncset.done $0x0  }
0x174: {  	[sflag:s23] =	ssyncadd.s32 $0xFFFFC000  }
0x175: {  	_ =	swait.ge [sflag:s23], $0x4000  }
0x176: {  	[sflag:s23] =	ssyncset.done $0x0  }
0x177: {  	[sflag:s23] =	ssyncadd.s32 $0xFFFFC000  }
0x178: {  	_ =	swait.ge [sflag:s23], $0x4000  }
0x179: {  	[sflag:s23] =	ssyncset.done $0x0  }
0x17a: {  	[sflag:s23] =	ssyncadd.s32 $0xFFFFC000  }
0x17b: {  	_ =	swait.ge [sflag:s23], $0x4000  }
0x17c: {  	[sflag:s23] =	ssyncset.done $0x0  }
0x17d: {  	[sflag:s23] =	ssyncadd.s32 $0xFFFFC000  }
0x17e: {  	_ =	swait.ge [sflag:s23], $0x4000  }
0x17f: {  	[sflag:s23] =	ssyncset.done $0x0  }
0x180: {  	[sflag:s23] =	ssyncadd.s32 $0xFFFFC000  }
0x181: {  	_ =	swait.ge [sflag:s23], $0x4000  }
0x182: {  	[sflag:s23] =	ssyncset.done $0x0  }
0x183: {  	[sflag:s23] =	ssyncadd.s32 $0xFFFFC000  }
0x184: {  	_ =	swait.ge [sflag:s23], $0x4000  }
0x185: {  	[sflag:s23] =	ssyncset.done $0x0  }
0x186: {  	[sflag:s23] =	ssyncadd.s32 $0xFFFFC000  }
0x187: {  	_ =	swait.ge [sflag:s23], $0x4000  }
0x188: {  	[sflag:s23] =	ssyncset.done $0x0  }
0x189: {  	[sflag:s23] =	ssyncadd.s32 $0xFFFFC000  }
0x18a: {  	_ =	swait.ge [sflag:s23], $0x4000  }
0x18b: {  	[sflag:s23] =	ssyncset.done $0x0  }
0x18c: {  	[sflag:s23] =	ssyncadd.s32 $0xFFFFC000  }
0x18d: {  	_ =	swait.ge [sflag:s23], $0x4000  }
0x18e: {  	[sflag:s23] =	ssyncset.done $0x0  }
0x18f: {  	[sflag:s23] =	ssyncadd.s32 $0xFFFFC000  }
0x190: {  	_ =	swait.ge [sflag:s23], $0x4000  }
0x191: {  	[sflag:s23] =	ssyncset.done $0x0  }
0x192: {  	[sflag:s23] =	ssyncadd.s32 $0xFFFFC000  }
0x193: {  	_ =	swait.ge [sflag:s23], $0x4000  }
0x194: {  	[sflag:s23] =	ssyncset.done $0x0  }
0x195: {  	[sflag:s23] =	ssyncadd.s32 $0xFFFFC000  }
0x196: {  	_ =	swait.ge [sflag:s23], $0x4000  }
0x197: {  	[sflag:s23] =	ssyncset.done $0x0  }
0x198: {  	[sflag:s23] =	ssyncadd.s32 $0xFFFFC000  }
0x199: {  	_ =	swait.ge [sflag:s23], $0x4000  }
0x19a: {  	[sflag:s23] =	ssyncset.done $0x0  }
0x19b: {  	[sflag:s23] =	ssyncadd.s32 $0xFFFFC000  }
0x19c: {  	_ =	swait.ge [sflag:s23], $0x4000  }
0x19d: {  	[sflag:s23] =	ssyncset.done $0x0  }
0x19e: {  	[sflag:s23] =	ssyncadd.s32 $0xFFFFC000  }
0x19f: {  	_ =	swait.ge [sflag:s23], $0x4000  }
0x1a0: {  	[sflag:s23] =	ssyncset.done $0x0  }
0x1a1: {  	[sflag:s23] =	ssyncadd.s32 $0xFFFFC000  }
0x1a2: {  	_ =	swait.ge [sflag:s23], $0x4000  }
0x1a3: {  	[sflag:s23] =	ssyncset.done $0x0  }
0x1a4: {  	[sflag:s23] =	ssyncadd.s32 $0xFFFFC000  }
0x1a5: {  	_ =	swait.ge [sflag:s23], $0x4000  }
0x1a6: {  	[sflag:s23] =	ssyncset.done $0x0  }
0x1a7: {  	[sflag:s23] =	ssyncadd.s32 $0xFFFFC000  }
0x1a8: {  	_ =	swait.ge [sflag:s23], $0x4000  }
0x1a9: {  	[sflag:s23] =	ssyncset.done $0x0  }
0x1aa: {  	[sflag:s23] =	ssyncadd.s32 $0xFFFFC000  }
0x1ab: {  	_ =	swait.ge [sflag:s23], $0x4000  }
0x1ac: {  	[sflag:s23] =	ssyncset.done $0x0  }
0x1ad: {  	[sflag:s23] =	ssyncadd.s32 $0xFFFFC000  }
0x1ae: {  	_ =	swait.ge [sflag:s23], $0x4000  }
0x1af: {  	[sflag:s23] =	ssyncset.done $0x0  }
0x1b0: {  	[sflag:s23] =	ssyncadd.s32 $0xFFFFC000  }
0x1b1: {  	_ =	swait.ge [sflag:s23], $0x4000  }
0x1b2: {  	[sflag:s23] =	ssyncset.done $0x0  }
0x1b3: {  	[sflag:s23] =	ssyncadd.s32 $0xFFFFC000  }
0x1b4: {  	_ =	swait.ge [sflag:s23], $0x4000  }
0x1b5: {  	[sflag:s23] =	ssyncset.done $0x0  }
0x1b6: {  	[sflag:s23] =	ssyncadd.s32 $0xFFFFC000  }
0x1b7: {  	_ =	swait.ge [sflag:s23], $0x4000  }
0x1b8: {  	[sflag:s23] =	ssyncset.done $0x0  }
0x1b9: {  	[sflag:s23] =	ssyncadd.s32 $0xFFFFC000  }
0x1ba: {  	_ =	swait.ge [sflag:s23], $0x4000  }
0x1bb: {  	[sflag:s23] =	ssyncset.done $0x0  }
0x1bc: {  	[sflag:s23] =	ssyncadd.s32 $0xFFFFC000  }
0x1bd: {  	_ =	swait.ge [sflag:s23], $0x4000  }
0x1be: {  	[sflag:s23] =	ssyncset.done $0x0  }
0x1bf: {  	[sflag:s23] =	ssyncadd.s32 $0xFFFFC000  }
0x1c0: {  	_ =	swait.ge [sflag:s23], $0x4000  }
0x1c1: {  	[sflag:s23] =	ssyncset.done $0x0  }
0x1c2: {  	[sflag:s23] =	ssyncadd.s32 $0xFFFFC000  }
0x1c3: {  	_ =	swait.ge [sflag:s23], $0x4000  }
0x1c4: {  	[sflag:s23] =	ssyncset.done $0x0  }
0x1c5: {  	[sflag:s23] =	ssyncadd.s32 $0xFFFFC000  }
0x1c6: {  	_ =	swait.ge [sflag:s23], $0x4000  }
0x1c7: {  	[sflag:s23] =	ssyncset.done $0x0  }
0x1c8: {  	[sflag:s23] =	ssyncadd.s32 $0xFFFFC000  }
0x1c9: {  	_ =	swait.ge [sflag:s23], $0x4000  }
0x1ca: {  	[sflag:s23] =	ssyncset.done $0x0  }
0x1cb: {  	[sflag:s23] =	ssyncadd.s32 $0xFFFFC000  }
0x1cc: {  	_ =	swait.ge [sflag:s23], $0x4000  }
0x1cd: {  	[sflag:s23] =	ssyncset.done $0x0  }
0x1ce: {  	[sflag:s23] =	ssyncadd.s32 $0xFFFFC000  }
0x1cf: {  	_ =	swait.ge [sflag:s23], $0x4000  }
0x1d0: {  	[sflag:s23] =	ssyncset.done $0x0  }
0x1d1: {  	[sflag:s23] =	ssyncadd.s32 $0xFFFFC000  }
0x1d2: {  	_ =	swait.ge [sflag:s23], $0x4000  }
0x1d3: {  	[sflag:s23] =	ssyncset.done $0x0  }
0x1d4: {  	[sflag:s23] =	ssyncadd.s32 $0xFFFFC000  }
0x1d5: {  	_ =	swait.ge [sflag:s23], $0x4000  }
0x1d6: {  	[sflag:s23] =	ssyncset.done $0x0  }
0x1d7: {  	[sflag:s23] =	ssyncadd.s32 $0xFFFFC000  }
0x1d8: {  	_ =	swait.ge [sflag:s23], $0x4000  }
0x1d9: {  	[sflag:s23] =	ssyncset.done $0x0  }
0x1da: {  	[sflag:s23] =	ssyncadd.s32 $0xFFFFC000  }
0x1db: {  	_ =	swait.ge [sflag:s23], $0x4000  }
0x1dc: {  	[sflag:s23] =	ssyncset.done $0x0  }
0x1dd: {  	[sflag:s23] =	ssyncadd.s32 $0xFFFFC000  }
0x1de: {  	_ =	swait.ge [sflag:s23], $0x4000  }
0x1df: {  	[sflag:s23] =	ssyncset.done $0x0  }
0x1e0: {  	[sflag:s23] =	ssyncadd.s32 $0xFFFFC000  }
0x1e1: {  	_ =	swait.ge [sflag:s23], $0x4000  }
0x1e2: {  	[sflag:s23] =	ssyncset.done $0x0  }
0x1e3: {  	[sflag:s23] =	ssyncadd.s32 $0xFFFFC000  }
0x1e4: {  	_ =	swait.ge [sflag:s23], $0x4000  }
0x1e5: {  	[sflag:s23] =	ssyncset.done $0x0  }
0x1e6: {  	[sflag:s23] =	ssyncadd.s32 $0xFFFFC000  }
0x1e7: {  	_ =	swait.ge [sflag:s23], $0x4000  }
0x1e8: {  	[sflag:s23] =	ssyncset.done $0x0  }
0x1e9: {  	[sflag:s23] =	ssyncadd.s32 $0xFFFFC000  }
0x1ea: {  	_ =	swait.ge [sflag:s23], $0x4000  }
0x1eb: {  	[sflag:s23] =	ssyncset.done $0x0  }
0x1ec: {  	[sflag:s23] =	ssyncadd.s32 $0xFFFFC000  }
0x1ed: {  	_ =	swait.ge [sflag:s23], $0x4000  }
0x1ee: {  	[sflag:s23] =	ssyncset.done $0x0  }
0x1ef: {  	[sflag:s23] =	ssyncadd.s32 $0xFFFFC000  }
0x1f0: {  	_ =	swait.ge [sflag:s23], $0x4000  }
0x1f1: {  	[sflag:s23] =	ssyncset.done $0x0  }
0x1f2: {  	[sflag:s23] =	ssyncadd.s32 $0xFFFFC000  }
0x1f3: {  	s24 =	sadd.s32 $0x1, s24;
	_ =	swait.ge [sflag:s23], $0x4000  }
0x1f4: {  	p0 =	sne.s32 s24, s7;
	[sflag:s23] =	ssyncset.done $0x0  }
.Ltmp1:
0x1f5: {  	[sflag:s23] =	ssyncadd.s32 $0xFFFFC000;
	(pc) =	sbr.rel @p0 .LBB2_1-.Ltmp1, $4  }
0x1f6: {  	[hbm4b:s6+s2] =	stream.linear.scatter [tilespmem:s12], [sflag:$0x3], $0x4000, $0x38;
	[tilespmem:$0x18400] =	vst v63  }
0x1f7: {  	_ =	swait.ge [sflag:s8], $0x4000  }
0x1f8: {  	[sflag:s8] =	ssyncset.done $0x0  }
0x1f9: {  	[sflag:s8] =	ssyncadd.s32 $0xFFFFC000  }
0x1fa: {  	_ =	sfence.sel $0x180000  }
0x1fb: {  	[bflag:$0x0] =	sbarrier.arrive $0xFFFF  }
0x1fc: {  	_ =	strace $0x9000004A  }
0x1fd: {  	s0 =	stileid.u32;
	[bflag:$0x2] =	sbarrier.arrive $0xFFFF  }
0x1fe: {  	p0 =	sne.s32 s0, $0x0;
	s0 =	rddreg [dreg:$0x2]  }
0x1ff: {  	s0 =	sadd.s32 @!p0 $0x100000, s0  }
0x200: {  	[sflag:s0] =	ssyncadd.tile.s32 @!p0 $0x1;
	_ =	shalt  }
.Lfunc_end2:
_tile_overlayer_lowered:
.L_overlay_start_2:
0x201: {  	(tag) =	ssettag $0x2  }
0x202: {  	s0 =	rddreg [dreg:$0x0];
	s2 =	stileid.u32  }
0x203: {  	s1 =	rddreg [dreg:$0x1];
	p0 =	sne.s32 s2, $0x0  }
0x204: {  	s3 =	rddreg [dreg:$0x2];
	[bflag:$0x3] =	sbarrier.arrive $0xFFFF;
	s2 =	simm.s32 @!p0 $0x1C03  }
0x205: {  	[timem:s3], [sflag:s2] =	dma.local @!p0 [hbm:s0], s1  }
0x206: {  	s0 =	simm.s32 @!p0 $0x3  }
0x207: {  	_ =	swait.ge @!p0 [sflag:s0], s1  }
0x208: {  	s1 =	ssub.s32 @!p0 $0x0, s1;
	[sflag:s0] =	ssyncset.done @!p0 $0x0  }
0x209: {  	[sflag:s0] =	ssyncadd.s32 @!p0 s1  }
0x20a: {  	[bflag:$0x3] =	sbarrier.arrive $0xFFFF  }
0x20b: {  	_ =	shalt  }

</sc_bundles>
